<compile_context>
chip_gen: v7x
topology: tpu7x:2x2x1
jax: 0.10.2.dev20260603
libtpu: 0.0.44.dev20260713+nightly
codegen_flags: <defaults>
</compile_context>

<pallas_src>
import jax
import jax.numpy as jnp
from jax import lax
from jax.experimental import pallas as pl
from jax.experimental.pallas import tpu as pltpu
from jax.experimental.pallas import tpu_sc as plsc

_N = 10000
_E = 320000
_G = 100
_NPAIRS = 50
_D = 128
_DE = 16
_DEH = 64
_HID = 256
_NPROP = 2

_NC = 2
_NS = 16
_NW = _NC * _NS
_EPW = _E // _NW
_KCH = 80
_NCH = _EPW // _KCH
_RPT = 640
_RLAST = _N - 15 * _RPT

_sc_mesh = plsc.VectorSubcoreMesh(core_axis_name="c", subcore_axis_name="s")



_EH = _E // 2
_CPW = _EPW // _KCH
_CPG = 5
_GRP = _CPG * _KCH
_NGRP = _CPW // _CPG


def _gather_body(h_hbm, idxg_hbm, st_hbm, idx_v, rows_v, gsem, wsem):
    c = lax.axis_index("c")
    s = lax.axis_index("s")
    pltpu.sync_copy(idxg_hbm.at[c, s], idx_v)
    ebase = s * _EPW

    def group(g, carry):
        b = lax.rem(g, 2)

        @pl.when(g >= 2)
        def _drain():
            pltpu.make_async_copy(
                rows_v.at[b], st_hbm.at[c, pl.ds(0, _GRP)], wsem).wait()

        cps = [
            pltpu.async_copy(h_hbm.at[idx_v.at[g * _CPG + j]],
                             rows_v.at[b, pl.ds(j * _KCH, _KCH)], gsem)
            for j in range(_CPG)
        ]
        for cp in cps:
            cp.wait()
        off = pl.multiple_of(ebase + g * _GRP, 8)
        pltpu.async_copy(rows_v.at[b], st_hbm.at[c, pl.ds(off, _GRP)], wsem)
        return carry

    lax.fori_loop(0, _NGRP, group, 0)
    pltpu.make_async_copy(rows_v.at[0], st_hbm.at[c, pl.ds(0, _GRP)],
                          wsem).wait()
    pltpu.make_async_copy(rows_v.at[1], st_hbm.at[c, pl.ds(0, _GRP)],
                          wsem).wait()


_gather = pl.kernel(
    _gather_body,
    out_type=jax.ShapeDtypeStruct((_NC, _EH, _D), jnp.float32),
    mesh=_sc_mesh,
    scratch_types=[
        pltpu.VMEM((_CPW, _KCH), jnp.int32),
        pltpu.VMEM((2, _GRP, _D), jnp.float32),
        pltpu.SemaphoreType.DMA,
        pltpu.SemaphoreType.DMA,
    ],
)



_K2 = 40
_SPW = _EH // _NW
_SC2 = _SPW // _K2


def _scatter_body(m_hbm, idxs_hbm, init_hbm, part_hbm, idx_v, mrows_v,
                  msem, acc_sh):
    c = lax.axis_index("c")
    s = lax.axis_index("s")
    r0 = pl.multiple_of(s * _RPT, 8)

    @pl.when(s < _NS - 1)
    def _init_main():
        pltpu.sync_copy(init_hbm.at[c, pl.ds(r0, _RPT)],
                        acc_sh.at[pl.ds(r0, _RPT)])

    @pl.when(s == _NS - 1)
    def _init_last():
        pltpu.sync_copy(init_hbm.at[c, pl.ds(15 * _RPT, _RLAST)],
                        acc_sh.at[pl.ds(15 * _RPT, _RLAST)])

    pltpu.sync_copy(idxs_hbm.at[c, s], idx_v)
    plsc.subcore_barrier()
    ebase = (c * _NS + s) * _SPW
    pltpu.async_copy(m_hbm.at[pl.ds(ebase, _K2)], mrows_v.at[0], msem)

    def chunk(g, carry):
        b = lax.rem(g, 2)
        pltpu.make_async_copy(m_hbm.at[pl.ds(0, _K2)], mrows_v.at[b],
                              msem).wait()

        @pl.when(g < _SC2 - 1)
        def _prefetch():
            off = pl.multiple_of(ebase + (g + 1) * _K2, 8)
            pltpu.async_copy(m_hbm.at[pl.ds(off, _K2)],
                             mrows_v.at[lax.rem(g + 1, 2)], msem)

        pltpu.sync_copy(mrows_v.at[b], acc_sh.at[idx_v.at[g]], add=True)
        return carry

    lax.fori_loop(0, _SC2, chunk, 0)
    plsc.subcore_barrier()

    @pl.when(s < _NS - 1)
    def _dump_main():
        pltpu.sync_copy(acc_sh.at[pl.ds(r0, _RPT)],
                        part_hbm.at[c, pl.ds(r0, _RPT)])

    @pl.when(s == _NS - 1)
    def _dump_last():
        pltpu.sync_copy(acc_sh.at[pl.ds(15 * _RPT, _RLAST)],
                        part_hbm.at[c, pl.ds(15 * _RPT, _RLAST)])


_scatter = pl.kernel(
    _scatter_body,
    out_type=jax.ShapeDtypeStruct((_NC, _N, _D), jnp.float32),
    mesh=_sc_mesh,
    scratch_types=[
        pltpu.VMEM((_SC2, _K2), jnp.int32),
        pltpu.VMEM((2, _K2, _D), jnp.float32),
        pltpu.SemaphoreType.DMA,
        pltpu.VMEM_SHARED((_N, _D), jnp.float32),
    ],
)



def _enc_body(nf, Wn, bn, out):
    out[...] = jnp.maximum(nf[...] @ Wn[...] + bn[...], 0.0)


def _encode_h(nf, Wn, bn2):
    blk = 2000
    return pl.pallas_call(
        _enc_body,
        grid=(_N // blk,),
        in_specs=[pl.BlockSpec((blk, _D), lambda i: (i, 0)),
                  pl.BlockSpec((_D, _D), lambda i: (0, 0)),
                  pl.BlockSpec((1, _D), lambda i: (0, 0))],
        out_specs=pl.BlockSpec((blk, _D), lambda i: (i, 0)),
        out_shape=jax.ShapeDtypeStruct((_N, _D), jnp.float32),
    )(nf, Wn, bn2)


_DNN = (((1,), (0,)), ((), ()))


def _msg_body(st, ef, A, B, C, We, be, bm1, Wm2, bm2, out):
    e = jnp.maximum(ef[...] @ We[...] + be[...], 0.0)
    stv = st[...].astype(jnp.bfloat16)
    m1 = (lax.dot_general(stv[0], A[...], _DNN,
                          preferred_element_type=jnp.float32)
          + lax.dot_general(stv[1], B[...], _DNN,
                            preferred_element_type=jnp.float32)
          + e @ C[...] + bm1[...])
    out[...] = lax.dot_general(jnp.maximum(m1, 0.0).astype(jnp.bfloat16),
                               Wm2[...], _DNN,
                               preferred_element_type=jnp.float32) + bm2[...]


def _messages(st, ef, A, B, C, We, be2, bm12, Wm2, bm22):
    blk = 4000
    return pl.pallas_call(
        _msg_body,
        grid=(_EH // blk,),
        in_specs=[pl.BlockSpec((_NC, blk, _D), lambda i: (0, i, 0)),
                  pl.BlockSpec((blk, _DE), lambda i: (i, 0)),
                  pl.BlockSpec((_D, _HID), lambda i: (0, 0)),
                  pl.BlockSpec((_D, _HID), lambda i: (0, 0)),
                  pl.BlockSpec((_DEH, _HID), lambda i: (0, 0)),
                  pl.BlockSpec((_DE, _DEH), lambda i: (0, 0)),
                  pl.BlockSpec((1, _DEH), lambda i: (0, 0)),
                  pl.BlockSpec((1, _HID), lambda i: (0, 0)),
                  pl.BlockSpec((_HID, _D), lambda i: (0, 0)),
                  pl.BlockSpec((1, _D), lambda i: (0, 0))],
        out_specs=pl.BlockSpec((blk, _D), lambda i: (i, 0)),
        out_shape=jax.ShapeDtypeStruct((_EH, _D), jnp.float32),
    )(st, ef, A, B, C, We, be2, bm12, Wm2, bm22)


def _rsm(x):
    m = jnp.max(x, axis=1, keepdims=True)
    ex = jnp.exp(x - m)
    return ex / jnp.sum(ex, axis=1, keepdims=True)


_PPB = 5


def _upd_body(hb, pb, U1h, U1a, U1c, bu1, Wu2, bu2, out):
    h = hb[...]
    p = pb[...]
    agg = p[0] + p[1]
    dnt = (((1,), (1,)), ((), ()))
    crosses = []
    for q in range(_PPB):
        a = h[2 * _G * q:2 * _G * q + _G]
        b = h[2 * _G * q + _G:2 * _G * (q + 1)]
        sim = lax.dot_general(a, b, dnt)
        simt = lax.dot_general(b, a, dnt)
        att_a = _rsm(sim) @ b
        att_b = _rsm(simt) @ a
        crosses.append(a - att_a)
        crosses.append(b - att_b)
    cross = jnp.concatenate(crosses, axis=0)
    u = jnp.maximum(h @ U1h[...] + agg @ U1a[...] + cross @ U1c[...]
                    + bu1[...], 0.0)
    out[...] = u @ Wu2[...] + bu2[...]


def _update(h, parts, U1h, U1a, U1c, bu12, Wu2, bu22):
    blk = 2 * _G * _PPB
    return pl.pallas_call(
        _upd_body,
        grid=(_NPAIRS // _PPB,),
        in_specs=[pl.BlockSpec((blk, _D), lambda i: (i, 0)),
                  pl.BlockSpec((_NC, blk, _D), lambda i: (0, i, 0)),
                  pl.BlockSpec((_D, _HID), lambda i: (0, 0)),
                  pl.BlockSpec((_D, _HID), lambda i: (0, 0)),
                  pl.BlockSpec((_D, _HID), lambda i: (0, 0)),
                  pl.BlockSpec((1, _HID), lambda i: (0, 0)),
                  pl.BlockSpec((_HID, _D), lambda i: (0, 0)),
                  pl.BlockSpec((1, _D), lambda i: (0, 0))],
        out_specs=pl.BlockSpec((blk, _D), lambda i: (i, 0)),
        out_shape=jax.ShapeDtypeStruct((_N, _D), jnp.float32),
    )(h, parts, U1h, U1a, U1c, bu12, Wu2, bu22)


def _pool_body(hb, Wg, bg, Wf, bf, out):
    gv = hb[...] @ Wg[...] + bg[...]
    gates = 1.0 / (1.0 + jnp.exp(-gv[:, :_D]))
    gated = gates * gv[:, _D:]
    sums = []
    for q in range(_PPB):
        sums.append(jnp.sum(gated[2 * _G * q:2 * _G * q + _G], axis=0,
                            keepdims=True))
    for q in range(_PPB):
        sums.append(jnp.sum(gated[2 * _G * q + _G:2 * _G * (q + 1)], axis=0,
                            keepdims=True))
    gs = jnp.concatenate(sums, axis=0)
    gvec = gs @ Wf[...] + bf[...]
    va = gvec[:_PPB]
    vb = gvec[_PPB:]
    r = jnp.maximum(va - vb, 0.0)
    sc = -jnp.sum(r, axis=1, keepdims=True)
    out[...] = jnp.broadcast_to(sc.reshape(_PPB, 1, 1), (_PPB, 1, _D))


def _pool(h, Wg, bg2, Wf, bf2):
    blk = 2 * _G * _PPB
    return pl.pallas_call(
        _pool_body,
        grid=(_NPAIRS // _PPB,),
        in_specs=[pl.BlockSpec((blk, _D), lambda i: (i, 0)),
                  pl.BlockSpec((_D, 2 * _D), lambda i: (0, 0)),
                  pl.BlockSpec((1, 2 * _D), lambda i: (0, 0)),
                  pl.BlockSpec((_D, _D), lambda i: (0, 0)),
                  pl.BlockSpec((1, _D), lambda i: (0, 0))],
        out_specs=pl.BlockSpec((_PPB, 1, _D), lambda i: (i, 0, 0)),
        out_shape=jax.ShapeDtypeStruct((_NPAIRS, 1, _D), jnp.float32),
    )(h, Wg, bg2, Wf, bf2)



def kernel(node_features, edge_features, from_idx, to_idx, graph_idx,
           Wn, bn, We, be, Wm1, bm1, Wm2, bm2, Wu1, bu1, Wu2, bu2,
           Wg, bg, Wf, bf):
    bn2 = bn.reshape(1, -1)
    be2 = be.reshape(1, -1)
    bm12 = bm1.reshape(1, -1)
    bm22 = bm2.reshape(1, -1)
    bu12 = bu1.reshape(1, -1)
    bu22 = bu2.reshape(1, -1)
    bg2 = bg.reshape(1, -1)
    bf2 = bf.reshape(1, -1)
    A = Wm1[:_D].astype(jnp.bfloat16)
    B = Wm1[_D:2 * _D].astype(jnp.bfloat16)
    C = Wm1[2 * _D:]
    U1h = Wu1[:_D]
    U1a = Wu1[_D:2 * _D]
    U1c = Wu1[2 * _D:]
    Wm2b = Wm2.astype(jnp.bfloat16)
    fi = from_idx.astype(jnp.int32)
    ti = to_idx.astype(jnp.int32)
    idxg1 = jnp.stack([fi[:_EH].reshape(_NS, _CPW, _KCH),
                       ti[:_EH].reshape(_NS, _CPW, _KCH)])
    idxg2 = jnp.stack([fi[_EH:].reshape(_NS, _CPW, _KCH),
                       ti[_EH:].reshape(_NS, _CPW, _KCH)])
    idxs1 = ti[:_EH].reshape(_NC, _NS, _SC2, _K2)
    idxs2 = ti[_EH:].reshape(_NC, _NS, _SC2, _K2)
    ef1 = edge_features[:_EH]
    ef2 = edge_features[_EH:]
    zeros = jnp.zeros((_NC, _N, _D), jnp.float32)

    h = _encode_h(node_features, Wn, bn2)
    for _ in range(_NPROP):
        st1 = _gather(h, idxg1)
        m1 = _messages(st1, ef1, A, B, C, We, be2, bm12, Wm2b, bm22)
        st2 = _gather(h, idxg2)
        m2 = _messages(st2, ef2, A, B, C, We, be2, bm12, Wm2b, bm22)
        parts1 = _scatter(m1, idxs1, zeros)
        parts = _scatter(m2, idxs2, parts1)
        h = _update(h, parts, U1h, U1a, U1c, bu12, Wu2, bu22)
    out = _pool(h, Wg, bg2, Wf, bf2)
    return out[:, 0, 0]

# --- scband reference (transcript-rebuilt; emitter-appended) ---
"""Pipeline reference for scband-gmn-match-hinge-70574902608348 (READ-ONLY COPY).

The authoritative reference and input builder live on the scoring server;
editing this copy changes nothing except your own understanding.
"""

import jax, jax.numpy as jnp
import numpy as np

N = 10000
E = 320000
G = 100
N_GRAPHS = 100
N_PAIRS = 50
D_IN = 128
D_EDGE = 16
D = 128
D_EH = 64
D_MSG = 128
GDIM = 128
N_PROP = 2


def _p(k, shape, fan_in):
    return jax.random.normal(k, shape, dtype=jnp.float32) * (1.0 / np.sqrt(fan_in))


def setup_inputs(seed: int = 0):
    key = jax.random.key(seed)
    ks = jax.random.split(key, 24)
    inp = {}
    inp['node_features'] = jax.random.normal(ks[0], (N, D_IN), dtype=jnp.float32)
    inp['edge_features'] = jax.random.normal(ks[1], (E, D_EDGE), dtype=jnp.float32)
    inp['from_idx'] = jax.random.randint(ks[2], (E,), 0, N, dtype=jnp.int32)
    inp['to_idx'] = jax.random.randint(ks[3], (E,), 0, N, dtype=jnp.int32)
    # equal-sized graphs laid out contiguously: pair p occupies graphs 2p and 2p+1
    inp['graph_idx'] = jnp.repeat(jnp.arange(N_GRAPHS, dtype=jnp.int32), G)
    # encoder params
    inp['Wn'] = _p(ks[4], (D_IN, D), D_IN); inp['bn'] = jnp.zeros((D,), jnp.float32)
    inp['We'] = _p(ks[5], (D_EDGE, D_EH), D_EDGE); inp['be'] = jnp.zeros((D_EH,), jnp.float32)
    # message MLP: [h_from, h_to, e] -> 256 -> D_MSG
    inp['Wm1'] = _p(ks[6], (D + D + D_EH, 256), D + D + D_EH); inp['bm1'] = jnp.zeros((256,), jnp.float32)
    inp['Wm2'] = _p(ks[7], (256, D_MSG), 256); inp['bm2'] = jnp.zeros((D_MSG,), jnp.float32)
    # node update MLP: [h, agg_msg, cross_match] -> 256 -> D
    inp['Wu1'] = _p(ks[8], (D + D_MSG + D, 256), D + D_MSG + D); inp['bu1'] = jnp.zeros((256,), jnp.float32)
    inp['Wu2'] = _p(ks[9], (256, D), 256); inp['bu2'] = jnp.zeros((D,), jnp.float32)
    # gated aggregator
    inp['Wg'] = _p(ks[10], (D, 2 * GDIM), D); inp['bg'] = jnp.zeros((2 * GDIM,), jnp.float32)
    inp['Wf'] = _p(ks[11], (GDIM, GDIM), GDIM); inp['bf'] = jnp.zeros((GDIM,), jnp.float32)
    return inp


def reference(node_features, edge_features, from_idx, to_idx, graph_idx,
              Wn, bn, We, be, Wm1, bm1, Wm2, bm2, Wu1, bu1, Wu2, bu2, Wg, bg, Wf, bf):
    # encoder
    h = jax.nn.relu(node_features @ Wn + bn)
    e = jax.nn.relu(edge_features @ We + be)
    for _ in range(N_PROP):
        # within-graph message passing (gather-concat-MLP-scatter_add)
        from_states = h[from_idx]
        to_states = h[to_idx]
        m_in = jnp.concatenate([from_states, to_states, e], axis=-1)
        m = jax.nn.relu(m_in @ Wm1 + bm1) @ Wm2 + bm2
        agg = jax.ops.segment_sum(m, to_idx, num_segments=N)
        # cross-graph attention matching between paired graphs
        hp = h.reshape(N_PAIRS, 2, G, D)
        a = hp[:, 0]
        b = hp[:, 1]
        sim = jnp.einsum('pid,pjd->pij', a, b)
        attn_ab = jax.nn.softmax(sim, axis=-1)
        attn_ba = jax.nn.softmax(jnp.transpose(sim, (0, 2, 1)), axis=-1)
        att_a = jnp.einsum('pij,pjd->pid', attn_ab, b)
        att_b = jnp.einsum('pji,pid->pjd', attn_ba, a)
        cross = jnp.stack([a - att_a, b - att_b], axis=1).reshape(N, D)
        u_in = jnp.concatenate([h, agg, cross], axis=-1)
        h = jax.nn.relu(u_in @ Wu1 + bu1) @ Wu2 + bu2
    # gated graph aggregator
    gv = h @ Wg + bg
    gates = jax.nn.sigmoid(gv[:, :GDIM])
    vals = gv[:, GDIM:]
    graph_states = jax.ops.segment_sum(gates * vals, graph_idx, num_segments=N_GRAPHS)
    graph_vectors = graph_states @ Wf + bf
    x = graph_vectors[0::2]
    y = graph_vectors[1::2]
    scores = -jnp.sum(jax.nn.relu(x - y), axis=-1)
    return scores

if __name__ == "__main__":
    import jax
    _d = setup_inputs()
    print(jax.jit(kernel)(*tuple(_d.values())))

</pallas_src>

<mosaic_0001>
#map = affine_map<(d0, d1) -> (0, 0)>
#map1 = affine_map<(d0, d1) -> (0, 0, 0, 0)>
#map2 = affine_map<(d0, d1) -> (0, 0, 0)>
module attributes {stable_mosaic.version = 14 : i64} {
  func.func @_gather_body(%arg0: i32, %arg1: i32, %arg2: memref<10000x128xf32, #tpu.memory_space<hbm>>, %arg3: memref<2x16x125x80xi32, #tpu.memory_space<hbm>>, %arg4: memref<2x160000x128xf32, #tpu.memory_space<hbm>>, %arg5: memref<125x80xi32, #tpu.memory_space<vmem>>, %arg6: memref<2x400x128xf32, #tpu.memory_space<vmem>>, %arg7: memref<!tpu.dma_semaphore, #tpu.memory_space<semaphore_mem>>, %arg8: memref<!tpu.dma_semaphore, #tpu.memory_space<semaphore_mem>>) attributes {dimension_semantics = [#tpu.dimension_semantics<core_parallel>, #tpu.dimension_semantics<subcore_parallel>], iteration_bounds = array<i64: 2, 16>, scalar_prefetch = 0 : i64, scratch_operands = 4 : i64, tpu.core_type = #tpu.core_type<sc_vector_subcore>, window_params = [{transform_indices = #map}, {transform_indices = #map1}, {transform_indices = #map2}]} {
    "tpu.region"() ({
      %run_scoped3A = tpu.sem_alloc : memref<!tpu.dma_semaphore, #tpu.memory_space<semaphore_mem>>
      %dma_start3A = arith.constant 0 : i32
      %dma_start3A_39 = arith.constant 0 : i32
      %dma_start3A_40 = tpu.memref_slice %arg3[%arg0, %arg1, %dma_start3A, %dma_start3A_39] : memref<2x16x125x80xi32, #tpu.memory_space<hbm>> -> memref<1x1x125x80xi32, #tpu.memory_space<hbm>>
      %dma_start3A_41 = tpu.memref_squeeze %dma_start3A_40 : memref<1x1x125x80xi32, #tpu.memory_space<hbm>> -> memref<125x80xi32, #tpu.memory_space<hbm>>
      %dma_start3A_42 = arith.constant 0 : i32
      %dma_start3A_43 = arith.constant 0 : i32
      %dma_start3A_44 = tpu.memref_slice %arg3[%arg0, %arg1, %dma_start3A_42, %dma_start3A_43] : memref<2x16x125x80xi32, #tpu.memory_space<hbm>> -> memref<1x1x125x80xi32, #tpu.memory_space<hbm>>
      %dma_start3A_45 = tpu.memref_squeeze %dma_start3A_44 : memref<1x1x125x80xi32, #tpu.memory_space<hbm>> -> memref<125x80xi32, #tpu.memory_space<hbm>>
      tpu.enqueue_dma source(%dma_start3A_45 : memref<125x80xi32, #tpu.memory_space<hbm>>) target(%arg5 : memref<125x80xi32, #tpu.memory_space<vmem>>) target_semaphore(%run_scoped3A : memref<!tpu.dma_semaphore, #tpu.memory_space<semaphore_mem>>)
      %dma_wait3A_46 = arith.constant 0 : i32
      %dma_wait3A_47 = arith.constant 0 : i32
      %dma_wait3A_48 = tpu.memref_slice %arg3[%arg0, %arg1, %dma_wait3A_46, %dma_wait3A_47] : memref<2x16x125x80xi32, #tpu.memory_space<hbm>> -> memref<1x1x125x80xi32, #tpu.memory_space<hbm>>
      %dma_wait3A_49 = tpu.memref_squeeze %dma_wait3A_48 : memref<1x1x125x80xi32, #tpu.memory_space<hbm>> -> memref<125x80xi32, #tpu.memory_space<hbm>>
      %dma_wait3A_50 = arith.constant 0 : i32
      %dma_wait3A_51 = arith.constant 0 : i32
      %dma_wait3A_52 = tpu.memref_slice %arg3[%arg0, %arg1, %dma_wait3A_50, %dma_wait3A_51] : memref<2x16x125x80xi32, #tpu.memory_space<hbm>> -> memref<1x1x125x80xi32, #tpu.memory_space<hbm>>
      %dma_wait3A_53 = tpu.memref_squeeze %dma_wait3A_52 : memref<1x1x125x80xi32, #tpu.memory_space<hbm>> -> memref<125x80xi32, #tpu.memory_space<hbm>>
      tpu.wait_dma2 semaphore(%run_scoped3A : memref<!tpu.dma_semaphore, #tpu.memory_space<semaphore_mem>>) src(%dma_wait3A_53 : memref<125x80xi32, #tpu.memory_space<hbm>>) dst(%arg5 : memref<125x80xi32, #tpu.memory_space<vmem>>)
      tpu.yield
    }) : () -> ()
    %mul3A = arith.constant 10000 : i32
    %mul3A_0 = arith.muli %arg1, %mul3A : i32
    %scan3A = arith.constant 0 : i32
    %scan3A_1 = arith.constant 0 : i32
    %scan3A_2 = arith.constant 25 : i32
    %scan3A_3 = arith.addi %scan3A_1, %scan3A_2 : i32
    %scan3A_4 = arith.constant 1 : i32
    scf.for %scan3A_39 = %scan3A_1 to %scan3A_3 step %scan3A_4  : i32 {
      %rem3A = arith.constant 2 : i32
      %rem3A_40 = arith.remsi %scan3A_39, %rem3A : i32
      %ge3A = arith.constant 2 : i32
      %ge3A_41 = arith.cmpi sge, %scan3A_39, %ge3A : i32
      %convert_element_type3A = arith.extui %ge3A_41 : i1 to i32
      %cond3A = arith.constant 0 : i32
      %cond3A_42 = arith.cmpi ne, %convert_element_type3A, %cond3A : i32
      scf.if %cond3A_42 {
        %dma_wait3A_178 = arith.constant 0 : i32
        %dma_wait3A_179 = arith.constant 0 : i32
        %dma_wait3A_180 = tpu.memref_slice %arg6[%rem3A_40, %dma_wait3A_178, %dma_wait3A_179] : memref<2x400x128xf32, #tpu.memory_space<vmem>> -> memref<1x400x128xf32, #tpu.memory_space<vmem>>
        %dma_wait3A_181 = tpu.memref_squeeze %dma_wait3A_180 : memref<1x400x128xf32, #tpu.memory_space<vmem>> -> memref<400x128xf32, #tpu.memory_space<vmem>>
        %dma_wait3A_182 = arith.constant 0 : i32
        %dma_wait3A_183 = arith.constant 0 : i32
        %dma_wait3A_184 = tpu.memref_slice %arg4[%arg0, %dma_wait3A_182, %dma_wait3A_183] : memref<2x160000x128xf32, #tpu.memory_space<hbm>> -> memref<1x400x128xf32, #tpu.memory_space<hbm>>
        %dma_wait3A_185 = tpu.memref_squeeze %dma_wait3A_184 : memref<1x400x128xf32, #tpu.memory_space<hbm>> -> memref<400x128xf32, #tpu.memory_space<hbm>>
        %dma_wait3A_186 = arith.constant 0 : i32
        %dma_wait3A_187 = arith.constant 0 : i32
        %dma_wait3A_188 = tpu.memref_slice %arg4[%arg0, %dma_wait3A_186, %dma_wait3A_187] : memref<2x160000x128xf32, #tpu.memory_space<hbm>> -> memref<1x400x128xf32, #tpu.memory_space<hbm>>
        %dma_wait3A_189 = tpu.memref_squeeze %dma_wait3A_188 : memref<1x400x128xf32, #tpu.memory_space<hbm>> -> memref<400x128xf32, #tpu.memory_space<hbm>>
        %dma_wait3A_190 = arith.constant 0 : i32
        %dma_wait3A_191 = arith.constant 0 : i32
        %dma_wait3A_192 = tpu.memref_slice %arg6[%rem3A_40, %dma_wait3A_190, %dma_wait3A_191] : memref<2x400x128xf32, #tpu.memory_space<vmem>> -> memref<1x400x128xf32, #tpu.memory_space<vmem>>
        %dma_wait3A_193 = tpu.memref_squeeze %dma_wait3A_192 : memref<1x400x128xf32, #tpu.memory_space<vmem>> -> memref<400x128xf32, #tpu.memory_space<vmem>>
        tpu.wait_dma2 semaphore(%arg8 : memref<!tpu.dma_semaphore, #tpu.memory_space<semaphore_mem>>) src(%dma_wait3A_193 : memref<400x128xf32, #tpu.memory_space<vmem>>) dst(%dma_wait3A_189 : memref<400x128xf32, #tpu.memory_space<hbm>>)
      } else {
      }
      %mul3A_43 = arith.constant 5 : i32
      %mul3A_44 = arith.muli %scan3A_39, %mul3A_43 : i32
      %add3A = arith.constant 0 : i32
      %add3A_45 = arith.addi %mul3A_44, %add3A : i32
      %dma_start3A = arith.constant 0 : i32
      %dma_start3A_46 = arith.constant 0 : i32
      %dma_start3A_47 = tpu.memref_slice %arg6[%rem3A_40, %dma_start3A, %dma_start3A_46] : memref<2x400x128xf32, #tpu.memory_space<vmem>> -> memref<1x80x128xf32, #tpu.memory_space<vmem>>
      %dma_start3A_48 = tpu.memref_squeeze %dma_start3A_47 : memref<1x80x128xf32, #tpu.memory_space<vmem>> -> memref<80x128xf32, #tpu.memory_space<vmem>>
      %dma_start3A_49 = arith.constant 0 : i32
      %dma_start3A_50 = tpu.memref_slice %arg5[%add3A_45, %dma_start3A_49] : memref<125x80xi32, #tpu.memory_space<vmem>> -> memref<1x80xi32, #tpu.memory_space<vmem>>
      %dma_start3A_51 = tpu.memref_squeeze %dma_start3A_50 : memref<1x80xi32, #tpu.memory_space<vmem>> -> memref<80xi32, #tpu.memory_space<vmem>>
      %dma_start3A_52 = arith.constant 0 : i32
      %dma_start3A_53 = arith.constant 0 : i32
      %dma_start3A_54 = tpu.memref_slice %arg2[%dma_start3A_52, %dma_start3A_53] : memref<10000x128xf32, #tpu.memory_space<hbm>> -> memref<10000x128xf32, #tpu.memory_space<hbm>>
      tpu.enqueue_indirect_dma source(%dma_start3A_54 : memref<10000x128xf32, #tpu.memory_space<hbm>>) target(%dma_start3A_48 : memref<80x128xf32, #tpu.memory_space<vmem>>) offsets(%dma_start3A_51 : memref<80xi32, #tpu.memory_space<vmem>>) semaphore(%arg7 : memref<!tpu.dma_semaphore, #tpu.memory_space<semaphore_mem>>)
      %mul3A_55 = arith.constant 5 : i32
      %mul3A_56 = arith.muli %scan3A_39, %mul3A_55 : i32
      %add3A_57 = arith.constant 1 : i32
      %add3A_58 = arith.addi %mul3A_56, %add3A_57 : i32
      %dma_start3A_59 = arith.constant 80 : i32
      %dma_start3A_60 = arith.constant 0 : i32
      %dma_start3A_61 = tpu.memref_slice %arg6[%rem3A_40, %dma_start3A_59, %dma_start3A_60] : memref<2x400x128xf32, #tpu.memory_space<vmem>> -> memref<1x80x128xf32, #tpu.memory_space<vmem>>
      %dma_start3A_62 = tpu.memref_squeeze %dma_start3A_61 : memref<1x80x128xf32, #tpu.memory_space<vmem>> -> memref<80x128xf32, #tpu.memory_space<vmem>>
      %dma_start3A_63 = arith.constant 0 : i32
      %dma_start3A_64 = tpu.memref_slice %arg5[%add3A_58, %dma_start3A_63] : memref<125x80xi32, #tpu.memory_space<vmem>> -> memref<1x80xi32, #tpu.memory_space<vmem>>
      %dma_start3A_65 = tpu.memref_squeeze %dma_start3A_64 : memref<1x80xi32, #tpu.memory_space<vmem>> -> memref<80xi32, #tpu.memory_space<vmem>>
      %dma_start3A_66 = arith.constant 0 : i32
      %dma_start3A_67 = arith.constant 0 : i32
      %dma_start3A_68 = tpu.memref_slice %arg2[%dma_start3A_66, %dma_start3A_67] : memref<10000x128xf32, #tpu.memory_space<hbm>> -> memref<10000x128xf32, #tpu.memory_space<hbm>>
      tpu.enqueue_indirect_dma source(%dma_start3A_68 : memref<10000x128xf32, #tpu.memory_space<hbm>>) target(%dma_start3A_62 : memref<80x128xf32, #tpu.memory_space<vmem>>) offsets(%dma_start3A_65 : memref<80xi32, #tpu.memory_space<vmem>>) semaphore(%arg7 : memref<!tpu.dma_semaphore, #tpu.memory_space<semaphore_mem>>)
      %mul3A_69 = arith.constant 5 : i32
      %mul3A_70 = arith.muli %scan3A_39, %mul3A_69 : i32
      %add3A_71 = arith.constant 2 : i32
      %add3A_72 = arith.addi %mul3A_70, %add3A_71 : i32
      %dma_start3A_73 = arith.constant 160 : i32
      %dma_start3A_74 = arith.constant 0 : i32
      %dma_start3A_75 = tpu.memref_slice %arg6[%rem3A_40, %dma_start3A_73, %dma_start3A_74] : memref<2x400x128xf32, #tpu.memory_space<vmem>> -> memref<1x80x128xf32, #tpu.memory_space<vmem>>
      %dma_start3A_76 = tpu.memref_squeeze %dma_start3A_75 : memref<1x80x128xf32, #tpu.memory_space<vmem>> -> memref<80x128xf32, #tpu.memory_space<vmem>>
      %dma_start3A_77 = arith.constant 0 : i32
      %dma_start3A_78 = tpu.memref_slice %arg5[%add3A_72, %dma_start3A_77] : memref<125x80xi32, #tpu.memory_space<vmem>> -> memref<1x80xi32, #tpu.memory_space<vmem>>
      %dma_start3A_79 = tpu.memref_squeeze %dma_start3A_78 : memref<1x80xi32, #tpu.memory_space<vmem>> -> memref<80xi32, #tpu.memory_space<vmem>>
      %dma_start3A_80 = arith.constant 0 : i32
      %dma_start3A_81 = arith.constant 0 : i32
      %dma_start3A_82 = tpu.memref_slice %arg2[%dma_start3A_80, %dma_start3A_81] : memref<10000x128xf32, #tpu.memory_space<hbm>> -> memref<10000x128xf32, #tpu.memory_space<hbm>>
      tpu.enqueue_indirect_dma source(%dma_start3A_82 : memref<10000x128xf32, #tpu.memory_space<hbm>>) target(%dma_start3A_76 : memref<80x128xf32, #tpu.memory_space<vmem>>) offsets(%dma_start3A_79 : memref<80xi32, #tpu.memory_space<vmem>>) semaphore(%arg7 : memref<!tpu.dma_semaphore, #tpu.memory_space<semaphore_mem>>)
      %mul3A_83 = arith.constant 5 : i32
      %mul3A_84 = arith.muli %scan3A_39, %mul3A_83 : i32
      %add3A_85 = arith.constant 3 : i32
      %add3A_86 = arith.addi %mul3A_84, %add3A_85 : i32
      %dma_start3A_87 = arith.constant 240 : i32
      %dma_start3A_88 = arith.constant 0 : i32
      %dma_start3A_89 = tpu.memref_slice %arg6[%rem3A_40, %dma_start3A_87, %dma_start3A_88] : memref<2x400x128xf32, #tpu.memory_space<vmem>> -> memref<1x80x128xf32, #tpu.memory_space<vmem>>
      %dma_start3A_90 = tpu.memref_squeeze %dma_start3A_89 : memref<1x80x128xf32, #tpu.memory_space<vmem>> -> memref<80x128xf32, #tpu.memory_space<vmem>>
      %dma_start3A_91 = arith.constant 0 : i32
      %dma_start3A_92 = tpu.memref_slice %arg5[%add3A_86, %dma_start3A_91] : memref<125x80xi32, #tpu.memory_space<vmem>> -> memref<1x80xi32, #tpu.memory_space<vmem>>
      %dma_start3A_93 = tpu.memref_squeeze %dma_start3A_92 : memref<1x80xi32, #tpu.memory_space<vmem>> -> memref<80xi32, #tpu.memory_space<vmem>>
      %dma_start3A_94 = arith.constant 0 : i32
      %dma_start3A_95 = arith.constant 0 : i32
      %dma_start3A_96 = tpu.memref_slice %arg2[%dma_start3A_94, %dma_start3A_95] : memref<10000x128xf32, #tpu.memory_space<hbm>> -> memref<10000x128xf32, #tpu.memory_space<hbm>>
      tpu.enqueue_indirect_dma source(%dma_start3A_96 : memref<10000x128xf32, #tpu.memory_space<hbm>>) target(%dma_start3A_90 : memref<80x128xf32, #tpu.memory_space<vmem>>) offsets(%dma_start3A_93 : memref<80xi32, #tpu.memory_space<vmem>>) semaphore(%arg7 : memref<!tpu.dma_semaphore, #tpu.memory_space<semaphore_mem>>)
      %mul3A_97 = arith.constant 5 : i32
      %mul3A_98 = arith.muli %scan3A_39, %mul3A_97 : i32
      %add3A_99 = arith.constant 4 : i32
      %add3A_100 = arith.addi %mul3A_98, %add3A_99 : i32
      %dma_start3A_101 = arith.constant 320 : i32
      %dma_start3A_102 = arith.constant 0 : i32
      %dma_start3A_103 = tpu.memref_slice %arg6[%rem3A_40, %dma_start3A_101, %dma_start3A_102] : memref<2x400x128xf32, #tpu.memory_space<vmem>> -> memref<1x80x128xf32, #tpu.memory_space<vmem>>
      %dma_start3A_104 = tpu.memref_squeeze %dma_start3A_103 : memref<1x80x128xf32, #tpu.memory_space<vmem>> -> memref<80x128xf32, #tpu.memory_space<vmem>>
      %dma_start3A_105 = arith.constant 0 : i32
      %dma_start3A_106 = tpu.memref_slice %arg5[%add3A_100, %dma_start3A_105] : memref<125x80xi32, #tpu.memory_space<vmem>> -> memref<1x80xi32, #tpu.memory_space<vmem>>
      %dma_start3A_107 = tpu.memref_squeeze %dma_start3A_106 : memref<1x80xi32, #tpu.memory_space<vmem>> -> memref<80xi32, #tpu.memory_space<vmem>>
      %dma_start3A_108 = arith.constant 0 : i32
      %dma_start3A_109 = arith.constant 0 : i32
      %dma_start3A_110 = tpu.memref_slice %arg2[%dma_start3A_108, %dma_start3A_109] : memref<10000x128xf32, #tpu.memory_space<hbm>> -> memref<10000x128xf32, #tpu.memory_space<hbm>>
      tpu.enqueue_indirect_dma source(%dma_start3A_110 : memref<10000x128xf32, #tpu.memory_space<hbm>>) target(%dma_start3A_104 : memref<80x128xf32, #tpu.memory_space<vmem>>) offsets(%dma_start3A_107 : memref<80xi32, #tpu.memory_space<vmem>>) semaphore(%arg7 : memref<!tpu.dma_semaphore, #tpu.memory_space<semaphore_mem>>)
      %dma_wait3A_111 = arith.constant 0 : i32
      %dma_wait3A_112 = arith.constant 0 : i32
      %dma_wait3A_113 = tpu.memref_slice %arg6[%rem3A_40, %dma_wait3A_111, %dma_wait3A_112] : memref<2x400x128xf32, #tpu.memory_space<vmem>> -> memref<1x80x128xf32, #tpu.memory_space<vmem>>
      %dma_wait3A_114 = tpu.memref_squeeze %dma_wait3A_113 : memref<1x80x128xf32, #tpu.memory_space<vmem>> -> memref<80x128xf32, #tpu.memory_space<vmem>>
      %dma_wait3A_115 = arith.constant 0 : i32
      %dma_wait3A_116 = tpu.memref_slice %arg5[%add3A_45, %dma_wait3A_115] : memref<125x80xi32, #tpu.memory_space<vmem>> -> memref<1x80xi32, #tpu.memory_space<vmem>>
      %dma_wait3A_117 = tpu.memref_squeeze %dma_wait3A_116 : memref<1x80xi32, #tpu.memory_space<vmem>> -> memref<80xi32, #tpu.memory_space<vmem>>
      %dma_wait3A_118 = arith.constant 0 : i32
      %dma_wait3A_119 = arith.constant 0 : i32
      %dma_wait3A_120 = tpu.memref_slice %arg2[%dma_wait3A_118, %dma_wait3A_119] : memref<10000x128xf32, #tpu.memory_space<hbm>> -> memref<10000x128xf32, #tpu.memory_space<hbm>>
      tpu.wait_indirect_dma semaphore(%arg7 : memref<!tpu.dma_semaphore, #tpu.memory_space<semaphore_mem>>) src(%dma_wait3A_120 : memref<10000x128xf32, #tpu.memory_space<hbm>>) dst(%dma_wait3A_114 : memref<80x128xf32, #tpu.memory_space<vmem>>)
      %dma_wait3A_121 = arith.constant 80 : i32
      %dma_wait3A_122 = arith.constant 0 : i32
      %dma_wait3A_123 = tpu.memref_slice %arg6[%rem3A_40, %dma_wait3A_121, %dma_wait3A_122] : memref<2x400x128xf32, #tpu.memory_space<vmem>> -> memref<1x80x128xf32, #tpu.memory_space<vmem>>
      %dma_wait3A_124 = tpu.memref_squeeze %dma_wait3A_123 : memref<1x80x128xf32, #tpu.memory_space<vmem>> -> memref<80x128xf32, #tpu.memory_space<vmem>>
      %dma_wait3A_125 = arith.constant 0 : i32
      %dma_wait3A_126 = tpu.memref_slice %arg5[%add3A_58, %dma_wait3A_125] : memref<125x80xi32, #tpu.memory_space<vmem>> -> memref<1x80xi32, #tpu.memory_space<vmem>>
      %dma_wait3A_127 = tpu.memref_squeeze %dma_wait3A_126 : memref<1x80xi32, #tpu.memory_space<vmem>> -> memref<80xi32, #tpu.memory_space<vmem>>
      %dma_wait3A_128 = arith.constant 0 : i32
      %dma_wait3A_129 = arith.constant 0 : i32
      %dma_wait3A_130 = tpu.memref_slice %arg2[%dma_wait3A_128, %dma_wait3A_129] : memref<10000x128xf32, #tpu.memory_space<hbm>> -> memref<10000x128xf32, #tpu.memory_space<hbm>>
      tpu.wait_indirect_dma semaphore(%arg7 : memref<!tpu.dma_semaphore, #tpu.memory_space<semaphore_mem>>) src(%dma_wait3A_130 : memref<10000x128xf32, #tpu.memory_space<hbm>>) dst(%dma_wait3A_124 : memref<80x128xf32, #tpu.memory_space<vmem>>)
      %dma_wait3A_131 = arith.constant 160 : i32
      %dma_wait3A_132 = arith.constant 0 : i32
      %dma_wait3A_133 = tpu.memref_slice %arg6[%rem3A_40, %dma_wait3A_131, %dma_wait3A_132] : memref<2x400x128xf32, #tpu.memory_space<vmem>> -> memref<1x80x128xf32, #tpu.memory_space<vmem>>
      %dma_wait3A_134 = tpu.memref_squeeze %dma_wait3A_133 : memref<1x80x128xf32, #tpu.memory_space<vmem>> -> memref<80x128xf32, #tpu.memory_space<vmem>>
      %dma_wait3A_135 = arith.constant 0 : i32
      %dma_wait3A_136 = tpu.memref_slice %arg5[%add3A_72, %dma_wait3A_135] : memref<125x80xi32, #tpu.memory_space<vmem>> -> memref<1x80xi32, #tpu.memory_space<vmem>>
      %dma_wait3A_137 = tpu.memref_squeeze %dma_wait3A_136 : memref<1x80xi32, #tpu.memory_space<vmem>> -> memref<80xi32, #tpu.memory_space<vmem>>
      %dma_wait3A_138 = arith.constant 0 : i32
      %dma_wait3A_139 = arith.constant 0 : i32
      %dma_wait3A_140 = tpu.memref_slice %arg2[%dma_wait3A_138, %dma_wait3A_139] : memref<10000x128xf32, #tpu.memory_space<hbm>> -> memref<10000x128xf32, #tpu.memory_space<hbm>>
      tpu.wait_indirect_dma semaphore(%arg7 : memref<!tpu.dma_semaphore, #tpu.memory_space<semaphore_mem>>) src(%dma_wait3A_140 : memref<10000x128xf32, #tpu.memory_space<hbm>>) dst(%dma_wait3A_134 : memref<80x128xf32, #tpu.memory_space<vmem>>)
      %dma_wait3A_141 = arith.constant 240 : i32
      %dma_wait3A_142 = arith.constant 0 : i32
      %dma_wait3A_143 = tpu.memref_slice %arg6[%rem3A_40, %dma_wait3A_141, %dma_wait3A_142] : memref<2x400x128xf32, #tpu.memory_space<vmem>> -> memref<1x80x128xf32, #tpu.memory_space<vmem>>
      %dma_wait3A_144 = tpu.memref_squeeze %dma_wait3A_143 : memref<1x80x128xf32, #tpu.memory_space<vmem>> -> memref<80x128xf32, #tpu.memory_space<vmem>>
      %dma_wait3A_145 = arith.constant 0 : i32
      %dma_wait3A_146 = tpu.memref_slice %arg5[%add3A_86, %dma_wait3A_145] : memref<125x80xi32, #tpu.memory_space<vmem>> -> memref<1x80xi32, #tpu.memory_space<vmem>>
      %dma_wait3A_147 = tpu.memref_squeeze %dma_wait3A_146 : memref<1x80xi32, #tpu.memory_space<vmem>> -> memref<80xi32, #tpu.memory_space<vmem>>
      %dma_wait3A_148 = arith.constant 0 : i32
      %dma_wait3A_149 = arith.constant 0 : i32
      %dma_wait3A_150 = tpu.memref_slice %arg2[%dma_wait3A_148, %dma_wait3A_149] : memref<10000x128xf32, #tpu.memory_space<hbm>> -> memref<10000x128xf32, #tpu.memory_space<hbm>>
      tpu.wait_indirect_dma semaphore(%arg7 : memref<!tpu.dma_semaphore, #tpu.memory_space<semaphore_mem>>) src(%dma_wait3A_150 : memref<10000x128xf32, #tpu.memory_space<hbm>>) dst(%dma_wait3A_144 : memref<80x128xf32, #tpu.memory_space<vmem>>)
      %dma_wait3A_151 = arith.constant 320 : i32
      %dma_wait3A_152 = arith.constant 0 : i32
      %dma_wait3A_153 = tpu.memref_slice %arg6[%rem3A_40, %dma_wait3A_151, %dma_wait3A_152] : memref<2x400x128xf32, #tpu.memory_space<vmem>> -> memref<1x80x128xf32, #tpu.memory_space<vmem>>
      %dma_wait3A_154 = tpu.memref_squeeze %dma_wait3A_153 : memref<1x80x128xf32, #tpu.memory_space<vmem>> -> memref<80x128xf32, #tpu.memory_space<vmem>>
      %dma_wait3A_155 = arith.constant 0 : i32
      %dma_wait3A_156 = tpu.memref_slice %arg5[%add3A_100, %dma_wait3A_155] : memref<125x80xi32, #tpu.memory_space<vmem>> -> memref<1x80xi32, #tpu.memory_space<vmem>>
      %dma_wait3A_157 = tpu.memref_squeeze %dma_wait3A_156 : memref<1x80xi32, #tpu.memory_space<vmem>> -> memref<80xi32, #tpu.memory_space<vmem>>
      %dma_wait3A_158 = arith.constant 0 : i32
      %dma_wait3A_159 = arith.constant 0 : i32
      %dma_wait3A_160 = tpu.memref_slice %arg2[%dma_wait3A_158, %dma_wait3A_159] : memref<10000x128xf32, #tpu.memory_space<hbm>> -> memref<10000x128xf32, #tpu.memory_space<hbm>>
      tpu.wait_indirect_dma semaphore(%arg7 : memref<!tpu.dma_semaphore, #tpu.memory_space<semaphore_mem>>) src(%dma_wait3A_160 : memref<10000x128xf32, #tpu.memory_space<hbm>>) dst(%dma_wait3A_154 : memref<80x128xf32, #tpu.memory_space<vmem>>)
      %mul3A_161 = arith.constant 400 : i32
      %mul3A_162 = arith.muli %scan3A_39, %mul3A_161 : i32
      %add3A_163 = arith.addi %mul3A_0, %mul3A_162 : i32
      %multiple_of3A = tpu.assume_multiple %add3A_163, 8 : i32
      %dma_start3A_164 = arith.constant 0 : i32
      %dma_start3A_165 = arith.constant 0 : i32
      %dma_start3A_166 = tpu.memref_slice %arg6[%rem3A_40, %dma_start3A_164, %dma_start3A_165] : memref<2x400x128xf32, #tpu.memory_space<vmem>> -> memref<1x400x128xf32, #tpu.memory_space<vmem>>
      %dma_start3A_167 = tpu.memref_squeeze %dma_start3A_166 : memref<1x400x128xf32, #tpu.memory_space<vmem>> -> memref<400x128xf32, #tpu.memory_space<vmem>>
      %dma_start3A_168 = arith.constant 0 : i32
      %dma_start3A_169 = tpu.memref_slice %arg4[%arg0, %multiple_of3A, %dma_start3A_168] : memref<2x160000x128xf32, #tpu.memory_space<hbm>> -> memref<1x400x128xf32, #tpu.memory_space<hbm>>
      %dma_start3A_170 = tpu.memref_squeeze %dma_start3A_169 : memref<1x400x128xf32, #tpu.memory_space<hbm>> -> memref<400x128xf32, #tpu.memory_space<hbm>>
      %dma_start3A_171 = arith.constant 0 : i32
      %dma_start3A_172 = tpu.memref_slice %arg4[%arg0, %multiple_of3A, %dma_start3A_171] : memref<2x160000x128xf32, #tpu.memory_space<hbm>> -> memref<1x400x128xf32, #tpu.memory_space<hbm>>
      %dma_start3A_173 = tpu.memref_squeeze %dma_start3A_172 : memref<1x400x128xf32, #tpu.memory_space<hbm>> -> memref<400x128xf32, #tpu.memory_space<hbm>>
      %dma_start3A_174 = arith.constant 0 : i32
      %dma_start3A_175 = arith.constant 0 : i32
      %dma_start3A_176 = tpu.memref_slice %arg6[%rem3A_40, %dma_start3A_174, %dma_start3A_175] : memref<2x400x128xf32, #tpu.memory_space<vmem>> -> memref<1x400x128xf32, #tpu.memory_space<vmem>>
      %dma_start3A_177 = tpu.memref_squeeze %dma_start3A_176 : memref<1x400x128xf32, #tpu.memory_space<vmem>> -> memref<400x128xf32, #tpu.memory_space<vmem>>
      tpu.enqueue_dma source(%dma_start3A_177 : memref<400x128xf32, #tpu.memory_space<vmem>>) target(%dma_start3A_173 : memref<400x128xf32, #tpu.memory_space<hbm>>) target_semaphore(%arg8 : memref<!tpu.dma_semaphore, #tpu.memory_space<semaphore_mem>>)
    }
    %scan3A_5 = arith.constant 25 : i32
    %dma_wait3A = arith.constant 0 : i32
    %dma_wait3A_6 = arith.constant 0 : i32
    %dma_wait3A_7 = arith.constant 0 : i32
    %dma_wait3A_8 = tpu.memref_slice %arg6[%dma_wait3A, %dma_wait3A_6, %dma_wait3A_7] : memref<2x400x128xf32, #tpu.memory_space<vmem>> -> memref<1x400x128xf32, #tpu.memory_space<vmem>>
    %dma_wait3A_9 = tpu.memref_squeeze %dma_wait3A_8 : memref<1x400x128xf32, #tpu.memory_space<vmem>> -> memref<400x128xf32, #tpu.memory_space<vmem>>
    %dma_wait3A_10 = arith.constant 0 : i32
    %dma_wait3A_11 = arith.constant 0 : i32
    %dma_wait3A_12 = tpu.memref_slice %arg4[%arg0, %dma_wait3A_10, %dma_wait3A_11] : memref<2x160000x128xf32, #tpu.memory_space<hbm>> -> memref<1x400x128xf32, #tpu.memory_space<hbm>>
    %dma_wait3A_13 = tpu.memref_squeeze %dma_wait3A_12 : memref<1x400x128xf32, #tpu.memory_space<hbm>> -> memref<400x128xf32, #tpu.memory_space<hbm>>
    %dma_wait3A_14 = arith.constant 0 : i32
    %dma_wait3A_15 = arith.constant 0 : i32
    %dma_wait3A_16 = tpu.memref_slice %arg4[%arg0, %dma_wait3A_14, %dma_wait3A_15] : memref<2x160000x128xf32, #tpu.memory_space<hbm>> -> memref<1x400x128xf32, #tpu.memory_space<hbm>>
    %dma_wait3A_17 = tpu.memref_squeeze %dma_wait3A_16 : memref<1x400x128xf32, #tpu.memory_space<hbm>> -> memref<400x128xf32, #tpu.memory_space<hbm>>
    %dma_wait3A_18 = arith.constant 0 : i32
    %dma_wait3A_19 = arith.constant 0 : i32
    %dma_wait3A_20 = tpu.memref_slice %arg6[%dma_wait3A, %dma_wait3A_18, %dma_wait3A_19] : memref<2x400x128xf32, #tpu.memory_space<vmem>> -> memref<1x400x128xf32, #tpu.memory_space<vmem>>
    %dma_wait3A_21 = tpu.memref_squeeze %dma_wait3A_20 : memref<1x400x128xf32, #tpu.memory_space<vmem>> -> memref<400x128xf32, #tpu.memory_space<vmem>>
    tpu.wait_dma2 semaphore(%arg8 : memref<!tpu.dma_semaphore, #tpu.memory_space<semaphore_mem>>) src(%dma_wait3A_21 : memref<400x128xf32, #tpu.memory_space<vmem>>) dst(%dma_wait3A_17 : memref<400x128xf32, #tpu.memory_space<hbm>>)
    %dma_wait3A_22 = arith.constant 1 : i32
    %dma_wait3A_23 = arith.constant 0 : i32
    %dma_wait3A_24 = arith.constant 0 : i32
    %dma_wait3A_25 = tpu.memref_slice %arg6[%dma_wait3A_22, %dma_wait3A_23, %dma_wait3A_24] : memref<2x400x128xf32, #tpu.memory_space<vmem>> -> memref<1x400x128xf32, #tpu.memory_space<vmem>>
    %dma_wait3A_26 = tpu.memref_squeeze %dma_wait3A_25 : memref<1x400x128xf32, #tpu.memory_space<vmem>> -> memref<400x128xf32, #tpu.memory_space<vmem>>
    %dma_wait3A_27 = arith.constant 0 : i32
    %dma_wait3A_28 = arith.constant 0 : i32
    %dma_wait3A_29 = tpu.memref_slice %arg4[%arg0, %dma_wait3A_27, %dma_wait3A_28] : memref<2x160000x128xf32, #tpu.memory_space<hbm>> -> memref<1x400x128xf32, #tpu.memory_space<hbm>>
    %dma_wait3A_30 = tpu.memref_squeeze %dma_wait3A_29 : memref<1x400x128xf32, #tpu.memory_space<hbm>> -> memref<400x128xf32, #tpu.memory_space<hbm>>
    %dma_wait3A_31 = arith.constant 0 : i32
    %dma_wait3A_32 = arith.constant 0 : i32
    %dma_wait3A_33 = tpu.memref_slice %arg4[%arg0, %dma_wait3A_31, %dma_wait3A_32] : memref<2x160000x128xf32, #tpu.memory_space<hbm>> -> memref<1x400x128xf32, #tpu.memory_space<hbm>>
    %dma_wait3A_34 = tpu.memref_squeeze %dma_wait3A_33 : memref<1x400x128xf32, #tpu.memory_space<hbm>> -> memref<400x128xf32, #tpu.memory_space<hbm>>
    %dma_wait3A_35 = arith.constant 0 : i32
    %dma_wait3A_36 = arith.constant 0 : i32
    %dma_wait3A_37 = tpu.memref_slice %arg6[%dma_wait3A_22, %dma_wait3A_35, %dma_wait3A_36] : memref<2x400x128xf32, #tpu.memory_space<vmem>> -> memref<1x400x128xf32, #tpu.memory_space<vmem>>
    %dma_wait3A_38 = tpu.memref_squeeze %dma_wait3A_37 : memref<1x400x128xf32, #tpu.memory_space<vmem>> -> memref<400x128xf32, #tpu.memory_space<vmem>>
    tpu.wait_dma2 semaphore(%arg8 : memref<!tpu.dma_semaphore, #tpu.memory_space<semaphore_mem>>) src(%dma_wait3A_38 : memref<400x128xf32, #tpu.memory_space<vmem>>) dst(%dma_wait3A_34 : memref<400x128xf32, #tpu.memory_space<hbm>>)
    return
  }
}

#map = affine_map<(d0, d1) -> (0, 0)>
#map1 = affine_map<(d0, d1) -> (0, 0, 0, 0)>
#map2 = affine_map<(d0, d1) -> (0, 0, 0)>
module attributes {stable_mosaic.version = 14 : i64} {
  func.func @_gather_body(%arg0: i32, %arg1: i32, %arg2: memref<10000x128xf32, #tpu.memory_space<hbm>>, %arg3: memref<2x16x125x80xi32, #tpu.memory_space<hbm>>, %arg4: memref<2x160000x128xf32, #tpu.memory_space<hbm>>, %arg5: memref<125x80xi32, #tpu.memory_space<vmem>>, %arg6: memref<2x400x128xf32, #tpu.memory_space<vmem>>, %arg7: memref<!tpu.dma_semaphore, #tpu.memory_space<semaphore_mem>>, %arg8: memref<!tpu.dma_semaphore, #tpu.memory_space<semaphore_mem>>) attributes {dimension_semantics = [#tpu.dimension_semantics<core_parallel>, #tpu.dimension_semantics<subcore_parallel>], iteration_bounds = array<i64: 2, 16>, scalar_prefetch = 0 : i64, scratch_operands = 4 : i64, tpu.core_type = #tpu.core_type<sc_vector_subcore>, window_params = [{transform_indices = #map}, {transform_indices = #map1}, {transform_indices = #map2}]} {
    "tpu.region"() ({
      %run_scoped3A = tpu.sem_alloc : memref<!tpu.dma_semaphore, #tpu.memory_space<semaphore_mem>>
      %dma_start3A = arith.constant 0 : i32
      %dma_start3A_39 = arith.constant 0 : i32
      %dma_start3A_40 = tpu.memref_slice %arg3[%arg0, %arg1, %dma_start3A, %dma_start3A_39] : memref<2x16x125x80xi32, #tpu.memory_space<hbm>> -> memref<1x1x125x80xi32, #tpu.memory_space<hbm>>
      %dma_start3A_41 = tpu.memref_squeeze %dma_start3A_40 : memref<1x1x125x80xi32, #tpu.memory_space<hbm>> -> memref<125x80xi32, #tpu.memory_space<hbm>>
      %dma_start3A_42 = arith.constant 0 : i32
      %dma_start3A_43 = arith.constant 0 : i32
      %dma_start3A_44 = tpu.memref_slice %arg3[%arg0, %arg1, %dma_start3A_42, %dma_start3A_43] : memref<2x16x125x80xi32, #tpu.memory_space<hbm>> -> memref<1x1x125x80xi32, #tpu.memory_space<hbm>>
      %dma_start3A_45 = tpu.memref_squeeze %dma_start3A_44 : memref<1x1x125x80xi32, #tpu.memory_space<hbm>> -> memref<125x80xi32, #tpu.memory_space<hbm>>
      tpu.enqueue_dma source(%dma_start3A_45 : memref<125x80xi32, #tpu.memory_space<hbm>>) target(%arg5 : memref<125x80xi32, #tpu.memory_space<vmem>>) target_semaphore(%run_scoped3A : memref<!tpu.dma_semaphore, #tpu.memory_space<semaphore_mem>>)
      %dma_wait3A_46 = arith.constant 0 : i32
      %dma_wait3A_47 = arith.constant 0 : i32
      %dma_wait3A_48 = tpu.memref_slice %arg3[%arg0, %arg1, %dma_wait3A_46, %dma_wait3A_47] : memref<2x16x125x80xi32, #tpu.memory_space<hbm>> -> memref<1x1x125x80xi32, #tpu.memory_space<hbm>>
      %dma_wait3A_49 = tpu.memref_squeeze %dma_wait3A_48 : memref<1x1x125x80xi32, #tpu.memory_space<hbm>> -> memref<125x80xi32, #tpu.memory_space<hbm>>
      %dma_wait3A_50 = arith.constant 0 : i32
      %dma_wait3A_51 = arith.constant 0 : i32
      %dma_wait3A_52 = tpu.memref_slice %arg3[%arg0, %arg1, %dma_wait3A_50, %dma_wait3A_51] : memref<2x16x125x80xi32, #tpu.memory_space<hbm>> -> memref<1x1x125x80xi32, #tpu.memory_space<hbm>>
      %dma_wait3A_53 = tpu.memref_squeeze %dma_wait3A_52 : memref<1x1x125x80xi32, #tpu.memory_space<hbm>> -> memref<125x80xi32, #tpu.memory_space<hbm>>
      tpu.wait_dma2 semaphore(%run_scoped3A : memref<!tpu.dma_semaphore, #tpu.memory_space<semaphore_mem>>) src(%dma_wait3A_53 : memref<125x80xi32, #tpu.memory_space<hbm>>) dst(%arg5 : memref<125x80xi32, #tpu.memory_space<vmem>>)
      tpu.yield
    }) : () -> ()
    %mul3A = arith.constant 10000 : i32
    %mul3A_0 = arith.muli %arg1, %mul3A : i32
    %scan3A = arith.constant 0 : i32
    %scan3A_1 = arith.constant 0 : i32
    %scan3A_2 = arith.constant 25 : i32
    %scan3A_3 = arith.addi %scan3A_1, %scan3A_2 : i32
    %scan3A_4 = arith.constant 1 : i32
    scf.for %scan3A_39 = %scan3A_1 to %scan3A_3 step %scan3A_4  : i32 {
      %rem3A = arith.constant 2 : i32
      %rem3A_40 = arith.remsi %scan3A_39, %rem3A : i32
      %ge3A = arith.constant 2 : i32
      %ge3A_41 = arith.cmpi sge, %scan3A_39, %ge3A : i32
      %convert_element_type3A = arith.extui %ge3A_41 : i1 to i32
      %cond3A = arith.constant 0 : i32
      %cond3A_42 = arith.cmpi ne, %convert_element_type3A, %cond3A : i32
      scf.if %cond3A_42 {
        %dma_wait3A_178 = arith.constant 0 : i32
        %dma_wait3A_179 = arith.constant 0 : i32
        %dma_wait3A_180 = tpu.memref_slice %arg6[%rem3A_40, %dma_wait3A_178, %dma_wait3A_179] : memref<2x400x128xf32, #tpu.memory_space<vmem>> -> memref<1x400x128xf32, #tpu.memory_space<vmem>>
        %dma_wait3A_181 = tpu.memref_squeeze %dma_wait3A_180 : memref<1x400x128xf32, #tpu.memory_space<vmem>> -> memref<400x128xf32, #tpu.memory_space<vmem>>
        %dma_wait3A_182 = arith.constant 0 : i32
        %dma_wait3A_183 = arith.constant 0 : i32
        %dma_wait3A_184 = tpu.memref_slice %arg4[%arg0, %dma_wait3A_182, %dma_wait3A_183] : memref<2x160000x128xf32, #tpu.memory_space<hbm>> -> memref<1x400x128xf32, #tpu.memory_space<hbm>>
        %dma_wait3A_185 = tpu.memref_squeeze %dma_wait3A_184 : memref<1x400x128xf32, #tpu.memory_space<hbm>> -> memref<400x128xf32, #tpu.memory_space<hbm>>
        %dma_wait3A_186 = arith.constant 0 : i32
        %dma_wait3A_187 = arith.constant 0 : i32
        %dma_wait3A_188 = tpu.memref_slice %arg4[%arg0, %dma_wait3A_186, %dma_wait3A_187] : memref<2x160000x128xf32, #tpu.memory_space<hbm>> -> memref<1x400x128xf32, #tpu.memory_space<hbm>>
        %dma_wait3A_189 = tpu.memref_squeeze %dma_wait3A_188 : memref<1x400x128xf32, #tpu.memory_space<hbm>> -> memref<400x128xf32, #tpu.memory_space<hbm>>
        %dma_wait3A_190 = arith.constant 0 : i32
        %dma_wait3A_191 = arith.constant 0 : i32
        %dma_wait3A_192 = tpu.memref_slice %arg6[%rem3A_40, %dma_wait3A_190, %dma_wait3A_191] : memref<2x400x128xf32, #tpu.memory_space<vmem>> -> memref<1x400x128xf32, #tpu.memory_space<vmem>>
        %dma_wait3A_193 = tpu.memref_squeeze %dma_wait3A_192 : memref<1x400x128xf32, #tpu.memory_space<vmem>> -> memref<400x128xf32, #tpu.memory_space<vmem>>
        tpu.wait_dma2 semaphore(%arg8 : memref<!tpu.dma_semaphore, #tpu.memory_space<semaphore_mem>>) src(%dma_wait3A_193 : memref<400x128xf32, #tpu.memory_space<vmem>>) dst(%dma_wait3A_189 : memref<400x128xf32, #tpu.memory_space<hbm>>)
      } else {
      }
      %mul3A_43 = arith.constant 5 : i32
      %mul3A_44 = arith.muli %scan3A_39, %mul3A_43 : i32
      %add3A = arith.constant 0 : i32
      %add3A_45 = arith.addi %mul3A_44, %add3A : i32
      %dma_start3A = arith.constant 0 : i32
      %dma_start3A_46 = arith.constant 0 : i32
      %dma_start3A_47 = tpu.memref_slice %arg6[%rem3A_40, %dma_start3A, %dma_start3A_46] : memref<2x400x128xf32, #tpu.memory_space<vmem>> -> memref<1x80x128xf32, #tpu.memory_space<vmem>>
      %dma_start3A_48 = tpu.memref_squeeze %dma_start3A_47 : memref<1x80x128xf32, #tpu.memory_space<vmem>> -> memref<80x128xf32, #tpu.memory_space<vmem>>
      %dma_start3A_49 = arith.constant 0 : i32
      %dma_start3A_50 = tpu.memref_slice %arg5[%add3A_45, %dma_start3A_49] : memref<125x80xi32, #tpu.memory_space<vmem>> -> memref<1x80xi32, #tpu.memory_space<vmem>>
      %dma_start3A_51 = tpu.memref_squeeze %dma_start3A_50 : memref<1x80xi32, #tpu.memory_space<vmem>> -> memref<80xi32, #tpu.memory_space<vmem>>
      %dma_start3A_52 = arith.constant 0 : i32
      %dma_start3A_53 = arith.constant 0 : i32
      %dma_start3A_54 = tpu.memref_slice %arg2[%dma_start3A_52, %dma_start3A_53] : memref<10000x128xf32, #tpu.memory_space<hbm>> -> memref<10000x128xf32, #tpu.memory_space<hbm>>
      tpu.enqueue_indirect_dma source(%dma_start3A_54 : memref<10000x128xf32, #tpu.memory_space<hbm>>) target(%dma_start3A_48 : memref<80x128xf32, #tpu.memory_space<vmem>>) offsets(%dma_start3A_51 : memref<80xi32, #tpu.memory_space<vmem>>) semaphore(%arg7 : memref<!tpu.dma_semaphore, #tpu.memory_space<semaphore_mem>>)
      %mul3A_55 = arith.constant 5 : i32
      %mul3A_56 = arith.muli %scan3A_39, %mul3A_55 : i32
      %add3A_57 = arith.constant 1 : i32
      %add3A_58 = arith.addi %mul3A_56, %add3A_57 : i32
      %dma_start3A_59 = arith.constant 80 : i32
      %dma_start3A_60 = arith.constant 0 : i32
      %dma_start3A_61 = tpu.memref_slice %arg6[%rem3A_40, %dma_start3A_59, %dma_start3A_60] : memref<2x400x128xf32, #tpu.memory_space<vmem>> -> memref<1x80x128xf32, #tpu.memory_space<vmem>>
      %dma_start3A_62 = tpu.memref_squeeze %dma_start3A_61 : memref<1x80x128xf32, #tpu.memory_space<vmem>> -> memref<80x128xf32, #tpu.memory_space<vmem>>
      %dma_start3A_63 = arith.constant 0 : i32
      %dma_start3A_64 = tpu.memref_slice %arg5[%add3A_58, %dma_start3A_63] : memref<125x80xi32, #tpu.memory_space<vmem>> -> memref<1x80xi32, #tpu.memory_space<vmem>>
      %dma_start3A_65 = tpu.memref_squeeze %dma_start3A_64 : memref<1x80xi32, #tpu.memory_space<vmem>> -> memref<80xi32, #tpu.memory_space<vmem>>
      %dma_start3A_66 = arith.constant 0 : i32
      %dma_start3A_67 = arith.constant 0 : i32
      %dma_start3A_68 = tpu.memref_slice %arg2[%dma_start3A_66, %dma_start3A_67] : memref<10000x128xf32, #tpu.memory_space<hbm>> -> memref<10000x128xf32, #tpu.memory_space<hbm>>
      tpu.enqueue_indirect_dma source(%dma_start3A_68 : memref<10000x128xf32, #tpu.memory_space<hbm>>) target(%dma_start3A_62 : memref<80x128xf32, #tpu.memory_space<vmem>>) offsets(%dma_start3A_65 : memref<80xi32, #tpu.memory_space<vmem>>) semaphore(%arg7 : memref<!tpu.dma_semaphore, #tpu.memory_space<semaphore_mem>>)
      %mul3A_69 = arith.constant 5 : i32
      %mul3A_70 = arith.muli %scan3A_39, %mul3A_69 : i32
      %add3A_71 = arith.constant 2 : i32
      %add3A_72 = arith.addi %mul3A_70, %add3A_71 : i32
      %dma_start3A_73 = arith.constant 160 : i32
      %dma_start3A_74 = arith.constant 0 : i32
      %dma_start3A_75 = tpu.memref_slice %arg6[%rem3A_40, %dma_start3A_73, %dma_start3A_74] : memref<2x400x128xf32, #tpu.memory_space<vmem>> -> memref<1x80x128xf32, #tpu.memory_space<vmem>>
      %dma_start3A_76 = tpu.memref_squeeze %dma_start3A_75 : memref<1x80x128xf32, #tpu.memory_space<vmem>> -> memref<80x128xf32, #tpu.memory_space<vmem>>
      %dma_start3A_77 = arith.constant 0 : i32
      %dma_start3A_78 = tpu.memref_slice %arg5[%add3A_72, %dma_start3A_77] : memref<125x80xi32, #tpu.memory_space<vmem>> -> memref<1x80xi32, #tpu.memory_space<vmem>>
      %dma_start3A_79 = tpu.memref_squeeze %dma_start3A_78 : memref<1x80xi32, #tpu.memory_space<vmem>> -> memref<80xi32, #tpu.memory_space<vmem>>
      %dma_start3A_80 = arith.constant 0 : i32
      %dma_start3A_81 = arith.constant 0 : i32
      %dma_start3A_82 = tpu.memref_slice %arg2[%dma_start3A_80, %dma_start3A_81] : memref<10000x128xf32, #tpu.memory_space<hbm>> -> memref<10000x128xf32, #tpu.memory_space<hbm>>
      tpu.enqueue_indirect_dma source(%dma_start3A_82 : memref<10000x128xf32, #tpu.memory_space<hbm>>) target(%dma_start3A_76 : memref<80x128xf32, #tpu.memory_space<vmem>>) offsets(%dma_start3A_79 : memref<80xi32, #tpu.memory_space<vmem>>) semaphore(%arg7 : memref<!tpu.dma_semaphore, #tpu.memory_space<semaphore_mem>>)
      %mul3A_83 = arith.constant 5 : i32
      %mul3A_84 = arith.muli %scan3A_39, %mul3A_83 : i32
      %add3A_85 = arith.constant 3 : i32
      %add3A_86 = arith.addi %mul3A_84, %add3A_85 : i32
      %dma_start3A_87 = arith.constant 240 : i32
      %dma_start3A_88 = arith.constant 0 : i32
      %dma_start3A_89 = tpu.memref_slice %arg6[%rem3A_40, %dma_start3A_87, %dma_start3A_88] : memref<2x400x128xf32, #tpu.memory_space<vmem>> -> memref<1x80x128xf32, #tpu.memory_space<vmem>>
      %dma_start3A_90 = tpu.memref_squeeze %dma_start3A_89 : memref<1x80x128xf32, #tpu.memory_space<vmem>> -> memref<80x128xf32, #tpu.memory_space<vmem>>
      %dma_start3A_91 = arith.constant 0 : i32
      %dma_start3A_92 = tpu.memref_slice %arg5[%add3A_86, %dma_start3A_91] : memref<125x80xi32, #tpu.memory_space<vmem>> -> memref<1x80xi32, #tpu.memory_space<vmem>>
      %dma_start3A_93 = tpu.memref_squeeze %dma_start3A_92 : memref<1x80xi32, #tpu.memory_space<vmem>> -> memref<80xi32, #tpu.memory_space<vmem>>
      %dma_start3A_94 = arith.constant 0 : i32
      %dma_start3A_95 = arith.constant 0 : i32
      %dma_start3A_96 = tpu.memref_slice %arg2[%dma_start3A_94, %dma_start3A_95] : memref<10000x128xf32, #tpu.memory_space<hbm>> -> memref<10000x128xf32, #tpu.memory_space<hbm>>
      tpu.enqueue_indirect_dma source(%dma_start3A_96 : memref<10000x128xf32, #tpu.memory_space<hbm>>) target(%dma_start3A_90 : memref<80x128xf32, #tpu.memory_space<vmem>>) offsets(%dma_start3A_93 : memref<80xi32, #tpu.memory_space<vmem>>) semaphore(%arg7 : memref<!tpu.dma_semaphore, #tpu.memory_space<semaphore_mem>>)
      %mul3A_97 = arith.constant 5 : i32
      %mul3A_98 = arith.muli %scan3A_39, %mul3A_97 : i32
      %add3A_99 = arith.constant 4 : i32
      %add3A_100 = arith.addi %mul3A_98, %add3A_99 : i32
      %dma_start3A_101 = arith.constant 320 : i32
      %dma_start3A_102 = arith.constant 0 : i32
      %dma_start3A_103 = tpu.memref_slice %arg6[%rem3A_40, %dma_start3A_101, %dma_start3A_102] : memref<2x400x128xf32, #tpu.memory_space<vmem>> -> memref<1x80x128xf32, #tpu.memory_space<vmem>>
      %dma_start3A_104 = tpu.memref_squeeze %dma_start3A_103 : memref<1x80x128xf32, #tpu.memory_space<vmem>> -> memref<80x128xf32, #tpu.memory_space<vmem>>
      %dma_start3A_105 = arith.constant 0 : i32
      %dma_start3A_106 = tpu.memref_slice %arg5[%add3A_100, %dma_start3A_105] : memref<125x80xi32, #tpu.memory_space<vmem>> -> memref<1x80xi32, #tpu.memory_space<vmem>>
      %dma_start3A_107 = tpu.memref_squeeze %dma_start3A_106 : memref<1x80xi32, #tpu.memory_space<vmem>> -> memref<80xi32, #tpu.memory_space<vmem>>
      %dma_start3A_108 = arith.constant 0 : i32
      %dma_start3A_109 = arith.constant 0 : i32
      %dma_start3A_110 = tpu.memref_slice %arg2[%dma_start3A_108, %dma_start3A_109] : memref<10000x128xf32, #tpu.memory_space<hbm>> -> memref<10000x128xf32, #tpu.memory_space<hbm>>
      tpu.enqueue_indirect_dma source(%dma_start3A_110 : memref<10000x128xf32, #tpu.memory_space<hbm>>) target(%dma_start3A_104 : memref<80x128xf32, #tpu.memory_space<vmem>>) offsets(%dma_start3A_107 : memref<80xi32, #tpu.memory_space<vmem>>) semaphore(%arg7 : memref<!tpu.dma_semaphore, #tpu.memory_space<semaphore_mem>>)
      %dma_wait3A_111 = arith.constant 0 : i32
      %dma_wait3A_112 = arith.constant 0 : i32
      %dma_wait3A_113 = tpu.memref_slice %arg6[%rem3A_40, %dma_wait3A_111, %dma_wait3A_112] : memref<2x400x128xf32, #tpu.memory_space<vmem>> -> memref<1x80x128xf32, #tpu.memory_space<vmem>>
      %dma_wait3A_114 = tpu.memref_squeeze %dma_wait3A_113 : memref<1x80x128xf32, #tpu.memory_space<vmem>> -> memref<80x128xf32, #tpu.memory_space<vmem>>
      %dma_wait3A_115 = arith.constant 0 : i32
      %dma_wait3A_116 = tpu.memref_slice %arg5[%add3A_45, %dma_wait3A_115] : memref<125x80xi32, #tpu.memory_space<vmem>> -> memref<1x80xi32, #tpu.memory_space<vmem>>
      %dma_wait3A_117 = tpu.memref_squeeze %dma_wait3A_116 : memref<1x80xi32, #tpu.memory_space<vmem>> -> memref<80xi32, #tpu.memory_space<vmem>>
      %dma_wait3A_118 = arith.constant 0 : i32
      %dma_wait3A_119 = arith.constant 0 : i32
      %dma_wait3A_120 = tpu.memref_slice %arg2[%dma_wait3A_118, %dma_wait3A_119] : memref<10000x128xf32, #tpu.memory_space<hbm>> -> memref<10000x128xf32, #tpu.memory_space<hbm>>
      tpu.wait_indirect_dma semaphore(%arg7 : memref<!tpu.dma_semaphore, #tpu.memory_space<semaphore_mem>>) src(%dma_wait3A_120 : memref<10000x128xf32, #tpu.memory_space<hbm>>) dst(%dma_wait3A_114 : memref<80x128xf32, #tpu.memory_space<vmem>>)
      %dma_wait3A_121 = arith.constant 80 : i32
      %dma_wait3A_122 = arith.constant 0 : i32
      %dma_wait3A_123 = tpu.memref_slice %arg6[%rem3A_40, %dma_wait3A_121, %dma_wait3A_122] : memref<2x400x128xf32, #tpu.memory_space<vmem>> -> memref<1x80x128xf32, #tpu.memory_space<vmem>>
      %dma_wait3A_124 = tpu.memref_squeeze %dma_wait3A_123 : memref<1x80x128xf32, #tpu.memory_space<vmem>> -> memref<80x128xf32, #tpu.memory_space<vmem>>
      %dma_wait3A_125 = arith.constant 0 : i32
      %dma_wait3A_126 = tpu.memref_slice %arg5[%add3A_58, %dma_wait3A_125] : memref<125x80xi32, #tpu.memory_space<vmem>> -> memref<1x80xi32, #tpu.memory_space<vmem>>
      %dma_wait3A_127 = tpu.memref_squeeze %dma_wait3A_126 : memref<1x80xi32, #tpu.memory_space<vmem>> -> memref<80xi32, #tpu.memory_space<vmem>>
      %dma_wait3A_128 = arith.constant 0 : i32
      %dma_wait3A_129 = arith.constant 0 : i32
      %dma_wait3A_130 = tpu.memref_slice %arg2[%dma_wait3A_128, %dma_wait3A_129] : memref<10000x128xf32, #tpu.memory_space<hbm>> -> memref<10000x128xf32, #tpu.memory_space<hbm>>
      tpu.wait_indirect_dma semaphore(%arg7 : memref<!tpu.dma_semaphore, #tpu.memory_space<semaphore_mem>>) src(%dma_wait3A_130 : memref<10000x128xf32, #tpu.memory_space<hbm>>) dst(%dma_wait3A_124 : memref<80x128xf32, #tpu.memory_space<vmem>>)
      %dma_wait3A_131 = arith.constant 160 : i32
      %dma_wait3A_132 = arith.constant 0 : i32
      %dma_wait3A_133 = tpu.memref_slice %arg6[%rem3A_40, %dma_wait3A_131, %dma_wait3A_132] : memref<2x400x128xf32, #tpu.memory_space<vmem>> -> memref<1x80x128xf32, #tpu.memory_space<vmem>>
      %dma_wait3A_134 = tpu.memref_squeeze %dma_wait3A_133 : memref<1x80x128xf32, #tpu.memory_space<vmem>> -> memref<80x128xf32, #tpu.memory_space<vmem>>
      %dma_wait3A_135 = arith.constant 0 : i32
      %dma_wait3A_136 = tpu.memref_slice %arg5[%add3A_72, %dma_wait3A_135] : memref<125x80xi32, #tpu.memory_space<vmem>> -> memref<1x80xi32, #tpu.memory_space<vmem>>
      %dma_wait3A_137 = tpu.memref_squeeze %dma_wait3A_136 : memref<1x80xi32, #tpu.memory_space<vmem>> -> memref<80xi32, #tpu.memory_space<vmem>>
      %dma_wait3A_138 = arith.constant 0 : i32
      %dma_wait3A_139 = arith.constant 0 : i32
      %dma_wait3A_140 = tpu.memref_slice %arg2[%dma_wait3A_138, %dma_wait3A_139] : memref<10000x128xf32, #tpu.memory_space<hbm>> -> memref<10000x128xf32, #tpu.memory_space<hbm>>
      tpu.wait_indirect_dma semaphore(%arg7 : memref<!tpu.dma_semaphore, #tpu.memory_space<semaphore_mem>>) src(%dma_wait3A_140 : memref<10000x128xf32, #tpu.memory_space<hbm>>) dst(%dma_wait3A_134 : memref<80x128xf32, #tpu.memory_space<vmem>>)
      %dma_wait3A_141 = arith.constant 240 : i32
      %dma_wait3A_142 = arith.constant 0 : i32
      %dma_wait3A_143 = tpu.memref_slice %arg6[%rem3A_40, %dma_wait3A_141, %dma_wait3A_142] : memref<2x400x128xf32, #tpu.memory_space<vmem>> -> memref<1x80x128xf32, #tpu.memory_space<vmem>>
      %dma_wait3A_144 = tpu.memref_squeeze %dma_wait3A_143 : memref<1x80x128xf32, #tpu.memory_space<vmem>> -> memref<80x128xf32, #tpu.memory_space<vmem>>
      %dma_wait3A_145 = arith.constant 0 : i32
      %dma_wait3A_146 = tpu.memref_slice %arg5[%add3A_86, %dma_wait3A_145] : memref<125x80xi32, #tpu.memory_space<vmem>> -> memref<1x80xi32, #tpu.memory_space<vmem>>
      %dma_wait3A_147 = tpu.memref_squeeze %dma_wait3A_146 : memref<1x80xi32, #tpu.memory_space<vmem>> -> memref<80xi32, #tpu.memory_space<vmem>>
      %dma_wait3A_148 = arith.constant 0 : i32
      %dma_wait3A_149 = arith.constant 0 : i32
      %dma_wait3A_150 = tpu.memref_slice %arg2[%dma_wait3A_148, %dma_wait3A_149] : memref<10000x128xf32, #tpu.memory_space<hbm>> -> memref<10000x128xf32, #tpu.memory_space<hbm>>
      tpu.wait_indirect_dma semaphore(%arg7 : memref<!tpu.dma_semaphore, #tpu.memory_space<semaphore_mem>>) src(%dma_wait3A_150 : memref<10000x128xf32, #tpu.memory_space<hbm>>) dst(%dma_wait3A_144 : memref<80x128xf32, #tpu.memory_space<vmem>>)
      %dma_wait3A_151 = arith.constant 320 : i32
      %dma_wait3A_152 = arith.constant 0 : i32
      %dma_wait3A_153 = tpu.memref_slice %arg6[%rem3A_40, %dma_wait3A_151, %dma_wait3A_152] : memref<2x400x128xf32, #tpu.memory_space<vmem>> -> memref<1x80x128xf32, #tpu.memory_space<vmem>>
      %dma_wait3A_154 = tpu.memref_squeeze %dma_wait3A_153 : memref<1x80x128xf32, #tpu.memory_space<vmem>> -> memref<80x128xf32, #tpu.memory_space<vmem>>
      %dma_wait3A_155 = arith.constant 0 : i32
      %dma_wait3A_156 = tpu.memref_slice %arg5[%add3A_100, %dma_wait3A_155] : memref<125x80xi32, #tpu.memory_space<vmem>> -> memref<1x80xi32, #tpu.memory_space<vmem>>
      %dma_wait3A_157 = tpu.memref_squeeze %dma_wait3A_156 : memref<1x80xi32, #tpu.memory_space<vmem>> -> memref<80xi32, #tpu.memory_space<vmem>>
      %dma_wait3A_158 = arith.constant 0 : i32
      %dma_wait3A_159 = arith.constant 0 : i32
      %dma_wait3A_160 = tpu.memref_slice %arg2[%dma_wait3A_158, %dma_wait3A_159] : memref<10000x128xf32, #tpu.memory_space<hbm>> -> memref<10000x128xf32, #tpu.memory_space<hbm>>
      tpu.wait_indirect_dma semaphore(%arg7 : memref<!tpu.dma_semaphore, #tpu.memory_space<semaphore_mem>>) src(%dma_wait3A_160 : memref<10000x128xf32, #tpu.memory_space<hbm>>) dst(%dma_wait3A_154 : memref<80x128xf32, #tpu.memory_space<vmem>>)
      %mul3A_161 = arith.constant 400 : i32
      %mul3A_162 = arith.muli %scan3A_39, %mul3A_161 : i32
      %add3A_163 = arith.addi %mul3A_0, %mul3A_162 : i32
      %multiple_of3A = tpu.assume_multiple %add3A_163, 8 : i32
      %dma_start3A_164 = arith.constant 0 : i32
      %dma_start3A_165 = arith.constant 0 : i32
      %dma_start3A_166 = tpu.memref_slice %arg6[%rem3A_40, %dma_start3A_164, %dma_start3A_165] : memref<2x400x128xf32, #tpu.memory_space<vmem>> -> memref<1x400x128xf32, #tpu.memory_space<vmem>>
      %dma_start3A_167 = tpu.memref_squeeze %dma_start3A_166 : memref<1x400x128xf32, #tpu.memory_space<vmem>> -> memref<400x128xf32, #tpu.memory_space<vmem>>
      %dma_start3A_168 = arith.constant 0 : i32
      %dma_start3A_169 = tpu.memref_slice %arg4[%arg0, %multiple_of3A, %dma_start3A_168] : memref<2x160000x128xf32, #tpu.memory_space<hbm>> -> memref<1x400x128xf32, #tpu.memory_space<hbm>>
      %dma_start3A_170 = tpu.memref_squeeze %dma_start3A_169 : memref<1x400x128xf32, #tpu.memory_space<hbm>> -> memref<400x128xf32, #tpu.memory_space<hbm>>
      %dma_start3A_171 = arith.constant 0 : i32
      %dma_start3A_172 = tpu.memref_slice %arg4[%arg0, %multiple_of3A, %dma_start3A_171] : memref<2x160000x128xf32, #tpu.memory_space<hbm>> -> memref<1x400x128xf32, #tpu.memory_space<hbm>>
      %dma_start3A_173 = tpu.memref_squeeze %dma_start3A_172 : memref<1x400x128xf32, #tpu.memory_space<hbm>> -> memref<400x128xf32, #tpu.memory_space<hbm>>
      %dma_start3A_174 = arith.constant 0 : i32
      %dma_start3A_175 = arith.constant 0 : i32
      %dma_start3A_176 = tpu.memref_slice %arg6[%rem3A_40, %dma_start3A_174, %dma_start3A_175] : memref<2x400x128xf32, #tpu.memory_space<vmem>> -> memref<1x400x128xf32, #tpu.memory_space<vmem>>
      %dma_start3A_177 = tpu.memref_squeeze %dma_start3A_176 : memref<1x400x128xf32, #tpu.memory_space<vmem>> -> memref<400x128xf32, #tpu.memory_space<vmem>>
      tpu.enqueue_dma source(%dma_start3A_177 : memref<400x128xf32, #tpu.memory_space<vmem>>) target(%dma_start3A_173 : memref<400x128xf32, #tpu.memory_space<hbm>>) target_semaphore(%arg8 : memref<!tpu.dma_semaphore, #tpu.memory_space<semaphore_mem>>)
    }
    %scan3A_5 = arith.constant 25 : i32
    %dma_wait3A = arith.constant 0 : i32
    %dma_wait3A_6 = arith.constant 0 : i32
    %dma_wait3A_7 = arith.constant 0 : i32
    %dma_wait3A_8 = tpu.memref_slice %arg6[%dma_wait3A, %dma_wait3A_6, %dma_wait3A_7] : memref<2x400x128xf32, #tpu.memory_space<vmem>> -> memref<1x400x128xf32, #tpu.memory_space<vmem>>
    %dma_wait3A_9 = tpu.memref_squeeze %dma_wait3A_8 : memref<1x400x128xf32, #tpu.memory_space<vmem>> -> memref<400x128xf32, #tpu.memory_space<vmem>>
    %dma_wait3A_10 = arith.constant 0 : i32
    %dma_wait3A_11 = arith.constant 0 : i32
    %dma_wait3A_12 = tpu.memref_slice %arg4[%arg0, %dma_wait3A_10, %dma_wait3A_11] : memref<2x160000x128xf32, #tpu.memory_space<hbm>> -> memref<1x400x128xf32, #tpu.memory_space<hbm>>
    %dma_wait3A_13 = tpu.memref_squeeze %dma_wait3A_12 : memref<1x400x128xf32, #tpu.memory_space<hbm>> -> memref<400x128xf32, #tpu.memory_space<hbm>>
    %dma_wait3A_14 = arith.constant 0 : i32
    %dma_wait3A_15 = arith.constant 0 : i32
    %dma_wait3A_16 = tpu.memref_slice %arg4[%arg0, %dma_wait3A_14, %dma_wait3A_15] : memref<2x160000x128xf32, #tpu.memory_space<hbm>> -> memref<1x400x128xf32, #tpu.memory_space<hbm>>
    %dma_wait3A_17 = tpu.memref_squeeze %dma_wait3A_16 : memref<1x400x128xf32, #tpu.memory_space<hbm>> -> memref<400x128xf32, #tpu.memory_space<hbm>>
    %dma_wait3A_18 = arith.constant 0 : i32
    %dma_wait3A_19 = arith.constant 0 : i32
    %dma_wait3A_20 = tpu.memref_slice %arg6[%dma_wait3A, %dma_wait3A_18, %dma_wait3A_19] : memref<2x400x128xf32, #tpu.memory_space<vmem>> -> memref<1x400x128xf32, #tpu.memory_space<vmem>>
    %dma_wait3A_21 = tpu.memref_squeeze %dma_wait3A_20 : memref<1x400x128xf32, #tpu.memory_space<vmem>> -> memref<400x128xf32, #tpu.memory_space<vmem>>
    tpu.wait_dma2 semaphore(%arg8 : memref<!tpu.dma_semaphore, #tpu.memory_space<semaphore_mem>>) src(%dma_wait3A_21 : memref<400x128xf32, #tpu.memory_space<vmem>>) dst(%dma_wait3A_17 : memref<400x128xf32, #tpu.memory_space<hbm>>)
    %dma_wait3A_22 = arith.constant 1 : i32
    %dma_wait3A_23 = arith.constant 0 : i32
    %dma_wait3A_24 = arith.constant 0 : i32
    %dma_wait3A_25 = tpu.memref_slice %arg6[%dma_wait3A_22, %dma_wait3A_23, %dma_wait3A_24] : memref<2x400x128xf32, #tpu.memory_space<vmem>> -> memref<1x400x128xf32, #tpu.memory_space<vmem>>
    %dma_wait3A_26 = tpu.memref_squeeze %dma_wait3A_25 : memref<1x400x128xf32, #tpu.memory_space<vmem>> -> memref<400x128xf32, #tpu.memory_space<vmem>>
    %dma_wait3A_27 = arith.constant 0 : i32
    %dma_wait3A_28 = arith.constant 0 : i32
    %dma_wait3A_29 = tpu.memref_slice %arg4[%arg0, %dma_wait3A_27, %dma_wait3A_28] : memref<2x160000x128xf32, #tpu.memory_space<hbm>> -> memref<1x400x128xf32, #tpu.memory_space<hbm>>
    %dma_wait3A_30 = tpu.memref_squeeze %dma_wait3A_29 : memref<1x400x128xf32, #tpu.memory_space<hbm>> -> memref<400x128xf32, #tpu.memory_space<hbm>>
    %dma_wait3A_31 = arith.constant 0 : i32
    %dma_wait3A_32 = arith.constant 0 : i32
    %dma_wait3A_33 = tpu.memref_slice %arg4[%arg0, %dma_wait3A_31, %dma_wait3A_32] : memref<2x160000x128xf32, #tpu.memory_space<hbm>> -> memref<1x400x128xf32, #tpu.memory_space<hbm>>
    %dma_wait3A_34 = tpu.memref_squeeze %dma_wait3A_33 : memref<1x400x128xf32, #tpu.memory_space<hbm>> -> memref<400x128xf32, #tpu.memory_space<hbm>>
    %dma_wait3A_35 = arith.constant 0 : i32
    %dma_wait3A_36 = arith.constant 0 : i32
    %dma_wait3A_37 = tpu.memref_slice %arg6[%dma_wait3A_22, %dma_wait3A_35, %dma_wait3A_36] : memref<2x400x128xf32, #tpu.memory_space<vmem>> -> memref<1x400x128xf32, #tpu.memory_space<vmem>>
    %dma_wait3A_38 = tpu.memref_squeeze %dma_wait3A_37 : memref<1x400x128xf32, #tpu.memory_space<vmem>> -> memref<400x128xf32, #tpu.memory_space<vmem>>
    tpu.wait_dma2 semaphore(%arg8 : memref<!tpu.dma_semaphore, #tpu.memory_space<semaphore_mem>>) src(%dma_wait3A_38 : memref<400x128xf32, #tpu.memory_space<vmem>>) dst(%dma_wait3A_34 : memref<400x128xf32, #tpu.memory_space<hbm>>)
    return
  }
}

#map = affine_map<(d0, d1) -> (0, 0)>
#map1 = affine_map<(d0, d1) -> (0, 0, 0, 0)>
#map2 = affine_map<(d0, d1) -> (0, 0, 0)>
module attributes {stable_mosaic.version = 14 : i64} {
  func.func @_scatter_body(%arg0: i32, %arg1: i32, %arg2: memref<160000x128xf32, #tpu.memory_space<hbm>>, %arg3: memref<2x16x125x40xi32, #tpu.memory_space<hbm>>, %arg4: memref<2x10000x128xf32, #tpu.memory_space<hbm>>, %arg5: memref<2x10000x128xf32, #tpu.memory_space<hbm>>, %arg6: memref<125x40xi32, #tpu.memory_space<vmem>>, %arg7: memref<2x40x128xf32, #tpu.memory_space<vmem>>, %arg8: memref<!tpu.dma_semaphore, #tpu.memory_space<semaphore_mem>>, %arg9: memref<10000x128xf32, #tpu.memory_space<vmem_shared>>) attributes {dimension_semantics = [#tpu.dimension_semantics<core_parallel>, #tpu.dimension_semantics<subcore_parallel>], iteration_bounds = array<i64: 2, 16>, scalar_prefetch = 0 : i64, scratch_operands = 4 : i64, tpu.core_type = #tpu.core_type<sc_vector_subcore>, window_params = [{transform_indices = #map}, {transform_indices = #map1}, {transform_indices = #map2}, {transform_indices = #map2}]} {
    %mul3A = arith.constant 640 : i32
    %mul3A_0 = arith.muli %arg1, %mul3A : i32
    %multiple_of3A = tpu.assume_multiple %mul3A_0, 8 : i32
    %lt3A = arith.constant 15 : i32
    %lt3A_1 = arith.cmpi slt, %arg1, %lt3A : i32
    %convert_element_type3A = arith.extui %lt3A_1 : i1 to i32
    %cond3A = arith.constant 0 : i32
    %cond3A_2 = arith.cmpi ne, %convert_element_type3A, %cond3A : i32
    scf.if %cond3A_2 {
      "tpu.region"() ({
        %run_scoped3A = tpu.sem_alloc : memref<!tpu.dma_semaphore, #tpu.memory_space<semaphore_mem>>
        %dma_start3A_39 = arith.constant 0 : i32
        %dma_start3A_40 = tpu.memref_slice %arg9[%multiple_of3A, %dma_start3A_39] : memref<10000x128xf32, #tpu.memory_space<vmem_shared>> -> memref<640x128xf32, #tpu.memory_space<vmem_shared>>
        %dma_start3A_41 = arith.constant 0 : i32
        %dma_start3A_42 = tpu.memref_slice %arg4[%arg0, %multiple_of3A, %dma_start3A_41] : memref<2x10000x128xf32, #tpu.memory_space<hbm>> -> memref<1x640x128xf32, #tpu.memory_space<hbm>>
        %dma_start3A_43 = tpu.memref_squeeze %dma_start3A_42 : memref<1x640x128xf32, #tpu.memory_space<hbm>> -> memref<640x128xf32, #tpu.memory_space<hbm>>
        tpu.enqueue_dma source(%dma_start3A_43 : memref<640x128xf32, #tpu.memory_space<hbm>>) target(%dma_start3A_40 : memref<640x128xf32, #tpu.memory_space<vmem_shared>>) target_semaphore(%run_scoped3A : memref<!tpu.dma_semaphore, #tpu.memory_space<semaphore_mem>>)
        %dma_wait3A = arith.constant 0 : i32
        %dma_wait3A_44 = tpu.memref_slice %arg9[%multiple_of3A, %dma_wait3A] : memref<10000x128xf32, #tpu.memory_space<vmem_shared>> -> memref<640x128xf32, #tpu.memory_space<vmem_shared>>
        %dma_wait3A_45 = arith.constant 0 : i32
        %dma_wait3A_46 = tpu.memref_slice %arg4[%arg0, %multiple_of3A, %dma_wait3A_45] : memref<2x10000x128xf32, #tpu.memory_space<hbm>> -> memref<1x640x128xf32, #tpu.memory_space<hbm>>
        %dma_wait3A_47 = tpu.memref_squeeze %dma_wait3A_46 : memref<1x640x128xf32, #tpu.memory_space<hbm>> -> memref<640x128xf32, #tpu.memory_space<hbm>>
        tpu.wait_dma2 semaphore(%run_scoped3A : memref<!tpu.dma_semaphore, #tpu.memory_space<semaphore_mem>>) src(%dma_wait3A_47 : memref<640x128xf32, #tpu.memory_space<hbm>>) dst(%dma_wait3A_44 : memref<640x128xf32, #tpu.memory_space<vmem_shared>>)
        tpu.yield
      }) : () -> ()
    } else {
    }
    %eq3A = arith.constant 15 : i32
    %eq3A_3 = arith.cmpi eq, %arg1, %eq3A : i32
    %convert_element_type3A_4 = arith.extui %eq3A_3 : i1 to i32
    %cond3A_5 = arith.constant 0 : i32
    %cond3A_6 = arith.cmpi ne, %convert_element_type3A_4, %cond3A_5 : i32
    scf.if %cond3A_6 {
      "tpu.region"() ({
        %run_scoped3A = tpu.sem_alloc : memref<!tpu.dma_semaphore, #tpu.memory_space<semaphore_mem>>
        %dma_start3A_39 = arith.constant 9600 : i32
        %dma_start3A_40 = arith.constant 0 : i32
        %dma_start3A_41 = tpu.memref_slice %arg9[%dma_start3A_39, %dma_start3A_40] : memref<10000x128xf32, #tpu.memory_space<vmem_shared>> -> memref<400x128xf32, #tpu.memory_space<vmem_shared>>
        %dma_start3A_42 = arith.constant 9600 : i32
        %dma_start3A_43 = arith.constant 0 : i32
        %dma_start3A_44 = tpu.memref_slice %arg4[%arg0, %dma_start3A_42, %dma_start3A_43] : memref<2x10000x128xf32, #tpu.memory_space<hbm>> -> memref<1x400x128xf32, #tpu.memory_space<hbm>>
        %dma_start3A_45 = tpu.memref_squeeze %dma_start3A_44 : memref<1x400x128xf32, #tpu.memory_space<hbm>> -> memref<400x128xf32, #tpu.memory_space<hbm>>
        tpu.enqueue_dma source(%dma_start3A_45 : memref<400x128xf32, #tpu.memory_space<hbm>>) target(%dma_start3A_41 : memref<400x128xf32, #tpu.memory_space<vmem_shared>>) target_semaphore(%run_scoped3A : memref<!tpu.dma_semaphore, #tpu.memory_space<semaphore_mem>>)
        %dma_wait3A = arith.constant 9600 : i32
        %dma_wait3A_46 = arith.constant 0 : i32
        %dma_wait3A_47 = tpu.memref_slice %arg9[%dma_wait3A, %dma_wait3A_46] : memref<10000x128xf32, #tpu.memory_space<vmem_shared>> -> memref<400x128xf32, #tpu.memory_space<vmem_shared>>
        %dma_wait3A_48 = arith.constant 9600 : i32
        %dma_wait3A_49 = arith.constant 0 : i32
        %dma_wait3A_50 = tpu.memref_slice %arg4[%arg0, %dma_wait3A_48, %dma_wait3A_49] : memref<2x10000x128xf32, #tpu.memory_space<hbm>> -> memref<1x400x128xf32, #tpu.memory_space<hbm>>
        %dma_wait3A_51 = tpu.memref_squeeze %dma_wait3A_50 : memref<1x400x128xf32, #tpu.memory_space<hbm>> -> memref<400x128xf32, #tpu.memory_space<hbm>>
        tpu.wait_dma2 semaphore(%run_scoped3A : memref<!tpu.dma_semaphore, #tpu.memory_space<semaphore_mem>>) src(%dma_wait3A_51 : memref<400x128xf32, #tpu.memory_space<hbm>>) dst(%dma_wait3A_47 : memref<400x128xf32, #tpu.memory_space<vmem_shared>>)
        tpu.yield
      }) : () -> ()
    } else {
    }
    "tpu.region"() ({
      %run_scoped3A = tpu.sem_alloc : memref<!tpu.dma_semaphore, #tpu.memory_space<semaphore_mem>>
      %dma_start3A_39 = arith.constant 0 : i32
      %dma_start3A_40 = arith.constant 0 : i32
      %dma_start3A_41 = tpu.memref_slice %arg3[%arg0, %arg1, %dma_start3A_39, %dma_start3A_40] : memref<2x16x125x40xi32, #tpu.memory_space<hbm>> -> memref<1x1x125x40xi32, #tpu.memory_space<hbm>>
      %dma_start3A_42 = tpu.memref_squeeze %dma_start3A_41 : memref<1x1x125x40xi32, #tpu.memory_space<hbm>> -> memref<125x40xi32, #tpu.memory_space<hbm>>
      %dma_start3A_43 = arith.constant 0 : i32
      %dma_start3A_44 = arith.constant 0 : i32
      %dma_start3A_45 = tpu.memref_slice %arg3[%arg0, %arg1, %dma_start3A_43, %dma_start3A_44] : memref<2x16x125x40xi32, #tpu.memory_space<hbm>> -> memref<1x1x125x40xi32, #tpu.memory_space<hbm>>
      %dma_start3A_46 = tpu.memref_squeeze %dma_start3A_45 : memref<1x1x125x40xi32, #tpu.memory_space<hbm>> -> memref<125x40xi32, #tpu.memory_space<hbm>>
      tpu.enqueue_dma source(%dma_start3A_46 : memref<125x40xi32, #tpu.memory_space<hbm>>) target(%arg6 : memref<125x40xi32, #tpu.memory_space<vmem>>) target_semaphore(%run_scoped3A : memref<!tpu.dma_semaphore, #tpu.memory_space<semaphore_mem>>)
      %dma_wait3A = arith.constant 0 : i32
      %dma_wait3A_47 = arith.constant 0 : i32
      %dma_wait3A_48 = tpu.memref_slice %arg3[%arg0, %arg1, %dma_wait3A, %dma_wait3A_47] : memref<2x16x125x40xi32, #tpu.memory_space<hbm>> -> memref<1x1x125x40xi32, #tpu.memory_space<hbm>>
      %dma_wait3A_49 = tpu.memref_squeeze %dma_wait3A_48 : memref<1x1x125x40xi32, #tpu.memory_space<hbm>> -> memref<125x40xi32, #tpu.memory_space<hbm>>
      %dma_wait3A_50 = arith.constant 0 : i32
      %dma_wait3A_51 = arith.constant 0 : i32
      %dma_wait3A_52 = tpu.memref_slice %arg3[%arg0, %arg1, %dma_wait3A_50, %dma_wait3A_51] : memref<2x16x125x40xi32, #tpu.memory_space<hbm>> -> memref<1x1x125x40xi32, #tpu.memory_space<hbm>>
      %dma_wait3A_53 = tpu.memref_squeeze %dma_wait3A_52 : memref<1x1x125x40xi32, #tpu.memory_space<hbm>> -> memref<125x40xi32, #tpu.memory_space<hbm>>
      tpu.wait_dma2 semaphore(%run_scoped3A : memref<!tpu.dma_semaphore, #tpu.memory_space<semaphore_mem>>) src(%dma_wait3A_53 : memref<125x40xi32, #tpu.memory_space<hbm>>) dst(%arg6 : memref<125x40xi32, #tpu.memory_space<vmem>>)
      tpu.yield
    }) : () -> ()
    %barrier3A = arith.constant 0 : index
    tpu.barrier barrier_id(%barrier3A)
    %mul3A_7 = arith.constant 16 : i32
    %mul3A_8 = arith.muli %arg0, %mul3A_7 : i32
    %add3A = arith.addi %mul3A_8, %arg1 : i32
    %mul3A_9 = arith.constant 5000 : i32
    %mul3A_10 = arith.muli %add3A, %mul3A_9 : i32
    %dma_start3A = arith.constant 0 : i32
    %dma_start3A_11 = arith.constant 0 : i32
    %dma_start3A_12 = arith.constant 0 : i32
    %dma_start3A_13 = tpu.memref_slice %arg7[%dma_start3A, %dma_start3A_11, %dma_start3A_12] : memref<2x40x128xf32, #tpu.memory_space<vmem>> -> memref<1x40x128xf32, #tpu.memory_space<vmem>>
    %dma_start3A_14 = tpu.memref_squeeze %dma_start3A_13 : memref<1x40x128xf32, #tpu.memory_space<vmem>> -> memref<40x128xf32, #tpu.memory_space<vmem>>
    %dma_start3A_15 = arith.constant 0 : i32
    %dma_start3A_16 = tpu.memref_slice %arg2[%mul3A_10, %dma_start3A_15] : memref<160000x128xf32, #tpu.memory_space<hbm>> -> memref<40x128xf32, #tpu.memory_space<hbm>>
    %dma_start3A_17 = arith.constant 0 : i32
    %dma_start3A_18 = arith.constant 0 : i32
    %dma_start3A_19 = tpu.memref_slice %arg7[%dma_start3A, %dma_start3A_17, %dma_start3A_18] : memref<2x40x128xf32, #tpu.memory_space<vmem>> -> memref<1x40x128xf32, #tpu.memory_space<vmem>>
    %dma_start3A_20 = tpu.memref_squeeze %dma_start3A_19 : memref<1x40x128xf32, #tpu.memory_space<vmem>> -> memref<40x128xf32, #tpu.memory_space<vmem>>
    %dma_start3A_21 = arith.constant 0 : i32
    %dma_start3A_22 = tpu.memref_slice %arg2[%mul3A_10, %dma_start3A_21] : memref<160000x128xf32, #tpu.memory_space<hbm>> -> memref<40x128xf32, #tpu.memory_space<hbm>>
    tpu.enqueue_dma source(%dma_start3A_22 : memref<40x128xf32, #tpu.memory_space<hbm>>) target(%dma_start3A_20 : memref<40x128xf32, #tpu.memory_space<vmem>>) target_semaphore(%arg8 : memref<!tpu.dma_semaphore, #tpu.memory_space<semaphore_mem>>)
    %scan3A = arith.constant 0 : i32
    %scan3A_23 = arith.constant 0 : i32
    %scan3A_24 = arith.constant 125 : i32
    %scan3A_25 = arith.addi %scan3A_23, %scan3A_24 : i32
    %scan3A_26 = arith.constant 1 : i32
    scf.for %scan3A_39 = %scan3A_23 to %scan3A_25 step %scan3A_26  : i32 {
      %rem3A = arith.constant 2 : i32
      %rem3A_40 = arith.remsi %scan3A_39, %rem3A : i32
      %dma_wait3A = arith.constant 0 : i32
      %dma_wait3A_41 = arith.constant 0 : i32
      %dma_wait3A_42 = tpu.memref_slice %arg7[%rem3A_40, %dma_wait3A, %dma_wait3A_41] : memref<2x40x128xf32, #tpu.memory_space<vmem>> -> memref<1x40x128xf32, #tpu.memory_space<vmem>>
      %dma_wait3A_43 = tpu.memref_squeeze %dma_wait3A_42 : memref<1x40x128xf32, #tpu.memory_space<vmem>> -> memref<40x128xf32, #tpu.memory_space<vmem>>
      %dma_wait3A_44 = arith.constant 0 : i32
      %dma_wait3A_45 = arith.constant 0 : i32
      %dma_wait3A_46 = tpu.memref_slice %arg2[%dma_wait3A_44, %dma_wait3A_45] : memref<160000x128xf32, #tpu.memory_space<hbm>> -> memref<40x128xf32, #tpu.memory_space<hbm>>
      %dma_wait3A_47 = arith.constant 0 : i32
      %dma_wait3A_48 = arith.constant 0 : i32
      %dma_wait3A_49 = tpu.memref_slice %arg7[%rem3A_40, %dma_wait3A_47, %dma_wait3A_48] : memref<2x40x128xf32, #tpu.memory_space<vmem>> -> memref<1x40x128xf32, #tpu.memory_space<vmem>>
      %dma_wait3A_50 = tpu.memref_squeeze %dma_wait3A_49 : memref<1x40x128xf32, #tpu.memory_space<vmem>> -> memref<40x128xf32, #tpu.memory_space<vmem>>
      %dma_wait3A_51 = arith.constant 0 : i32
      %dma_wait3A_52 = arith.constant 0 : i32
      %dma_wait3A_53 = tpu.memref_slice %arg2[%dma_wait3A_51, %dma_wait3A_52] : memref<160000x128xf32, #tpu.memory_space<hbm>> -> memref<40x128xf32, #tpu.memory_space<hbm>>
      tpu.wait_dma2 semaphore(%arg8 : memref<!tpu.dma_semaphore, #tpu.memory_space<semaphore_mem>>) src(%dma_wait3A_53 : memref<40x128xf32, #tpu.memory_space<hbm>>) dst(%dma_wait3A_50 : memref<40x128xf32, #tpu.memory_space<vmem>>)
      %lt3A_54 = arith.constant 124 : i32
      %lt3A_55 = arith.cmpi slt, %scan3A_39, %lt3A_54 : i32
      %convert_element_type3A_56 = arith.extui %lt3A_55 : i1 to i32
      %cond3A_57 = arith.constant 0 : i32
      %cond3A_58 = arith.cmpi ne, %convert_element_type3A_56, %cond3A_57 : i32
      scf.if %cond3A_58 {
        %add3A_59 = arith.constant 1 : i32
        %add3A_60 = arith.addi %scan3A_39, %add3A_59 : i32
        %mul3A_61 = arith.constant 40 : i32
        %mul3A_62 = arith.muli %add3A_60, %mul3A_61 : i32
        %add3A_63 = arith.addi %mul3A_10, %mul3A_62 : i32
        %multiple_of3A_64 = tpu.assume_multiple %add3A_63, 8 : i32
        %add3A_65 = arith.constant 1 : i32
        %add3A_66 = arith.addi %scan3A_39, %add3A_65 : i32
        %rem3A_67 = arith.constant 2 : i32
        %rem3A_68 = arith.remsi %add3A_66, %rem3A_67 : i32
        %dma_start3A_69 = arith.constant 0 : i32
        %dma_start3A_70 = arith.constant 0 : i32
        %dma_start3A_71 = tpu.memref_slice %arg7[%rem3A_68, %dma_start3A_69, %dma_start3A_70] : memref<2x40x128xf32, #tpu.memory_space<vmem>> -> memref<1x40x128xf32, #tpu.memory_space<vmem>>
        %dma_start3A_72 = tpu.memref_squeeze %dma_start3A_71 : memref<1x40x128xf32, #tpu.memory_space<vmem>> -> memref<40x128xf32, #tpu.memory_space<vmem>>
        %dma_start3A_73 = arith.constant 0 : i32
        %dma_start3A_74 = tpu.memref_slice %arg2[%multiple_of3A_64, %dma_start3A_73] : memref<160000x128xf32, #tpu.memory_space<hbm>> -> memref<40x128xf32, #tpu.memory_space<hbm>>
        %dma_start3A_75 = arith.constant 0 : i32
        %dma_start3A_76 = arith.constant 0 : i32
        %dma_start3A_77 = tpu.memref_slice %arg7[%rem3A_68, %dma_start3A_75, %dma_start3A_76] : memref<2x40x128xf32, #tpu.memory_space<vmem>> -> memref<1x40x128xf32, #tpu.memory_space<vmem>>
        %dma_start3A_78 = tpu.memref_squeeze %dma_start3A_77 : memref<1x40x128xf32, #tpu.memory_space<vmem>> -> memref<40x128xf32, #tpu.memory_space<vmem>>
        %dma_start3A_79 = arith.constant 0 : i32
        %dma_start3A_80 = tpu.memref_slice %arg2[%multiple_of3A_64, %dma_start3A_79] : memref<160000x128xf32, #tpu.memory_space<hbm>> -> memref<40x128xf32, #tpu.memory_space<hbm>>
        tpu.enqueue_dma source(%dma_start3A_80 : memref<40x128xf32, #tpu.memory_space<hbm>>) target(%dma_start3A_78 : memref<40x128xf32, #tpu.memory_space<vmem>>) target_semaphore(%arg8 : memref<!tpu.dma_semaphore, #tpu.memory_space<semaphore_mem>>)
      } else {
      }
      "tpu.region"() ({
        %run_scoped3A = tpu.sem_alloc : memref<!tpu.dma_semaphore, #tpu.memory_space<semaphore_mem>>
        %dma_start3A_59 = arith.constant 0 : i32
        %dma_start3A_60 = arith.constant 0 : i32
        %dma_start3A_61 = tpu.memref_slice %arg7[%rem3A_40, %dma_start3A_59, %dma_start3A_60] : memref<2x40x128xf32, #tpu.memory_space<vmem>> -> memref<1x40x128xf32, #tpu.memory_space<vmem>>
        %dma_start3A_62 = tpu.memref_squeeze %dma_start3A_61 : memref<1x40x128xf32, #tpu.memory_space<vmem>> -> memref<40x128xf32, #tpu.memory_space<vmem>>
        %dma_start3A_63 = arith.constant 0 : i32
        %dma_start3A_64 = tpu.memref_slice %arg6[%scan3A_39, %dma_start3A_63] : memref<125x40xi32, #tpu.memory_space<vmem>> -> memref<1x40xi32, #tpu.memory_space<vmem>>
        %dma_start3A_65 = tpu.memref_squeeze %dma_start3A_64 : memref<1x40xi32, #tpu.memory_space<vmem>> -> memref<40xi32, #tpu.memory_space<vmem>>
        %dma_start3A_66 = arith.constant 0 : i32
        %dma_start3A_67 = arith.constant 0 : i32
        %dma_start3A_68 = tpu.memref_slice %arg9[%dma_start3A_66, %dma_start3A_67] : memref<10000x128xf32, #tpu.memory_space<vmem_shared>> -> memref<10000x128xf32, #tpu.memory_space<vmem_shared>>
        tpu.enqueue_indirect_dma source(%dma_start3A_62 : memref<40x128xf32, #tpu.memory_space<vmem>>) target(%dma_start3A_68 : memref<10000x128xf32, #tpu.memory_space<vmem_shared>>) offsets(%dma_start3A_65 : memref<40xi32, #tpu.memory_space<vmem>>) semaphore(%run_scoped3A : memref<!tpu.dma_semaphore, #tpu.memory_space<semaphore_mem>>) {add = true}
        %dma_wait3A_69 = arith.constant 0 : i32
        %dma_wait3A_70 = arith.constant 0 : i32
        %dma_wait3A_71 = tpu.memref_slice %arg7[%rem3A_40, %dma_wait3A_69, %dma_wait3A_70] : memref<2x40x128xf32, #tpu.memory_space<vmem>> -> memref<1x40x128xf32, #tpu.memory_space<vmem>>
        %dma_wait3A_72 = tpu.memref_squeeze %dma_wait3A_71 : memref<1x40x128xf32, #tpu.memory_space<vmem>> -> memref<40x128xf32, #tpu.memory_space<vmem>>
        %dma_wait3A_73 = arith.constant 0 : i32
        %dma_wait3A_74 = tpu.memref_slice %arg6[%scan3A_39, %dma_wait3A_73] : memref<125x40xi32, #tpu.memory_space<vmem>> -> memref<1x40xi32, #tpu.memory_space<vmem>>
        %dma_wait3A_75 = tpu.memref_squeeze %dma_wait3A_74 : memref<1x40xi32, #tpu.memory_space<vmem>> -> memref<40xi32, #tpu.memory_space<vmem>>
        %dma_wait3A_76 = arith.constant 0 : i32
        %dma_wait3A_77 = arith.constant 0 : i32
        %dma_wait3A_78 = tpu.memref_slice %arg9[%dma_wait3A_76, %dma_wait3A_77] : memref<10000x128xf32, #tpu.memory_space<vmem_shared>> -> memref<10000x128xf32, #tpu.memory_space<vmem_shared>>
        tpu.wait_indirect_dma semaphore(%run_scoped3A : memref<!tpu.dma_semaphore, #tpu.memory_space<semaphore_mem>>) src(%dma_wait3A_72 : memref<40x128xf32, #tpu.memory_space<vmem>>) dst(%dma_wait3A_78 : memref<10000x128xf32, #tpu.memory_space<vmem_shared>>)
        tpu.yield
      }) : () -> ()
    }
    %scan3A_27 = arith.constant 125 : i32
    %barrier3A_28 = arith.constant 0 : index
    tpu.barrier barrier_id(%barrier3A_28)
    %lt3A_29 = arith.constant 15 : i32
    %lt3A_30 = arith.cmpi slt, %arg1, %lt3A_29 : i32
    %convert_element_type3A_31 = arith.extui %lt3A_30 : i1 to i32
    %cond3A_32 = arith.constant 0 : i32
    %cond3A_33 = arith.cmpi ne, %convert_element_type3A_31, %cond3A_32 : i32
    scf.if %cond3A_33 {
      "tpu.region"() ({
        %run_scoped3A = tpu.sem_alloc : memref<!tpu.dma_semaphore, #tpu.memory_space<semaphore_mem>>
        %dma_start3A_39 = arith.constant 0 : i32
        %dma_start3A_40 = tpu.memref_slice %arg5[%arg0, %multiple_of3A, %dma_start3A_39] : memref<2x10000x128xf32, #tpu.memory_space<hbm>> -> memref<1x640x128xf32, #tpu.memory_space<hbm>>
        %dma_start3A_41 = tpu.memref_squeeze %dma_start3A_40 : memref<1x640x128xf32, #tpu.memory_space<hbm>> -> memref<640x128xf32, #tpu.memory_space<hbm>>
        %dma_start3A_42 = arith.constant 0 : i32
        %dma_start3A_43 = tpu.memref_slice %arg9[%multiple_of3A, %dma_start3A_42] : memref<10000x128xf32, #tpu.memory_space<vmem_shared>> -> memref<640x128xf32, #tpu.memory_space<vmem_shared>>
        tpu.enqueue_dma source(%dma_start3A_43 : memref<640x128xf32, #tpu.memory_space<vmem_shared>>) target(%dma_start3A_41 : memref<640x128xf32, #tpu.memory_space<hbm>>) target_semaphore(%run_scoped3A : memref<!tpu.dma_semaphore, #tpu.memory_space<semaphore_mem>>)
        %dma_wait3A = arith.constant 0 : i32
        %dma_wait3A_44 = tpu.memref_slice %arg5[%arg0, %multiple_of3A, %dma_wait3A] : memref<2x10000x128xf32, #tpu.memory_space<hbm>> -> memref<1x640x128xf32, #tpu.memory_space<hbm>>
        %dma_wait3A_45 = tpu.memref_squeeze %dma_wait3A_44 : memref<1x640x128xf32, #tpu.memory_space<hbm>> -> memref<640x128xf32, #tpu.memory_space<hbm>>
        %dma_wait3A_46 = arith.constant 0 : i32
        %dma_wait3A_47 = tpu.memref_slice %arg9[%multiple_of3A, %dma_wait3A_46] : memref<10000x128xf32, #tpu.memory_space<vmem_shared>> -> memref<640x128xf32, #tpu.memory_space<vmem_shared>>
        tpu.wait_dma2 semaphore(%run_scoped3A : memref<!tpu.dma_semaphore, #tpu.memory_space<semaphore_mem>>) src(%dma_wait3A_47 : memref<640x128xf32, #tpu.memory_space<vmem_shared>>) dst(%dma_wait3A_45 : memref<640x128xf32, #tpu.memory_space<hbm>>)
        tpu.yield
      }) : () -> ()
    } else {
    }
    %eq3A_34 = arith.constant 15 : i32
    %eq3A_35 = arith.cmpi eq, %arg1, %eq3A_34 : i32
    %convert_element_type3A_36 = arith.extui %eq3A_35 : i1 to i32
    %cond3A_37 = arith.constant 0 : i32
    %cond3A_38 = arith.cmpi ne, %convert_element_type3A_36, %cond3A_37 : i32
    scf.if %cond3A_38 {
      "tpu.region"() ({
        %run_scoped3A = tpu.sem_alloc : memref<!tpu.dma_semaphore, #tpu.memory_space<semaphore_mem>>
        %dma_start3A_39 = arith.constant 9600 : i32
        %dma_start3A_40 = arith.constant 0 : i32
        %dma_start3A_41 = tpu.memref_slice %arg5[%arg0, %dma_start3A_39, %dma_start3A_40] : memref<2x10000x128xf32, #tpu.memory_space<hbm>> -> memref<1x400x128xf32, #tpu.memory_space<hbm>>
        %dma_start3A_42 = tpu.memref_squeeze %dma_start3A_41 : memref<1x400x128xf32, #tpu.memory_space<hbm>> -> memref<400x128xf32, #tpu.memory_space<hbm>>
        %dma_start3A_43 = arith.constant 9600 : i32
        %dma_start3A_44 = arith.constant 0 : i32
        %dma_start3A_45 = tpu.memref_slice %arg9[%dma_start3A_43, %dma_start3A_44] : memref<10000x128xf32, #tpu.memory_space<vmem_shared>> -> memref<400x128xf32, #tpu.memory_space<vmem_shared>>
        tpu.enqueue_dma source(%dma_start3A_45 : memref<400x128xf32, #tpu.memory_space<vmem_shared>>) target(%dma_start3A_42 : memref<400x128xf32, #tpu.memory_space<hbm>>) target_semaphore(%run_scoped3A : memref<!tpu.dma_semaphore, #tpu.memory_space<semaphore_mem>>)
        %dma_wait3A = arith.constant 9600 : i32
        %dma_wait3A_46 = arith.constant 0 : i32
        %dma_wait3A_47 = tpu.memref_slice %arg5[%arg0, %dma_wait3A, %dma_wait3A_46] : memref<2x10000x128xf32, #tpu.memory_space<hbm>> -> memref<1x400x128xf32, #tpu.memory_space<hbm>>
        %dma_wait3A_48 = tpu.memref_squeeze %dma_wait3A_47 : memref<1x400x128xf32, #tpu.memory_space<hbm>> -> memref<400x128xf32, #tpu.memory_space<hbm>>
        %dma_wait3A_49 = arith.constant 9600 : i32
        %dma_wait3A_50 = arith.constant 0 : i32
        %dma_wait3A_51 = tpu.memref_slice %arg9[%dma_wait3A_49, %dma_wait3A_50] : memref<10000x128xf32, #tpu.memory_space<vmem_shared>> -> memref<400x128xf32, #tpu.memory_space<vmem_shared>>
        tpu.wait_dma2 semaphore(%run_scoped3A : memref<!tpu.dma_semaphore, #tpu.memory_space<semaphore_mem>>) src(%dma_wait3A_51 : memref<400x128xf32, #tpu.memory_space<vmem_shared>>) dst(%dma_wait3A_48 : memref<400x128xf32, #tpu.memory_space<hbm>>)
        tpu.yield
      }) : () -> ()
    } else {
    }
    return
  }
}

#map = affine_map<(d0, d1) -> (0, 0)>
#map1 = affine_map<(d0, d1) -> (0, 0, 0, 0)>
#map2 = affine_map<(d0, d1) -> (0, 0, 0)>
module attributes {stable_mosaic.version = 14 : i64} {
  func.func @_scatter_body(%arg0: i32, %arg1: i32, %arg2: memref<160000x128xf32, #tpu.memory_space<hbm>>, %arg3: memref<2x16x125x40xi32, #tpu.memory_space<hbm>>, %arg4: memref<2x10000x128xf32, #tpu.memory_space<hbm>>, %arg5: memref<2x10000x128xf32, #tpu.memory_space<hbm>>, %arg6: memref<125x40xi32, #tpu.memory_space<vmem>>, %arg7: memref<2x40x128xf32, #tpu.memory_space<vmem>>, %arg8: memref<!tpu.dma_semaphore, #tpu.memory_space<semaphore_mem>>, %arg9: memref<10000x128xf32, #tpu.memory_space<vmem_shared>>) attributes {dimension_semantics = [#tpu.dimension_semantics<core_parallel>, #tpu.dimension_semantics<subcore_parallel>], iteration_bounds = array<i64: 2, 16>, scalar_prefetch = 0 : i64, scratch_operands = 4 : i64, tpu.core_type = #tpu.core_type<sc_vector_subcore>, window_params = [{transform_indices = #map}, {transform_indices = #map1}, {transform_indices = #map2}, {transform_indices = #map2}]} {
    %mul3A = arith.constant 640 : i32
    %mul3A_0 = arith.muli %arg1, %mul3A : i32
    %multiple_of3A = tpu.assume_multiple %mul3A_0, 8 : i32
    %lt3A = arith.constant 15 : i32
    %lt3A_1 = arith.cmpi slt, %arg1, %lt3A : i32
    %convert_element_type3A = arith.extui %lt3A_1 : i1 to i32
    %cond3A = arith.constant 0 : i32
    %cond3A_2 = arith.cmpi ne, %convert_element_type3A, %cond3A : i32
    scf.if %cond3A_2 {
      "tpu.region"() ({
        %run_scoped3A = tpu.sem_alloc : memref<!tpu.dma_semaphore, #tpu.memory_space<semaphore_mem>>
        %dma_start3A_39 = arith.constant 0 : i32
        %dma_start3A_40 = tpu.memref_slice %arg9[%multiple_of3A, %dma_start3A_39] : memref<10000x128xf32, #tpu.memory_space<vmem_shared>> -> memref<640x128xf32, #tpu.memory_space<vmem_shared>>
        %dma_start3A_41 = arith.constant 0 : i32
        %dma_start3A_42 = tpu.memref_slice %arg4[%arg0, %multiple_of3A, %dma_start3A_41] : memref<2x10000x128xf32, #tpu.memory_space<hbm>> -> memref<1x640x128xf32, #tpu.memory_space<hbm>>
        %dma_start3A_43 = tpu.memref_squeeze %dma_start3A_42 : memref<1x640x128xf32, #tpu.memory_space<hbm>> -> memref<640x128xf32, #tpu.memory_space<hbm>>
        tpu.enqueue_dma source(%dma_start3A_43 : memref<640x128xf32, #tpu.memory_space<hbm>>) target(%dma_start3A_40 : memref<640x128xf32, #tpu.memory_space<vmem_shared>>) target_semaphore(%run_scoped3A : memref<!tpu.dma_semaphore, #tpu.memory_space<semaphore_mem>>)
        %dma_wait3A = arith.constant 0 : i32
        %dma_wait3A_44 = tpu.memref_slice %arg9[%multiple_of3A, %dma_wait3A] : memref<10000x128xf32, #tpu.memory_space<vmem_shared>> -> memref<640x128xf32, #tpu.memory_space<vmem_shared>>
        %dma_wait3A_45 = arith.constant 0 : i32
        %dma_wait3A_46 = tpu.memref_slice %arg4[%arg0, %multiple_of3A, %dma_wait3A_45] : memref<2x10000x128xf32, #tpu.memory_space<hbm>> -> memref<1x640x128xf32, #tpu.memory_space<hbm>>
        %dma_wait3A_47 = tpu.memref_squeeze %dma_wait3A_46 : memref<1x640x128xf32, #tpu.memory_space<hbm>> -> memref<640x128xf32, #tpu.memory_space<hbm>>
        tpu.wait_dma2 semaphore(%run_scoped3A : memref<!tpu.dma_semaphore, #tpu.memory_space<semaphore_mem>>) src(%dma_wait3A_47 : memref<640x128xf32, #tpu.memory_space<hbm>>) dst(%dma_wait3A_44 : memref<640x128xf32, #tpu.memory_space<vmem_shared>>)
        tpu.yield
      }) : () -> ()
    } else {
    }
    %eq3A = arith.constant 15 : i32
    %eq3A_3 = arith.cmpi eq, %arg1, %eq3A : i32
    %convert_element_type3A_4 = arith.extui %eq3A_3 : i1 to i32
    %cond3A_5 = arith.constant 0 : i32
    %cond3A_6 = arith.cmpi ne, %convert_element_type3A_4, %cond3A_5 : i32
    scf.if %cond3A_6 {
      "tpu.region"() ({
        %run_scoped3A = tpu.sem_alloc : memref<!tpu.dma_semaphore, #tpu.memory_space<semaphore_mem>>
        %dma_start3A_39 = arith.constant 9600 : i32
        %dma_start3A_40 = arith.constant 0 : i32
        %dma_start3A_41 = tpu.memref_slice %arg9[%dma_start3A_39, %dma_start3A_40] : memref<10000x128xf32, #tpu.memory_space<vmem_shared>> -> memref<400x128xf32, #tpu.memory_space<vmem_shared>>
        %dma_start3A_42 = arith.constant 9600 : i32
        %dma_start3A_43 = arith.constant 0 : i32
        %dma_start3A_44 = tpu.memref_slice %arg4[%arg0, %dma_start3A_42, %dma_start3A_43] : memref<2x10000x128xf32, #tpu.memory_space<hbm>> -> memref<1x400x128xf32, #tpu.memory_space<hbm>>
        %dma_start3A_45 = tpu.memref_squeeze %dma_start3A_44 : memref<1x400x128xf32, #tpu.memory_space<hbm>> -> memref<400x128xf32, #tpu.memory_space<hbm>>
        tpu.enqueue_dma source(%dma_start3A_45 : memref<400x128xf32, #tpu.memory_space<hbm>>) target(%dma_start3A_41 : memref<400x128xf32, #tpu.memory_space<vmem_shared>>) target_semaphore(%run_scoped3A : memref<!tpu.dma_semaphore, #tpu.memory_space<semaphore_mem>>)
        %dma_wait3A = arith.constant 9600 : i32
        %dma_wait3A_46 = arith.constant 0 : i32
        %dma_wait3A_47 = tpu.memref_slice %arg9[%dma_wait3A, %dma_wait3A_46] : memref<10000x128xf32, #tpu.memory_space<vmem_shared>> -> memref<400x128xf32, #tpu.memory_space<vmem_shared>>
        %dma_wait3A_48 = arith.constant 9600 : i32
        %dma_wait3A_49 = arith.constant 0 : i32
        %dma_wait3A_50 = tpu.memref_slice %arg4[%arg0, %dma_wait3A_48, %dma_wait3A_49] : memref<2x10000x128xf32, #tpu.memory_space<hbm>> -> memref<1x400x128xf32, #tpu.memory_space<hbm>>
        %dma_wait3A_51 = tpu.memref_squeeze %dma_wait3A_50 : memref<1x400x128xf32, #tpu.memory_space<hbm>> -> memref<400x128xf32, #tpu.memory_space<hbm>>
        tpu.wait_dma2 semaphore(%run_scoped3A : memref<!tpu.dma_semaphore, #tpu.memory_space<semaphore_mem>>) src(%dma_wait3A_51 : memref<400x128xf32, #tpu.memory_space<hbm>>) dst(%dma_wait3A_47 : memref<400x128xf32, #tpu.memory_space<vmem_shared>>)
        tpu.yield
      }) : () -> ()
    } else {
    }
    "tpu.region"() ({
      %run_scoped3A = tpu.sem_alloc : memref<!tpu.dma_semaphore, #tpu.memory_space<semaphore_mem>>
      %dma_start3A_39 = arith.constant 0 : i32
      %dma_start3A_40 = arith.constant 0 : i32
      %dma_start3A_41 = tpu.memref_slice %arg3[%arg0, %arg1, %dma_start3A_39, %dma_start3A_40] : memref<2x16x125x40xi32, #tpu.memory_space<hbm>> -> memref<1x1x125x40xi32, #tpu.memory_space<hbm>>
      %dma_start3A_42 = tpu.memref_squeeze %dma_start3A_41 : memref<1x1x125x40xi32, #tpu.memory_space<hbm>> -> memref<125x40xi32, #tpu.memory_space<hbm>>
      %dma_start3A_43 = arith.constant 0 : i32
      %dma_start3A_44 = arith.constant 0 : i32
      %dma_start3A_45 = tpu.memref_slice %arg3[%arg0, %arg1, %dma_start3A_43, %dma_start3A_44] : memref<2x16x125x40xi32, #tpu.memory_space<hbm>> -> memref<1x1x125x40xi32, #tpu.memory_space<hbm>>
      %dma_start3A_46 = tpu.memref_squeeze %dma_start3A_45 : memref<1x1x125x40xi32, #tpu.memory_space<hbm>> -> memref<125x40xi32, #tpu.memory_space<hbm>>
      tpu.enqueue_dma source(%dma_start3A_46 : memref<125x40xi32, #tpu.memory_space<hbm>>) target(%arg6 : memref<125x40xi32, #tpu.memory_space<vmem>>) target_semaphore(%run_scoped3A : memref<!tpu.dma_semaphore, #tpu.memory_space<semaphore_mem>>)
      %dma_wait3A = arith.constant 0 : i32
      %dma_wait3A_47 = arith.constant 0 : i32
      %dma_wait3A_48 = tpu.memref_slice %arg3[%arg0, %arg1, %dma_wait3A, %dma_wait3A_47] : memref<2x16x125x40xi32, #tpu.memory_space<hbm>> -> memref<1x1x125x40xi32, #tpu.memory_space<hbm>>
      %dma_wait3A_49 = tpu.memref_squeeze %dma_wait3A_48 : memref<1x1x125x40xi32, #tpu.memory_space<hbm>> -> memref<125x40xi32, #tpu.memory_space<hbm>>
      %dma_wait3A_50 = arith.constant 0 : i32
      %dma_wait3A_51 = arith.constant 0 : i32
      %dma_wait3A_52 = tpu.memref_slice %arg3[%arg0, %arg1, %dma_wait3A_50, %dma_wait3A_51] : memref<2x16x125x40xi32, #tpu.memory_space<hbm>> -> memref<1x1x125x40xi32, #tpu.memory_space<hbm>>
      %dma_wait3A_53 = tpu.memref_squeeze %dma_wait3A_52 : memref<1x1x125x40xi32, #tpu.memory_space<hbm>> -> memref<125x40xi32, #tpu.memory_space<hbm>>
      tpu.wait_dma2 semaphore(%run_scoped3A : memref<!tpu.dma_semaphore, #tpu.memory_space<semaphore_mem>>) src(%dma_wait3A_53 : memref<125x40xi32, #tpu.memory_space<hbm>>) dst(%arg6 : memref<125x40xi32, #tpu.memory_space<vmem>>)
      tpu.yield
    }) : () -> ()
    %barrier3A = arith.constant 0 : index
    tpu.barrier barrier_id(%barrier3A)
    %mul3A_7 = arith.constant 16 : i32
    %mul3A_8 = arith.muli %arg0, %mul3A_7 : i32
    %add3A = arith.addi %mul3A_8, %arg1 : i32
    %mul3A_9 = arith.constant 5000 : i32
    %mul3A_10 = arith.muli %add3A, %mul3A_9 : i32
    %dma_start3A = arith.constant 0 : i32
    %dma_start3A_11 = arith.constant 0 : i32
    %dma_start3A_12 = arith.constant 0 : i32
    %dma_start3A_13 = tpu.memref_slice %arg7[%dma_start3A, %dma_start3A_11, %dma_start3A_12] : memref<2x40x128xf32, #tpu.memory_space<vmem>> -> memref<1x40x128xf32, #tpu.memory_space<vmem>>
    %dma_start3A_14 = tpu.memref_squeeze %dma_start3A_13 : memref<1x40x128xf32, #tpu.memory_space<vmem>> -> memref<40x128xf32, #tpu.memory_space<vmem>>
    %dma_start3A_15 = arith.constant 0 : i32
    %dma_start3A_16 = tpu.memref_slice %arg2[%mul3A_10, %dma_start3A_15] : memref<160000x128xf32, #tpu.memory_space<hbm>> -> memref<40x128xf32, #tpu.memory_space<hbm>>
    %dma_start3A_17 = arith.constant 0 : i32
    %dma_start3A_18 = arith.constant 0 : i32
    %dma_start3A_19 = tpu.memref_slice %arg7[%dma_start3A, %dma_start3A_17, %dma_start3A_18] : memref<2x40x128xf32, #tpu.memory_space<vmem>> -> memref<1x40x128xf32, #tpu.memory_space<vmem>>
    %dma_start3A_20 = tpu.memref_squeeze %dma_start3A_19 : memref<1x40x128xf32, #tpu.memory_space<vmem>> -> memref<40x128xf32, #tpu.memory_space<vmem>>
    %dma_start3A_21 = arith.constant 0 : i32
    %dma_start3A_22 = tpu.memref_slice %arg2[%mul3A_10, %dma_start3A_21] : memref<160000x128xf32, #tpu.memory_space<hbm>> -> memref<40x128xf32, #tpu.memory_space<hbm>>
    tpu.enqueue_dma source(%dma_start3A_22 : memref<40x128xf32, #tpu.memory_space<hbm>>) target(%dma_start3A_20 : memref<40x128xf32, #tpu.memory_space<vmem>>) target_semaphore(%arg8 : memref<!tpu.dma_semaphore, #tpu.memory_space<semaphore_mem>>)
    %scan3A = arith.constant 0 : i32
    %scan3A_23 = arith.constant 0 : i32
    %scan3A_24 = arith.constant 125 : i32
    %scan3A_25 = arith.addi %scan3A_23, %scan3A_24 : i32
    %scan3A_26 = arith.constant 1 : i32
    scf.for %scan3A_39 = %scan3A_23 to %scan3A_25 step %scan3A_26  : i32 {
      %rem3A = arith.constant 2 : i32
      %rem3A_40 = arith.remsi %scan3A_39, %rem3A : i32
      %dma_wait3A = arith.constant 0 : i32
      %dma_wait3A_41 = arith.constant 0 : i32
      %dma_wait3A_42 = tpu.memref_slice %arg7[%rem3A_40, %dma_wait3A, %dma_wait3A_41] : memref<2x40x128xf32, #tpu.memory_space<vmem>> -> memref<1x40x128xf32, #tpu.memory_space<vmem>>
      %dma_wait3A_43 = tpu.memref_squeeze %dma_wait3A_42 : memref<1x40x128xf32, #tpu.memory_space<vmem>> -> memref<40x128xf32, #tpu.memory_space<vmem>>
      %dma_wait3A_44 = arith.constant 0 : i32
      %dma_wait3A_45 = arith.constant 0 : i32
      %dma_wait3A_46 = tpu.memref_slice %arg2[%dma_wait3A_44, %dma_wait3A_45] : memref<160000x128xf32, #tpu.memory_space<hbm>> -> memref<40x128xf32, #tpu.memory_space<hbm>>
      %dma_wait3A_47 = arith.constant 0 : i32
      %dma_wait3A_48 = arith.constant 0 : i32
      %dma_wait3A_49 = tpu.memref_slice %arg7[%rem3A_40, %dma_wait3A_47, %dma_wait3A_48] : memref<2x40x128xf32, #tpu.memory_space<vmem>> -> memref<1x40x128xf32, #tpu.memory_space<vmem>>
      %dma_wait3A_50 = tpu.memref_squeeze %dma_wait3A_49 : memref<1x40x128xf32, #tpu.memory_space<vmem>> -> memref<40x128xf32, #tpu.memory_space<vmem>>
      %dma_wait3A_51 = arith.constant 0 : i32
      %dma_wait3A_52 = arith.constant 0 : i32
      %dma_wait3A_53 = tpu.memref_slice %arg2[%dma_wait3A_51, %dma_wait3A_52] : memref<160000x128xf32, #tpu.memory_space<hbm>> -> memref<40x128xf32, #tpu.memory_space<hbm>>
      tpu.wait_dma2 semaphore(%arg8 : memref<!tpu.dma_semaphore, #tpu.memory_space<semaphore_mem>>) src(%dma_wait3A_53 : memref<40x128xf32, #tpu.memory_space<hbm>>) dst(%dma_wait3A_50 : memref<40x128xf32, #tpu.memory_space<vmem>>)
      %lt3A_54 = arith.constant 124 : i32
      %lt3A_55 = arith.cmpi slt, %scan3A_39, %lt3A_54 : i32
      %convert_element_type3A_56 = arith.extui %lt3A_55 : i1 to i32
      %cond3A_57 = arith.constant 0 : i32
      %cond3A_58 = arith.cmpi ne, %convert_element_type3A_56, %cond3A_57 : i32
      scf.if %cond3A_58 {
        %add3A_59 = arith.constant 1 : i32
        %add3A_60 = arith.addi %scan3A_39, %add3A_59 : i32
        %mul3A_61 = arith.constant 40 : i32
        %mul3A_62 = arith.muli %add3A_60, %mul3A_61 : i32
        %add3A_63 = arith.addi %mul3A_10, %mul3A_62 : i32
        %multiple_of3A_64 = tpu.assume_multiple %add3A_63, 8 : i32
        %add3A_65 = arith.constant 1 : i32
        %add3A_66 = arith.addi %scan3A_39, %add3A_65 : i32
        %rem3A_67 = arith.constant 2 : i32
        %rem3A_68 = arith.remsi %add3A_66, %rem3A_67 : i32
        %dma_start3A_69 = arith.constant 0 : i32
        %dma_start3A_70 = arith.constant 0 : i32
        %dma_start3A_71 = tpu.memref_slice %arg7[%rem3A_68, %dma_start3A_69, %dma_start3A_70] : memref<2x40x128xf32, #tpu.memory_space<vmem>> -> memref<1x40x128xf32, #tpu.memory_space<vmem>>
        %dma_start3A_72 = tpu.memref_squeeze %dma_start3A_71 : memref<1x40x128xf32, #tpu.memory_space<vmem>> -> memref<40x128xf32, #tpu.memory_space<vmem>>
        %dma_start3A_73 = arith.constant 0 : i32
        %dma_start3A_74 = tpu.memref_slice %arg2[%multiple_of3A_64, %dma_start3A_73] : memref<160000x128xf32, #tpu.memory_space<hbm>> -> memref<40x128xf32, #tpu.memory_space<hbm>>
        %dma_start3A_75 = arith.constant 0 : i32
        %dma_start3A_76 = arith.constant 0 : i32
        %dma_start3A_77 = tpu.memref_slice %arg7[%rem3A_68, %dma_start3A_75, %dma_start3A_76] : memref<2x40x128xf32, #tpu.memory_space<vmem>> -> memref<1x40x128xf32, #tpu.memory_space<vmem>>
        %dma_start3A_78 = tpu.memref_squeeze %dma_start3A_77 : memref<1x40x128xf32, #tpu.memory_space<vmem>> -> memref<40x128xf32, #tpu.memory_space<vmem>>
        %dma_start3A_79 = arith.constant 0 : i32
        %dma_start3A_80 = tpu.memref_slice %arg2[%multiple_of3A_64, %dma_start3A_79] : memref<160000x128xf32, #tpu.memory_space<hbm>> -> memref<40x128xf32, #tpu.memory_space<hbm>>
        tpu.enqueue_dma source(%dma_start3A_80 : memref<40x128xf32, #tpu.memory_space<hbm>>) target(%dma_start3A_78 : memref<40x128xf32, #tpu.memory_space<vmem>>) target_semaphore(%arg8 : memref<!tpu.dma_semaphore, #tpu.memory_space<semaphore_mem>>)
      } else {
      }
      "tpu.region"() ({
        %run_scoped3A = tpu.sem_alloc : memref<!tpu.dma_semaphore, #tpu.memory_space<semaphore_mem>>
        %dma_start3A_59 = arith.constant 0 : i32
        %dma_start3A_60 = arith.constant 0 : i32
        %dma_start3A_61 = tpu.memref_slice %arg7[%rem3A_40, %dma_start3A_59, %dma_start3A_60] : memref<2x40x128xf32, #tpu.memory_space<vmem>> -> memref<1x40x128xf32, #tpu.memory_space<vmem>>
        %dma_start3A_62 = tpu.memref_squeeze %dma_start3A_61 : memref<1x40x128xf32, #tpu.memory_space<vmem>> -> memref<40x128xf32, #tpu.memory_space<vmem>>
        %dma_start3A_63 = arith.constant 0 : i32
        %dma_start3A_64 = tpu.memref_slice %arg6[%scan3A_39, %dma_start3A_63] : memref<125x40xi32, #tpu.memory_space<vmem>> -> memref<1x40xi32, #tpu.memory_space<vmem>>
        %dma_start3A_65 = tpu.memref_squeeze %dma_start3A_64 : memref<1x40xi32, #tpu.memory_space<vmem>> -> memref<40xi32, #tpu.memory_space<vmem>>
        %dma_start3A_66 = arith.constant 0 : i32
        %dma_start3A_67 = arith.constant 0 : i32
        %dma_start3A_68 = tpu.memref_slice %arg9[%dma_start3A_66, %dma_start3A_67] : memref<10000x128xf32, #tpu.memory_space<vmem_shared>> -> memref<10000x128xf32, #tpu.memory_space<vmem_shared>>
        tpu.enqueue_indirect_dma source(%dma_start3A_62 : memref<40x128xf32, #tpu.memory_space<vmem>>) target(%dma_start3A_68 : memref<10000x128xf32, #tpu.memory_space<vmem_shared>>) offsets(%dma_start3A_65 : memref<40xi32, #tpu.memory_space<vmem>>) semaphore(%run_scoped3A : memref<!tpu.dma_semaphore, #tpu.memory_space<semaphore_mem>>) {add = true}
        %dma_wait3A_69 = arith.constant 0 : i32
        %dma_wait3A_70 = arith.constant 0 : i32
        %dma_wait3A_71 = tpu.memref_slice %arg7[%rem3A_40, %dma_wait3A_69, %dma_wait3A_70] : memref<2x40x128xf32, #tpu.memory_space<vmem>> -> memref<1x40x128xf32, #tpu.memory_space<vmem>>
        %dma_wait3A_72 = tpu.memref_squeeze %dma_wait3A_71 : memref<1x40x128xf32, #tpu.memory_space<vmem>> -> memref<40x128xf32, #tpu.memory_space<vmem>>
        %dma_wait3A_73 = arith.constant 0 : i32
        %dma_wait3A_74 = tpu.memref_slice %arg6[%scan3A_39, %dma_wait3A_73] : memref<125x40xi32, #tpu.memory_space<vmem>> -> memref<1x40xi32, #tpu.memory_space<vmem>>
        %dma_wait3A_75 = tpu.memref_squeeze %dma_wait3A_74 : memref<1x40xi32, #tpu.memory_space<vmem>> -> memref<40xi32, #tpu.memory_space<vmem>>
        %dma_wait3A_76 = arith.constant 0 : i32
        %dma_wait3A_77 = arith.constant 0 : i32
        %dma_wait3A_78 = tpu.memref_slice %arg9[%dma_wait3A_76, %dma_wait3A_77] : memref<10000x128xf32, #tpu.memory_space<vmem_shared>> -> memref<10000x128xf32, #tpu.memory_space<vmem_shared>>
        tpu.wait_indirect_dma semaphore(%run_scoped3A : memref<!tpu.dma_semaphore, #tpu.memory_space<semaphore_mem>>) src(%dma_wait3A_72 : memref<40x128xf32, #tpu.memory_space<vmem>>) dst(%dma_wait3A_78 : memref<10000x128xf32, #tpu.memory_space<vmem_shared>>)
        tpu.yield
      }) : () -> ()
    }
    %scan3A_27 = arith.constant 125 : i32
    %barrier3A_28 = arith.constant 0 : index
    tpu.barrier barrier_id(%barrier3A_28)
    %lt3A_29 = arith.constant 15 : i32
    %lt3A_30 = arith.cmpi slt, %arg1, %lt3A_29 : i32
    %convert_element_type3A_31 = arith.extui %lt3A_30 : i1 to i32
    %cond3A_32 = arith.constant 0 : i32
    %cond3A_33 = arith.cmpi ne, %convert_element_type3A_31, %cond3A_32 : i32
    scf.if %cond3A_33 {
      "tpu.region"() ({
        %run_scoped3A = tpu.sem_alloc : memref<!tpu.dma_semaphore, #tpu.memory_space<semaphore_mem>>
        %dma_start3A_39 = arith.constant 0 : i32
        %dma_start3A_40 = tpu.memref_slice %arg5[%arg0, %multiple_of3A, %dma_start3A_39] : memref<2x10000x128xf32, #tpu.memory_space<hbm>> -> memref<1x640x128xf32, #tpu.memory_space<hbm>>
        %dma_start3A_41 = tpu.memref_squeeze %dma_start3A_40 : memref<1x640x128xf32, #tpu.memory_space<hbm>> -> memref<640x128xf32, #tpu.memory_space<hbm>>
        %dma_start3A_42 = arith.constant 0 : i32
        %dma_start3A_43 = tpu.memref_slice %arg9[%multiple_of3A, %dma_start3A_42] : memref<10000x128xf32, #tpu.memory_space<vmem_shared>> -> memref<640x128xf32, #tpu.memory_space<vmem_shared>>
        tpu.enqueue_dma source(%dma_start3A_43 : memref<640x128xf32, #tpu.memory_space<vmem_shared>>) target(%dma_start3A_41 : memref<640x128xf32, #tpu.memory_space<hbm>>) target_semaphore(%run_scoped3A : memref<!tpu.dma_semaphore, #tpu.memory_space<semaphore_mem>>)
        %dma_wait3A = arith.constant 0 : i32
        %dma_wait3A_44 = tpu.memref_slice %arg5[%arg0, %multiple_of3A, %dma_wait3A] : memref<2x10000x128xf32, #tpu.memory_space<hbm>> -> memref<1x640x128xf32, #tpu.memory_space<hbm>>
        %dma_wait3A_45 = tpu.memref_squeeze %dma_wait3A_44 : memref<1x640x128xf32, #tpu.memory_space<hbm>> -> memref<640x128xf32, #tpu.memory_space<hbm>>
        %dma_wait3A_46 = arith.constant 0 : i32
        %dma_wait3A_47 = tpu.memref_slice %arg9[%multiple_of3A, %dma_wait3A_46] : memref<10000x128xf32, #tpu.memory_space<vmem_shared>> -> memref<640x128xf32, #tpu.memory_space<vmem_shared>>
        tpu.wait_dma2 semaphore(%run_scoped3A : memref<!tpu.dma_semaphore, #tpu.memory_space<semaphore_mem>>) src(%dma_wait3A_47 : memref<640x128xf32, #tpu.memory_space<vmem_shared>>) dst(%dma_wait3A_45 : memref<640x128xf32, #tpu.memory_space<hbm>>)
        tpu.yield
      }) : () -> ()
    } else {
    }
    %eq3A_34 = arith.constant 15 : i32
    %eq3A_35 = arith.cmpi eq, %arg1, %eq3A_34 : i32
    %convert_element_type3A_36 = arith.extui %eq3A_35 : i1 to i32
    %cond3A_37 = arith.constant 0 : i32
    %cond3A_38 = arith.cmpi ne, %convert_element_type3A_36, %cond3A_37 : i32
    scf.if %cond3A_38 {
      "tpu.region"() ({
        %run_scoped3A = tpu.sem_alloc : memref<!tpu.dma_semaphore, #tpu.memory_space<semaphore_mem>>
        %dma_start3A_39 = arith.constant 9600 : i32
        %dma_start3A_40 = arith.constant 0 : i32
        %dma_start3A_41 = tpu.memref_slice %arg5[%arg0, %dma_start3A_39, %dma_start3A_40] : memref<2x10000x128xf32, #tpu.memory_space<hbm>> -> memref<1x400x128xf32, #tpu.memory_space<hbm>>
        %dma_start3A_42 = tpu.memref_squeeze %dma_start3A_41 : memref<1x400x128xf32, #tpu.memory_space<hbm>> -> memref<400x128xf32, #tpu.memory_space<hbm>>
        %dma_start3A_43 = arith.constant 9600 : i32
        %dma_start3A_44 = arith.constant 0 : i32
        %dma_start3A_45 = tpu.memref_slice %arg9[%dma_start3A_43, %dma_start3A_44] : memref<10000x128xf32, #tpu.memory_space<vmem_shared>> -> memref<400x128xf32, #tpu.memory_space<vmem_shared>>
        tpu.enqueue_dma source(%dma_start3A_45 : memref<400x128xf32, #tpu.memory_space<vmem_shared>>) target(%dma_start3A_42 : memref<400x128xf32, #tpu.memory_space<hbm>>) target_semaphore(%run_scoped3A : memref<!tpu.dma_semaphore, #tpu.memory_space<semaphore_mem>>)
        %dma_wait3A = arith.constant 9600 : i32
        %dma_wait3A_46 = arith.constant 0 : i32
        %dma_wait3A_47 = tpu.memref_slice %arg5[%arg0, %dma_wait3A, %dma_wait3A_46] : memref<2x10000x128xf32, #tpu.memory_space<hbm>> -> memref<1x400x128xf32, #tpu.memory_space<hbm>>
        %dma_wait3A_48 = tpu.memref_squeeze %dma_wait3A_47 : memref<1x400x128xf32, #tpu.memory_space<hbm>> -> memref<400x128xf32, #tpu.memory_space<hbm>>
        %dma_wait3A_49 = arith.constant 9600 : i32
        %dma_wait3A_50 = arith.constant 0 : i32
        %dma_wait3A_51 = tpu.memref_slice %arg9[%dma_wait3A_49, %dma_wait3A_50] : memref<10000x128xf32, #tpu.memory_space<vmem_shared>> -> memref<400x128xf32, #tpu.memory_space<vmem_shared>>
        tpu.wait_dma2 semaphore(%run_scoped3A : memref<!tpu.dma_semaphore, #tpu.memory_space<semaphore_mem>>) src(%dma_wait3A_51 : memref<400x128xf32, #tpu.memory_space<vmem_shared>>) dst(%dma_wait3A_48 : memref<400x128xf32, #tpu.memory_space<hbm>>)
        tpu.yield
      }) : () -> ()
    } else {
    }
    return
  }
}

#map = affine_map<(d0, d1) -> (0, 0)>
#map1 = affine_map<(d0, d1) -> (0, 0, 0, 0)>
#map2 = affine_map<(d0, d1) -> (0, 0, 0)>
module attributes {stable_mosaic.version = 14 : i64} {
  func.func @_gather_body(%arg0: i32, %arg1: i32, %arg2: memref<10000x128xf32, #tpu.memory_space<hbm>>, %arg3: memref<2x16x125x80xi32, #tpu.memory_space<hbm>>, %arg4: memref<2x160000x128xf32, #tpu.memory_space<hbm>>, %arg5: memref<125x80xi32, #tpu.memory_space<vmem>>, %arg6: memref<2x400x128xf32, #tpu.memory_space<vmem>>, %arg7: memref<!tpu.dma_semaphore, #tpu.memory_space<semaphore_mem>>, %arg8: memref<!tpu.dma_semaphore, #tpu.memory_space<semaphore_mem>>) attributes {dimension_semantics = [#tpu.dimension_semantics<core_parallel>, #tpu.dimension_semantics<subcore_parallel>], iteration_bounds = array<i64: 2, 16>, scalar_prefetch = 0 : i64, scratch_operands = 4 : i64, tpu.core_type = #tpu.core_type<sc_vector_subcore>, window_params = [{transform_indices = #map}, {transform_indices = #map1}, {transform_indices = #map2}]} {
    "tpu.region"() ({
      %run_scoped3A = tpu.sem_alloc : memref<!tpu.dma_semaphore, #tpu.memory_space<semaphore_mem>>
      %dma_start3A = arith.constant 0 : i32
      %dma_start3A_39 = arith.constant 0 : i32
      %dma_start3A_40 = tpu.memref_slice %arg3[%arg0, %arg1, %dma_start3A, %dma_start3A_39] : memref<2x16x125x80xi32, #tpu.memory_space<hbm>> -> memref<1x1x125x80xi32, #tpu.memory_space<hbm>>
      %dma_start3A_41 = tpu.memref_squeeze %dma_start3A_40 : memref<1x1x125x80xi32, #tpu.memory_space<hbm>> -> memref<125x80xi32, #tpu.memory_space<hbm>>
      %dma_start3A_42 = arith.constant 0 : i32
      %dma_start3A_43 = arith.constant 0 : i32
      %dma_start3A_44 = tpu.memref_slice %arg3[%arg0, %arg1, %dma_start3A_42, %dma_start3A_43] : memref<2x16x125x80xi32, #tpu.memory_space<hbm>> -> memref<1x1x125x80xi32, #tpu.memory_space<hbm>>
      %dma_start3A_45 = tpu.memref_squeeze %dma_start3A_44 : memref<1x1x125x80xi32, #tpu.memory_space<hbm>> -> memref<125x80xi32, #tpu.memory_space<hbm>>
      tpu.enqueue_dma source(%dma_start3A_45 : memref<125x80xi32, #tpu.memory_space<hbm>>) target(%arg5 : memref<125x80xi32, #tpu.memory_space<vmem>>) target_semaphore(%run_scoped3A : memref<!tpu.dma_semaphore, #tpu.memory_space<semaphore_mem>>)
      %dma_wait3A_46 = arith.constant 0 : i32
      %dma_wait3A_47 = arith.constant 0 : i32
      %dma_wait3A_48 = tpu.memref_slice %arg3[%arg0, %arg1, %dma_wait3A_46, %dma_wait3A_47] : memref<2x16x125x80xi32, #tpu.memory_space<hbm>> -> memref<1x1x125x80xi32, #tpu.memory_space<hbm>>
      %dma_wait3A_49 = tpu.memref_squeeze %dma_wait3A_48 : memref<1x1x125x80xi32, #tpu.memory_space<hbm>> -> memref<125x80xi32, #tpu.memory_space<hbm>>
      %dma_wait3A_50 = arith.constant 0 : i32
      %dma_wait3A_51 = arith.constant 0 : i32
      %dma_wait3A_52 = tpu.memref_slice %arg3[%arg0, %arg1, %dma_wait3A_50, %dma_wait3A_51] : memref<2x16x125x80xi32, #tpu.memory_space<hbm>> -> memref<1x1x125x80xi32, #tpu.memory_space<hbm>>
      %dma_wait3A_53 = tpu.memref_squeeze %dma_wait3A_52 : memref<1x1x125x80xi32, #tpu.memory_space<hbm>> -> memref<125x80xi32, #tpu.memory_space<hbm>>
      tpu.wait_dma2 semaphore(%run_scoped3A : memref<!tpu.dma_semaphore, #tpu.memory_space<semaphore_mem>>) src(%dma_wait3A_53 : memref<125x80xi32, #tpu.memory_space<hbm>>) dst(%arg5 : memref<125x80xi32, #tpu.memory_space<vmem>>)
      tpu.yield
    }) : () -> ()
    %mul3A = arith.constant 10000 : i32
    %mul3A_0 = arith.muli %arg1, %mul3A : i32
    %scan3A = arith.constant 0 : i32
    %scan3A_1 = arith.constant 0 : i32
    %scan3A_2 = arith.constant 25 : i32
    %scan3A_3 = arith.addi %scan3A_1, %scan3A_2 : i32
    %scan3A_4 = arith.constant 1 : i32
    scf.for %scan3A_39 = %scan3A_1 to %scan3A_3 step %scan3A_4  : i32 {
      %rem3A = arith.constant 2 : i32
      %rem3A_40 = arith.remsi %scan3A_39, %rem3A : i32
      %ge3A = arith.constant 2 : i32
      %ge3A_41 = arith.cmpi sge, %scan3A_39, %ge3A : i32
      %convert_element_type3A = arith.extui %ge3A_41 : i1 to i32
      %cond3A = arith.constant 0 : i32
      %cond3A_42 = arith.cmpi ne, %convert_element_type3A, %cond3A : i32
      scf.if %cond3A_42 {
        %dma_wait3A_178 = arith.constant 0 : i32
        %dma_wait3A_179 = arith.constant 0 : i32
        %dma_wait3A_180 = tpu.memref_slice %arg6[%rem3A_40, %dma_wait3A_178, %dma_wait3A_179] : memref<2x400x128xf32, #tpu.memory_space<vmem>> -> memref<1x400x128xf32, #tpu.memory_space<vmem>>
        %dma_wait3A_181 = tpu.memref_squeeze %dma_wait3A_180 : memref<1x400x128xf32, #tpu.memory_space<vmem>> -> memref<400x128xf32, #tpu.memory_space<vmem>>
        %dma_wait3A_182 = arith.constant 0 : i32
        %dma_wait3A_183 = arith.constant 0 : i32
        %dma_wait3A_184 = tpu.memref_slice %arg4[%arg0, %dma_wait3A_182, %dma_wait3A_183] : memref<2x160000x128xf32, #tpu.memory_space<hbm>> -> memref<1x400x128xf32, #tpu.memory_space<hbm>>
        %dma_wait3A_185 = tpu.memref_squeeze %dma_wait3A_184 : memref<1x400x128xf32, #tpu.memory_space<hbm>> -> memref<400x128xf32, #tpu.memory_space<hbm>>
        %dma_wait3A_186 = arith.constant 0 : i32
        %dma_wait3A_187 = arith.constant 0 : i32
        %dma_wait3A_188 = tpu.memref_slice %arg4[%arg0, %dma_wait3A_186, %dma_wait3A_187] : memref<2x160000x128xf32, #tpu.memory_space<hbm>> -> memref<1x400x128xf32, #tpu.memory_space<hbm>>
        %dma_wait3A_189 = tpu.memref_squeeze %dma_wait3A_188 : memref<1x400x128xf32, #tpu.memory_space<hbm>> -> memref<400x128xf32, #tpu.memory_space<hbm>>
        %dma_wait3A_190 = arith.constant 0 : i32
        %dma_wait3A_191 = arith.constant 0 : i32
        %dma_wait3A_192 = tpu.memref_slice %arg6[%rem3A_40, %dma_wait3A_190, %dma_wait3A_191] : memref<2x400x128xf32, #tpu.memory_space<vmem>> -> memref<1x400x128xf32, #tpu.memory_space<vmem>>
        %dma_wait3A_193 = tpu.memref_squeeze %dma_wait3A_192 : memref<1x400x128xf32, #tpu.memory_space<vmem>> -> memref<400x128xf32, #tpu.memory_space<vmem>>
        tpu.wait_dma2 semaphore(%arg8 : memref<!tpu.dma_semaphore, #tpu.memory_space<semaphore_mem>>) src(%dma_wait3A_193 : memref<400x128xf32, #tpu.memory_space<vmem>>) dst(%dma_wait3A_189 : memref<400x128xf32, #tpu.memory_space<hbm>>)
      } else {
      }
      %mul3A_43 = arith.constant 5 : i32
      %mul3A_44 = arith.muli %scan3A_39, %mul3A_43 : i32
      %add3A = arith.constant 0 : i32
      %add3A_45 = arith.addi %mul3A_44, %add3A : i32
      %dma_start3A = arith.constant 0 : i32
      %dma_start3A_46 = arith.constant 0 : i32
      %dma_start3A_47 = tpu.memref_slice %arg6[%rem3A_40, %dma_start3A, %dma_start3A_46] : memref<2x400x128xf32, #tpu.memory_space<vmem>> -> memref<1x80x128xf32, #tpu.memory_space<vmem>>
      %dma_start3A_48 = tpu.memref_squeeze %dma_start3A_47 : memref<1x80x128xf32, #tpu.memory_space<vmem>> -> memref<80x128xf32, #tpu.memory_space<vmem>>
      %dma_start3A_49 = arith.constant 0 : i32
      %dma_start3A_50 = tpu.memref_slice %arg5[%add3A_45, %dma_start3A_49] : memref<125x80xi32, #tpu.memory_space<vmem>> -> memref<1x80xi32, #tpu.memory_space<vmem>>
      %dma_start3A_51 = tpu.memref_squeeze %dma_start3A_50 : memref<1x80xi32, #tpu.memory_space<vmem>> -> memref<80xi32, #tpu.memory_space<vmem>>
      %dma_start3A_52 = arith.constant 0 : i32
      %dma_start3A_53 = arith.constant 0 : i32
      %dma_start3A_54 = tpu.memref_slice %arg2[%dma_start3A_52, %dma_start3A_53] : memref<10000x128xf32, #tpu.memory_space<hbm>> -> memref<10000x128xf32, #tpu.memory_space<hbm>>
      tpu.enqueue_indirect_dma source(%dma_start3A_54 : memref<10000x128xf32, #tpu.memory_space<hbm>>) target(%dma_start3A_48 : memref<80x128xf32, #tpu.memory_space<vmem>>) offsets(%dma_start3A_51 : memref<80xi32, #tpu.memory_space<vmem>>) semaphore(%arg7 : memref<!tpu.dma_semaphore, #tpu.memory_space<semaphore_mem>>)
      %mul3A_55 = arith.constant 5 : i32
      %mul3A_56 = arith.muli %scan3A_39, %mul3A_55 : i32
      %add3A_57 = arith.constant 1 : i32
      %add3A_58 = arith.addi %mul3A_56, %add3A_57 : i32
      %dma_start3A_59 = arith.constant 80 : i32
      %dma_start3A_60 = arith.constant 0 : i32
      %dma_start3A_61 = tpu.memref_slice %arg6[%rem3A_40, %dma_start3A_59, %dma_start3A_60] : memref<2x400x128xf32, #tpu.memory_space<vmem>> -> memref<1x80x128xf32, #tpu.memory_space<vmem>>
      %dma_start3A_62 = tpu.memref_squeeze %dma_start3A_61 : memref<1x80x128xf32, #tpu.memory_space<vmem>> -> memref<80x128xf32, #tpu.memory_space<vmem>>
      %dma_start3A_63 = arith.constant 0 : i32
      %dma_start3A_64 = tpu.memref_slice %arg5[%add3A_58, %dma_start3A_63] : memref<125x80xi32, #tpu.memory_space<vmem>> -> memref<1x80xi32, #tpu.memory_space<vmem>>
      %dma_start3A_65 = tpu.memref_squeeze %dma_start3A_64 : memref<1x80xi32, #tpu.memory_space<vmem>> -> memref<80xi32, #tpu.memory_space<vmem>>
      %dma_start3A_66 = arith.constant 0 : i32
      %dma_start3A_67 = arith.constant 0 : i32
      %dma_start3A_68 = tpu.memref_slice %arg2[%dma_start3A_66, %dma_start3A_67] : memref<10000x128xf32, #tpu.memory_space<hbm>> -> memref<10000x128xf32, #tpu.memory_space<hbm>>
      tpu.enqueue_indirect_dma source(%dma_start3A_68 : memref<10000x128xf32, #tpu.memory_space<hbm>>) target(%dma_start3A_62 : memref<80x128xf32, #tpu.memory_space<vmem>>) offsets(%dma_start3A_65 : memref<80xi32, #tpu.memory_space<vmem>>) semaphore(%arg7 : memref<!tpu.dma_semaphore, #tpu.memory_space<semaphore_mem>>)
      %mul3A_69 = arith.constant 5 : i32
      %mul3A_70 = arith.muli %scan3A_39, %mul3A_69 : i32
      %add3A_71 = arith.constant 2 : i32
      %add3A_72 = arith.addi %mul3A_70, %add3A_71 : i32
      %dma_start3A_73 = arith.constant 160 : i32
      %dma_start3A_74 = arith.constant 0 : i32
      %dma_start3A_75 = tpu.memref_slice %arg6[%rem3A_40, %dma_start3A_73, %dma_start3A_74] : memref<2x400x128xf32, #tpu.memory_space<vmem>> -> memref<1x80x128xf32, #tpu.memory_space<vmem>>
      %dma_start3A_76 = tpu.memref_squeeze %dma_start3A_75 : memref<1x80x128xf32, #tpu.memory_space<vmem>> -> memref<80x128xf32, #tpu.memory_space<vmem>>
      %dma_start3A_77 = arith.constant 0 : i32
      %dma_start3A_78 = tpu.memref_slice %arg5[%add3A_72, %dma_start3A_77] : memref<125x80xi32, #tpu.memory_space<vmem>> -> memref<1x80xi32, #tpu.memory_space<vmem>>
      %dma_start3A_79 = tpu.memref_squeeze %dma_start3A_78 : memref<1x80xi32, #tpu.memory_space<vmem>> -> memref<80xi32, #tpu.memory_space<vmem>>
      %dma_start3A_80 = arith.constant 0 : i32
      %dma_start3A_81 = arith.constant 0 : i32
      %dma_start3A_82 = tpu.memref_slice %arg2[%dma_start3A_80, %dma_start3A_81] : memref<10000x128xf32, #tpu.memory_space<hbm>> -> memref<10000x128xf32, #tpu.memory_space<hbm>>
      tpu.enqueue_indirect_dma source(%dma_start3A_82 : memref<10000x128xf32, #tpu.memory_space<hbm>>) target(%dma_start3A_76 : memref<80x128xf32, #tpu.memory_space<vmem>>) offsets(%dma_start3A_79 : memref<80xi32, #tpu.memory_space<vmem>>) semaphore(%arg7 : memref<!tpu.dma_semaphore, #tpu.memory_space<semaphore_mem>>)
      %mul3A_83 = arith.constant 5 : i32
      %mul3A_84 = arith.muli %scan3A_39, %mul3A_83 : i32
      %add3A_85 = arith.constant 3 : i32
      %add3A_86 = arith.addi %mul3A_84, %add3A_85 : i32
      %dma_start3A_87 = arith.constant 240 : i32
      %dma_start3A_88 = arith.constant 0 : i32
      %dma_start3A_89 = tpu.memref_slice %arg6[%rem3A_40, %dma_start3A_87, %dma_start3A_88] : memref<2x400x128xf32, #tpu.memory_space<vmem>> -> memref<1x80x128xf32, #tpu.memory_space<vmem>>
      %dma_start3A_90 = tpu.memref_squeeze %dma_start3A_89 : memref<1x80x128xf32, #tpu.memory_space<vmem>> -> memref<80x128xf32, #tpu.memory_space<vmem>>
      %dma_start3A_91 = arith.constant 0 : i32
      %dma_start3A_92 = tpu.memref_slice %arg5[%add3A_86, %dma_start3A_91] : memref<125x80xi32, #tpu.memory_space<vmem>> -> memref<1x80xi32, #tpu.memory_space<vmem>>
      %dma_start3A_93 = tpu.memref_squeeze %dma_start3A_92 : memref<1x80xi32, #tpu.memory_space<vmem>> -> memref<80xi32, #tpu.memory_space<vmem>>
      %dma_start3A_94 = arith.constant 0 : i32
      %dma_start3A_95 = arith.constant 0 : i32
      %dma_start3A_96 = tpu.memref_slice %arg2[%dma_start3A_94, %dma_start3A_95] : memref<10000x128xf32, #tpu.memory_space<hbm>> -> memref<10000x128xf32, #tpu.memory_space<hbm>>
      tpu.enqueue_indirect_dma source(%dma_start3A_96 : memref<10000x128xf32, #tpu.memory_space<hbm>>) target(%dma_start3A_90 : memref<80x128xf32, #tpu.memory_space<vmem>>) offsets(%dma_start3A_93 : memref<80xi32, #tpu.memory_space<vmem>>) semaphore(%arg7 : memref<!tpu.dma_semaphore, #tpu.memory_space<semaphore_mem>>)
      %mul3A_97 = arith.constant 5 : i32
      %mul3A_98 = arith.muli %scan3A_39, %mul3A_97 : i32
      %add3A_99 = arith.constant 4 : i32
      %add3A_100 = arith.addi %mul3A_98, %add3A_99 : i32
      %dma_start3A_101 = arith.constant 320 : i32
      %dma_start3A_102 = arith.constant 0 : i32
      %dma_start3A_103 = tpu.memref_slice %arg6[%rem3A_40, %dma_start3A_101, %dma_start3A_102] : memref<2x400x128xf32, #tpu.memory_space<vmem>> -> memref<1x80x128xf32, #tpu.memory_space<vmem>>
      %dma_start3A_104 = tpu.memref_squeeze %dma_start3A_103 : memref<1x80x128xf32, #tpu.memory_space<vmem>> -> memref<80x128xf32, #tpu.memory_space<vmem>>
      %dma_start3A_105 = arith.constant 0 : i32
      %dma_start3A_106 = tpu.memref_slice %arg5[%add3A_100, %dma_start3A_105] : memref<125x80xi32, #tpu.memory_space<vmem>> -> memref<1x80xi32, #tpu.memory_space<vmem>>
      %dma_start3A_107 = tpu.memref_squeeze %dma_start3A_106 : memref<1x80xi32, #tpu.memory_space<vmem>> -> memref<80xi32, #tpu.memory_space<vmem>>
      %dma_start3A_108 = arith.constant 0 : i32
      %dma_start3A_109 = arith.constant 0 : i32
      %dma_start3A_110 = tpu.memref_slice %arg2[%dma_start3A_108, %dma_start3A_109] : memref<10000x128xf32, #tpu.memory_space<hbm>> -> memref<10000x128xf32, #tpu.memory_space<hbm>>
      tpu.enqueue_indirect_dma source(%dma_start3A_110 : memref<10000x128xf32, #tpu.memory_space<hbm>>) target(%dma_start3A_104 : memref<80x128xf32, #tpu.memory_space<vmem>>) offsets(%dma_start3A_107 : memref<80xi32, #tpu.memory_space<vmem>>) semaphore(%arg7 : memref<!tpu.dma_semaphore, #tpu.memory_space<semaphore_mem>>)
      %dma_wait3A_111 = arith.constant 0 : i32
      %dma_wait3A_112 = arith.constant 0 : i32
      %dma_wait3A_113 = tpu.memref_slice %arg6[%rem3A_40, %dma_wait3A_111, %dma_wait3A_112] : memref<2x400x128xf32, #tpu.memory_space<vmem>> -> memref<1x80x128xf32, #tpu.memory_space<vmem>>
      %dma_wait3A_114 = tpu.memref_squeeze %dma_wait3A_113 : memref<1x80x128xf32, #tpu.memory_space<vmem>> -> memref<80x128xf32, #tpu.memory_space<vmem>>
      %dma_wait3A_115 = arith.constant 0 : i32
      %dma_wait3A_116 = tpu.memref_slice %arg5[%add3A_45, %dma_wait3A_115] : memref<125x80xi32, #tpu.memory_space<vmem>> -> memref<1x80xi32, #tpu.memory_space<vmem>>
      %dma_wait3A_117 = tpu.memref_squeeze %dma_wait3A_116 : memref<1x80xi32, #tpu.memory_space<vmem>> -> memref<80xi32, #tpu.memory_space<vmem>>
      %dma_wait3A_118 = arith.constant 0 : i32
      %dma_wait3A_119 = arith.constant 0 : i32
      %dma_wait3A_120 = tpu.memref_slice %arg2[%dma_wait3A_118, %dma_wait3A_119] : memref<10000x128xf32, #tpu.memory_space<hbm>> -> memref<10000x128xf32, #tpu.memory_space<hbm>>
      tpu.wait_indirect_dma semaphore(%arg7 : memref<!tpu.dma_semaphore, #tpu.memory_space<semaphore_mem>>) src(%dma_wait3A_120 : memref<10000x128xf32, #tpu.memory_space<hbm>>) dst(%dma_wait3A_114 : memref<80x128xf32, #tpu.memory_space<vmem>>)
      %dma_wait3A_121 = arith.constant 80 : i32
      %dma_wait3A_122 = arith.constant 0 : i32
      %dma_wait3A_123 = tpu.memref_slice %arg6[%rem3A_40, %dma_wait3A_121, %dma_wait3A_122] : memref<2x400x128xf32, #tpu.memory_space<vmem>> -> memref<1x80x128xf32, #tpu.memory_space<vmem>>
      %dma_wait3A_124 = tpu.memref_squeeze %dma_wait3A_123 : memref<1x80x128xf32, #tpu.memory_space<vmem>> -> memref<80x128xf32, #tpu.memory_space<vmem>>
      %dma_wait3A_125 = arith.constant 0 : i32
      %dma_wait3A_126 = tpu.memref_slice %arg5[%add3A_58, %dma_wait3A_125] : memref<125x80xi32, #tpu.memory_space<vmem>> -> memref<1x80xi32, #tpu.memory_space<vmem>>
      %dma_wait3A_127 = tpu.memref_squeeze %dma_wait3A_126 : memref<1x80xi32, #tpu.memory_space<vmem>> -> memref<80xi32, #tpu.memory_space<vmem>>
      %dma_wait3A_128 = arith.constant 0 : i32
      %dma_wait3A_129 = arith.constant 0 : i32
      %dma_wait3A_130 = tpu.memref_slice %arg2[%dma_wait3A_128, %dma_wait3A_129] : memref<10000x128xf32, #tpu.memory_space<hbm>> -> memref<10000x128xf32, #tpu.memory_space<hbm>>
      tpu.wait_indirect_dma semaphore(%arg7 : memref<!tpu.dma_semaphore, #tpu.memory_space<semaphore_mem>>) src(%dma_wait3A_130 : memref<10000x128xf32, #tpu.memory_space<hbm>>) dst(%dma_wait3A_124 : memref<80x128xf32, #tpu.memory_space<vmem>>)
      %dma_wait3A_131 = arith.constant 160 : i32
      %dma_wait3A_132 = arith.constant 0 : i32
      %dma_wait3A_133 = tpu.memref_slice %arg6[%rem3A_40, %dma_wait3A_131, %dma_wait3A_132] : memref<2x400x128xf32, #tpu.memory_space<vmem>> -> memref<1x80x128xf32, #tpu.memory_space<vmem>>
      %dma_wait3A_134 = tpu.memref_squeeze %dma_wait3A_133 : memref<1x80x128xf32, #tpu.memory_space<vmem>> -> memref<80x128xf32, #tpu.memory_space<vmem>>
      %dma_wait3A_135 = arith.constant 0 : i32
      %dma_wait3A_136 = tpu.memref_slice %arg5[%add3A_72, %dma_wait3A_135] : memref<125x80xi32, #tpu.memory_space<vmem>> -> memref<1x80xi32, #tpu.memory_space<vmem>>
      %dma_wait3A_137 = tpu.memref_squeeze %dma_wait3A_136 : memref<1x80xi32, #tpu.memory_space<vmem>> -> memref<80xi32, #tpu.memory_space<vmem>>
      %dma_wait3A_138 = arith.constant 0 : i32
      %dma_wait3A_139 = arith.constant 0 : i32
      %dma_wait3A_140 = tpu.memref_slice %arg2[%dma_wait3A_138, %dma_wait3A_139] : memref<10000x128xf32, #tpu.memory_space<hbm>> -> memref<10000x128xf32, #tpu.memory_space<hbm>>
      tpu.wait_indirect_dma semaphore(%arg7 : memref<!tpu.dma_semaphore, #tpu.memory_space<semaphore_mem>>) src(%dma_wait3A_140 : memref<10000x128xf32, #tpu.memory_space<hbm>>) dst(%dma_wait3A_134 : memref<80x128xf32, #tpu.memory_space<vmem>>)
      %dma_wait3A_141 = arith.constant 240 : i32
      %dma_wait3A_142 = arith.constant 0 : i32
      %dma_wait3A_143 = tpu.memref_slice %arg6[%rem3A_40, %dma_wait3A_141, %dma_wait3A_142] : memref<2x400x128xf32, #tpu.memory_space<vmem>> -> memref<1x80x128xf32, #tpu.memory_space<vmem>>
      %dma_wait3A_144 = tpu.memref_squeeze %dma_wait3A_143 : memref<1x80x128xf32, #tpu.memory_space<vmem>> -> memref<80x128xf32, #tpu.memory_space<vmem>>
      %dma_wait3A_145 = arith.constant 0 : i32
      %dma_wait3A_146 = tpu.memref_slice %arg5[%add3A_86, %dma_wait3A_145] : memref<125x80xi32, #tpu.memory_space<vmem>> -> memref<1x80xi32, #tpu.memory_space<vmem>>
      %dma_wait3A_147 = tpu.memref_squeeze %dma_wait3A_146 : memref<1x80xi32, #tpu.memory_space<vmem>> -> memref<80xi32, #tpu.memory_space<vmem>>
      %dma_wait3A_148 = arith.constant 0 : i32
      %dma_wait3A_149 = arith.constant 0 : i32
      %dma_wait3A_150 = tpu.memref_slice %arg2[%dma_wait3A_148, %dma_wait3A_149] : memref<10000x128xf32, #tpu.memory_space<hbm>> -> memref<10000x128xf32, #tpu.memory_space<hbm>>
      tpu.wait_indirect_dma semaphore(%arg7 : memref<!tpu.dma_semaphore, #tpu.memory_space<semaphore_mem>>) src(%dma_wait3A_150 : memref<10000x128xf32, #tpu.memory_space<hbm>>) dst(%dma_wait3A_144 : memref<80x128xf32, #tpu.memory_space<vmem>>)
      %dma_wait3A_151 = arith.constant 320 : i32
      %dma_wait3A_152 = arith.constant 0 : i32
      %dma_wait3A_153 = tpu.memref_slice %arg6[%rem3A_40, %dma_wait3A_151, %dma_wait3A_152] : memref<2x400x128xf32, #tpu.memory_space<vmem>> -> memref<1x80x128xf32, #tpu.memory_space<vmem>>
      %dma_wait3A_154 = tpu.memref_squeeze %dma_wait3A_153 : memref<1x80x128xf32, #tpu.memory_space<vmem>> -> memref<80x128xf32, #tpu.memory_space<vmem>>
      %dma_wait3A_155 = arith.constant 0 : i32
      %dma_wait3A_156 = tpu.memref_slice %arg5[%add3A_100, %dma_wait3A_155] : memref<125x80xi32, #tpu.memory_space<vmem>> -> memref<1x80xi32, #tpu.memory_space<vmem>>
      %dma_wait3A_157 = tpu.memref_squeeze %dma_wait3A_156 : memref<1x80xi32, #tpu.memory_space<vmem>> -> memref<80xi32, #tpu.memory_space<vmem>>
      %dma_wait3A_158 = arith.constant 0 : i32
      %dma_wait3A_159 = arith.constant 0 : i32
      %dma_wait3A_160 = tpu.memref_slice %arg2[%dma_wait3A_158, %dma_wait3A_159] : memref<10000x128xf32, #tpu.memory_space<hbm>> -> memref<10000x128xf32, #tpu.memory_space<hbm>>
      tpu.wait_indirect_dma semaphore(%arg7 : memref<!tpu.dma_semaphore, #tpu.memory_space<semaphore_mem>>) src(%dma_wait3A_160 : memref<10000x128xf32, #tpu.memory_space<hbm>>) dst(%dma_wait3A_154 : memref<80x128xf32, #tpu.memory_space<vmem>>)
      %mul3A_161 = arith.constant 400 : i32
      %mul3A_162 = arith.muli %scan3A_39, %mul3A_161 : i32
      %add3A_163 = arith.addi %mul3A_0, %mul3A_162 : i32
      %multiple_of3A = tpu.assume_multiple %add3A_163, 8 : i32
      %dma_start3A_164 = arith.constant 0 : i32
      %dma_start3A_165 = arith.constant 0 : i32
      %dma_start3A_166 = tpu.memref_slice %arg6[%rem3A_40, %dma_start3A_164, %dma_start3A_165] : memref<2x400x128xf32, #tpu.memory_space<vmem>> -> memref<1x400x128xf32, #tpu.memory_space<vmem>>
      %dma_start3A_167 = tpu.memref_squeeze %dma_start3A_166 : memref<1x400x128xf32, #tpu.memory_space<vmem>> -> memref<400x128xf32, #tpu.memory_space<vmem>>
      %dma_start3A_168 = arith.constant 0 : i32
      %dma_start3A_169 = tpu.memref_slice %arg4[%arg0, %multiple_of3A, %dma_start3A_168] : memref<2x160000x128xf32, #tpu.memory_space<hbm>> -> memref<1x400x128xf32, #tpu.memory_space<hbm>>
      %dma_start3A_170 = tpu.memref_squeeze %dma_start3A_169 : memref<1x400x128xf32, #tpu.memory_space<hbm>> -> memref<400x128xf32, #tpu.memory_space<hbm>>
      %dma_start3A_171 = arith.constant 0 : i32
      %dma_start3A_172 = tpu.memref_slice %arg4[%arg0, %multiple_of3A, %dma_start3A_171] : memref<2x160000x128xf32, #tpu.memory_space<hbm>> -> memref<1x400x128xf32, #tpu.memory_space<hbm>>
      %dma_start3A_173 = tpu.memref_squeeze %dma_start3A_172 : memref<1x400x128xf32, #tpu.memory_space<hbm>> -> memref<400x128xf32, #tpu.memory_space<hbm>>
      %dma_start3A_174 = arith.constant 0 : i32
      %dma_start3A_175 = arith.constant 0 : i32
      %dma_start3A_176 = tpu.memref_slice %arg6[%rem3A_40, %dma_start3A_174, %dma_start3A_175] : memref<2x400x128xf32, #tpu.memory_space<vmem>> -> memref<1x400x128xf32, #tpu.memory_space<vmem>>
      %dma_start3A_177 = tpu.memref_squeeze %dma_start3A_176 : memref<1x400x128xf32, #tpu.memory_space<vmem>> -> memref<400x128xf32, #tpu.memory_space<vmem>>
      tpu.enqueue_dma source(%dma_start3A_177 : memref<400x128xf32, #tpu.memory_space<vmem>>) target(%dma_start3A_173 : memref<400x128xf32, #tpu.memory_space<hbm>>) target_semaphore(%arg8 : memref<!tpu.dma_semaphore, #tpu.memory_space<semaphore_mem>>)
    }
    %scan3A_5 = arith.constant 25 : i32
    %dma_wait3A = arith.constant 0 : i32
    %dma_wait3A_6 = arith.constant 0 : i32
    %dma_wait3A_7 = arith.constant 0 : i32
    %dma_wait3A_8 = tpu.memref_slice %arg6[%dma_wait3A, %dma_wait3A_6, %dma_wait3A_7] : memref<2x400x128xf32, #tpu.memory_space<vmem>> -> memref<1x400x128xf32, #tpu.memory_space<vmem>>
    %dma_wait3A_9 = tpu.memref_squeeze %dma_wait3A_8 : memref<1x400x128xf32, #tpu.memory_space<vmem>> -> memref<400x128xf32, #tpu.memory_space<vmem>>
    %dma_wait3A_10 = arith.constant 0 : i32
    %dma_wait3A_11 = arith.constant 0 : i32
    %dma_wait3A_12 = tpu.memref_slice %arg4[%arg0, %dma_wait3A_10, %dma_wait3A_11] : memref<2x160000x128xf32, #tpu.memory_space<hbm>> -> memref<1x400x128xf32, #tpu.memory_space<hbm>>
    %dma_wait3A_13 = tpu.memref_squeeze %dma_wait3A_12 : memref<1x400x128xf32, #tpu.memory_space<hbm>> -> memref<400x128xf32, #tpu.memory_space<hbm>>
    %dma_wait3A_14 = arith.constant 0 : i32
    %dma_wait3A_15 = arith.constant 0 : i32
    %dma_wait3A_16 = tpu.memref_slice %arg4[%arg0, %dma_wait3A_14, %dma_wait3A_15] : memref<2x160000x128xf32, #tpu.memory_space<hbm>> -> memref<1x400x128xf32, #tpu.memory_space<hbm>>
    %dma_wait3A_17 = tpu.memref_squeeze %dma_wait3A_16 : memref<1x400x128xf32, #tpu.memory_space<hbm>> -> memref<400x128xf32, #tpu.memory_space<hbm>>
    %dma_wait3A_18 = arith.constant 0 : i32
    %dma_wait3A_19 = arith.constant 0 : i32
    %dma_wait3A_20 = tpu.memref_slice %arg6[%dma_wait3A, %dma_wait3A_18, %dma_wait3A_19] : memref<2x400x128xf32, #tpu.memory_space<vmem>> -> memref<1x400x128xf32, #tpu.memory_space<vmem>>
    %dma_wait3A_21 = tpu.memref_squeeze %dma_wait3A_20 : memref<1x400x128xf32, #tpu.memory_space<vmem>> -> memref<400x128xf32, #tpu.memory_space<vmem>>
    tpu.wait_dma2 semaphore(%arg8 : memref<!tpu.dma_semaphore, #tpu.memory_space<semaphore_mem>>) src(%dma_wait3A_21 : memref<400x128xf32, #tpu.memory_space<vmem>>) dst(%dma_wait3A_17 : memref<400x128xf32, #tpu.memory_space<hbm>>)
    %dma_wait3A_22 = arith.constant 1 : i32
    %dma_wait3A_23 = arith.constant 0 : i32
    %dma_wait3A_24 = arith.constant 0 : i32
    %dma_wait3A_25 = tpu.memref_slice %arg6[%dma_wait3A_22, %dma_wait3A_23, %dma_wait3A_24] : memref<2x400x128xf32, #tpu.memory_space<vmem>> -> memref<1x400x128xf32, #tpu.memory_space<vmem>>
    %dma_wait3A_26 = tpu.memref_squeeze %dma_wait3A_25 : memref<1x400x128xf32, #tpu.memory_space<vmem>> -> memref<400x128xf32, #tpu.memory_space<vmem>>
    %dma_wait3A_27 = arith.constant 0 : i32
    %dma_wait3A_28 = arith.constant 0 : i32
    %dma_wait3A_29 = tpu.memref_slice %arg4[%arg0, %dma_wait3A_27, %dma_wait3A_28] : memref<2x160000x128xf32, #tpu.memory_space<hbm>> -> memref<1x400x128xf32, #tpu.memory_space<hbm>>
    %dma_wait3A_30 = tpu.memref_squeeze %dma_wait3A_29 : memref<1x400x128xf32, #tpu.memory_space<hbm>> -> memref<400x128xf32, #tpu.memory_space<hbm>>
    %dma_wait3A_31 = arith.constant 0 : i32
    %dma_wait3A_32 = arith.constant 0 : i32
    %dma_wait3A_33 = tpu.memref_slice %arg4[%arg0, %dma_wait3A_31, %dma_wait3A_32] : memref<2x160000x128xf32, #tpu.memory_space<hbm>> -> memref<1x400x128xf32, #tpu.memory_space<hbm>>
    %dma_wait3A_34 = tpu.memref_squeeze %dma_wait3A_33 : memref<1x400x128xf32, #tpu.memory_space<hbm>> -> memref<400x128xf32, #tpu.memory_space<hbm>>
    %dma_wait3A_35 = arith.constant 0 : i32
    %dma_wait3A_36 = arith.constant 0 : i32
    %dma_wait3A_37 = tpu.memref_slice %arg6[%dma_wait3A_22, %dma_wait3A_35, %dma_wait3A_36] : memref<2x400x128xf32, #tpu.memory_space<vmem>> -> memref<1x400x128xf32, #tpu.memory_space<vmem>>
    %dma_wait3A_38 = tpu.memref_squeeze %dma_wait3A_37 : memref<1x400x128xf32, #tpu.memory_space<vmem>> -> memref<400x128xf32, #tpu.memory_space<vmem>>
    tpu.wait_dma2 semaphore(%arg8 : memref<!tpu.dma_semaphore, #tpu.memory_space<semaphore_mem>>) src(%dma_wait3A_38 : memref<400x128xf32, #tpu.memory_space<vmem>>) dst(%dma_wait3A_34 : memref<400x128xf32, #tpu.memory_space<hbm>>)
    return
  }
}

#map = affine_map<(d0, d1) -> (0, 0)>
#map1 = affine_map<(d0, d1) -> (0, 0, 0, 0)>
#map2 = affine_map<(d0, d1) -> (0, 0, 0)>
module attributes {stable_mosaic.version = 14 : i64} {
  func.func @_gather_body(%arg0: i32, %arg1: i32, %arg2: memref<10000x128xf32, #tpu.memory_space<hbm>>, %arg3: memref<2x16x125x80xi32, #tpu.memory_space<hbm>>, %arg4: memref<2x160000x128xf32, #tpu.memory_space<hbm>>, %arg5: memref<125x80xi32, #tpu.memory_space<vmem>>, %arg6: memref<2x400x128xf32, #tpu.memory_space<vmem>>, %arg7: memref<!tpu.dma_semaphore, #tpu.memory_space<semaphore_mem>>, %arg8: memref<!tpu.dma_semaphore, #tpu.memory_space<semaphore_mem>>) attributes {dimension_semantics = [#tpu.dimension_semantics<core_parallel>, #tpu.dimension_semantics<subcore_parallel>], iteration_bounds = array<i64: 2, 16>, scalar_prefetch = 0 : i64, scratch_operands = 4 : i64, tpu.core_type = #tpu.core_type<sc_vector_subcore>, window_params = [{transform_indices = #map}, {transform_indices = #map1}, {transform_indices = #map2}]} {
    "tpu.region"() ({
      %run_scoped3A = tpu.sem_alloc : memref<!tpu.dma_semaphore, #tpu.memory_space<semaphore_mem>>
      %dma_start3A = arith.constant 0 : i32
      %dma_start3A_39 = arith.constant 0 : i32
      %dma_start3A_40 = tpu.memref_slice %arg3[%arg0, %arg1, %dma_start3A, %dma_start3A_39] : memref<2x16x125x80xi32, #tpu.memory_space<hbm>> -> memref<1x1x125x80xi32, #tpu.memory_space<hbm>>
      %dma_start3A_41 = tpu.memref_squeeze %dma_start3A_40 : memref<1x1x125x80xi32, #tpu.memory_space<hbm>> -> memref<125x80xi32, #tpu.memory_space<hbm>>
      %dma_start3A_42 = arith.constant 0 : i32
      %dma_start3A_43 = arith.constant 0 : i32
      %dma_start3A_44 = tpu.memref_slice %arg3[%arg0, %arg1, %dma_start3A_42, %dma_start3A_43] : memref<2x16x125x80xi32, #tpu.memory_space<hbm>> -> memref<1x1x125x80xi32, #tpu.memory_space<hbm>>
      %dma_start3A_45 = tpu.memref_squeeze %dma_start3A_44 : memref<1x1x125x80xi32, #tpu.memory_space<hbm>> -> memref<125x80xi32, #tpu.memory_space<hbm>>
      tpu.enqueue_dma source(%dma_start3A_45 : memref<125x80xi32, #tpu.memory_space<hbm>>) target(%arg5 : memref<125x80xi32, #tpu.memory_space<vmem>>) target_semaphore(%run_scoped3A : memref<!tpu.dma_semaphore, #tpu.memory_space<semaphore_mem>>)
      %dma_wait3A_46 = arith.constant 0 : i32
      %dma_wait3A_47 = arith.constant 0 : i32
      %dma_wait3A_48 = tpu.memref_slice %arg3[%arg0, %arg1, %dma_wait3A_46, %dma_wait3A_47] : memref<2x16x125x80xi32, #tpu.memory_space<hbm>> -> memref<1x1x125x80xi32, #tpu.memory_space<hbm>>
      %dma_wait3A_49 = tpu.memref_squeeze %dma_wait3A_48 : memref<1x1x125x80xi32, #tpu.memory_space<hbm>> -> memref<125x80xi32, #tpu.memory_space<hbm>>
      %dma_wait3A_50 = arith.constant 0 : i32
      %dma_wait3A_51 = arith.constant 0 : i32
      %dma_wait3A_52 = tpu.memref_slice %arg3[%arg0, %arg1, %dma_wait3A_50, %dma_wait3A_51] : memref<2x16x125x80xi32, #tpu.memory_space<hbm>> -> memref<1x1x125x80xi32, #tpu.memory_space<hbm>>
      %dma_wait3A_53 = tpu.memref_squeeze %dma_wait3A_52 : memref<1x1x125x80xi32, #tpu.memory_space<hbm>> -> memref<125x80xi32, #tpu.memory_space<hbm>>
      tpu.wait_dma2 semaphore(%run_scoped3A : memref<!tpu.dma_semaphore, #tpu.memory_space<semaphore_mem>>) src(%dma_wait3A_53 : memref<125x80xi32, #tpu.memory_space<hbm>>) dst(%arg5 : memref<125x80xi32, #tpu.memory_space<vmem>>)
      tpu.yield
    }) : () -> ()
    %mul3A = arith.constant 10000 : i32
    %mul3A_0 = arith.muli %arg1, %mul3A : i32
    %scan3A = arith.constant 0 : i32
    %scan3A_1 = arith.constant 0 : i32
    %scan3A_2 = arith.constant 25 : i32
    %scan3A_3 = arith.addi %scan3A_1, %scan3A_2 : i32
    %scan3A_4 = arith.constant 1 : i32
    scf.for %scan3A_39 = %scan3A_1 to %scan3A_3 step %scan3A_4  : i32 {
      %rem3A = arith.constant 2 : i32
      %rem3A_40 = arith.remsi %scan3A_39, %rem3A : i32
      %ge3A = arith.constant 2 : i32
      %ge3A_41 = arith.cmpi sge, %scan3A_39, %ge3A : i32
      %convert_element_type3A = arith.extui %ge3A_41 : i1 to i32
      %cond3A = arith.constant 0 : i32
      %cond3A_42 = arith.cmpi ne, %convert_element_type3A, %cond3A : i32
      scf.if %cond3A_42 {
        %dma_wait3A_178 = arith.constant 0 : i32
        %dma_wait3A_179 = arith.constant 0 : i32
        %dma_wait3A_180 = tpu.memref_slice %arg6[%rem3A_40, %dma_wait3A_178, %dma_wait3A_179] : memref<2x400x128xf32, #tpu.memory_space<vmem>> -> memref<1x400x128xf32, #tpu.memory_space<vmem>>
        %dma_wait3A_181 = tpu.memref_squeeze %dma_wait3A_180 : memref<1x400x128xf32, #tpu.memory_space<vmem>> -> memref<400x128xf32, #tpu.memory_space<vmem>>
        %dma_wait3A_182 = arith.constant 0 : i32
        %dma_wait3A_183 = arith.constant 0 : i32
        %dma_wait3A_184 = tpu.memref_slice %arg4[%arg0, %dma_wait3A_182, %dma_wait3A_183] : memref<2x160000x128xf32, #tpu.memory_space<hbm>> -> memref<1x400x128xf32, #tpu.memory_space<hbm>>
        %dma_wait3A_185 = tpu.memref_squeeze %dma_wait3A_184 : memref<1x400x128xf32, #tpu.memory_space<hbm>> -> memref<400x128xf32, #tpu.memory_space<hbm>>
        %dma_wait3A_186 = arith.constant 0 : i32
        %dma_wait3A_187 = arith.constant 0 : i32
        %dma_wait3A_188 = tpu.memref_slice %arg4[%arg0, %dma_wait3A_186, %dma_wait3A_187] : memref<2x160000x128xf32, #tpu.memory_space<hbm>> -> memref<1x400x128xf32, #tpu.memory_space<hbm>>
        %dma_wait3A_189 = tpu.memref_squeeze %dma_wait3A_188 : memref<1x400x128xf32, #tpu.memory_space<hbm>> -> memref<400x128xf32, #tpu.memory_space<hbm>>
        %dma_wait3A_190 = arith.constant 0 : i32
        %dma_wait3A_191 = arith.constant 0 : i32
        %dma_wait3A_192 = tpu.memref_slice %arg6[%rem3A_40, %dma_wait3A_190, %dma_wait3A_191] : memref<2x400x128xf32, #tpu.memory_space<vmem>> -> memref<1x400x128xf32, #tpu.memory_space<vmem>>
        %dma_wait3A_193 = tpu.memref_squeeze %dma_wait3A_192 : memref<1x400x128xf32, #tpu.memory_space<vmem>> -> memref<400x128xf32, #tpu.memory_space<vmem>>
        tpu.wait_dma2 semaphore(%arg8 : memref<!tpu.dma_semaphore, #tpu.memory_space<semaphore_mem>>) src(%dma_wait3A_193 : memref<400x128xf32, #tpu.memory_space<vmem>>) dst(%dma_wait3A_189 : memref<400x128xf32, #tpu.memory_space<hbm>>)
      } else {
      }
      %mul3A_43 = arith.constant 5 : i32
      %mul3A_44 = arith.muli %scan3A_39, %mul3A_43 : i32
      %add3A = arith.constant 0 : i32
      %add3A_45 = arith.addi %mul3A_44, %add3A : i32
      %dma_start3A = arith.constant 0 : i32
      %dma_start3A_46 = arith.constant 0 : i32
      %dma_start3A_47 = tpu.memref_slice %arg6[%rem3A_40, %dma_start3A, %dma_start3A_46] : memref<2x400x128xf32, #tpu.memory_space<vmem>> -> memref<1x80x128xf32, #tpu.memory_space<vmem>>
      %dma_start3A_48 = tpu.memref_squeeze %dma_start3A_47 : memref<1x80x128xf32, #tpu.memory_space<vmem>> -> memref<80x128xf32, #tpu.memory_space<vmem>>
      %dma_start3A_49 = arith.constant 0 : i32
      %dma_start3A_50 = tpu.memref_slice %arg5[%add3A_45, %dma_start3A_49] : memref<125x80xi32, #tpu.memory_space<vmem>> -> memref<1x80xi32, #tpu.memory_space<vmem>>
      %dma_start3A_51 = tpu.memref_squeeze %dma_start3A_50 : memref<1x80xi32, #tpu.memory_space<vmem>> -> memref<80xi32, #tpu.memory_space<vmem>>
      %dma_start3A_52 = arith.constant 0 : i32
      %dma_start3A_53 = arith.constant 0 : i32
      %dma_start3A_54 = tpu.memref_slice %arg2[%dma_start3A_52, %dma_start3A_53] : memref<10000x128xf32, #tpu.memory_space<hbm>> -> memref<10000x128xf32, #tpu.memory_space<hbm>>
      tpu.enqueue_indirect_dma source(%dma_start3A_54 : memref<10000x128xf32, #tpu.memory_space<hbm>>) target(%dma_start3A_48 : memref<80x128xf32, #tpu.memory_space<vmem>>) offsets(%dma_start3A_51 : memref<80xi32, #tpu.memory_space<vmem>>) semaphore(%arg7 : memref<!tpu.dma_semaphore, #tpu.memory_space<semaphore_mem>>)
      %mul3A_55 = arith.constant 5 : i32
      %mul3A_56 = arith.muli %scan3A_39, %mul3A_55 : i32
      %add3A_57 = arith.constant 1 : i32
      %add3A_58 = arith.addi %mul3A_56, %add3A_57 : i32
      %dma_start3A_59 = arith.constant 80 : i32
      %dma_start3A_60 = arith.constant 0 : i32
      %dma_start3A_61 = tpu.memref_slice %arg6[%rem3A_40, %dma_start3A_59, %dma_start3A_60] : memref<2x400x128xf32, #tpu.memory_space<vmem>> -> memref<1x80x128xf32, #tpu.memory_space<vmem>>
      %dma_start3A_62 = tpu.memref_squeeze %dma_start3A_61 : memref<1x80x128xf32, #tpu.memory_space<vmem>> -> memref<80x128xf32, #tpu.memory_space<vmem>>
      %dma_start3A_63 = arith.constant 0 : i32
      %dma_start3A_64 = tpu.memref_slice %arg5[%add3A_58, %dma_start3A_63] : memref<125x80xi32, #tpu.memory_space<vmem>> -> memref<1x80xi32, #tpu.memory_space<vmem>>
      %dma_start3A_65 = tpu.memref_squeeze %dma_start3A_64 : memref<1x80xi32, #tpu.memory_space<vmem>> -> memref<80xi32, #tpu.memory_space<vmem>>
      %dma_start3A_66 = arith.constant 0 : i32
      %dma_start3A_67 = arith.constant 0 : i32
      %dma_start3A_68 = tpu.memref_slice %arg2[%dma_start3A_66, %dma_start3A_67] : memref<10000x128xf32, #tpu.memory_space<hbm>> -> memref<10000x128xf32, #tpu.memory_space<hbm>>
      tpu.enqueue_indirect_dma source(%dma_start3A_68 : memref<10000x128xf32, #tpu.memory_space<hbm>>) target(%dma_start3A_62 : memref<80x128xf32, #tpu.memory_space<vmem>>) offsets(%dma_start3A_65 : memref<80xi32, #tpu.memory_space<vmem>>) semaphore(%arg7 : memref<!tpu.dma_semaphore, #tpu.memory_space<semaphore_mem>>)
      %mul3A_69 = arith.constant 5 : i32
      %mul3A_70 = arith.muli %scan3A_39, %mul3A_69 : i32
      %add3A_71 = arith.constant 2 : i32
      %add3A_72 = arith.addi %mul3A_70, %add3A_71 : i32
      %dma_start3A_73 = arith.constant 160 : i32
      %dma_start3A_74 = arith.constant 0 : i32
      %dma_start3A_75 = tpu.memref_slice %arg6[%rem3A_40, %dma_start3A_73, %dma_start3A_74] : memref<2x400x128xf32, #tpu.memory_space<vmem>> -> memref<1x80x128xf32, #tpu.memory_space<vmem>>
      %dma_start3A_76 = tpu.memref_squeeze %dma_start3A_75 : memref<1x80x128xf32, #tpu.memory_space<vmem>> -> memref<80x128xf32, #tpu.memory_space<vmem>>
      %dma_start3A_77 = arith.constant 0 : i32
      %dma_start3A_78 = tpu.memref_slice %arg5[%add3A_72, %dma_start3A_77] : memref<125x80xi32, #tpu.memory_space<vmem>> -> memref<1x80xi32, #tpu.memory_space<vmem>>
      %dma_start3A_79 = tpu.memref_squeeze %dma_start3A_78 : memref<1x80xi32, #tpu.memory_space<vmem>> -> memref<80xi32, #tpu.memory_space<vmem>>
      %dma_start3A_80 = arith.constant 0 : i32
      %dma_start3A_81 = arith.constant 0 : i32
      %dma_start3A_82 = tpu.memref_slice %arg2[%dma_start3A_80, %dma_start3A_81] : memref<10000x128xf32, #tpu.memory_space<hbm>> -> memref<10000x128xf32, #tpu.memory_space<hbm>>
      tpu.enqueue_indirect_dma source(%dma_start3A_82 : memref<10000x128xf32, #tpu.memory_space<hbm>>) target(%dma_start3A_76 : memref<80x128xf32, #tpu.memory_space<vmem>>) offsets(%dma_start3A_79 : memref<80xi32, #tpu.memory_space<vmem>>) semaphore(%arg7 : memref<!tpu.dma_semaphore, #tpu.memory_space<semaphore_mem>>)
      %mul3A_83 = arith.constant 5 : i32
      %mul3A_84 = arith.muli %scan3A_39, %mul3A_83 : i32
      %add3A_85 = arith.constant 3 : i32
      %add3A_86 = arith.addi %mul3A_84, %add3A_85 : i32
      %dma_start3A_87 = arith.constant 240 : i32
      %dma_start3A_88 = arith.constant 0 : i32
      %dma_start3A_89 = tpu.memref_slice %arg6[%rem3A_40, %dma_start3A_87, %dma_start3A_88] : memref<2x400x128xf32, #tpu.memory_space<vmem>> -> memref<1x80x128xf32, #tpu.memory_space<vmem>>
      %dma_start3A_90 = tpu.memref_squeeze %dma_start3A_89 : memref<1x80x128xf32, #tpu.memory_space<vmem>> -> memref<80x128xf32, #tpu.memory_space<vmem>>
      %dma_start3A_91 = arith.constant 0 : i32
      %dma_start3A_92 = tpu.memref_slice %arg5[%add3A_86, %dma_start3A_91] : memref<125x80xi32, #tpu.memory_space<vmem>> -> memref<1x80xi32, #tpu.memory_space<vmem>>
      %dma_start3A_93 = tpu.memref_squeeze %dma_start3A_92 : memref<1x80xi32, #tpu.memory_space<vmem>> -> memref<80xi32, #tpu.memory_space<vmem>>
      %dma_start3A_94 = arith.constant 0 : i32
      %dma_start3A_95 = arith.constant 0 : i32
      %dma_start3A_96 = tpu.memref_slice %arg2[%dma_start3A_94, %dma_start3A_95] : memref<10000x128xf32, #tpu.memory_space<hbm>> -> memref<10000x128xf32, #tpu.memory_space<hbm>>
      tpu.enqueue_indirect_dma source(%dma_start3A_96 : memref<10000x128xf32, #tpu.memory_space<hbm>>) target(%dma_start3A_90 : memref<80x128xf32, #tpu.memory_space<vmem>>) offsets(%dma_start3A_93 : memref<80xi32, #tpu.memory_space<vmem>>) semaphore(%arg7 : memref<!tpu.dma_semaphore, #tpu.memory_space<semaphore_mem>>)
      %mul3A_97 = arith.constant 5 : i32
      %mul3A_98 = arith.muli %scan3A_39, %mul3A_97 : i32
      %add3A_99 = arith.constant 4 : i32
      %add3A_100 = arith.addi %mul3A_98, %add3A_99 : i32
      %dma_start3A_101 = arith.constant 320 : i32
      %dma_start3A_102 = arith.constant 0 : i32
      %dma_start3A_103 = tpu.memref_slice %arg6[%rem3A_40, %dma_start3A_101, %dma_start3A_102] : memref<2x400x128xf32, #tpu.memory_space<vmem>> -> memref<1x80x128xf32, #tpu.memory_space<vmem>>
      %dma_start3A_104 = tpu.memref_squeeze %dma_start3A_103 : memref<1x80x128xf32, #tpu.memory_space<vmem>> -> memref<80x128xf32, #tpu.memory_space<vmem>>
      %dma_start3A_105 = arith.constant 0 : i32
      %dma_start3A_106 = tpu.memref_slice %arg5[%add3A_100, %dma_start3A_105] : memref<125x80xi32, #tpu.memory_space<vmem>> -> memref<1x80xi32, #tpu.memory_space<vmem>>
      %dma_start3A_107 = tpu.memref_squeeze %dma_start3A_106 : memref<1x80xi32, #tpu.memory_space<vmem>> -> memref<80xi32, #tpu.memory_space<vmem>>
      %dma_start3A_108 = arith.constant 0 : i32
      %dma_start3A_109 = arith.constant 0 : i32
      %dma_start3A_110 = tpu.memref_slice %arg2[%dma_start3A_108, %dma_start3A_109] : memref<10000x128xf32, #tpu.memory_space<hbm>> -> memref<10000x128xf32, #tpu.memory_space<hbm>>
      tpu.enqueue_indirect_dma source(%dma_start3A_110 : memref<10000x128xf32, #tpu.memory_space<hbm>>) target(%dma_start3A_104 : memref<80x128xf32, #tpu.memory_space<vmem>>) offsets(%dma_start3A_107 : memref<80xi32, #tpu.memory_space<vmem>>) semaphore(%arg7 : memref<!tpu.dma_semaphore, #tpu.memory_space<semaphore_mem>>)
      %dma_wait3A_111 = arith.constant 0 : i32
      %dma_wait3A_112 = arith.constant 0 : i32
      %dma_wait3A_113 = tpu.memref_slice %arg6[%rem3A_40, %dma_wait3A_111, %dma_wait3A_112] : memref<2x400x128xf32, #tpu.memory_space<vmem>> -> memref<1x80x128xf32, #tpu.memory_space<vmem>>
      %dma_wait3A_114 = tpu.memref_squeeze %dma_wait3A_113 : memref<1x80x128xf32, #tpu.memory_space<vmem>> -> memref<80x128xf32, #tpu.memory_space<vmem>>
      %dma_wait3A_115 = arith.constant 0 : i32
      %dma_wait3A_116 = tpu.memref_slice %arg5[%add3A_45, %dma_wait3A_115] : memref<125x80xi32, #tpu.memory_space<vmem>> -> memref<1x80xi32, #tpu.memory_space<vmem>>
      %dma_wait3A_117 = tpu.memref_squeeze %dma_wait3A_116 : memref<1x80xi32, #tpu.memory_space<vmem>> -> memref<80xi32, #tpu.memory_space<vmem>>
      %dma_wait3A_118 = arith.constant 0 : i32
      %dma_wait3A_119 = arith.constant 0 : i32
      %dma_wait3A_120 = tpu.memref_slice %arg2[%dma_wait3A_118, %dma_wait3A_119] : memref<10000x128xf32, #tpu.memory_space<hbm>> -> memref<10000x128xf32, #tpu.memory_space<hbm>>
      tpu.wait_indirect_dma semaphore(%arg7 : memref<!tpu.dma_semaphore, #tpu.memory_space<semaphore_mem>>) src(%dma_wait3A_120 : memref<10000x128xf32, #tpu.memory_space<hbm>>) dst(%dma_wait3A_114 : memref<80x128xf32, #tpu.memory_space<vmem>>)
      %dma_wait3A_121 = arith.constant 80 : i32
      %dma_wait3A_122 = arith.constant 0 : i32
      %dma_wait3A_123 = tpu.memref_slice %arg6[%rem3A_40, %dma_wait3A_121, %dma_wait3A_122] : memref<2x400x128xf32, #tpu.memory_space<vmem>> -> memref<1x80x128xf32, #tpu.memory_space<vmem>>
      %dma_wait3A_124 = tpu.memref_squeeze %dma_wait3A_123 : memref<1x80x128xf32, #tpu.memory_space<vmem>> -> memref<80x128xf32, #tpu.memory_space<vmem>>
      %dma_wait3A_125 = arith.constant 0 : i32
      %dma_wait3A_126 = tpu.memref_slice %arg5[%add3A_58, %dma_wait3A_125] : memref<125x80xi32, #tpu.memory_space<vmem>> -> memref<1x80xi32, #tpu.memory_space<vmem>>
      %dma_wait3A_127 = tpu.memref_squeeze %dma_wait3A_126 : memref<1x80xi32, #tpu.memory_space<vmem>> -> memref<80xi32, #tpu.memory_space<vmem>>
      %dma_wait3A_128 = arith.constant 0 : i32
      %dma_wait3A_129 = arith.constant 0 : i32
      %dma_wait3A_130 = tpu.memref_slice %arg2[%dma_wait3A_128, %dma_wait3A_129] : memref<10000x128xf32, #tpu.memory_space<hbm>> -> memref<10000x128xf32, #tpu.memory_space<hbm>>
      tpu.wait_indirect_dma semaphore(%arg7 : memref<!tpu.dma_semaphore, #tpu.memory_space<semaphore_mem>>) src(%dma_wait3A_130 : memref<10000x128xf32, #tpu.memory_space<hbm>>) dst(%dma_wait3A_124 : memref<80x128xf32, #tpu.memory_space<vmem>>)
      %dma_wait3A_131 = arith.constant 160 : i32
      %dma_wait3A_132 = arith.constant 0 : i32
      %dma_wait3A_133 = tpu.memref_slice %arg6[%rem3A_40, %dma_wait3A_131, %dma_wait3A_132] : memref<2x400x128xf32, #tpu.memory_space<vmem>> -> memref<1x80x128xf32, #tpu.memory_space<vmem>>
      %dma_wait3A_134 = tpu.memref_squeeze %dma_wait3A_133 : memref<1x80x128xf32, #tpu.memory_space<vmem>> -> memref<80x128xf32, #tpu.memory_space<vmem>>
      %dma_wait3A_135 = arith.constant 0 : i32
      %dma_wait3A_136 = tpu.memref_slice %arg5[%add3A_72, %dma_wait3A_135] : memref<125x80xi32, #tpu.memory_space<vmem>> -> memref<1x80xi32, #tpu.memory_space<vmem>>
      %dma_wait3A_137 = tpu.memref_squeeze %dma_wait3A_136 : memref<1x80xi32, #tpu.memory_space<vmem>> -> memref<80xi32, #tpu.memory_space<vmem>>
      %dma_wait3A_138 = arith.constant 0 : i32
      %dma_wait3A_139 = arith.constant 0 : i32
      %dma_wait3A_140 = tpu.memref_slice %arg2[%dma_wait3A_138, %dma_wait3A_139] : memref<10000x128xf32, #tpu.memory_space<hbm>> -> memref<10000x128xf32, #tpu.memory_space<hbm>>
      tpu.wait_indirect_dma semaphore(%arg7 : memref<!tpu.dma_semaphore, #tpu.memory_space<semaphore_mem>>) src(%dma_wait3A_140 : memref<10000x128xf32, #tpu.memory_space<hbm>>) dst(%dma_wait3A_134 : memref<80x128xf32, #tpu.memory_space<vmem>>)
      %dma_wait3A_141 = arith.constant 240 : i32
      %dma_wait3A_142 = arith.constant 0 : i32
      %dma_wait3A_143 = tpu.memref_slice %arg6[%rem3A_40, %dma_wait3A_141, %dma_wait3A_142] : memref<2x400x128xf32, #tpu.memory_space<vmem>> -> memref<1x80x128xf32, #tpu.memory_space<vmem>>
      %dma_wait3A_144 = tpu.memref_squeeze %dma_wait3A_143 : memref<1x80x128xf32, #tpu.memory_space<vmem>> -> memref<80x128xf32, #tpu.memory_space<vmem>>
      %dma_wait3A_145 = arith.constant 0 : i32
      %dma_wait3A_146 = tpu.memref_slice %arg5[%add3A_86, %dma_wait3A_145] : memref<125x80xi32, #tpu.memory_space<vmem>> -> memref<1x80xi32, #tpu.memory_space<vmem>>
      %dma_wait3A_147 = tpu.memref_squeeze %dma_wait3A_146 : memref<1x80xi32, #tpu.memory_space<vmem>> -> memref<80xi32, #tpu.memory_space<vmem>>
      %dma_wait3A_148 = arith.constant 0 : i32
      %dma_wait3A_149 = arith.constant 0 : i32
      %dma_wait3A_150 = tpu.memref_slice %arg2[%dma_wait3A_148, %dma_wait3A_149] : memref<10000x128xf32, #tpu.memory_space<hbm>> -> memref<10000x128xf32, #tpu.memory_space<hbm>>
      tpu.wait_indirect_dma semaphore(%arg7 : memref<!tpu.dma_semaphore, #tpu.memory_space<semaphore_mem>>) src(%dma_wait3A_150 : memref<10000x128xf32, #tpu.memory_space<hbm>>) dst(%dma_wait3A_144 : memref<80x128xf32, #tpu.memory_space<vmem>>)
      %dma_wait3A_151 = arith.constant 320 : i32
      %dma_wait3A_152 = arith.constant 0 : i32
      %dma_wait3A_153 = tpu.memref_slice %arg6[%rem3A_40, %dma_wait3A_151, %dma_wait3A_152] : memref<2x400x128xf32, #tpu.memory_space<vmem>> -> memref<1x80x128xf32, #tpu.memory_space<vmem>>
      %dma_wait3A_154 = tpu.memref_squeeze %dma_wait3A_153 : memref<1x80x128xf32, #tpu.memory_space<vmem>> -> memref<80x128xf32, #tpu.memory_space<vmem>>
      %dma_wait3A_155 = arith.constant 0 : i32
      %dma_wait3A_156 = tpu.memref_slice %arg5[%add3A_100, %dma_wait3A_155] : memref<125x80xi32, #tpu.memory_space<vmem>> -> memref<1x80xi32, #tpu.memory_space<vmem>>
      %dma_wait3A_157 = tpu.memref_squeeze %dma_wait3A_156 : memref<1x80xi32, #tpu.memory_space<vmem>> -> memref<80xi32, #tpu.memory_space<vmem>>
      %dma_wait3A_158 = arith.constant 0 : i32
      %dma_wait3A_159 = arith.constant 0 : i32
      %dma_wait3A_160 = tpu.memref_slice %arg2[%dma_wait3A_158, %dma_wait3A_159] : memref<10000x128xf32, #tpu.memory_space<hbm>> -> memref<10000x128xf32, #tpu.memory_space<hbm>>
      tpu.wait_indirect_dma semaphore(%arg7 : memref<!tpu.dma_semaphore, #tpu.memory_space<semaphore_mem>>) src(%dma_wait3A_160 : memref<10000x128xf32, #tpu.memory_space<hbm>>) dst(%dma_wait3A_154 : memref<80x128xf32, #tpu.memory_space<vmem>>)
      %mul3A_161 = arith.constant 400 : i32
      %mul3A_162 = arith.muli %scan3A_39, %mul3A_161 : i32
      %add3A_163 = arith.addi %mul3A_0, %mul3A_162 : i32
      %multiple_of3A = tpu.assume_multiple %add3A_163, 8 : i32
      %dma_start3A_164 = arith.constant 0 : i32
      %dma_start3A_165 = arith.constant 0 : i32
      %dma_start3A_166 = tpu.memref_slice %arg6[%rem3A_40, %dma_start3A_164, %dma_start3A_165] : memref<2x400x128xf32, #tpu.memory_space<vmem>> -> memref<1x400x128xf32, #tpu.memory_space<vmem>>
      %dma_start3A_167 = tpu.memref_squeeze %dma_start3A_166 : memref<1x400x128xf32, #tpu.memory_space<vmem>> -> memref<400x128xf32, #tpu.memory_space<vmem>>
      %dma_start3A_168 = arith.constant 0 : i32
      %dma_start3A_169 = tpu.memref_slice %arg4[%arg0, %multiple_of3A, %dma_start3A_168] : memref<2x160000x128xf32, #tpu.memory_space<hbm>> -> memref<1x400x128xf32, #tpu.memory_space<hbm>>
      %dma_start3A_170 = tpu.memref_squeeze %dma_start3A_169 : memref<1x400x128xf32, #tpu.memory_space<hbm>> -> memref<400x128xf32, #tpu.memory_space<hbm>>
      %dma_start3A_171 = arith.constant 0 : i32
      %dma_start3A_172 = tpu.memref_slice %arg4[%arg0, %multiple_of3A, %dma_start3A_171] : memref<2x160000x128xf32, #tpu.memory_space<hbm>> -> memref<1x400x128xf32, #tpu.memory_space<hbm>>
      %dma_start3A_173 = tpu.memref_squeeze %dma_start3A_172 : memref<1x400x128xf32, #tpu.memory_space<hbm>> -> memref<400x128xf32, #tpu.memory_space<hbm>>
      %dma_start3A_174 = arith.constant 0 : i32
      %dma_start3A_175 = arith.constant 0 : i32
      %dma_start3A_176 = tpu.memref_slice %arg6[%rem3A_40, %dma_start3A_174, %dma_start3A_175] : memref<2x400x128xf32, #tpu.memory_space<vmem>> -> memref<1x400x128xf32, #tpu.memory_space<vmem>>
      %dma_start3A_177 = tpu.memref_squeeze %dma_start3A_176 : memref<1x400x128xf32, #tpu.memory_space<vmem>> -> memref<400x128xf32, #tpu.memory_space<vmem>>
      tpu.enqueue_dma source(%dma_start3A_177 : memref<400x128xf32, #tpu.memory_space<vmem>>) target(%dma_start3A_173 : memref<400x128xf32, #tpu.memory_space<hbm>>) target_semaphore(%arg8 : memref<!tpu.dma_semaphore, #tpu.memory_space<semaphore_mem>>)
    }
    %scan3A_5 = arith.constant 25 : i32
    %dma_wait3A = arith.constant 0 : i32
    %dma_wait3A_6 = arith.constant 0 : i32
    %dma_wait3A_7 = arith.constant 0 : i32
    %dma_wait3A_8 = tpu.memref_slice %arg6[%dma_wait3A, %dma_wait3A_6, %dma_wait3A_7] : memref<2x400x128xf32, #tpu.memory_space<vmem>> -> memref<1x400x128xf32, #tpu.memory_space<vmem>>
    %dma_wait3A_9 = tpu.memref_squeeze %dma_wait3A_8 : memref<1x400x128xf32, #tpu.memory_space<vmem>> -> memref<400x128xf32, #tpu.memory_space<vmem>>
    %dma_wait3A_10 = arith.constant 0 : i32
    %dma_wait3A_11 = arith.constant 0 : i32
    %dma_wait3A_12 = tpu.memref_slice %arg4[%arg0, %dma_wait3A_10, %dma_wait3A_11] : memref<2x160000x128xf32, #tpu.memory_space<hbm>> -> memref<1x400x128xf32, #tpu.memory_space<hbm>>
    %dma_wait3A_13 = tpu.memref_squeeze %dma_wait3A_12 : memref<1x400x128xf32, #tpu.memory_space<hbm>> -> memref<400x128xf32, #tpu.memory_space<hbm>>
    %dma_wait3A_14 = arith.constant 0 : i32
    %dma_wait3A_15 = arith.constant 0 : i32
    %dma_wait3A_16 = tpu.memref_slice %arg4[%arg0, %dma_wait3A_14, %dma_wait3A_15] : memref<2x160000x128xf32, #tpu.memory_space<hbm>> -> memref<1x400x128xf32, #tpu.memory_space<hbm>>
    %dma_wait3A_17 = tpu.memref_squeeze %dma_wait3A_16 : memref<1x400x128xf32, #tpu.memory_space<hbm>> -> memref<400x128xf32, #tpu.memory_space<hbm>>
    %dma_wait3A_18 = arith.constant 0 : i32
    %dma_wait3A_19 = arith.constant 0 : i32
    %dma_wait3A_20 = tpu.memref_slice %arg6[%dma_wait3A, %dma_wait3A_18, %dma_wait3A_19] : memref<2x400x128xf32, #tpu.memory_space<vmem>> -> memref<1x400x128xf32, #tpu.memory_space<vmem>>
    %dma_wait3A_21 = tpu.memref_squeeze %dma_wait3A_20 : memref<1x400x128xf32, #tpu.memory_space<vmem>> -> memref<400x128xf32, #tpu.memory_space<vmem>>
    tpu.wait_dma2 semaphore(%arg8 : memref<!tpu.dma_semaphore, #tpu.memory_space<semaphore_mem>>) src(%dma_wait3A_21 : memref<400x128xf32, #tpu.memory_space<vmem>>) dst(%dma_wait3A_17 : memref<400x128xf32, #tpu.memory_space<hbm>>)
    %dma_wait3A_22 = arith.constant 1 : i32
    %dma_wait3A_23 = arith.constant 0 : i32
    %dma_wait3A_24 = arith.constant 0 : i32
    %dma_wait3A_25 = tpu.memref_slice %arg6[%dma_wait3A_22, %dma_wait3A_23, %dma_wait3A_24] : memref<2x400x128xf32, #tpu.memory_space<vmem>> -> memref<1x400x128xf32, #tpu.memory_space<vmem>>
    %dma_wait3A_26 = tpu.memref_squeeze %dma_wait3A_25 : memref<1x400x128xf32, #tpu.memory_space<vmem>> -> memref<400x128xf32, #tpu.memory_space<vmem>>
    %dma_wait3A_27 = arith.constant 0 : i32
    %dma_wait3A_28 = arith.constant 0 : i32
    %dma_wait3A_29 = tpu.memref_slice %arg4[%arg0, %dma_wait3A_27, %dma_wait3A_28] : memref<2x160000x128xf32, #tpu.memory_space<hbm>> -> memref<1x400x128xf32, #tpu.memory_space<hbm>>
    %dma_wait3A_30 = tpu.memref_squeeze %dma_wait3A_29 : memref<1x400x128xf32, #tpu.memory_space<hbm>> -> memref<400x128xf32, #tpu.memory_space<hbm>>
    %dma_wait3A_31 = arith.constant 0 : i32
    %dma_wait3A_32 = arith.constant 0 : i32
    %dma_wait3A_33 = tpu.memref_slice %arg4[%arg0, %dma_wait3A_31, %dma_wait3A_32] : memref<2x160000x128xf32, #tpu.memory_space<hbm>> -> memref<1x400x128xf32, #tpu.memory_space<hbm>>
    %dma_wait3A_34 = tpu.memref_squeeze %dma_wait3A_33 : memref<1x400x128xf32, #tpu.memory_space<hbm>> -> memref<400x128xf32, #tpu.memory_space<hbm>>
    %dma_wait3A_35 = arith.constant 0 : i32
    %dma_wait3A_36 = arith.constant 0 : i32
    %dma_wait3A_37 = tpu.memref_slice %arg6[%dma_wait3A_22, %dma_wait3A_35, %dma_wait3A_36] : memref<2x400x128xf32, #tpu.memory_space<vmem>> -> memref<1x400x128xf32, #tpu.memory_space<vmem>>
    %dma_wait3A_38 = tpu.memref_squeeze %dma_wait3A_37 : memref<1x400x128xf32, #tpu.memory_space<vmem>> -> memref<400x128xf32, #tpu.memory_space<vmem>>
    tpu.wait_dma2 semaphore(%arg8 : memref<!tpu.dma_semaphore, #tpu.memory_space<semaphore_mem>>) src(%dma_wait3A_38 : memref<400x128xf32, #tpu.memory_space<vmem>>) dst(%dma_wait3A_34 : memref<400x128xf32, #tpu.memory_space<hbm>>)
    return
  }
}

#map = affine_map<(d0, d1) -> (0, 0)>
#map1 = affine_map<(d0, d1) -> (0, 0, 0, 0)>
#map2 = affine_map<(d0, d1) -> (0, 0, 0)>
module attributes {stable_mosaic.version = 14 : i64} {
  func.func @_scatter_body(%arg0: i32, %arg1: i32, %arg2: memref<160000x128xf32, #tpu.memory_space<hbm>>, %arg3: memref<2x16x125x40xi32, #tpu.memory_space<hbm>>, %arg4: memref<2x10000x128xf32, #tpu.memory_space<hbm>>, %arg5: memref<2x10000x128xf32, #tpu.memory_space<hbm>>, %arg6: memref<125x40xi32, #tpu.memory_space<vmem>>, %arg7: memref<2x40x128xf32, #tpu.memory_space<vmem>>, %arg8: memref<!tpu.dma_semaphore, #tpu.memory_space<semaphore_mem>>, %arg9: memref<10000x128xf32, #tpu.memory_space<vmem_shared>>) attributes {dimension_semantics = [#tpu.dimension_semantics<core_parallel>, #tpu.dimension_semantics<subcore_parallel>], iteration_bounds = array<i64: 2, 16>, scalar_prefetch = 0 : i64, scratch_operands = 4 : i64, tpu.core_type = #tpu.core_type<sc_vector_subcore>, window_params = [{transform_indices = #map}, {transform_indices = #map1}, {transform_indices = #map2}, {transform_indices = #map2}]} {
    %mul3A = arith.constant 640 : i32
    %mul3A_0 = arith.muli %arg1, %mul3A : i32
    %multiple_of3A = tpu.assume_multiple %mul3A_0, 8 : i32
    %lt3A = arith.constant 15 : i32
    %lt3A_1 = arith.cmpi slt, %arg1, %lt3A : i32
    %convert_element_type3A = arith.extui %lt3A_1 : i1 to i32
    %cond3A = arith.constant 0 : i32
    %cond3A_2 = arith.cmpi ne, %convert_element_type3A, %cond3A : i32
    scf.if %cond3A_2 {
      "tpu.region"() ({
        %run_scoped3A = tpu.sem_alloc : memref<!tpu.dma_semaphore, #tpu.memory_space<semaphore_mem>>
        %dma_start3A_39 = arith.constant 0 : i32
        %dma_start3A_40 = tpu.memref_slice %arg9[%multiple_of3A, %dma_start3A_39] : memref<10000x128xf32, #tpu.memory_space<vmem_shared>> -> memref<640x128xf32, #tpu.memory_space<vmem_shared>>
        %dma_start3A_41 = arith.constant 0 : i32
        %dma_start3A_42 = tpu.memref_slice %arg4[%arg0, %multiple_of3A, %dma_start3A_41] : memref<2x10000x128xf32, #tpu.memory_space<hbm>> -> memref<1x640x128xf32, #tpu.memory_space<hbm>>
        %dma_start3A_43 = tpu.memref_squeeze %dma_start3A_42 : memref<1x640x128xf32, #tpu.memory_space<hbm>> -> memref<640x128xf32, #tpu.memory_space<hbm>>
        tpu.enqueue_dma source(%dma_start3A_43 : memref<640x128xf32, #tpu.memory_space<hbm>>) target(%dma_start3A_40 : memref<640x128xf32, #tpu.memory_space<vmem_shared>>) target_semaphore(%run_scoped3A : memref<!tpu.dma_semaphore, #tpu.memory_space<semaphore_mem>>)
        %dma_wait3A = arith.constant 0 : i32
        %dma_wait3A_44 = tpu.memref_slice %arg9[%multiple_of3A, %dma_wait3A] : memref<10000x128xf32, #tpu.memory_space<vmem_shared>> -> memref<640x128xf32, #tpu.memory_space<vmem_shared>>
        %dma_wait3A_45 = arith.constant 0 : i32
        %dma_wait3A_46 = tpu.memref_slice %arg4[%arg0, %multiple_of3A, %dma_wait3A_45] : memref<2x10000x128xf32, #tpu.memory_space<hbm>> -> memref<1x640x128xf32, #tpu.memory_space<hbm>>
        %dma_wait3A_47 = tpu.memref_squeeze %dma_wait3A_46 : memref<1x640x128xf32, #tpu.memory_space<hbm>> -> memref<640x128xf32, #tpu.memory_space<hbm>>
        tpu.wait_dma2 semaphore(%run_scoped3A : memref<!tpu.dma_semaphore, #tpu.memory_space<semaphore_mem>>) src(%dma_wait3A_47 : memref<640x128xf32, #tpu.memory_space<hbm>>) dst(%dma_wait3A_44 : memref<640x128xf32, #tpu.memory_space<vmem_shared>>)
        tpu.yield
      }) : () -> ()
    } else {
    }
    %eq3A = arith.constant 15 : i32
    %eq3A_3 = arith.cmpi eq, %arg1, %eq3A : i32
    %convert_element_type3A_4 = arith.extui %eq3A_3 : i1 to i32
    %cond3A_5 = arith.constant 0 : i32
    %cond3A_6 = arith.cmpi ne, %convert_element_type3A_4, %cond3A_5 : i32
    scf.if %cond3A_6 {
      "tpu.region"() ({
        %run_scoped3A = tpu.sem_alloc : memref<!tpu.dma_semaphore, #tpu.memory_space<semaphore_mem>>
        %dma_start3A_39 = arith.constant 9600 : i32
        %dma_start3A_40 = arith.constant 0 : i32
        %dma_start3A_41 = tpu.memref_slice %arg9[%dma_start3A_39, %dma_start3A_40] : memref<10000x128xf32, #tpu.memory_space<vmem_shared>> -> memref<400x128xf32, #tpu.memory_space<vmem_shared>>
        %dma_start3A_42 = arith.constant 9600 : i32
        %dma_start3A_43 = arith.constant 0 : i32
        %dma_start3A_44 = tpu.memref_slice %arg4[%arg0, %dma_start3A_42, %dma_start3A_43] : memref<2x10000x128xf32, #tpu.memory_space<hbm>> -> memref<1x400x128xf32, #tpu.memory_space<hbm>>
        %dma_start3A_45 = tpu.memref_squeeze %dma_start3A_44 : memref<1x400x128xf32, #tpu.memory_space<hbm>> -> memref<400x128xf32, #tpu.memory_space<hbm>>
        tpu.enqueue_dma source(%dma_start3A_45 : memref<400x128xf32, #tpu.memory_space<hbm>>) target(%dma_start3A_41 : memref<400x128xf32, #tpu.memory_space<vmem_shared>>) target_semaphore(%run_scoped3A : memref<!tpu.dma_semaphore, #tpu.memory_space<semaphore_mem>>)
        %dma_wait3A = arith.constant 9600 : i32
        %dma_wait3A_46 = arith.constant 0 : i32
        %dma_wait3A_47 = tpu.memref_slice %arg9[%dma_wait3A, %dma_wait3A_46] : memref<10000x128xf32, #tpu.memory_space<vmem_shared>> -> memref<400x128xf32, #tpu.memory_space<vmem_shared>>
        %dma_wait3A_48 = arith.constant 9600 : i32
        %dma_wait3A_49 = arith.constant 0 : i32
        %dma_wait3A_50 = tpu.memref_slice %arg4[%arg0, %dma_wait3A_48, %dma_wait3A_49] : memref<2x10000x128xf32, #tpu.memory_space<hbm>> -> memref<1x400x128xf32, #tpu.memory_space<hbm>>
        %dma_wait3A_51 = tpu.memref_squeeze %dma_wait3A_50 : memref<1x400x128xf32, #tpu.memory_space<hbm>> -> memref<400x128xf32, #tpu.memory_space<hbm>>
        tpu.wait_dma2 semaphore(%run_scoped3A : memref<!tpu.dma_semaphore, #tpu.memory_space<semaphore_mem>>) src(%dma_wait3A_51 : memref<400x128xf32, #tpu.memory_space<hbm>>) dst(%dma_wait3A_47 : memref<400x128xf32, #tpu.memory_space<vmem_shared>>)
        tpu.yield
      }) : () -> ()
    } else {
    }
    "tpu.region"() ({
      %run_scoped3A = tpu.sem_alloc : memref<!tpu.dma_semaphore, #tpu.memory_space<semaphore_mem>>
      %dma_start3A_39 = arith.constant 0 : i32
      %dma_start3A_40 = arith.constant 0 : i32
      %dma_start3A_41 = tpu.memref_slice %arg3[%arg0, %arg1, %dma_start3A_39, %dma_start3A_40] : memref<2x16x125x40xi32, #tpu.memory_space<hbm>> -> memref<1x1x125x40xi32, #tpu.memory_space<hbm>>
      %dma_start3A_42 = tpu.memref_squeeze %dma_start3A_41 : memref<1x1x125x40xi32, #tpu.memory_space<hbm>> -> memref<125x40xi32, #tpu.memory_space<hbm>>
      %dma_start3A_43 = arith.constant 0 : i32
      %dma_start3A_44 = arith.constant 0 : i32
      %dma_start3A_45 = tpu.memref_slice %arg3[%arg0, %arg1, %dma_start3A_43, %dma_start3A_44] : memref<2x16x125x40xi32, #tpu.memory_space<hbm>> -> memref<1x1x125x40xi32, #tpu.memory_space<hbm>>
      %dma_start3A_46 = tpu.memref_squeeze %dma_start3A_45 : memref<1x1x125x40xi32, #tpu.memory_space<hbm>> -> memref<125x40xi32, #tpu.memory_space<hbm>>
      tpu.enqueue_dma source(%dma_start3A_46 : memref<125x40xi32, #tpu.memory_space<hbm>>) target(%arg6 : memref<125x40xi32, #tpu.memory_space<vmem>>) target_semaphore(%run_scoped3A : memref<!tpu.dma_semaphore, #tpu.memory_space<semaphore_mem>>)
      %dma_wait3A = arith.constant 0 : i32
      %dma_wait3A_47 = arith.constant 0 : i32
      %dma_wait3A_48 = tpu.memref_slice %arg3[%arg0, %arg1, %dma_wait3A, %dma_wait3A_47] : memref<2x16x125x40xi32, #tpu.memory_space<hbm>> -> memref<1x1x125x40xi32, #tpu.memory_space<hbm>>
      %dma_wait3A_49 = tpu.memref_squeeze %dma_wait3A_48 : memref<1x1x125x40xi32, #tpu.memory_space<hbm>> -> memref<125x40xi32, #tpu.memory_space<hbm>>
      %dma_wait3A_50 = arith.constant 0 : i32
      %dma_wait3A_51 = arith.constant 0 : i32
      %dma_wait3A_52 = tpu.memref_slice %arg3[%arg0, %arg1, %dma_wait3A_50, %dma_wait3A_51] : memref<2x16x125x40xi32, #tpu.memory_space<hbm>> -> memref<1x1x125x40xi32, #tpu.memory_space<hbm>>
      %dma_wait3A_53 = tpu.memref_squeeze %dma_wait3A_52 : memref<1x1x125x40xi32, #tpu.memory_space<hbm>> -> memref<125x40xi32, #tpu.memory_space<hbm>>
      tpu.wait_dma2 semaphore(%run_scoped3A : memref<!tpu.dma_semaphore, #tpu.memory_space<semaphore_mem>>) src(%dma_wait3A_53 : memref<125x40xi32, #tpu.memory_space<hbm>>) dst(%arg6 : memref<125x40xi32, #tpu.memory_space<vmem>>)
      tpu.yield
    }) : () -> ()
    %barrier3A = arith.constant 0 : index
    tpu.barrier barrier_id(%barrier3A)
    %mul3A_7 = arith.constant 16 : i32
    %mul3A_8 = arith.muli %arg0, %mul3A_7 : i32
    %add3A = arith.addi %mul3A_8, %arg1 : i32
    %mul3A_9 = arith.constant 5000 : i32
    %mul3A_10 = arith.muli %add3A, %mul3A_9 : i32
    %dma_start3A = arith.constant 0 : i32
    %dma_start3A_11 = arith.constant 0 : i32
    %dma_start3A_12 = arith.constant 0 : i32
    %dma_start3A_13 = tpu.memref_slice %arg7[%dma_start3A, %dma_start3A_11, %dma_start3A_12] : memref<2x40x128xf32, #tpu.memory_space<vmem>> -> memref<1x40x128xf32, #tpu.memory_space<vmem>>
    %dma_start3A_14 = tpu.memref_squeeze %dma_start3A_13 : memref<1x40x128xf32, #tpu.memory_space<vmem>> -> memref<40x128xf32, #tpu.memory_space<vmem>>
    %dma_start3A_15 = arith.constant 0 : i32
    %dma_start3A_16 = tpu.memref_slice %arg2[%mul3A_10, %dma_start3A_15] : memref<160000x128xf32, #tpu.memory_space<hbm>> -> memref<40x128xf32, #tpu.memory_space<hbm>>
    %dma_start3A_17 = arith.constant 0 : i32
    %dma_start3A_18 = arith.constant 0 : i32
    %dma_start3A_19 = tpu.memref_slice %arg7[%dma_start3A, %dma_start3A_17, %dma_start3A_18] : memref<2x40x128xf32, #tpu.memory_space<vmem>> -> memref<1x40x128xf32, #tpu.memory_space<vmem>>
    %dma_start3A_20 = tpu.memref_squeeze %dma_start3A_19 : memref<1x40x128xf32, #tpu.memory_space<vmem>> -> memref<40x128xf32, #tpu.memory_space<vmem>>
    %dma_start3A_21 = arith.constant 0 : i32
    %dma_start3A_22 = tpu.memref_slice %arg2[%mul3A_10, %dma_start3A_21] : memref<160000x128xf32, #tpu.memory_space<hbm>> -> memref<40x128xf32, #tpu.memory_space<hbm>>
    tpu.enqueue_dma source(%dma_start3A_22 : memref<40x128xf32, #tpu.memory_space<hbm>>) target(%dma_start3A_20 : memref<40x128xf32, #tpu.memory_space<vmem>>) target_semaphore(%arg8 : memref<!tpu.dma_semaphore, #tpu.memory_space<semaphore_mem>>)
    %scan3A = arith.constant 0 : i32
    %scan3A_23 = arith.constant 0 : i32
    %scan3A_24 = arith.constant 125 : i32
    %scan3A_25 = arith.addi %scan3A_23, %scan3A_24 : i32
    %scan3A_26 = arith.constant 1 : i32
    scf.for %scan3A_39 = %scan3A_23 to %scan3A_25 step %scan3A_26  : i32 {
      %rem3A = arith.constant 2 : i32
      %rem3A_40 = arith.remsi %scan3A_39, %rem3A : i32
      %dma_wait3A = arith.constant 0 : i32
      %dma_wait3A_41 = arith.constant 0 : i32
      %dma_wait3A_42 = tpu.memref_slice %arg7[%rem3A_40, %dma_wait3A, %dma_wait3A_41] : memref<2x40x128xf32, #tpu.memory_space<vmem>> -> memref<1x40x128xf32, #tpu.memory_space<vmem>>
      %dma_wait3A_43 = tpu.memref_squeeze %dma_wait3A_42 : memref<1x40x128xf32, #tpu.memory_space<vmem>> -> memref<40x128xf32, #tpu.memory_space<vmem>>
      %dma_wait3A_44 = arith.constant 0 : i32
      %dma_wait3A_45 = arith.constant 0 : i32
      %dma_wait3A_46 = tpu.memref_slice %arg2[%dma_wait3A_44, %dma_wait3A_45] : memref<160000x128xf32, #tpu.memory_space<hbm>> -> memref<40x128xf32, #tpu.memory_space<hbm>>
      %dma_wait3A_47 = arith.constant 0 : i32
      %dma_wait3A_48 = arith.constant 0 : i32
      %dma_wait3A_49 = tpu.memref_slice %arg7[%rem3A_40, %dma_wait3A_47, %dma_wait3A_48] : memref<2x40x128xf32, #tpu.memory_space<vmem>> -> memref<1x40x128xf32, #tpu.memory_space<vmem>>
      %dma_wait3A_50 = tpu.memref_squeeze %dma_wait3A_49 : memref<1x40x128xf32, #tpu.memory_space<vmem>> -> memref<40x128xf32, #tpu.memory_space<vmem>>
      %dma_wait3A_51 = arith.constant 0 : i32
      %dma_wait3A_52 = arith.constant 0 : i32
      %dma_wait3A_53 = tpu.memref_slice %arg2[%dma_wait3A_51, %dma_wait3A_52] : memref<160000x128xf32, #tpu.memory_space<hbm>> -> memref<40x128xf32, #tpu.memory_space<hbm>>
      tpu.wait_dma2 semaphore(%arg8 : memref<!tpu.dma_semaphore, #tpu.memory_space<semaphore_mem>>) src(%dma_wait3A_53 : memref<40x128xf32, #tpu.memory_space<hbm>>) dst(%dma_wait3A_50 : memref<40x128xf32, #tpu.memory_space<vmem>>)
      %lt3A_54 = arith.constant 124 : i32
      %lt3A_55 = arith.cmpi slt, %scan3A_39, %lt3A_54 : i32
      %convert_element_type3A_56 = arith.extui %lt3A_55 : i1 to i32
      %cond3A_57 = arith.constant 0 : i32
      %cond3A_58 = arith.cmpi ne, %convert_element_type3A_56, %cond3A_57 : i32
      scf.if %cond3A_58 {
        %add3A_59 = arith.constant 1 : i32
        %add3A_60 = arith.addi %scan3A_39, %add3A_59 : i32
        %mul3A_61 = arith.constant 40 : i32
        %mul3A_62 = arith.muli %add3A_60, %mul3A_61 : i32
        %add3A_63 = arith.addi %mul3A_10, %mul3A_62 : i32
        %multiple_of3A_64 = tpu.assume_multiple %add3A_63, 8 : i32
        %add3A_65 = arith.constant 1 : i32
        %add3A_66 = arith.addi %scan3A_39, %add3A_65 : i32
        %rem3A_67 = arith.constant 2 : i32
        %rem3A_68 = arith.remsi %add3A_66, %rem3A_67 : i32
        %dma_start3A_69 = arith.constant 0 : i32
        %dma_start3A_70 = arith.constant 0 : i32
        %dma_start3A_71 = tpu.memref_slice %arg7[%rem3A_68, %dma_start3A_69, %dma_start3A_70] : memref<2x40x128xf32, #tpu.memory_space<vmem>> -> memref<1x40x128xf32, #tpu.memory_space<vmem>>
        %dma_start3A_72 = tpu.memref_squeeze %dma_start3A_71 : memref<1x40x128xf32, #tpu.memory_space<vmem>> -> memref<40x128xf32, #tpu.memory_space<vmem>>
        %dma_start3A_73 = arith.constant 0 : i32
        %dma_start3A_74 = tpu.memref_slice %arg2[%multiple_of3A_64, %dma_start3A_73] : memref<160000x128xf32, #tpu.memory_space<hbm>> -> memref<40x128xf32, #tpu.memory_space<hbm>>
        %dma_start3A_75 = arith.constant 0 : i32
        %dma_start3A_76 = arith.constant 0 : i32
        %dma_start3A_77 = tpu.memref_slice %arg7[%rem3A_68, %dma_start3A_75, %dma_start3A_76] : memref<2x40x128xf32, #tpu.memory_space<vmem>> -> memref<1x40x128xf32, #tpu.memory_space<vmem>>
        %dma_start3A_78 = tpu.memref_squeeze %dma_start3A_77 : memref<1x40x128xf32, #tpu.memory_space<vmem>> -> memref<40x128xf32, #tpu.memory_space<vmem>>
        %dma_start3A_79 = arith.constant 0 : i32
        %dma_start3A_80 = tpu.memref_slice %arg2[%multiple_of3A_64, %dma_start3A_79] : memref<160000x128xf32, #tpu.memory_space<hbm>> -> memref<40x128xf32, #tpu.memory_space<hbm>>
        tpu.enqueue_dma source(%dma_start3A_80 : memref<40x128xf32, #tpu.memory_space<hbm>>) target(%dma_start3A_78 : memref<40x128xf32, #tpu.memory_space<vmem>>) target_semaphore(%arg8 : memref<!tpu.dma_semaphore, #tpu.memory_space<semaphore_mem>>)
      } else {
      }
      "tpu.region"() ({
        %run_scoped3A = tpu.sem_alloc : memref<!tpu.dma_semaphore, #tpu.memory_space<semaphore_mem>>
        %dma_start3A_59 = arith.constant 0 : i32
        %dma_start3A_60 = arith.constant 0 : i32
        %dma_start3A_61 = tpu.memref_slice %arg7[%rem3A_40, %dma_start3A_59, %dma_start3A_60] : memref<2x40x128xf32, #tpu.memory_space<vmem>> -> memref<1x40x128xf32, #tpu.memory_space<vmem>>
        %dma_start3A_62 = tpu.memref_squeeze %dma_start3A_61 : memref<1x40x128xf32, #tpu.memory_space<vmem>> -> memref<40x128xf32, #tpu.memory_space<vmem>>
        %dma_start3A_63 = arith.constant 0 : i32
        %dma_start3A_64 = tpu.memref_slice %arg6[%scan3A_39, %dma_start3A_63] : memref<125x40xi32, #tpu.memory_space<vmem>> -> memref<1x40xi32, #tpu.memory_space<vmem>>
        %dma_start3A_65 = tpu.memref_squeeze %dma_start3A_64 : memref<1x40xi32, #tpu.memory_space<vmem>> -> memref<40xi32, #tpu.memory_space<vmem>>
        %dma_start3A_66 = arith.constant 0 : i32
        %dma_start3A_67 = arith.constant 0 : i32
        %dma_start3A_68 = tpu.memref_slice %arg9[%dma_start3A_66, %dma_start3A_67] : memref<10000x128xf32, #tpu.memory_space<vmem_shared>> -> memref<10000x128xf32, #tpu.memory_space<vmem_shared>>
        tpu.enqueue_indirect_dma source(%dma_start3A_62 : memref<40x128xf32, #tpu.memory_space<vmem>>) target(%dma_start3A_68 : memref<10000x128xf32, #tpu.memory_space<vmem_shared>>) offsets(%dma_start3A_65 : memref<40xi32, #tpu.memory_space<vmem>>) semaphore(%run_scoped3A : memref<!tpu.dma_semaphore, #tpu.memory_space<semaphore_mem>>) {add = true}
        %dma_wait3A_69 = arith.constant 0 : i32
        %dma_wait3A_70 = arith.constant 0 : i32
        %dma_wait3A_71 = tpu.memref_slice %arg7[%rem3A_40, %dma_wait3A_69, %dma_wait3A_70] : memref<2x40x128xf32, #tpu.memory_space<vmem>> -> memref<1x40x128xf32, #tpu.memory_space<vmem>>
        %dma_wait3A_72 = tpu.memref_squeeze %dma_wait3A_71 : memref<1x40x128xf32, #tpu.memory_space<vmem>> -> memref<40x128xf32, #tpu.memory_space<vmem>>
        %dma_wait3A_73 = arith.constant 0 : i32
        %dma_wait3A_74 = tpu.memref_slice %arg6[%scan3A_39, %dma_wait3A_73] : memref<125x40xi32, #tpu.memory_space<vmem>> -> memref<1x40xi32, #tpu.memory_space<vmem>>
        %dma_wait3A_75 = tpu.memref_squeeze %dma_wait3A_74 : memref<1x40xi32, #tpu.memory_space<vmem>> -> memref<40xi32, #tpu.memory_space<vmem>>
        %dma_wait3A_76 = arith.constant 0 : i32
        %dma_wait3A_77 = arith.constant 0 : i32
        %dma_wait3A_78 = tpu.memref_slice %arg9[%dma_wait3A_76, %dma_wait3A_77] : memref<10000x128xf32, #tpu.memory_space<vmem_shared>> -> memref<10000x128xf32, #tpu.memory_space<vmem_shared>>
        tpu.wait_indirect_dma semaphore(%run_scoped3A : memref<!tpu.dma_semaphore, #tpu.memory_space<semaphore_mem>>) src(%dma_wait3A_72 : memref<40x128xf32, #tpu.memory_space<vmem>>) dst(%dma_wait3A_78 : memref<10000x128xf32, #tpu.memory_space<vmem_shared>>)
        tpu.yield
      }) : () -> ()
    }
    %scan3A_27 = arith.constant 125 : i32
    %barrier3A_28 = arith.constant 0 : index
    tpu.barrier barrier_id(%barrier3A_28)
    %lt3A_29 = arith.constant 15 : i32
    %lt3A_30 = arith.cmpi slt, %arg1, %lt3A_29 : i32
    %convert_element_type3A_31 = arith.extui %lt3A_30 : i1 to i32
    %cond3A_32 = arith.constant 0 : i32
    %cond3A_33 = arith.cmpi ne, %convert_element_type3A_31, %cond3A_32 : i32
    scf.if %cond3A_33 {
      "tpu.region"() ({
        %run_scoped3A = tpu.sem_alloc : memref<!tpu.dma_semaphore, #tpu.memory_space<semaphore_mem>>
        %dma_start3A_39 = arith.constant 0 : i32
        %dma_start3A_40 = tpu.memref_slice %arg5[%arg0, %multiple_of3A, %dma_start3A_39] : memref<2x10000x128xf32, #tpu.memory_space<hbm>> -> memref<1x640x128xf32, #tpu.memory_space<hbm>>
        %dma_start3A_41 = tpu.memref_squeeze %dma_start3A_40 : memref<1x640x128xf32, #tpu.memory_space<hbm>> -> memref<640x128xf32, #tpu.memory_space<hbm>>
        %dma_start3A_42 = arith.constant 0 : i32
        %dma_start3A_43 = tpu.memref_slice %arg9[%multiple_of3A, %dma_start3A_42] : memref<10000x128xf32, #tpu.memory_space<vmem_shared>> -> memref<640x128xf32, #tpu.memory_space<vmem_shared>>
        tpu.enqueue_dma source(%dma_start3A_43 : memref<640x128xf32, #tpu.memory_space<vmem_shared>>) target(%dma_start3A_41 : memref<640x128xf32, #tpu.memory_space<hbm>>) target_semaphore(%run_scoped3A : memref<!tpu.dma_semaphore, #tpu.memory_space<semaphore_mem>>)
        %dma_wait3A = arith.constant 0 : i32
        %dma_wait3A_44 = tpu.memref_slice %arg5[%arg0, %multiple_of3A, %dma_wait3A] : memref<2x10000x128xf32, #tpu.memory_space<hbm>> -> memref<1x640x128xf32, #tpu.memory_space<hbm>>
        %dma_wait3A_45 = tpu.memref_squeeze %dma_wait3A_44 : memref<1x640x128xf32, #tpu.memory_space<hbm>> -> memref<640x128xf32, #tpu.memory_space<hbm>>
        %dma_wait3A_46 = arith.constant 0 : i32
        %dma_wait3A_47 = tpu.memref_slice %arg9[%multiple_of3A, %dma_wait3A_46] : memref<10000x128xf32, #tpu.memory_space<vmem_shared>> -> memref<640x128xf32, #tpu.memory_space<vmem_shared>>
        tpu.wait_dma2 semaphore(%run_scoped3A : memref<!tpu.dma_semaphore, #tpu.memory_space<semaphore_mem>>) src(%dma_wait3A_47 : memref<640x128xf32, #tpu.memory_space<vmem_shared>>) dst(%dma_wait3A_45 : memref<640x128xf32, #tpu.memory_space<hbm>>)
        tpu.yield
      }) : () -> ()
    } else {
    }
    %eq3A_34 = arith.constant 15 : i32
    %eq3A_35 = arith.cmpi eq, %arg1, %eq3A_34 : i32
    %convert_element_type3A_36 = arith.extui %eq3A_35 : i1 to i32
    %cond3A_37 = arith.constant 0 : i32
    %cond3A_38 = arith.cmpi ne, %convert_element_type3A_36, %cond3A_37 : i32
    scf.if %cond3A_38 {
      "tpu.region"() ({
        %run_scoped3A = tpu.sem_alloc : memref<!tpu.dma_semaphore, #tpu.memory_space<semaphore_mem>>
        %dma_start3A_39 = arith.constant 9600 : i32
        %dma_start3A_40 = arith.constant 0 : i32
        %dma_start3A_41 = tpu.memref_slice %arg5[%arg0, %dma_start3A_39, %dma_start3A_40] : memref<2x10000x128xf32, #tpu.memory_space<hbm>> -> memref<1x400x128xf32, #tpu.memory_space<hbm>>
        %dma_start3A_42 = tpu.memref_squeeze %dma_start3A_41 : memref<1x400x128xf32, #tpu.memory_space<hbm>> -> memref<400x128xf32, #tpu.memory_space<hbm>>
        %dma_start3A_43 = arith.constant 9600 : i32
        %dma_start3A_44 = arith.constant 0 : i32
        %dma_start3A_45 = tpu.memref_slice %arg9[%dma_start3A_43, %dma_start3A_44] : memref<10000x128xf32, #tpu.memory_space<vmem_shared>> -> memref<400x128xf32, #tpu.memory_space<vmem_shared>>
        tpu.enqueue_dma source(%dma_start3A_45 : memref<400x128xf32, #tpu.memory_space<vmem_shared>>) target(%dma_start3A_42 : memref<400x128xf32, #tpu.memory_space<hbm>>) target_semaphore(%run_scoped3A : memref<!tpu.dma_semaphore, #tpu.memory_space<semaphore_mem>>)
        %dma_wait3A = arith.constant 9600 : i32
        %dma_wait3A_46 = arith.constant 0 : i32
        %dma_wait3A_47 = tpu.memref_slice %arg5[%arg0, %dma_wait3A, %dma_wait3A_46] : memref<2x10000x128xf32, #tpu.memory_space<hbm>> -> memref<1x400x128xf32, #tpu.memory_space<hbm>>
        %dma_wait3A_48 = tpu.memref_squeeze %dma_wait3A_47 : memref<1x400x128xf32, #tpu.memory_space<hbm>> -> memref<400x128xf32, #tpu.memory_space<hbm>>
        %dma_wait3A_49 = arith.constant 9600 : i32
        %dma_wait3A_50 = arith.constant 0 : i32
        %dma_wait3A_51 = tpu.memref_slice %arg9[%dma_wait3A_49, %dma_wait3A_50] : memref<10000x128xf32, #tpu.memory_space<vmem_shared>> -> memref<400x128xf32, #tpu.memory_space<vmem_shared>>
        tpu.wait_dma2 semaphore(%run_scoped3A : memref<!tpu.dma_semaphore, #tpu.memory_space<semaphore_mem>>) src(%dma_wait3A_51 : memref<400x128xf32, #tpu.memory_space<vmem_shared>>) dst(%dma_wait3A_48 : memref<400x128xf32, #tpu.memory_space<hbm>>)
        tpu.yield
      }) : () -> ()
    } else {
    }
    return
  }
}

#map = affine_map<(d0, d1) -> (0, 0)>
#map1 = affine_map<(d0, d1) -> (0, 0, 0, 0)>
#map2 = affine_map<(d0, d1) -> (0, 0, 0)>
module attributes {stable_mosaic.version = 14 : i64} {
  func.func @_scatter_body(%arg0: i32, %arg1: i32, %arg2: memref<160000x128xf32, #tpu.memory_space<hbm>>, %arg3: memref<2x16x125x40xi32, #tpu.memory_space<hbm>>, %arg4: memref<2x10000x128xf32, #tpu.memory_space<hbm>>, %arg5: memref<2x10000x128xf32, #tpu.memory_space<hbm>>, %arg6: memref<125x40xi32, #tpu.memory_space<vmem>>, %arg7: memref<2x40x128xf32, #tpu.memory_space<vmem>>, %arg8: memref<!tpu.dma_semaphore, #tpu.memory_space<semaphore_mem>>, %arg9: memref<10000x128xf32, #tpu.memory_space<vmem_shared>>) attributes {dimension_semantics = [#tpu.dimension_semantics<core_parallel>, #tpu.dimension_semantics<subcore_parallel>], iteration_bounds = array<i64: 2, 16>, scalar_prefetch = 0 : i64, scratch_operands = 4 : i64, tpu.core_type = #tpu.core_type<sc_vector_subcore>, window_params = [{transform_indices = #map}, {transform_indices = #map1}, {transform_indices = #map2}, {transform_indices = #map2}]} {
    %mul3A = arith.constant 640 : i32
    %mul3A_0 = arith.muli %arg1, %mul3A : i32
    %multiple_of3A = tpu.assume_multiple %mul3A_0, 8 : i32
    %lt3A = arith.constant 15 : i32
    %lt3A_1 = arith.cmpi slt, %arg1, %lt3A : i32
    %convert_element_type3A = arith.extui %lt3A_1 : i1 to i32
    %cond3A = arith.constant 0 : i32
    %cond3A_2 = arith.cmpi ne, %convert_element_type3A, %cond3A : i32
    scf.if %cond3A_2 {
      "tpu.region"() ({
        %run_scoped3A = tpu.sem_alloc : memref<!tpu.dma_semaphore, #tpu.memory_space<semaphore_mem>>
        %dma_start3A_39 = arith.constant 0 : i32
        %dma_start3A_40 = tpu.memref_slice %arg9[%multiple_of3A, %dma_start3A_39] : memref<10000x128xf32, #tpu.memory_space<vmem_shared>> -> memref<640x128xf32, #tpu.memory_space<vmem_shared>>
        %dma_start3A_41 = arith.constant 0 : i32
        %dma_start3A_42 = tpu.memref_slice %arg4[%arg0, %multiple_of3A, %dma_start3A_41] : memref<2x10000x128xf32, #tpu.memory_space<hbm>> -> memref<1x640x128xf32, #tpu.memory_space<hbm>>
        %dma_start3A_43 = tpu.memref_squeeze %dma_start3A_42 : memref<1x640x128xf32, #tpu.memory_space<hbm>> -> memref<640x128xf32, #tpu.memory_space<hbm>>
        tpu.enqueue_dma source(%dma_start3A_43 : memref<640x128xf32, #tpu.memory_space<hbm>>) target(%dma_start3A_40 : memref<640x128xf32, #tpu.memory_space<vmem_shared>>) target_semaphore(%run_scoped3A : memref<!tpu.dma_semaphore, #tpu.memory_space<semaphore_mem>>)
        %dma_wait3A = arith.constant 0 : i32
        %dma_wait3A_44 = tpu.memref_slice %arg9[%multiple_of3A, %dma_wait3A] : memref<10000x128xf32, #tpu.memory_space<vmem_shared>> -> memref<640x128xf32, #tpu.memory_space<vmem_shared>>
        %dma_wait3A_45 = arith.constant 0 : i32
        %dma_wait3A_46 = tpu.memref_slice %arg4[%arg0, %multiple_of3A, %dma_wait3A_45] : memref<2x10000x128xf32, #tpu.memory_space<hbm>> -> memref<1x640x128xf32, #tpu.memory_space<hbm>>
        %dma_wait3A_47 = tpu.memref_squeeze %dma_wait3A_46 : memref<1x640x128xf32, #tpu.memory_space<hbm>> -> memref<640x128xf32, #tpu.memory_space<hbm>>
        tpu.wait_dma2 semaphore(%run_scoped3A : memref<!tpu.dma_semaphore, #tpu.memory_space<semaphore_mem>>) src(%dma_wait3A_47 : memref<640x128xf32, #tpu.memory_space<hbm>>) dst(%dma_wait3A_44 : memref<640x128xf32, #tpu.memory_space<vmem_shared>>)
        tpu.yield
      }) : () -> ()
    } else {
    }
    %eq3A = arith.constant 15 : i32
    %eq3A_3 = arith.cmpi eq, %arg1, %eq3A : i32
    %convert_element_type3A_4 = arith.extui %eq3A_3 : i1 to i32
    %cond3A_5 = arith.constant 0 : i32
    %cond3A_6 = arith.cmpi ne, %convert_element_type3A_4, %cond3A_5 : i32
    scf.if %cond3A_6 {
      "tpu.region"() ({
        %run_scoped3A = tpu.sem_alloc : memref<!tpu.dma_semaphore, #tpu.memory_space<semaphore_mem>>
        %dma_start3A_39 = arith.constant 9600 : i32
        %dma_start3A_40 = arith.constant 0 : i32
        %dma_start3A_41 = tpu.memref_slice %arg9[%dma_start3A_39, %dma_start3A_40] : memref<10000x128xf32, #tpu.memory_space<vmem_shared>> -> memref<400x128xf32, #tpu.memory_space<vmem_shared>>
        %dma_start3A_42 = arith.constant 9600 : i32
        %dma_start3A_43 = arith.constant 0 : i32
        %dma_start3A_44 = tpu.memref_slice %arg4[%arg0, %dma_start3A_42, %dma_start3A_43] : memref<2x10000x128xf32, #tpu.memory_space<hbm>> -> memref<1x400x128xf32, #tpu.memory_space<hbm>>
        %dma_start3A_45 = tpu.memref_squeeze %dma_start3A_44 : memref<1x400x128xf32, #tpu.memory_space<hbm>> -> memref<400x128xf32, #tpu.memory_space<hbm>>
        tpu.enqueue_dma source(%dma_start3A_45 : memref<400x128xf32, #tpu.memory_space<hbm>>) target(%dma_start3A_41 : memref<400x128xf32, #tpu.memory_space<vmem_shared>>) target_semaphore(%run_scoped3A : memref<!tpu.dma_semaphore, #tpu.memory_space<semaphore_mem>>)
        %dma_wait3A = arith.constant 9600 : i32
        %dma_wait3A_46 = arith.constant 0 : i32
        %dma_wait3A_47 = tpu.memref_slice %arg9[%dma_wait3A, %dma_wait3A_46] : memref<10000x128xf32, #tpu.memory_space<vmem_shared>> -> memref<400x128xf32, #tpu.memory_space<vmem_shared>>
        %dma_wait3A_48 = arith.constant 9600 : i32
        %dma_wait3A_49 = arith.constant 0 : i32
        %dma_wait3A_50 = tpu.memref_slice %arg4[%arg0, %dma_wait3A_48, %dma_wait3A_49] : memref<2x10000x128xf32, #tpu.memory_space<hbm>> -> memref<1x400x128xf32, #tpu.memory_space<hbm>>
        %dma_wait3A_51 = tpu.memref_squeeze %dma_wait3A_50 : memref<1x400x128xf32, #tpu.memory_space<hbm>> -> memref<400x128xf32, #tpu.memory_space<hbm>>
        tpu.wait_dma2 semaphore(%run_scoped3A : memref<!tpu.dma_semaphore, #tpu.memory_space<semaphore_mem>>) src(%dma_wait3A_51 : memref<400x128xf32, #tpu.memory_space<hbm>>) dst(%dma_wait3A_47 : memref<400x128xf32, #tpu.memory_space<vmem_shared>>)
        tpu.yield
      }) : () -> ()
    } else {
    }
    "tpu.region"() ({
      %run_scoped3A = tpu.sem_alloc : memref<!tpu.dma_semaphore, #tpu.memory_space<semaphore_mem>>
      %dma_start3A_39 = arith.constant 0 : i32
      %dma_start3A_40 = arith.constant 0 : i32
      %dma_start3A_41 = tpu.memref_slice %arg3[%arg0, %arg1, %dma_start3A_39, %dma_start3A_40] : memref<2x16x125x40xi32, #tpu.memory_space<hbm>> -> memref<1x1x125x40xi32, #tpu.memory_space<hbm>>
      %dma_start3A_42 = tpu.memref_squeeze %dma_start3A_41 : memref<1x1x125x40xi32, #tpu.memory_space<hbm>> -> memref<125x40xi32, #tpu.memory_space<hbm>>
      %dma_start3A_43 = arith.constant 0 : i32
      %dma_start3A_44 = arith.constant 0 : i32
      %dma_start3A_45 = tpu.memref_slice %arg3[%arg0, %arg1, %dma_start3A_43, %dma_start3A_44] : memref<2x16x125x40xi32, #tpu.memory_space<hbm>> -> memref<1x1x125x40xi32, #tpu.memory_space<hbm>>
      %dma_start3A_46 = tpu.memref_squeeze %dma_start3A_45 : memref<1x1x125x40xi32, #tpu.memory_space<hbm>> -> memref<125x40xi32, #tpu.memory_space<hbm>>
      tpu.enqueue_dma source(%dma_start3A_46 : memref<125x40xi32, #tpu.memory_space<hbm>>) target(%arg6 : memref<125x40xi32, #tpu.memory_space<vmem>>) target_semaphore(%run_scoped3A : memref<!tpu.dma_semaphore, #tpu.memory_space<semaphore_mem>>)
      %dma_wait3A = arith.constant 0 : i32
      %dma_wait3A_47 = arith.constant 0 : i32
      %dma_wait3A_48 = tpu.memref_slice %arg3[%arg0, %arg1, %dma_wait3A, %dma_wait3A_47] : memref<2x16x125x40xi32, #tpu.memory_space<hbm>> -> memref<1x1x125x40xi32, #tpu.memory_space<hbm>>
      %dma_wait3A_49 = tpu.memref_squeeze %dma_wait3A_48 : memref<1x1x125x40xi32, #tpu.memory_space<hbm>> -> memref<125x40xi32, #tpu.memory_space<hbm>>
      %dma_wait3A_50 = arith.constant 0 : i32
      %dma_wait3A_51 = arith.constant 0 : i32
      %dma_wait3A_52 = tpu.memref_slice %arg3[%arg0, %arg1, %dma_wait3A_50, %dma_wait3A_51] : memref<2x16x125x40xi32, #tpu.memory_space<hbm>> -> memref<1x1x125x40xi32, #tpu.memory_space<hbm>>
      %dma_wait3A_53 = tpu.memref_squeeze %dma_wait3A_52 : memref<1x1x125x40xi32, #tpu.memory_space<hbm>> -> memref<125x40xi32, #tpu.memory_space<hbm>>
      tpu.wait_dma2 semaphore(%run_scoped3A : memref<!tpu.dma_semaphore, #tpu.memory_space<semaphore_mem>>) src(%dma_wait3A_53 : memref<125x40xi32, #tpu.memory_space<hbm>>) dst(%arg6 : memref<125x40xi32, #tpu.memory_space<vmem>>)
      tpu.yield
    }) : () -> ()
    %barrier3A = arith.constant 0 : index
    tpu.barrier barrier_id(%barrier3A)
    %mul3A_7 = arith.constant 16 : i32
    %mul3A_8 = arith.muli %arg0, %mul3A_7 : i32
    %add3A = arith.addi %mul3A_8, %arg1 : i32
    %mul3A_9 = arith.constant 5000 : i32
    %mul3A_10 = arith.muli %add3A, %mul3A_9 : i32
    %dma_start3A = arith.constant 0 : i32
    %dma_start3A_11 = arith.constant 0 : i32
    %dma_start3A_12 = arith.constant 0 : i32
    %dma_start3A_13 = tpu.memref_slice %arg7[%dma_start3A, %dma_start3A_11, %dma_start3A_12] : memref<2x40x128xf32, #tpu.memory_space<vmem>> -> memref<1x40x128xf32, #tpu.memory_space<vmem>>
    %dma_start3A_14 = tpu.memref_squeeze %dma_start3A_13 : memref<1x40x128xf32, #tpu.memory_space<vmem>> -> memref<40x128xf32, #tpu.memory_space<vmem>>
    %dma_start3A_15 = arith.constant 0 : i32
    %dma_start3A_16 = tpu.memref_slice %arg2[%mul3A_10, %dma_start3A_15] : memref<160000x128xf32, #tpu.memory_space<hbm>> -> memref<40x128xf32, #tpu.memory_space<hbm>>
    %dma_start3A_17 = arith.constant 0 : i32
    %dma_start3A_18 = arith.constant 0 : i32
    %dma_start3A_19 = tpu.memref_slice %arg7[%dma_start3A, %dma_start3A_17, %dma_start3A_18] : memref<2x40x128xf32, #tpu.memory_space<vmem>> -> memref<1x40x128xf32, #tpu.memory_space<vmem>>
    %dma_start3A_20 = tpu.memref_squeeze %dma_start3A_19 : memref<1x40x128xf32, #tpu.memory_space<vmem>> -> memref<40x128xf32, #tpu.memory_space<vmem>>
    %dma_start3A_21 = arith.constant 0 : i32
    %dma_start3A_22 = tpu.memref_slice %arg2[%mul3A_10, %dma_start3A_21] : memref<160000x128xf32, #tpu.memory_space<hbm>> -> memref<40x128xf32, #tpu.memory_space<hbm>>
    tpu.enqueue_dma source(%dma_start3A_22 : memref<40x128xf32, #tpu.memory_space<hbm>>) target(%dma_start3A_20 : memref<40x128xf32, #tpu.memory_space<vmem>>) target_semaphore(%arg8 : memref<!tpu.dma_semaphore, #tpu.memory_space<semaphore_mem>>)
    %scan3A = arith.constant 0 : i32
    %scan3A_23 = arith.constant 0 : i32
    %scan3A_24 = arith.constant 125 : i32
    %scan3A_25 = arith.addi %scan3A_23, %scan3A_24 : i32
    %scan3A_26 = arith.constant 1 : i32
    scf.for %scan3A_39 = %scan3A_23 to %scan3A_25 step %scan3A_26  : i32 {
      %rem3A = arith.constant 2 : i32
      %rem3A_40 = arith.remsi %scan3A_39, %rem3A : i32
      %dma_wait3A = arith.constant 0 : i32
      %dma_wait3A_41 = arith.constant 0 : i32
      %dma_wait3A_42 = tpu.memref_slice %arg7[%rem3A_40, %dma_wait3A, %dma_wait3A_41] : memref<2x40x128xf32, #tpu.memory_space<vmem>> -> memref<1x40x128xf32, #tpu.memory_space<vmem>>
      %dma_wait3A_43 = tpu.memref_squeeze %dma_wait3A_42 : memref<1x40x128xf32, #tpu.memory_space<vmem>> -> memref<40x128xf32, #tpu.memory_space<vmem>>
      %dma_wait3A_44 = arith.constant 0 : i32
      %dma_wait3A_45 = arith.constant 0 : i32
      %dma_wait3A_46 = tpu.memref_slice %arg2[%dma_wait3A_44, %dma_wait3A_45] : memref<160000x128xf32, #tpu.memory_space<hbm>> -> memref<40x128xf32, #tpu.memory_space<hbm>>
      %dma_wait3A_47 = arith.constant 0 : i32
      %dma_wait3A_48 = arith.constant 0 : i32
      %dma_wait3A_49 = tpu.memref_slice %arg7[%rem3A_40, %dma_wait3A_47, %dma_wait3A_48] : memref<2x40x128xf32, #tpu.memory_space<vmem>> -> memref<1x40x128xf32, #tpu.memory_space<vmem>>
      %dma_wait3A_50 = tpu.memref_squeeze %dma_wait3A_49 : memref<1x40x128xf32, #tpu.memory_space<vmem>> -> memref<40x128xf32, #tpu.memory_space<vmem>>
      %dma_wait3A_51 = arith.constant 0 : i32
      %dma_wait3A_52 = arith.constant 0 : i32
      %dma_wait3A_53 = tpu.memref_slice %arg2[%dma_wait3A_51, %dma_wait3A_52] : memref<160000x128xf32, #tpu.memory_space<hbm>> -> memref<40x128xf32, #tpu.memory_space<hbm>>
      tpu.wait_dma2 semaphore(%arg8 : memref<!tpu.dma_semaphore, #tpu.memory_space<semaphore_mem>>) src(%dma_wait3A_53 : memref<40x128xf32, #tpu.memory_space<hbm>>) dst(%dma_wait3A_50 : memref<40x128xf32, #tpu.memory_space<vmem>>)
      %lt3A_54 = arith.constant 124 : i32
      %lt3A_55 = arith.cmpi slt, %scan3A_39, %lt3A_54 : i32
      %convert_element_type3A_56 = arith.extui %lt3A_55 : i1 to i32
      %cond3A_57 = arith.constant 0 : i32
      %cond3A_58 = arith.cmpi ne, %convert_element_type3A_56, %cond3A_57 : i32
      scf.if %cond3A_58 {
        %add3A_59 = arith.constant 1 : i32
        %add3A_60 = arith.addi %scan3A_39, %add3A_59 : i32
        %mul3A_61 = arith.constant 40 : i32
        %mul3A_62 = arith.muli %add3A_60, %mul3A_61 : i32
        %add3A_63 = arith.addi %mul3A_10, %mul3A_62 : i32
        %multiple_of3A_64 = tpu.assume_multiple %add3A_63, 8 : i32
        %add3A_65 = arith.constant 1 : i32
        %add3A_66 = arith.addi %scan3A_39, %add3A_65 : i32
        %rem3A_67 = arith.constant 2 : i32
        %rem3A_68 = arith.remsi %add3A_66, %rem3A_67 : i32
        %dma_start3A_69 = arith.constant 0 : i32
        %dma_start3A_70 = arith.constant 0 : i32
        %dma_start3A_71 = tpu.memref_slice %arg7[%rem3A_68, %dma_start3A_69, %dma_start3A_70] : memref<2x40x128xf32, #tpu.memory_space<vmem>> -> memref<1x40x128xf32, #tpu.memory_space<vmem>>
        %dma_start3A_72 = tpu.memref_squeeze %dma_start3A_71 : memref<1x40x128xf32, #tpu.memory_space<vmem>> -> memref<40x128xf32, #tpu.memory_space<vmem>>
        %dma_start3A_73 = arith.constant 0 : i32
        %dma_start3A_74 = tpu.memref_slice %arg2[%multiple_of3A_64, %dma_start3A_73] : memref<160000x128xf32, #tpu.memory_space<hbm>> -> memref<40x128xf32, #tpu.memory_space<hbm>>
        %dma_start3A_75 = arith.constant 0 : i32
        %dma_start3A_76 = arith.constant 0 : i32
        %dma_start3A_77 = tpu.memref_slice %arg7[%rem3A_68, %dma_start3A_75, %dma_start3A_76] : memref<2x40x128xf32, #tpu.memory_space<vmem>> -> memref<1x40x128xf32, #tpu.memory_space<vmem>>
        %dma_start3A_78 = tpu.memref_squeeze %dma_start3A_77 : memref<1x40x128xf32, #tpu.memory_space<vmem>> -> memref<40x128xf32, #tpu.memory_space<vmem>>
        %dma_start3A_79 = arith.constant 0 : i32
        %dma_start3A_80 = tpu.memref_slice %arg2[%multiple_of3A_64, %dma_start3A_79] : memref<160000x128xf32, #tpu.memory_space<hbm>> -> memref<40x128xf32, #tpu.memory_space<hbm>>
        tpu.enqueue_dma source(%dma_start3A_80 : memref<40x128xf32, #tpu.memory_space<hbm>>) target(%dma_start3A_78 : memref<40x128xf32, #tpu.memory_space<vmem>>) target_semaphore(%arg8 : memref<!tpu.dma_semaphore, #tpu.memory_space<semaphore_mem>>)
      } else {
      }
      "tpu.region"() ({
        %run_scoped3A = tpu.sem_alloc : memref<!tpu.dma_semaphore, #tpu.memory_space<semaphore_mem>>
        %dma_start3A_59 = arith.constant 0 : i32
        %dma_start3A_60 = arith.constant 0 : i32
        %dma_start3A_61 = tpu.memref_slice %arg7[%rem3A_40, %dma_start3A_59, %dma_start3A_60] : memref<2x40x128xf32, #tpu.memory_space<vmem>> -> memref<1x40x128xf32, #tpu.memory_space<vmem>>
        %dma_start3A_62 = tpu.memref_squeeze %dma_start3A_61 : memref<1x40x128xf32, #tpu.memory_space<vmem>> -> memref<40x128xf32, #tpu.memory_space<vmem>>
        %dma_start3A_63 = arith.constant 0 : i32
        %dma_start3A_64 = tpu.memref_slice %arg6[%scan3A_39, %dma_start3A_63] : memref<125x40xi32, #tpu.memory_space<vmem>> -> memref<1x40xi32, #tpu.memory_space<vmem>>
        %dma_start3A_65 = tpu.memref_squeeze %dma_start3A_64 : memref<1x40xi32, #tpu.memory_space<vmem>> -> memref<40xi32, #tpu.memory_space<vmem>>
        %dma_start3A_66 = arith.constant 0 : i32
        %dma_start3A_67 = arith.constant 0 : i32
        %dma_start3A_68 = tpu.memref_slice %arg9[%dma_start3A_66, %dma_start3A_67] : memref<10000x128xf32, #tpu.memory_space<vmem_shared>> -> memref<10000x128xf32, #tpu.memory_space<vmem_shared>>
        tpu.enqueue_indirect_dma source(%dma_start3A_62 : memref<40x128xf32, #tpu.memory_space<vmem>>) target(%dma_start3A_68 : memref<10000x128xf32, #tpu.memory_space<vmem_shared>>) offsets(%dma_start3A_65 : memref<40xi32, #tpu.memory_space<vmem>>) semaphore(%run_scoped3A : memref<!tpu.dma_semaphore, #tpu.memory_space<semaphore_mem>>) {add = true}
        %dma_wait3A_69 = arith.constant 0 : i32
        %dma_wait3A_70 = arith.constant 0 : i32
        %dma_wait3A_71 = tpu.memref_slice %arg7[%rem3A_40, %dma_wait3A_69, %dma_wait3A_70] : memref<2x40x128xf32, #tpu.memory_space<vmem>> -> memref<1x40x128xf32, #tpu.memory_space<vmem>>
        %dma_wait3A_72 = tpu.memref_squeeze %dma_wait3A_71 : memref<1x40x128xf32, #tpu.memory_space<vmem>> -> memref<40x128xf32, #tpu.memory_space<vmem>>
        %dma_wait3A_73 = arith.constant 0 : i32
        %dma_wait3A_74 = tpu.memref_slice %arg6[%scan3A_39, %dma_wait3A_73] : memref<125x40xi32, #tpu.memory_space<vmem>> -> memref<1x40xi32, #tpu.memory_space<vmem>>
        %dma_wait3A_75 = tpu.memref_squeeze %dma_wait3A_74 : memref<1x40xi32, #tpu.memory_space<vmem>> -> memref<40xi32, #tpu.memory_space<vmem>>
        %dma_wait3A_76 = arith.constant 0 : i32
        %dma_wait3A_77 = arith.constant 0 : i32
        %dma_wait3A_78 = tpu.memref_slice %arg9[%dma_wait3A_76, %dma_wait3A_77] : memref<10000x128xf32, #tpu.memory_space<vmem_shared>> -> memref<10000x128xf32, #tpu.memory_space<vmem_shared>>
        tpu.wait_indirect_dma semaphore(%run_scoped3A : memref<!tpu.dma_semaphore, #tpu.memory_space<semaphore_mem>>) src(%dma_wait3A_72 : memref<40x128xf32, #tpu.memory_space<vmem>>) dst(%dma_wait3A_78 : memref<10000x128xf32, #tpu.memory_space<vmem_shared>>)
        tpu.yield
      }) : () -> ()
    }
    %scan3A_27 = arith.constant 125 : i32
    %barrier3A_28 = arith.constant 0 : index
    tpu.barrier barrier_id(%barrier3A_28)
    %lt3A_29 = arith.constant 15 : i32
    %lt3A_30 = arith.cmpi slt, %arg1, %lt3A_29 : i32
    %convert_element_type3A_31 = arith.extui %lt3A_30 : i1 to i32
    %cond3A_32 = arith.constant 0 : i32
    %cond3A_33 = arith.cmpi ne, %convert_element_type3A_31, %cond3A_32 : i32
    scf.if %cond3A_33 {
      "tpu.region"() ({
        %run_scoped3A = tpu.sem_alloc : memref<!tpu.dma_semaphore, #tpu.memory_space<semaphore_mem>>
        %dma_start3A_39 = arith.constant 0 : i32
        %dma_start3A_40 = tpu.memref_slice %arg5[%arg0, %multiple_of3A, %dma_start3A_39] : memref<2x10000x128xf32, #tpu.memory_space<hbm>> -> memref<1x640x128xf32, #tpu.memory_space<hbm>>
        %dma_start3A_41 = tpu.memref_squeeze %dma_start3A_40 : memref<1x640x128xf32, #tpu.memory_space<hbm>> -> memref<640x128xf32, #tpu.memory_space<hbm>>
        %dma_start3A_42 = arith.constant 0 : i32
        %dma_start3A_43 = tpu.memref_slice %arg9[%multiple_of3A, %dma_start3A_42] : memref<10000x128xf32, #tpu.memory_space<vmem_shared>> -> memref<640x128xf32, #tpu.memory_space<vmem_shared>>
        tpu.enqueue_dma source(%dma_start3A_43 : memref<640x128xf32, #tpu.memory_space<vmem_shared>>) target(%dma_start3A_41 : memref<640x128xf32, #tpu.memory_space<hbm>>) target_semaphore(%run_scoped3A : memref<!tpu.dma_semaphore, #tpu.memory_space<semaphore_mem>>)
        %dma_wait3A = arith.constant 0 : i32
        %dma_wait3A_44 = tpu.memref_slice %arg5[%arg0, %multiple_of3A, %dma_wait3A] : memref<2x10000x128xf32, #tpu.memory_space<hbm>> -> memref<1x640x128xf32, #tpu.memory_space<hbm>>
        %dma_wait3A_45 = tpu.memref_squeeze %dma_wait3A_44 : memref<1x640x128xf32, #tpu.memory_space<hbm>> -> memref<640x128xf32, #tpu.memory_space<hbm>>
        %dma_wait3A_46 = arith.constant 0 : i32
        %dma_wait3A_47 = tpu.memref_slice %arg9[%multiple_of3A, %dma_wait3A_46] : memref<10000x128xf32, #tpu.memory_space<vmem_shared>> -> memref<640x128xf32, #tpu.memory_space<vmem_shared>>
        tpu.wait_dma2 semaphore(%run_scoped3A : memref<!tpu.dma_semaphore, #tpu.memory_space<semaphore_mem>>) src(%dma_wait3A_47 : memref<640x128xf32, #tpu.memory_space<vmem_shared>>) dst(%dma_wait3A_45 : memref<640x128xf32, #tpu.memory_space<hbm>>)
        tpu.yield
      }) : () -> ()
    } else {
    }
    %eq3A_34 = arith.constant 15 : i32
    %eq3A_35 = arith.cmpi eq, %arg1, %eq3A_34 : i32
    %convert_element_type3A_36 = arith.extui %eq3A_35 : i1 to i32
    %cond3A_37 = arith.constant 0 : i32
    %cond3A_38 = arith.cmpi ne, %convert_element_type3A_36, %cond3A_37 : i32
    scf.if %cond3A_38 {
      "tpu.region"() ({
        %run_scoped3A = tpu.sem_alloc : memref<!tpu.dma_semaphore, #tpu.memory_space<semaphore_mem>>
        %dma_start3A_39 = arith.constant 9600 : i32
        %dma_start3A_40 = arith.constant 0 : i32
        %dma_start3A_41 = tpu.memref_slice %arg5[%arg0, %dma_start3A_39, %dma_start3A_40] : memref<2x10000x128xf32, #tpu.memory_space<hbm>> -> memref<1x400x128xf32, #tpu.memory_space<hbm>>
        %dma_start3A_42 = tpu.memref_squeeze %dma_start3A_41 : memref<1x400x128xf32, #tpu.memory_space<hbm>> -> memref<400x128xf32, #tpu.memory_space<hbm>>
        %dma_start3A_43 = arith.constant 9600 : i32
        %dma_start3A_44 = arith.constant 0 : i32
        %dma_start3A_45 = tpu.memref_slice %arg9[%dma_start3A_43, %dma_start3A_44] : memref<10000x128xf32, #tpu.memory_space<vmem_shared>> -> memref<400x128xf32, #tpu.memory_space<vmem_shared>>
        tpu.enqueue_dma source(%dma_start3A_45 : memref<400x128xf32, #tpu.memory_space<vmem_shared>>) target(%dma_start3A_42 : memref<400x128xf32, #tpu.memory_space<hbm>>) target_semaphore(%run_scoped3A : memref<!tpu.dma_semaphore, #tpu.memory_space<semaphore_mem>>)
        %dma_wait3A = arith.constant 9600 : i32
        %dma_wait3A_46 = arith.constant 0 : i32
        %dma_wait3A_47 = tpu.memref_slice %arg5[%arg0, %dma_wait3A, %dma_wait3A_46] : memref<2x10000x128xf32, #tpu.memory_space<hbm>> -> memref<1x400x128xf32, #tpu.memory_space<hbm>>
        %dma_wait3A_48 = tpu.memref_squeeze %dma_wait3A_47 : memref<1x400x128xf32, #tpu.memory_space<hbm>> -> memref<400x128xf32, #tpu.memory_space<hbm>>
        %dma_wait3A_49 = arith.constant 9600 : i32
        %dma_wait3A_50 = arith.constant 0 : i32
        %dma_wait3A_51 = tpu.memref_slice %arg9[%dma_wait3A_49, %dma_wait3A_50] : memref<10000x128xf32, #tpu.memory_space<vmem_shared>> -> memref<400x128xf32, #tpu.memory_space<vmem_shared>>
        tpu.wait_dma2 semaphore(%run_scoped3A : memref<!tpu.dma_semaphore, #tpu.memory_space<semaphore_mem>>) src(%dma_wait3A_51 : memref<400x128xf32, #tpu.memory_space<vmem_shared>>) dst(%dma_wait3A_48 : memref<400x128xf32, #tpu.memory_space<hbm>>)
        tpu.yield
      }) : () -> ()
    } else {
    }
    return
  }
}

module attributes {stable_mosaic.version = 14 : i64} {
  func.func @_enc_body(%arg0: i32, %arg1: memref<2000x128xf32, #tpu.memory_space<vmem>>, %arg2: memref<128x128xf32, #tpu.memory_space<vmem>>, %arg3: memref<1x128xf32, #tpu.memory_space<vmem>>, %arg4: memref<2000x128xf32, #tpu.memory_space<vmem>>) attributes {dimension_semantics = [#tpu.dimension_semantics<arbitrary>], iteration_bounds = array<i64: 5>, scalar_prefetch = 0 : i64, scratch_operands = 0 : i64, tpu.core_type = #tpu.core_type<tc>, window_params = [{transform_indices = @transform_0, window_bounds = array<i64: 2000, 128>}, {pipeline_mode = #tpu.pipeline_mode<synchronous>, transform_indices = @transform_1, window_bounds = array<i64: 128, 128>}, {pipeline_mode = #tpu.pipeline_mode<synchronous>, transform_indices = @transform_2, window_bounds = array<i64: 1, 128>}, {transform_indices = @transform_3, window_bounds = array<i64: 2000, 128>}]} {
    %get3A = arith.constant 0 : index
    %get3A_0 = arith.constant 0 : index
    %get3A_1 = vector.load %arg1[%get3A, %get3A_0] : memref<2000x128xf32, #tpu.memory_space<vmem>>, vector<2000x128xf32>
    %get3A_2 = arith.constant 0 : index
    %get3A_3 = arith.constant 0 : index
    %get3A_4 = vector.load %arg2[%get3A_2, %get3A_3] : memref<128x128xf32, #tpu.memory_space<vmem>>, vector<128x128xf32>
    %dot_general3A = arith.constant dense<0.000000e+00> : vector<2000x128xf32>
    %dot_general3A_5 = tpu.matmul %get3A_1, %get3A_4, %dot_general3A {dimension_numbers = #tpu.dot_dimension_numbers<[1], [0], [0], [1], [0, 0, 1, 1], [], []>, transpose_lhs_hint = false} : vector<2000x128xf32>, vector<128x128xf32>, vector<2000x128xf32> -> vector<2000x128xf32>
    %get3A_6 = arith.constant 0 : index
    %get3A_7 = arith.constant 0 : index
    %get3A_8 = vector.load %arg3[%get3A_6, %get3A_7] : memref<1x128xf32, #tpu.memory_space<vmem>>, vector<1x128xf32>
    %add3A = vector.broadcast %get3A_8 : vector<1x128xf32> to vector<2000x128xf32>
    %add3A_9 = arith.addf %dot_general3A_5, %add3A : vector<2000x128xf32>
    %max3A = arith.constant 0.000000e+00 : f32
    %max3A_10 = vector.broadcast %max3A : f32 to vector<2000x128xf32>
    %max3A_11 = arith.maximumf %add3A_9, %max3A_10 : vector<2000x128xf32>
    %swap3A = arith.constant 0 : index
    %swap3A_12 = arith.constant 0 : index
    %swap3A_13 = vector.load %arg4[%swap3A, %swap3A_12] : memref<2000x128xf32, #tpu.memory_space<vmem>>, vector<2000x128xf32>
    tpu.vector_store %arg4[%swap3A, %swap3A_12], %max3A_11 {strides = array<i32>} : memref<2000x128xf32, #tpu.memory_space<vmem>>, vector<2000x128xf32>,
    return
  }
  func.func @transform_0(%arg0: i32) -> (i32, i32) {
    %c0_i32 = arith.constant 0 : i32
    %c0_i32_0 = arith.constant 0 : i32
    return %arg0, %c0_i32 : i32, i32
  }
  func.func @transform_1(%arg0: i32) -> (i32, i32) {
    %c0_i32 = arith.constant 0 : i32
    %c0_i32_0 = arith.constant 0 : i32
    %c0_i32_1 = arith.constant 0 : i32
    return %c0_i32, %c0_i32_0 : i32, i32
  }
  func.func @transform_2(%arg0: i32) -> (i32, i32) {
    %c0_i32 = arith.constant 0 : i32
    %c0_i32_0 = arith.constant 0 : i32
    %c0_i32_1 = arith.constant 0 : i32
    return %c0_i32, %c0_i32_0 : i32, i32
  }
  func.func @transform_3(%arg0: i32) -> (i32, i32) {
    %c0_i32 = arith.constant 0 : i32
    %c0_i32_0 = arith.constant 0 : i32
    return %arg0, %c0_i32 : i32, i32
  }
}

module attributes {stable_mosaic.version = 14 : i64} {
  func.func @_msg_body(%arg0: i32, %arg1: memref<2x4000x128xf32, #tpu.memory_space<vmem>>, %arg2: memref<4000x16xf32, #tpu.memory_space<vmem>>, %arg3: memref<128x256xbf16, #tpu.memory_space<vmem>>, %arg4: memref<128x256xbf16, #tpu.memory_space<vmem>>, %arg5: memref<64x256xf32, #tpu.memory_space<vmem>>, %arg6: memref<16x64xf32, #tpu.memory_space<vmem>>, %arg7: memref<1x64xf32, #tpu.memory_space<vmem>>, %arg8: memref<1x256xf32, #tpu.memory_space<vmem>>, %arg9: memref<256x128xbf16, #tpu.memory_space<vmem>>, %arg10: memref<1x128xf32, #tpu.memory_space<vmem>>, %arg11: memref<4000x128xf32, #tpu.memory_space<vmem>>) attributes {dimension_semantics = [#tpu.dimension_semantics<arbitrary>], iteration_bounds = array<i64: 40>, scalar_prefetch = 0 : i64, scratch_operands = 0 : i64, tpu.core_type = #tpu.core_type<tc>, window_params = [{transform_indices = @transform_0, window_bounds = array<i64: 2, 4000, 128>}, {transform_indices = @transform_1, window_bounds = array<i64: 4000, 16>}, {pipeline_mode = #tpu.pipeline_mode<synchronous>, transform_indices = @transform_2, window_bounds = array<i64: 128, 256>}, {pipeline_mode = #tpu.pipeline_mode<synchronous>, transform_indices = @transform_3, window_bounds = array<i64: 128, 256>}, {pipeline_mode = #tpu.pipeline_mode<synchronous>, transform_indices = @transform_4, window_bounds = array<i64: 64, 256>}, {pipeline_mode = #tpu.pipeline_mode<synchronous>, transform_indices = @transform_5, window_bounds = array<i64: 16, 64>}, {pipeline_mode = #tpu.pipeline_mode<synchronous>, transform_indices = @transform_6, window_bounds = array<i64: 1, 64>}, {pipeline_mode = #tpu.pipeline_mode<synchronous>, transform_indices = @transform_7, window_bounds = array<i64: 1, 256>}, {pipeline_mode = #tpu.pipeline_mode<synchronous>, transform_indices = @transform_8, window_bounds = array<i64: 256, 128>}, {pipeline_mode = #tpu.pipeline_mode<synchronous>, transform_indices = @transform_9, window_bounds = array<i64: 1, 128>}, {transform_indices = @transform_10, window_bounds = array<i64: 4000, 128>}]} {
    %get3A = arith.constant 0 : index
    %get3A_0 = arith.constant 0 : index
    %get3A_1 = vector.load %arg2[%get3A, %get3A_0] : memref<4000x16xf32, #tpu.memory_space<vmem>>, vector<4000x16xf32>
    %get3A_2 = arith.constant 0 : index
    %get3A_3 = arith.constant 0 : index
    %get3A_4 = vector.load %arg6[%get3A_2, %get3A_3] : memref<16x64xf32, #tpu.memory_space<vmem>>, vector<16x64xf32>
    %dot_general3A = arith.constant dense<0.000000e+00> : vector<4000x64xf32>
    %dot_general3A_5 = tpu.matmul %get3A_1, %get3A_4, %dot_general3A {dimension_numbers = #tpu.dot_dimension_numbers<[1], [0], [0], [1], [0, 0, 1, 1], [], []>, transpose_lhs_hint = false} : vector<4000x16xf32>, vector<16x64xf32>, vector<4000x64xf32> -> vector<4000x64xf32>
    %get3A_6 = arith.constant 0 : index
    %get3A_7 = arith.constant 0 : index
    %get3A_8 = vector.load %arg7[%get3A_6, %get3A_7] : memref<1x64xf32, #tpu.memory_space<vmem>>, vector<1x64xf32>
    %add3A = vector.broadcast %get3A_8 : vector<1x64xf32> to vector<4000x64xf32>
    %add3A_9 = arith.addf %dot_general3A_5, %add3A : vector<4000x64xf32>
    %max3A = arith.constant 0.000000e+00 : f32
    %max3A_10 = vector.broadcast %max3A : f32 to vector<4000x64xf32>
    %max3A_11 = arith.maximumf %add3A_9, %max3A_10 : vector<4000x64xf32>
    %get3A_12 = arith.constant 0 : index
    %get3A_13 = arith.constant 0 : index
    %get3A_14 = arith.constant 0 : index
    %get3A_15 = vector.load %arg1[%get3A_12, %get3A_13, %get3A_14] : memref<2x4000x128xf32, #tpu.memory_space<vmem>>, vector<2x4000x128xf32>
    %convert_element_type3A = arith.truncf %get3A_15 : vector<2x4000x128xf32> to vector<2x4000x128xbf16>
    %slice3A = vector.extract_strided_slice %convert_element_type3A {offsets = [0, 0, 0], sizes = [1, 4000, 128], strides = [1, 1, 1]} : vector<2x4000x128xbf16> to vector<1x4000x128xbf16>
    %squeeze3A = vector.shape_cast %slice3A : vector<1x4000x128xbf16> to vector<4000x128xbf16>
    %get3A_16 = arith.constant 0 : index
    %get3A_17 = arith.constant 0 : index
    %get3A_18 = vector.load %arg3[%get3A_16, %get3A_17] : memref<128x256xbf16, #tpu.memory_space<vmem>>, vector<128x256xbf16>
    %dot_general3A_19 = arith.constant dense<0.000000e+00> : vector<4000x256xf32>
    %dot_general3A_20 = tpu.matmul %squeeze3A, %get3A_18, %dot_general3A_19 {dimension_numbers = #tpu.dot_dimension_numbers<[1], [0], [0], [1], [0, 0, 1, 1], [], []>, transpose_lhs_hint = false} : vector<4000x128xbf16>, vector<128x256xbf16>, vector<4000x256xf32> -> vector<4000x256xf32>
    %slice3A_21 = vector.extract_strided_slice %convert_element_type3A {offsets = [1, 0, 0], sizes = [1, 4000, 128], strides = [1, 1, 1]} : vector<2x4000x128xbf16> to vector<1x4000x128xbf16>
    %squeeze3A_22 = vector.shape_cast %slice3A_21 : vector<1x4000x128xbf16> to vector<4000x128xbf16>
    %get3A_23 = arith.constant 0 : index
    %get3A_24 = arith.constant 0 : index
    %get3A_25 = vector.load %arg4[%get3A_23, %get3A_24] : memref<128x256xbf16, #tpu.memory_space<vmem>>, vector<128x256xbf16>
    %dot_general3A_26 = arith.constant dense<0.000000e+00> : vector<4000x256xf32>
    %dot_general3A_27 = tpu.matmul %squeeze3A_22, %get3A_25, %dot_general3A_26 {dimension_numbers = #tpu.dot_dimension_numbers<[1], [0], [0], [1], [0, 0, 1, 1], [], []>, transpose_lhs_hint = false} : vector<4000x128xbf16>, vector<128x256xbf16>, vector<4000x256xf32> -> vector<4000x256xf32>
    %add3A_28 = arith.addf %dot_general3A_20, %dot_general3A_27 : vector<4000x256xf32>
    %get3A_29 = arith.constant 0 : index
    %get3A_30 = arith.constant 0 : index
    %get3A_31 = vector.load %arg5[%get3A_29, %get3A_30] : memref<64x256xf32, #tpu.memory_space<vmem>>, vector<64x256xf32>
    %dot_general3A_32 = arith.constant dense<0.000000e+00> : vector<4000x256xf32>
    %dot_general3A_33 = tpu.matmul %max3A_11, %get3A_31, %dot_general3A_32 {dimension_numbers = #tpu.dot_dimension_numbers<[1], [0], [0], [1], [0, 0, 1, 1], [], []>, transpose_lhs_hint = false} : vector<4000x64xf32>, vector<64x256xf32>, vector<4000x256xf32> -> vector<4000x256xf32>
    %add3A_34 = arith.addf %add3A_28, %dot_general3A_33 : vector<4000x256xf32>
    %get3A_35 = arith.constant 0 : index
    %get3A_36 = arith.constant 0 : index
    %get3A_37 = vector.load %arg8[%get3A_35, %get3A_36] : memref<1x256xf32, #tpu.memory_space<vmem>>, vector<1x256xf32>
    %add3A_38 = vector.broadcast %get3A_37 : vector<1x256xf32> to vector<4000x256xf32>
    %add3A_39 = arith.addf %add3A_34, %add3A_38 : vector<4000x256xf32>
    %max3A_40 = arith.constant 0.000000e+00 : f32
    %max3A_41 = vector.broadcast %max3A_40 : f32 to vector<4000x256xf32>
    %max3A_42 = arith.maximumf %add3A_39, %max3A_41 : vector<4000x256xf32>
    %convert_element_type3A_43 = arith.truncf %max3A_42 : vector<4000x256xf32> to vector<4000x256xbf16>
    %get3A_44 = arith.constant 0 : index
    %get3A_45 = arith.constant 0 : index
    %get3A_46 = vector.load %arg9[%get3A_44, %get3A_45] : memref<256x128xbf16, #tpu.memory_space<vmem>>, vector<256x128xbf16>
    %dot_general3A_47 = arith.constant dense<0.000000e+00> : vector<4000x128xf32>
    %dot_general3A_48 = tpu.matmul %convert_element_type3A_43, %get3A_46, %dot_general3A_47 {dimension_numbers = #tpu.dot_dimension_numbers<[1], [0], [0], [1], [0, 0, 1, 1], [], []>, transpose_lhs_hint = false} : vector<4000x256xbf16>, vector<256x128xbf16>, vector<4000x128xf32> -> vector<4000x128xf32>
    %get3A_49 = arith.constant 0 : index
    %get3A_50 = arith.constant 0 : index
    %get3A_51 = vector.load %arg10[%get3A_49, %get3A_50] : memref<1x128xf32, #tpu.memory_space<vmem>>, vector<1x128xf32>
    %add3A_52 = vector.broadcast %get3A_51 : vector<1x128xf32> to vector<4000x128xf32>
    %add3A_53 = arith.addf %dot_general3A_48, %add3A_52 : vector<4000x128xf32>
    %swap3A = arith.constant 0 : index
    %swap3A_54 = arith.constant 0 : index
    %swap3A_55 = vector.load %arg11[%swap3A, %swap3A_54] : memref<4000x128xf32, #tpu.memory_space<vmem>>, vector<4000x128xf32>
    tpu.vector_store %arg11[%swap3A, %swap3A_54], %add3A_53 {strides = array<i32>} : memref<4000x128xf32, #tpu.memory_space<vmem>>, vector<4000x128xf32>,
    return
  }
  func.func @transform_0(%arg0: i32) -> (i32, i32, i32) {
    %c0_i32 = arith.constant 0 : i32
    %c0_i32_0 = arith.constant 0 : i32
    %c0_i32_1 = arith.constant 0 : i32
    return %c0_i32, %arg0, %c0_i32_0 : i32, i32, i32
  }
  func.func @transform_1(%arg0: i32) -> (i32, i32) {
    %c0_i32 = arith.constant 0 : i32
    %c0_i32_0 = arith.constant 0 : i32
    return %arg0, %c0_i32 : i32, i32
  }
  func.func @transform_2(%arg0: i32) -> (i32, i32) {
    %c0_i32 = arith.constant 0 : i32
    %c0_i32_0 = arith.constant 0 : i32
    %c0_i32_1 = arith.constant 0 : i32
    return %c0_i32, %c0_i32_0 : i32, i32
  }
  func.func @transform_3(%arg0: i32) -> (i32, i32) {
    %c0_i32 = arith.constant 0 : i32
    %c0_i32_0 = arith.constant 0 : i32
    %c0_i32_1 = arith.constant 0 : i32
    return %c0_i32, %c0_i32_0 : i32, i32
  }
  func.func @transform_4(%arg0: i32) -> (i32, i32) {
    %c0_i32 = arith.constant 0 : i32
    %c0_i32_0 = arith.constant 0 : i32
    %c0_i32_1 = arith.constant 0 : i32
    return %c0_i32, %c0_i32_0 : i32, i32
  }
  func.func @transform_5(%arg0: i32) -> (i32, i32) {
    %c0_i32 = arith.constant 0 : i32
    %c0_i32_0 = arith.constant 0 : i32
    %c0_i32_1 = arith.constant 0 : i32
    return %c0_i32, %c0_i32_0 : i32, i32
  }
  func.func @transform_6(%arg0: i32) -> (i32, i32) {
    %c0_i32 = arith.constant 0 : i32
    %c0_i32_0 = arith.constant 0 : i32
    %c0_i32_1 = arith.constant 0 : i32
    return %c0_i32, %c0_i32_0 : i32, i32
  }
  func.func @transform_7(%arg0: i32) -> (i32, i32) {
    %c0_i32 = arith.constant 0 : i32
    %c0_i32_0 = arith.constant 0 : i32
    %c0_i32_1 = arith.constant 0 : i32
    return %c0_i32, %c0_i32_0 : i32, i32
  }
  func.func @transform_8(%arg0: i32) -> (i32, i32) {
    %c0_i32 = arith.constant 0 : i32
    %c0_i32_0 = arith.constant 0 : i32
    %c0_i32_1 = arith.constant 0 : i32
    return %c0_i32, %c0_i32_0 : i32, i32
  }
  func.func @transform_9(%arg0: i32) -> (i32, i32) {
    %c0_i32 = arith.constant 0 : i32
    %c0_i32_0 = arith.constant 0 : i32
    %c0_i32_1 = arith.constant 0 : i32
    return %c0_i32, %c0_i32_0 : i32, i32
  }
  func.func @transform_10(%arg0: i32) -> (i32, i32) {
    %c0_i32 = arith.constant 0 : i32
    %c0_i32_0 = arith.constant 0 : i32
    return %arg0, %c0_i32 : i32, i32
  }
}

module attributes {stable_mosaic.version = 14 : i64} {
  func.func @_upd_body(%arg0: i32, %arg1: memref<1000x128xf32, #tpu.memory_space<vmem>>, %arg2: memref<2x1000x128xf32, #tpu.memory_space<vmem>>, %arg3: memref<128x256xf32, #tpu.memory_space<vmem>>, %arg4: memref<128x256xf32, #tpu.memory_space<vmem>>, %arg5: memref<128x256xf32, #tpu.memory_space<vmem>>, %arg6: memref<1x256xf32, #tpu.memory_space<vmem>>, %arg7: memref<256x128xf32, #tpu.memory_space<vmem>>, %arg8: memref<1x128xf32, #tpu.memory_space<vmem>>, %arg9: memref<1000x128xf32, #tpu.memory_space<vmem>>) attributes {dimension_semantics = [#tpu.dimension_semantics<arbitrary>], iteration_bounds = array<i64: 10>, scalar_prefetch = 0 : i64, scratch_operands = 0 : i64, tpu.core_type = #tpu.core_type<tc>, window_params = [{transform_indices = @transform_0, window_bounds = array<i64: 1000, 128>}, {transform_indices = @transform_1, window_bounds = array<i64: 2, 1000, 128>}, {pipeline_mode = #tpu.pipeline_mode<synchronous>, transform_indices = @transform_2, window_bounds = array<i64: 128, 256>}, {pipeline_mode = #tpu.pipeline_mode<synchronous>, transform_indices = @transform_3, window_bounds = array<i64: 128, 256>}, {pipeline_mode = #tpu.pipeline_mode<synchronous>, transform_indices = @transform_4, window_bounds = array<i64: 128, 256>}, {pipeline_mode = #tpu.pipeline_mode<synchronous>, transform_indices = @transform_5, window_bounds = array<i64: 1, 256>}, {pipeline_mode = #tpu.pipeline_mode<synchronous>, transform_indices = @transform_6, window_bounds = array<i64: 256, 128>}, {pipeline_mode = #tpu.pipeline_mode<synchronous>, transform_indices = @transform_7, window_bounds = array<i64: 1, 128>}, {transform_indices = @transform_8, window_bounds = array<i64: 1000, 128>}]} {
    %get3A = arith.constant 0 : index
    %get3A_0 = arith.constant 0 : index
    %get3A_1 = vector.load %arg1[%get3A, %get3A_0] : memref<1000x128xf32, #tpu.memory_space<vmem>>, vector<1000x128xf32>
    %get3A_2 = arith.constant 0 : index
    %get3A_3 = arith.constant 0 : index
    %get3A_4 = arith.constant 0 : index
    %get3A_5 = vector.load %arg2[%get3A_2, %get3A_3, %get3A_4] : memref<2x1000x128xf32, #tpu.memory_space<vmem>>, vector<2x1000x128xf32>
    %slice3A = vector.extract_strided_slice %get3A_5 {offsets = [0, 0, 0], sizes = [1, 1000, 128], strides = [1, 1, 1]} : vector<2x1000x128xf32> to vector<1x1000x128xf32>
    %squeeze3A = vector.shape_cast %slice3A : vector<1x1000x128xf32> to vector<1000x128xf32>
    %slice3A_6 = vector.extract_strided_slice %get3A_5 {offsets = [1, 0, 0], sizes = [1, 1000, 128], strides = [1, 1, 1]} : vector<2x1000x128xf32> to vector<1x1000x128xf32>
    %squeeze3A_7 = vector.shape_cast %slice3A_6 : vector<1x1000x128xf32> to vector<1000x128xf32>
    %add3A = arith.addf %squeeze3A, %squeeze3A_7 : vector<1000x128xf32>
    %slice3A_8 = vector.extract_strided_slice %get3A_1 {offsets = [0, 0], sizes = [100, 128], strides = [1, 1]} : vector<1000x128xf32> to vector<100x128xf32>
    %slice3A_9 = vector.extract_strided_slice %get3A_1 {offsets = [100, 0], sizes = [100, 128], strides = [1, 1]} : vector<1000x128xf32> to vector<100x128xf32>
    %dot_general3A = arith.constant dense<0.000000e+00> : vector<100x100xf32>
    %dot_general3A_10 = tpu.matmul %slice3A_8, %slice3A_9, %dot_general3A {dimension_numbers = #tpu.dot_dimension_numbers<[1], [1], [0], [0], [0, 0, 1, 0], [], []>, transpose_lhs_hint = false} : vector<100x128xf32>, vector<100x128xf32>, vector<100x100xf32> -> vector<100x100xf32>
    %dot_general3A_11 = arith.constant dense<0.000000e+00> : vector<100x100xf32>
    %dot_general3A_12 = tpu.matmul %slice3A_9, %slice3A_8, %dot_general3A_11 {dimension_numbers = #tpu.dot_dimension_numbers<[1], [1], [0], [0], [0, 0, 1, 0], [], []>, transpose_lhs_hint = false} : vector<100x128xf32>, vector<100x128xf32>, vector<100x100xf32> -> vector<100x100xf32>
    %reduce_max3A = arith.constant dense<0xFF800000> : vector<100xf32>
    %reduce_max3A_13 = vector.multi_reduction <maximumf>, %dot_general3A_10, %reduce_max3A [1] : vector<100x100xf32> to vector<100xf32>
    %broadcast_in_dim3A = vector.shape_cast %reduce_max3A_13 : vector<100xf32> to vector<100x1xf32>
    %sub3A = vector.broadcast %broadcast_in_dim3A : vector<100x1xf32> to vector<100x100xf32>
    %sub3A_14 = arith.subf %dot_general3A_10, %sub3A : vector<100x100xf32>
    %exp3A = math.exp %sub3A_14 : vector<100x100xf32>
    %reduce_sum3A = arith.constant dense<0.000000e+00> : vector<100xf32>
    %reduce_sum3A_15 = vector.multi_reduction <add>, %exp3A, %reduce_sum3A [1] : vector<100x100xf32> to vector<100xf32>
    %broadcast_in_dim3A_16 = vector.shape_cast %reduce_sum3A_15 : vector<100xf32> to vector<100x1xf32>
    %div3A = vector.broadcast %broadcast_in_dim3A_16 : vector<100x1xf32> to vector<100x100xf32>
    %div3A_17 = arith.divf %exp3A, %div3A : vector<100x100xf32>
    %dot_general3A_18 = arith.constant dense<0.000000e+00> : vector<100x128xf32>
    %dot_general3A_19 = tpu.matmul %div3A_17, %slice3A_9, %dot_general3A_18 {dimension_numbers = #tpu.dot_dimension_numbers<[1], [0], [0], [1], [0, 0, 1, 1], [], []>, transpose_lhs_hint = false} : vector<100x100xf32>, vector<100x128xf32>, vector<100x128xf32> -> vector<100x128xf32>
    %reduce_max3A_20 = arith.constant dense<0xFF800000> : vector<100xf32>
    %reduce_max3A_21 = vector.multi_reduction <maximumf>, %dot_general3A_12, %reduce_max3A_20 [1] : vector<100x100xf32> to vector<100xf32>
    %broadcast_in_dim3A_22 = vector.shape_cast %reduce_max3A_21 : vector<100xf32> to vector<100x1xf32>
    %sub3A_23 = vector.broadcast %broadcast_in_dim3A_22 : vector<100x1xf32> to vector<100x100xf32>
    %sub3A_24 = arith.subf %dot_general3A_12, %sub3A_23 : vector<100x100xf32>
    %exp3A_25 = math.exp %sub3A_24 : vector<100x100xf32>
    %reduce_sum3A_26 = arith.constant dense<0.000000e+00> : vector<100xf32>
    %reduce_sum3A_27 = vector.multi_reduction <add>, %exp3A_25, %reduce_sum3A_26 [1] : vector<100x100xf32> to vector<100xf32>
    %broadcast_in_dim3A_28 = vector.shape_cast %reduce_sum3A_27 : vector<100xf32> to vector<100x1xf32>
    %div3A_29 = vector.broadcast %broadcast_in_dim3A_28 : vector<100x1xf32> to vector<100x100xf32>
    %div3A_30 = arith.divf %exp3A_25, %div3A_29 : vector<100x100xf32>
    %dot_general3A_31 = arith.constant dense<0.000000e+00> : vector<100x128xf32>
    %dot_general3A_32 = tpu.matmul %div3A_30, %slice3A_8, %dot_general3A_31 {dimension_numbers = #tpu.dot_dimension_numbers<[1], [0], [0], [1], [0, 0, 1, 1], [], []>, transpose_lhs_hint = false} : vector<100x100xf32>, vector<100x128xf32>, vector<100x128xf32> -> vector<100x128xf32>
    %sub3A_33 = arith.subf %slice3A_8, %dot_general3A_19 : vector<100x128xf32>
    %sub3A_34 = arith.subf %slice3A_9, %dot_general3A_32 : vector<100x128xf32>
    %slice3A_35 = vector.extract_strided_slice %get3A_1 {offsets = [200, 0], sizes = [100, 128], strides = [1, 1]} : vector<1000x128xf32> to vector<100x128xf32>
    %slice3A_36 = vector.extract_strided_slice %get3A_1 {offsets = [300, 0], sizes = [100, 128], strides = [1, 1]} : vector<1000x128xf32> to vector<100x128xf32>
    %dot_general3A_37 = arith.constant dense<0.000000e+00> : vector<100x100xf32>
    %dot_general3A_38 = tpu.matmul %slice3A_35, %slice3A_36, %dot_general3A_37 {dimension_numbers = #tpu.dot_dimension_numbers<[1], [1], [0], [0], [0, 0, 1, 0], [], []>, transpose_lhs_hint = false} : vector<100x128xf32>, vector<100x128xf32>, vector<100x100xf32> -> vector<100x100xf32>
    %dot_general3A_39 = arith.constant dense<0.000000e+00> : vector<100x100xf32>
    %dot_general3A_40 = tpu.matmul %slice3A_36, %slice3A_35, %dot_general3A_39 {dimension_numbers = #tpu.dot_dimension_numbers<[1], [1], [0], [0], [0, 0, 1, 0], [], []>, transpose_lhs_hint = false} : vector<100x128xf32>, vector<100x128xf32>, vector<100x100xf32> -> vector<100x100xf32>
    %reduce_max3A_41 = arith.constant dense<0xFF800000> : vector<100xf32>
    %reduce_max3A_42 = vector.multi_reduction <maximumf>, %dot_general3A_38, %reduce_max3A_41 [1] : vector<100x100xf32> to vector<100xf32>
    %broadcast_in_dim3A_43 = vector.shape_cast %reduce_max3A_42 : vector<100xf32> to vector<100x1xf32>
    %sub3A_44 = vector.broadcast %broadcast_in_dim3A_43 : vector<100x1xf32> to vector<100x100xf32>
    %sub3A_45 = arith.subf %dot_general3A_38, %sub3A_44 : vector<100x100xf32>
    %exp3A_46 = math.exp %sub3A_45 : vector<100x100xf32>
    %reduce_sum3A_47 = arith.constant dense<0.000000e+00> : vector<100xf32>
    %reduce_sum3A_48 = vector.multi_reduction <add>, %exp3A_46, %reduce_sum3A_47 [1] : vector<100x100xf32> to vector<100xf32>
    %broadcast_in_dim3A_49 = vector.shape_cast %reduce_sum3A_48 : vector<100xf32> to vector<100x1xf32>
    %div3A_50 = vector.broadcast %broadcast_in_dim3A_49 : vector<100x1xf32> to vector<100x100xf32>
    %div3A_51 = arith.divf %exp3A_46, %div3A_50 : vector<100x100xf32>
    %dot_general3A_52 = arith.constant dense<0.000000e+00> : vector<100x128xf32>
    %dot_general3A_53 = tpu.matmul %div3A_51, %slice3A_36, %dot_general3A_52 {dimension_numbers = #tpu.dot_dimension_numbers<[1], [0], [0], [1], [0, 0, 1, 1], [], []>, transpose_lhs_hint = false} : vector<100x100xf32>, vector<100x128xf32>, vector<100x128xf32> -> vector<100x128xf32>
    %reduce_max3A_54 = arith.constant dense<0xFF800000> : vector<100xf32>
    %reduce_max3A_55 = vector.multi_reduction <maximumf>, %dot_general3A_40, %reduce_max3A_54 [1] : vector<100x100xf32> to vector<100xf32>
    %broadcast_in_dim3A_56 = vector.shape_cast %reduce_max3A_55 : vector<100xf32> to vector<100x1xf32>
    %sub3A_57 = vector.broadcast %broadcast_in_dim3A_56 : vector<100x1xf32> to vector<100x100xf32>
    %sub3A_58 = arith.subf %dot_general3A_40, %sub3A_57 : vector<100x100xf32>
    %exp3A_59 = math.exp %sub3A_58 : vector<100x100xf32>
    %reduce_sum3A_60 = arith.constant dense<0.000000e+00> : vector<100xf32>
    %reduce_sum3A_61 = vector.multi_reduction <add>, %exp3A_59, %reduce_sum3A_60 [1] : vector<100x100xf32> to vector<100xf32>
    %broadcast_in_dim3A_62 = vector.shape_cast %reduce_sum3A_61 : vector<100xf32> to vector<100x1xf32>
    %div3A_63 = vector.broadcast %broadcast_in_dim3A_62 : vector<100x1xf32> to vector<100x100xf32>
    %div3A_64 = arith.divf %exp3A_59, %div3A_63 : vector<100x100xf32>
    %dot_general3A_65 = arith.constant dense<0.000000e+00> : vector<100x128xf32>
    %dot_general3A_66 = tpu.matmul %div3A_64, %slice3A_35, %dot_general3A_65 {dimension_numbers = #tpu.dot_dimension_numbers<[1], [0], [0], [1], [0, 0, 1, 1], [], []>, transpose_lhs_hint = false} : vector<100x100xf32>, vector<100x128xf32>, vector<100x128xf32> -> vector<100x128xf32>
    %sub3A_67 = arith.subf %slice3A_35, %dot_general3A_53 : vector<100x128xf32>
    %sub3A_68 = arith.subf %slice3A_36, %dot_general3A_66 : vector<100x128xf32>
    %slice3A_69 = vector.extract_strided_slice %get3A_1 {offsets = [400, 0], sizes = [100, 128], strides = [1, 1]} : vector<1000x128xf32> to vector<100x128xf32>
    %slice3A_70 = vector.extract_strided_slice %get3A_1 {offsets = [500, 0], sizes = [100, 128], strides = [1, 1]} : vector<1000x128xf32> to vector<100x128xf32>
    %dot_general3A_71 = arith.constant dense<0.000000e+00> : vector<100x100xf32>
    %dot_general3A_72 = tpu.matmul %slice3A_69, %slice3A_70, %dot_general3A_71 {dimension_numbers = #tpu.dot_dimension_numbers<[1], [1], [0], [0], [0, 0, 1, 0], [], []>, transpose_lhs_hint = false} : vector<100x128xf32>, vector<100x128xf32>, vector<100x100xf32> -> vector<100x100xf32>
    %dot_general3A_73 = arith.constant dense<0.000000e+00> : vector<100x100xf32>
    %dot_general3A_74 = tpu.matmul %slice3A_70, %slice3A_69, %dot_general3A_73 {dimension_numbers = #tpu.dot_dimension_numbers<[1], [1], [0], [0], [0, 0, 1, 0], [], []>, transpose_lhs_hint = false} : vector<100x128xf32>, vector<100x128xf32>, vector<100x100xf32> -> vector<100x100xf32>
    %reduce_max3A_75 = arith.constant dense<0xFF800000> : vector<100xf32>
    %reduce_max3A_76 = vector.multi_reduction <maximumf>, %dot_general3A_72, %reduce_max3A_75 [1] : vector<100x100xf32> to vector<100xf32>
    %broadcast_in_dim3A_77 = vector.shape_cast %reduce_max3A_76 : vector<100xf32> to vector<100x1xf32>
    %sub3A_78 = vector.broadcast %broadcast_in_dim3A_77 : vector<100x1xf32> to vector<100x100xf32>
    %sub3A_79 = arith.subf %dot_general3A_72, %sub3A_78 : vector<100x100xf32>
    %exp3A_80 = math.exp %sub3A_79 : vector<100x100xf32>
    %reduce_sum3A_81 = arith.constant dense<0.000000e+00> : vector<100xf32>
    %reduce_sum3A_82 = vector.multi_reduction <add>, %exp3A_80, %reduce_sum3A_81 [1] : vector<100x100xf32> to vector<100xf32>
    %broadcast_in_dim3A_83 = vector.shape_cast %reduce_sum3A_82 : vector<100xf32> to vector<100x1xf32>
    %div3A_84 = vector.broadcast %broadcast_in_dim3A_83 : vector<100x1xf32> to vector<100x100xf32>
    %div3A_85 = arith.divf %exp3A_80, %div3A_84 : vector<100x100xf32>
    %dot_general3A_86 = arith.constant dense<0.000000e+00> : vector<100x128xf32>
    %dot_general3A_87 = tpu.matmul %div3A_85, %slice3A_70, %dot_general3A_86 {dimension_numbers = #tpu.dot_dimension_numbers<[1], [0], [0], [1], [0, 0, 1, 1], [], []>, transpose_lhs_hint = false} : vector<100x100xf32>, vector<100x128xf32>, vector<100x128xf32> -> vector<100x128xf32>
    %reduce_max3A_88 = arith.constant dense<0xFF800000> : vector<100xf32>
    %reduce_max3A_89 = vector.multi_reduction <maximumf>, %dot_general3A_74, %reduce_max3A_88 [1] : vector<100x100xf32> to vector<100xf32>
    %broadcast_in_dim3A_90 = vector.shape_cast %reduce_max3A_89 : vector<100xf32> to vector<100x1xf32>
    %sub3A_91 = vector.broadcast %broadcast_in_dim3A_90 : vector<100x1xf32> to vector<100x100xf32>
    %sub3A_92 = arith.subf %dot_general3A_74, %sub3A_91 : vector<100x100xf32>
    %exp3A_93 = math.exp %sub3A_92 : vector<100x100xf32>
    %reduce_sum3A_94 = arith.constant dense<0.000000e+00> : vector<100xf32>
    %reduce_sum3A_95 = vector.multi_reduction <add>, %exp3A_93, %reduce_sum3A_94 [1] : vector<100x100xf32> to vector<100xf32>
    %broadcast_in_dim3A_96 = vector.shape_cast %reduce_sum3A_95 : vector<100xf32> to vector<100x1xf32>
    %div3A_97 = vector.broadcast %broadcast_in_dim3A_96 : vector<100x1xf32> to vector<100x100xf32>
    %div3A_98 = arith.divf %exp3A_93, %div3A_97 : vector<100x100xf32>
    %dot_general3A_99 = arith.constant dense<0.000000e+00> : vector<100x128xf32>
    %dot_general3A_100 = tpu.matmul %div3A_98, %slice3A_69, %dot_general3A_99 {dimension_numbers = #tpu.dot_dimension_numbers<[1], [0], [0], [1], [0, 0, 1, 1], [], []>, transpose_lhs_hint = false} : vector<100x100xf32>, vector<100x128xf32>, vector<100x128xf32> -> vector<100x128xf32>
    %sub3A_101 = arith.subf %slice3A_69, %dot_general3A_87 : vector<100x128xf32>
    %sub3A_102 = arith.subf %slice3A_70, %dot_general3A_100 : vector<100x128xf32>
    %slice3A_103 = vector.extract_strided_slice %get3A_1 {offsets = [600, 0], sizes = [100, 128], strides = [1, 1]} : vector<1000x128xf32> to vector<100x128xf32>
    %slice3A_104 = vector.extract_strided_slice %get3A_1 {offsets = [700, 0], sizes = [100, 128], strides = [1, 1]} : vector<1000x128xf32> to vector<100x128xf32>
    %dot_general3A_105 = arith.constant dense<0.000000e+00> : vector<100x100xf32>
    %dot_general3A_106 = tpu.matmul %slice3A_103, %slice3A_104, %dot_general3A_105 {dimension_numbers = #tpu.dot_dimension_numbers<[1], [1], [0], [0], [0, 0, 1, 0], [], []>, transpose_lhs_hint = false} : vector<100x128xf32>, vector<100x128xf32>, vector<100x100xf32> -> vector<100x100xf32>
    %dot_general3A_107 = arith.constant dense<0.000000e+00> : vector<100x100xf32>
    %dot_general3A_108 = tpu.matmul %slice3A_104, %slice3A_103, %dot_general3A_107 {dimension_numbers = #tpu.dot_dimension_numbers<[1], [1], [0], [0], [0, 0, 1, 0], [], []>, transpose_lhs_hint = false} : vector<100x128xf32>, vector<100x128xf32>, vector<100x100xf32> -> vector<100x100xf32>
    %reduce_max3A_109 = arith.constant dense<0xFF800000> : vector<100xf32>
    %reduce_max3A_110 = vector.multi_reduction <maximumf>, %dot_general3A_106, %reduce_max3A_109 [1] : vector<100x100xf32> to vector<100xf32>
    %broadcast_in_dim3A_111 = vector.shape_cast %reduce_max3A_110 : vector<100xf32> to vector<100x1xf32>
    %sub3A_112 = vector.broadcast %broadcast_in_dim3A_111 : vector<100x1xf32> to vector<100x100xf32>
    %sub3A_113 = arith.subf %dot_general3A_106, %sub3A_112 : vector<100x100xf32>
    %exp3A_114 = math.exp %sub3A_113 : vector<100x100xf32>
    %reduce_sum3A_115 = arith.constant dense<0.000000e+00> : vector<100xf32>
    %reduce_sum3A_116 = vector.multi_reduction <add>, %exp3A_114, %reduce_sum3A_115 [1] : vector<100x100xf32> to vector<100xf32>
    %broadcast_in_dim3A_117 = vector.shape_cast %reduce_sum3A_116 : vector<100xf32> to vector<100x1xf32>
    %div3A_118 = vector.broadcast %broadcast_in_dim3A_117 : vector<100x1xf32> to vector<100x100xf32>
    %div3A_119 = arith.divf %exp3A_114, %div3A_118 : vector<100x100xf32>
    %dot_general3A_120 = arith.constant dense<0.000000e+00> : vector<100x128xf32>
    %dot_general3A_121 = tpu.matmul %div3A_119, %slice3A_104, %dot_general3A_120 {dimension_numbers = #tpu.dot_dimension_numbers<[1], [0], [0], [1], [0, 0, 1, 1], [], []>, transpose_lhs_hint = false} : vector<100x100xf32>, vector<100x128xf32>, vector<100x128xf32> -> vector<100x128xf32>
    %reduce_max3A_122 = arith.constant dense<0xFF800000> : vector<100xf32>
    %reduce_max3A_123 = vector.multi_reduction <maximumf>, %dot_general3A_108, %reduce_max3A_122 [1] : vector<100x100xf32> to vector<100xf32>
    %broadcast_in_dim3A_124 = vector.shape_cast %reduce_max3A_123 : vector<100xf32> to vector<100x1xf32>
    %sub3A_125 = vector.broadcast %broadcast_in_dim3A_124 : vector<100x1xf32> to vector<100x100xf32>
    %sub3A_126 = arith.subf %dot_general3A_108, %sub3A_125 : vector<100x100xf32>
    %exp3A_127 = math.exp %sub3A_126 : vector<100x100xf32>
    %reduce_sum3A_128 = arith.constant dense<0.000000e+00> : vector<100xf32>
    %reduce_sum3A_129 = vector.multi_reduction <add>, %exp3A_127, %reduce_sum3A_128 [1] : vector<100x100xf32> to vector<100xf32>
    %broadcast_in_dim3A_130 = vector.shape_cast %reduce_sum3A_129 : vector<100xf32> to vector<100x1xf32>
    %div3A_131 = vector.broadcast %broadcast_in_dim3A_130 : vector<100x1xf32> to vector<100x100xf32>
    %div3A_132 = arith.divf %exp3A_127, %div3A_131 : vector<100x100xf32>
    %dot_general3A_133 = arith.constant dense<0.000000e+00> : vector<100x128xf32>
    %dot_general3A_134 = tpu.matmul %div3A_132, %slice3A_103, %dot_general3A_133 {dimension_numbers = #tpu.dot_dimension_numbers<[1], [0], [0], [1], [0, 0, 1, 1], [], []>, transpose_lhs_hint = false} : vector<100x100xf32>, vector<100x128xf32>, vector<100x128xf32> -> vector<100x128xf32>
    %sub3A_135 = arith.subf %slice3A_103, %dot_general3A_121 : vector<100x128xf32>
    %sub3A_136 = arith.subf %slice3A_104, %dot_general3A_134 : vector<100x128xf32>
    %slice3A_137 = vector.extract_strided_slice %get3A_1 {offsets = [800, 0], sizes = [100, 128], strides = [1, 1]} : vector<1000x128xf32> to vector<100x128xf32>
    %slice3A_138 = vector.extract_strided_slice %get3A_1 {offsets = [900, 0], sizes = [100, 128], strides = [1, 1]} : vector<1000x128xf32> to vector<100x128xf32>
    %dot_general3A_139 = arith.constant dense<0.000000e+00> : vector<100x100xf32>
    %dot_general3A_140 = tpu.matmul %slice3A_137, %slice3A_138, %dot_general3A_139 {dimension_numbers = #tpu.dot_dimension_numbers<[1], [1], [0], [0], [0, 0, 1, 0], [], []>, transpose_lhs_hint = false} : vector<100x128xf32>, vector<100x128xf32>, vector<100x100xf32> -> vector<100x100xf32>
    %dot_general3A_141 = arith.constant dense<0.000000e+00> : vector<100x100xf32>
    %dot_general3A_142 = tpu.matmul %slice3A_138, %slice3A_137, %dot_general3A_141 {dimension_numbers = #tpu.dot_dimension_numbers<[1], [1], [0], [0], [0, 0, 1, 0], [], []>, transpose_lhs_hint = false} : vector<100x128xf32>, vector<100x128xf32>, vector<100x100xf32> -> vector<100x100xf32>
    %reduce_max3A_143 = arith.constant dense<0xFF800000> : vector<100xf32>
    %reduce_max3A_144 = vector.multi_reduction <maximumf>, %dot_general3A_140, %reduce_max3A_143 [1] : vector<100x100xf32> to vector<100xf32>
    %broadcast_in_dim3A_145 = vector.shape_cast %reduce_max3A_144 : vector<100xf32> to vector<100x1xf32>
    %sub3A_146 = vector.broadcast %broadcast_in_dim3A_145 : vector<100x1xf32> to vector<100x100xf32>
    %sub3A_147 = arith.subf %dot_general3A_140, %sub3A_146 : vector<100x100xf32>
    %exp3A_148 = math.exp %sub3A_147 : vector<100x100xf32>
    %reduce_sum3A_149 = arith.constant dense<0.000000e+00> : vector<100xf32>
    %reduce_sum3A_150 = vector.multi_reduction <add>, %exp3A_148, %reduce_sum3A_149 [1] : vector<100x100xf32> to vector<100xf32>
    %broadcast_in_dim3A_151 = vector.shape_cast %reduce_sum3A_150 : vector<100xf32> to vector<100x1xf32>
    %div3A_152 = vector.broadcast %broadcast_in_dim3A_151 : vector<100x1xf32> to vector<100x100xf32>
    %div3A_153 = arith.divf %exp3A_148, %div3A_152 : vector<100x100xf32>
    %dot_general3A_154 = arith.constant dense<0.000000e+00> : vector<100x128xf32>
    %dot_general3A_155 = tpu.matmul %div3A_153, %slice3A_138, %dot_general3A_154 {dimension_numbers = #tpu.dot_dimension_numbers<[1], [0], [0], [1], [0, 0, 1, 1], [], []>, transpose_lhs_hint = false} : vector<100x100xf32>, vector<100x128xf32>, vector<100x128xf32> -> vector<100x128xf32>
    %reduce_max3A_156 = arith.constant dense<0xFF800000> : vector<100xf32>
    %reduce_max3A_157 = vector.multi_reduction <maximumf>, %dot_general3A_142, %reduce_max3A_156 [1] : vector<100x100xf32> to vector<100xf32>
    %broadcast_in_dim3A_158 = vector.shape_cast %reduce_max3A_157 : vector<100xf32> to vector<100x1xf32>
    %sub3A_159 = vector.broadcast %broadcast_in_dim3A_158 : vector<100x1xf32> to vector<100x100xf32>
    %sub3A_160 = arith.subf %dot_general3A_142, %sub3A_159 : vector<100x100xf32>
    %exp3A_161 = math.exp %sub3A_160 : vector<100x100xf32>
    %reduce_sum3A_162 = arith.constant dense<0.000000e+00> : vector<100xf32>
    %reduce_sum3A_163 = vector.multi_reduction <add>, %exp3A_161, %reduce_sum3A_162 [1] : vector<100x100xf32> to vector<100xf32>
    %broadcast_in_dim3A_164 = vector.shape_cast %reduce_sum3A_163 : vector<100xf32> to vector<100x1xf32>
    %div3A_165 = vector.broadcast %broadcast_in_dim3A_164 : vector<100x1xf32> to vector<100x100xf32>
    %div3A_166 = arith.divf %exp3A_161, %div3A_165 : vector<100x100xf32>
    %dot_general3A_167 = arith.constant dense<0.000000e+00> : vector<100x128xf32>
    %dot_general3A_168 = tpu.matmul %div3A_166, %slice3A_137, %dot_general3A_167 {dimension_numbers = #tpu.dot_dimension_numbers<[1], [0], [0], [1], [0, 0, 1, 1], [], []>, transpose_lhs_hint = false} : vector<100x100xf32>, vector<100x128xf32>, vector<100x128xf32> -> vector<100x128xf32>
    %sub3A_169 = arith.subf %slice3A_137, %dot_general3A_155 : vector<100x128xf32>
    %sub3A_170 = arith.subf %slice3A_138, %dot_general3A_168 : vector<100x128xf32>
    %concatenate3A = tpu.concatenate %sub3A_33, %sub3A_34, %sub3A_67, %sub3A_68, %sub3A_101, %sub3A_102, %sub3A_135, %sub3A_136, %sub3A_169, %sub3A_170 in 0 : vector<100x128xf32>, vector<100x128xf32>, vector<100x128xf32>, vector<100x128xf32>, vector<100x128xf32>, vector<100x128xf32>, vector<100x128xf32>, vector<100x128xf32>, vector<100x128xf32>, vector<100x128xf32> -> vector<1000x128xf32>
    %get3A_171 = arith.constant 0 : index
    %get3A_172 = arith.constant 0 : index
    %get3A_173 = vector.load %arg3[%get3A_171, %get3A_172] : memref<128x256xf32, #tpu.memory_space<vmem>>, vector<128x256xf32>
    %dot_general3A_174 = arith.constant dense<0.000000e+00> : vector<1000x256xf32>
    %dot_general3A_175 = tpu.matmul %get3A_1, %get3A_173, %dot_general3A_174 {dimension_numbers = #tpu.dot_dimension_numbers<[1], [0], [0], [1], [0, 0, 1, 1], [], []>, transpose_lhs_hint = false} : vector<1000x128xf32>, vector<128x256xf32>, vector<1000x256xf32> -> vector<1000x256xf32>
    %get3A_176 = arith.constant 0 : index
    %get3A_177 = arith.constant 0 : index
    %get3A_178 = vector.load %arg4[%get3A_176, %get3A_177] : memref<128x256xf32, #tpu.memory_space<vmem>>, vector<128x256xf32>
    %dot_general3A_179 = arith.constant dense<0.000000e+00> : vector<1000x256xf32>
    %dot_general3A_180 = tpu.matmul %add3A, %get3A_178, %dot_general3A_179 {dimension_numbers = #tpu.dot_dimension_numbers<[1], [0], [0], [1], [0, 0, 1, 1], [], []>, transpose_lhs_hint = false} : vector<1000x128xf32>, vector<128x256xf32>, vector<1000x256xf32> -> vector<1000x256xf32>
    %add3A_181 = arith.addf %dot_general3A_175, %dot_general3A_180 : vector<1000x256xf32>
    %get3A_182 = arith.constant 0 : index
    %get3A_183 = arith.constant 0 : index
    %get3A_184 = vector.load %arg5[%get3A_182, %get3A_183] : memref<128x256xf32, #tpu.memory_space<vmem>>, vector<128x256xf32>
    %dot_general3A_185 = arith.constant dense<0.000000e+00> : vector<1000x256xf32>
    %dot_general3A_186 = tpu.matmul %concatenate3A, %get3A_184, %dot_general3A_185 {dimension_numbers = #tpu.dot_dimension_numbers<[1], [0], [0], [1], [0, 0, 1, 1], [], []>, transpose_lhs_hint = false} : vector<1000x128xf32>, vector<128x256xf32>, vector<1000x256xf32> -> vector<1000x256xf32>
    %add3A_187 = arith.addf %add3A_181, %dot_general3A_186 : vector<1000x256xf32>
    %get3A_188 = arith.constant 0 : index
    %get3A_189 = arith.constant 0 : index
    %get3A_190 = vector.load %arg6[%get3A_188, %get3A_189] : memref<1x256xf32, #tpu.memory_space<vmem>>, vector<1x256xf32>
    %add3A_191 = vector.broadcast %get3A_190 : vector<1x256xf32> to vector<1000x256xf32>
    %add3A_192 = arith.addf %add3A_187, %add3A_191 : vector<1000x256xf32>
    %max3A = arith.constant 0.000000e+00 : f32
    %max3A_193 = vector.broadcast %max3A : f32 to vector<1000x256xf32>
    %max3A_194 = arith.maximumf %add3A_192, %max3A_193 : vector<1000x256xf32>
    %get3A_195 = arith.constant 0 : index
    %get3A_196 = arith.constant 0 : index
    %get3A_197 = vector.load %arg7[%get3A_195, %get3A_196] : memref<256x128xf32, #tpu.memory_space<vmem>>, vector<256x128xf32>
    %dot_general3A_198 = arith.constant dense<0.000000e+00> : vector<1000x128xf32>
    %dot_general3A_199 = tpu.matmul %max3A_194, %get3A_197, %dot_general3A_198 {dimension_numbers = #tpu.dot_dimension_numbers<[1], [0], [0], [1], [0, 0, 1, 1], [], []>, transpose_lhs_hint = false} : vector<1000x256xf32>, vector<256x128xf32>, vector<1000x128xf32> -> vector<1000x128xf32>
    %get3A_200 = arith.constant 0 : index
    %get3A_201 = arith.constant 0 : index
    %get3A_202 = vector.load %arg8[%get3A_200, %get3A_201] : memref<1x128xf32, #tpu.memory_space<vmem>>, vector<1x128xf32>
    %add3A_203 = vector.broadcast %get3A_202 : vector<1x128xf32> to vector<1000x128xf32>
    %add3A_204 = arith.addf %dot_general3A_199, %add3A_203 : vector<1000x128xf32>
    %swap3A = arith.constant 0 : index
    %swap3A_205 = arith.constant 0 : index
    %swap3A_206 = vector.load %arg9[%swap3A, %swap3A_205] : memref<1000x128xf32, #tpu.memory_space<vmem>>, vector<1000x128xf32>
    tpu.vector_store %arg9[%swap3A, %swap3A_205], %add3A_204 {strides = array<i32>} : memref<1000x128xf32, #tpu.memory_space<vmem>>, vector<1000x128xf32>,
    return
  }
  func.func @transform_0(%arg0: i32) -> (i32, i32) {
    %c0_i32 = arith.constant 0 : i32
    %c0_i32_0 = arith.constant 0 : i32
    return %arg0, %c0_i32 : i32, i32
  }
  func.func @transform_1(%arg0: i32) -> (i32, i32, i32) {
    %c0_i32 = arith.constant 0 : i32
    %c0_i32_0 = arith.constant 0 : i32
    %c0_i32_1 = arith.constant 0 : i32
    return %c0_i32, %arg0, %c0_i32_0 : i32, i32, i32
  }
  func.func @transform_2(%arg0: i32) -> (i32, i32) {
    %c0_i32 = arith.constant 0 : i32
    %c0_i32_0 = arith.constant 0 : i32
    %c0_i32_1 = arith.constant 0 : i32
    return %c0_i32, %c0_i32_0 : i32, i32
  }
  func.func @transform_3(%arg0: i32) -> (i32, i32) {
    %c0_i32 = arith.constant 0 : i32
    %c0_i32_0 = arith.constant 0 : i32
    %c0_i32_1 = arith.constant 0 : i32
    return %c0_i32, %c0_i32_0 : i32, i32
  }
  func.func @transform_4(%arg0: i32) -> (i32, i32) {
    %c0_i32 = arith.constant 0 : i32
    %c0_i32_0 = arith.constant 0 : i32
    %c0_i32_1 = arith.constant 0 : i32
    return %c0_i32, %c0_i32_0 : i32, i32
  }
  func.func @transform_5(%arg0: i32) -> (i32, i32) {
    %c0_i32 = arith.constant 0 : i32
    %c0_i32_0 = arith.constant 0 : i32
    %c0_i32_1 = arith.constant 0 : i32
    return %c0_i32, %c0_i32_0 : i32, i32
  }
  func.func @transform_6(%arg0: i32) -> (i32, i32) {
    %c0_i32 = arith.constant 0 : i32
    %c0_i32_0 = arith.constant 0 : i32
    %c0_i32_1 = arith.constant 0 : i32
    return %c0_i32, %c0_i32_0 : i32, i32
  }
  func.func @transform_7(%arg0: i32) -> (i32, i32) {
    %c0_i32 = arith.constant 0 : i32
    %c0_i32_0 = arith.constant 0 : i32
    %c0_i32_1 = arith.constant 0 : i32
    return %c0_i32, %c0_i32_0 : i32, i32
  }
  func.func @transform_8(%arg0: i32) -> (i32, i32) {
    %c0_i32 = arith.constant 0 : i32
    %c0_i32_0 = arith.constant 0 : i32
    return %arg0, %c0_i32 : i32, i32
  }
}

module attributes {stable_mosaic.version = 14 : i64} {
  func.func @_pool_body(%arg0: i32, %arg1: memref<1000x128xf32, #tpu.memory_space<vmem>>, %arg2: memref<128x256xf32, #tpu.memory_space<vmem>>, %arg3: memref<1x256xf32, #tpu.memory_space<vmem>>, %arg4: memref<128x128xf32, #tpu.memory_space<vmem>>, %arg5: memref<1x128xf32, #tpu.memory_space<vmem>>, %arg6: memref<5x1x128xf32, #tpu.memory_space<vmem>>) attributes {dimension_semantics = [#tpu.dimension_semantics<arbitrary>], iteration_bounds = array<i64: 10>, scalar_prefetch = 0 : i64, scratch_operands = 0 : i64, tpu.core_type = #tpu.core_type<tc>, window_params = [{transform_indices = @transform_0, window_bounds = array<i64: 1000, 128>}, {pipeline_mode = #tpu.pipeline_mode<synchronous>, transform_indices = @transform_1, window_bounds = array<i64: 128, 256>}, {pipeline_mode = #tpu.pipeline_mode<synchronous>, transform_indices = @transform_2, window_bounds = array<i64: 1, 256>}, {pipeline_mode = #tpu.pipeline_mode<synchronous>, transform_indices = @transform_3, window_bounds = array<i64: 128, 128>}, {pipeline_mode = #tpu.pipeline_mode<synchronous>, transform_indices = @transform_4, window_bounds = array<i64: 1, 128>}, {transform_indices = @transform_5, window_bounds = array<i64: 5, 1, 128>}]} {
    %get3A = arith.constant 0 : index
    %get3A_0 = arith.constant 0 : index
    %get3A_1 = vector.load %arg1[%get3A, %get3A_0] : memref<1000x128xf32, #tpu.memory_space<vmem>>, vector<1000x128xf32>
    %get3A_2 = arith.constant 0 : index
    %get3A_3 = arith.constant 0 : index
    %get3A_4 = vector.load %arg2[%get3A_2, %get3A_3] : memref<128x256xf32, #tpu.memory_space<vmem>>, vector<128x256xf32>
    %dot_general3A = arith.constant dense<0.000000e+00> : vector<1000x256xf32>
    %dot_general3A_5 = tpu.matmul %get3A_1, %get3A_4, %dot_general3A {dimension_numbers = #tpu.dot_dimension_numbers<[1], [0], [0], [1], [0, 0, 1, 1], [], []>, transpose_lhs_hint = false} : vector<1000x128xf32>, vector<128x256xf32>, vector<1000x256xf32> -> vector<1000x256xf32>
    %get3A_6 = arith.constant 0 : index
    %get3A_7 = arith.constant 0 : index
    %get3A_8 = vector.load %arg3[%get3A_6, %get3A_7] : memref<1x256xf32, #tpu.memory_space<vmem>>, vector<1x256xf32>
    %add3A = vector.broadcast %get3A_8 : vector<1x256xf32> to vector<1000x256xf32>
    %add3A_9 = arith.addf %dot_general3A_5, %add3A : vector<1000x256xf32>
    %slice3A = vector.extract_strided_slice %add3A_9 {offsets = [0, 0], sizes = [1000, 128], strides = [1, 1]} : vector<1000x256xf32> to vector<1000x128xf32>
    %neg3A = arith.constant 0.000000e+00 : f32
    %neg3A_10 = vector.broadcast %neg3A : f32 to vector<1000x128xf32>
    %neg3A_11 = arith.subf %neg3A_10, %slice3A : vector<1000x128xf32>
    %exp3A = math.exp %neg3A_11 : vector<1000x128xf32>
    %add3A_12 = arith.constant 1.000000e+00 : f32
    %add3A_13 = vector.broadcast %add3A_12 : f32 to vector<1000x128xf32>
    %add3A_14 = arith.addf %add3A_13, %exp3A : vector<1000x128xf32>
    %div3A = arith.constant 1.000000e+00 : f32
    %div3A_15 = vector.broadcast %div3A : f32 to vector<1000x128xf32>
    %div3A_16 = arith.divf %div3A_15, %add3A_14 : vector<1000x128xf32>
    %slice3A_17 = vector.extract_strided_slice %add3A_9 {offsets = [0, 128], sizes = [1000, 128], strides = [1, 1]} : vector<1000x256xf32> to vector<1000x128xf32>
    %mul3A = arith.mulf %div3A_16, %slice3A_17 : vector<1000x128xf32>
    %slice3A_18 = vector.extract_strided_slice %mul3A {offsets = [0, 0], sizes = [100, 128], strides = [1, 1]} : vector<1000x128xf32> to vector<100x128xf32>
    %reduce_sum3A = arith.constant dense<0.000000e+00> : vector<128xf32>
    %reduce_sum3A_19 = vector.multi_reduction <add>, %slice3A_18, %reduce_sum3A [0] : vector<100x128xf32> to vector<128xf32>
    %broadcast_in_dim3A = vector.shape_cast %reduce_sum3A_19 : vector<128xf32> to vector<1x128xf32>
    %slice3A_20 = vector.extract_strided_slice %mul3A {offsets = [200, 0], sizes = [100, 128], strides = [1, 1]} : vector<1000x128xf32> to vector<100x128xf32>
    %reduce_sum3A_21 = arith.constant dense<0.000000e+00> : vector<128xf32>
    %reduce_sum3A_22 = vector.multi_reduction <add>, %slice3A_20, %reduce_sum3A_21 [0] : vector<100x128xf32> to vector<128xf32>
    %broadcast_in_dim3A_23 = vector.shape_cast %reduce_sum3A_22 : vector<128xf32> to vector<1x128xf32>
    %slice3A_24 = vector.extract_strided_slice %mul3A {offsets = [400, 0], sizes = [100, 128], strides = [1, 1]} : vector<1000x128xf32> to vector<100x128xf32>
    %reduce_sum3A_25 = arith.constant dense<0.000000e+00> : vector<128xf32>
    %reduce_sum3A_26 = vector.multi_reduction <add>, %slice3A_24, %reduce_sum3A_25 [0] : vector<100x128xf32> to vector<128xf32>
    %broadcast_in_dim3A_27 = vector.shape_cast %reduce_sum3A_26 : vector<128xf32> to vector<1x128xf32>
    %slice3A_28 = vector.extract_strided_slice %mul3A {offsets = [600, 0], sizes = [100, 128], strides = [1, 1]} : vector<1000x128xf32> to vector<100x128xf32>
    %reduce_sum3A_29 = arith.constant dense<0.000000e+00> : vector<128xf32>
    %reduce_sum3A_30 = vector.multi_reduction <add>, %slice3A_28, %reduce_sum3A_29 [0] : vector<100x128xf32> to vector<128xf32>
    %broadcast_in_dim3A_31 = vector.shape_cast %reduce_sum3A_30 : vector<128xf32> to vector<1x128xf32>
    %slice3A_32 = vector.extract_strided_slice %mul3A {offsets = [800, 0], sizes = [100, 128], strides = [1, 1]} : vector<1000x128xf32> to vector<100x128xf32>
    %reduce_sum3A_33 = arith.constant dense<0.000000e+00> : vector<128xf32>
    %reduce_sum3A_34 = vector.multi_reduction <add>, %slice3A_32, %reduce_sum3A_33 [0] : vector<100x128xf32> to vector<128xf32>
    %broadcast_in_dim3A_35 = vector.shape_cast %reduce_sum3A_34 : vector<128xf32> to vector<1x128xf32>
    %slice3A_36 = vector.extract_strided_slice %mul3A {offsets = [100, 0], sizes = [100, 128], strides = [1, 1]} : vector<1000x128xf32> to vector<100x128xf32>
    %reduce_sum3A_37 = arith.constant dense<0.000000e+00> : vector<128xf32>
    %reduce_sum3A_38 = vector.multi_reduction <add>, %slice3A_36, %reduce_sum3A_37 [0] : vector<100x128xf32> to vector<128xf32>
    %broadcast_in_dim3A_39 = vector.shape_cast %reduce_sum3A_38 : vector<128xf32> to vector<1x128xf32>
    %slice3A_40 = vector.extract_strided_slice %mul3A {offsets = [300, 0], sizes = [100, 128], strides = [1, 1]} : vector<1000x128xf32> to vector<100x128xf32>
    %reduce_sum3A_41 = arith.constant dense<0.000000e+00> : vector<128xf32>
    %reduce_sum3A_42 = vector.multi_reduction <add>, %slice3A_40, %reduce_sum3A_41 [0] : vector<100x128xf32> to vector<128xf32>
    %broadcast_in_dim3A_43 = vector.shape_cast %reduce_sum3A_42 : vector<128xf32> to vector<1x128xf32>
    %slice3A_44 = vector.extract_strided_slice %mul3A {offsets = [500, 0], sizes = [100, 128], strides = [1, 1]} : vector<1000x128xf32> to vector<100x128xf32>
    %reduce_sum3A_45 = arith.constant dense<0.000000e+00> : vector<128xf32>
    %reduce_sum3A_46 = vector.multi_reduction <add>, %slice3A_44, %reduce_sum3A_45 [0] : vector<100x128xf32> to vector<128xf32>
    %broadcast_in_dim3A_47 = vector.shape_cast %reduce_sum3A_46 : vector<128xf32> to vector<1x128xf32>
    %slice3A_48 = vector.extract_strided_slice %mul3A {offsets = [700, 0], sizes = [100, 128], strides = [1, 1]} : vector<1000x128xf32> to vector<100x128xf32>
    %reduce_sum3A_49 = arith.constant dense<0.000000e+00> : vector<128xf32>
    %reduce_sum3A_50 = vector.multi_reduction <add>, %slice3A_48, %reduce_sum3A_49 [0] : vector<100x128xf32> to vector<128xf32>
    %broadcast_in_dim3A_51 = vector.shape_cast %reduce_sum3A_50 : vector<128xf32> to vector<1x128xf32>
    %slice3A_52 = vector.extract_strided_slice %mul3A {offsets = [900, 0], sizes = [100, 128], strides = [1, 1]} : vector<1000x128xf32> to vector<100x128xf32>
    %reduce_sum3A_53 = arith.constant dense<0.000000e+00> : vector<128xf32>
    %reduce_sum3A_54 = vector.multi_reduction <add>, %slice3A_52, %reduce_sum3A_53 [0] : vector<100x128xf32> to vector<128xf32>
    %broadcast_in_dim3A_55 = vector.shape_cast %reduce_sum3A_54 : vector<128xf32> to vector<1x128xf32>
    %concatenate3A = tpu.concatenate %broadcast_in_dim3A, %broadcast_in_dim3A_23, %broadcast_in_dim3A_27, %broadcast_in_dim3A_31, %broadcast_in_dim3A_35, %broadcast_in_dim3A_39, %broadcast_in_dim3A_43, %broadcast_in_dim3A_47, %broadcast_in_dim3A_51, %broadcast_in_dim3A_55 in 0 : vector<1x128xf32>, vector<1x128xf32>, vector<1x128xf32>, vector<1x128xf32>, vector<1x128xf32>, vector<1x128xf32>, vector<1x128xf32>, vector<1x128xf32>, vector<1x128xf32>, vector<1x128xf32> -> vector<10x128xf32>
    %get3A_56 = arith.constant 0 : index
    %get3A_57 = arith.constant 0 : index
    %get3A_58 = vector.load %arg4[%get3A_56, %get3A_57] : memref<128x128xf32, #tpu.memory_space<vmem>>, vector<128x128xf32>
    %dot_general3A_59 = arith.constant dense<0.000000e+00> : vector<10x128xf32>
    %dot_general3A_60 = tpu.matmul %concatenate3A, %get3A_58, %dot_general3A_59 {dimension_numbers = #tpu.dot_dimension_numbers<[1], [0], [0], [1], [0, 0, 1, 1], [], []>, transpose_lhs_hint = false} : vector<10x128xf32>, vector<128x128xf32>, vector<10x128xf32> -> vector<10x128xf32>
    %get3A_61 = arith.constant 0 : index
    %get3A_62 = arith.constant 0 : index
    %get3A_63 = vector.load %arg5[%get3A_61, %get3A_62] : memref<1x128xf32, #tpu.memory_space<vmem>>, vector<1x128xf32>
    %add3A_64 = vector.broadcast %get3A_63 : vector<1x128xf32> to vector<10x128xf32>
    %add3A_65 = arith.addf %dot_general3A_60, %add3A_64 : vector<10x128xf32>
    %slice3A_66 = vector.extract_strided_slice %add3A_65 {offsets = [0, 0], sizes = [5, 128], strides = [1, 1]} : vector<10x128xf32> to vector<5x128xf32>
    %slice3A_67 = vector.extract_strided_slice %add3A_65 {offsets = [5, 0], sizes = [5, 128], strides = [1, 1]} : vector<10x128xf32> to vector<5x128xf32>
    %sub3A = arith.subf %slice3A_66, %slice3A_67 : vector<5x128xf32>
    %max3A = arith.constant 0.000000e+00 : f32
    %max3A_68 = vector.broadcast %max3A : f32 to vector<5x128xf32>
    %max3A_69 = arith.maximumf %sub3A, %max3A_68 : vector<5x128xf32>
    %reduce_sum3A_70 = arith.constant dense<0.000000e+00> : vector<5xf32>
    %reduce_sum3A_71 = vector.multi_reduction <add>, %max3A_69, %reduce_sum3A_70 [1] : vector<5x128xf32> to vector<5xf32>
    %broadcast_in_dim3A_72 = vector.shape_cast %reduce_sum3A_71 : vector<5xf32> to vector<5x1xf32>
    %neg3A_73 = arith.constant 0.000000e+00 : f32
    %neg3A_74 = vector.broadcast %neg3A_73 : f32 to vector<5x1xf32>
    %neg3A_75 = arith.subf %neg3A_74, %broadcast_in_dim3A_72 : vector<5x1xf32>
    %reshape3A = vector.shape_cast %neg3A_75 : vector<5x1xf32> to vector<5x1x1xf32>
    %broadcast_in_dim3A_76 = vector.shape_cast %reshape3A : vector<5x1x1xf32> to vector<5x1x1xf32>
    %broadcast_in_dim3A_77 = vector.broadcast %broadcast_in_dim3A_76 : vector<5x1x1xf32> to vector<5x1x128xf32>
    %swap3A = arith.constant 0 : index
    %swap3A_78 = arith.constant 0 : index
    %swap3A_79 = arith.constant 0 : index
    %swap3A_80 = vector.load %arg6[%swap3A, %swap3A_78, %swap3A_79] : memref<5x1x128xf32, #tpu.memory_space<vmem>>, vector<5x1x128xf32>
    tpu.vector_store %arg6[%swap3A, %swap3A_78, %swap3A_79], %broadcast_in_dim3A_77 {strides = array<i32>} : memref<5x1x128xf32, #tpu.memory_space<vmem>>, vector<5x1x128xf32>,
    return
  }
  func.func @transform_0(%arg0: i32) -> (i32, i32) {
    %c0_i32 = arith.constant 0 : i32
    %c0_i32_0 = arith.constant 0 : i32
    return %arg0, %c0_i32 : i32, i32
  }
  func.func @transform_1(%arg0: i32) -> (i32, i32) {
    %c0_i32 = arith.constant 0 : i32
    %c0_i32_0 = arith.constant 0 : i32
    %c0_i32_1 = arith.constant 0 : i32
    return %c0_i32, %c0_i32_0 : i32, i32
  }
  func.func @transform_2(%arg0: i32) -> (i32, i32) {
    %c0_i32 = arith.constant 0 : i32
    %c0_i32_0 = arith.constant 0 : i32
    %c0_i32_1 = arith.constant 0 : i32
    return %c0_i32, %c0_i32_0 : i32, i32
  }
  func.func @transform_3(%arg0: i32) -> (i32, i32) {
    %c0_i32 = arith.constant 0 : i32
    %c0_i32_0 = arith.constant 0 : i32
    %c0_i32_1 = arith.constant 0 : i32
    return %c0_i32, %c0_i32_0 : i32, i32
  }
  func.func @transform_4(%arg0: i32) -> (i32, i32) {
    %c0_i32 = arith.constant 0 : i32
    %c0_i32_0 = arith.constant 0 : i32
    %c0_i32_1 = arith.constant 0 : i32
    return %c0_i32, %c0_i32_0 : i32, i32
  }
  func.func @transform_5(%arg0: i32) -> (i32, i32, i32) {
    %c0_i32 = arith.constant 0 : i32
    %c0_i32_0 = arith.constant 0 : i32
    %c0_i32_1 = arith.constant 0 : i32
    return %arg0, %c0_i32, %c0_i32_0 : i32, i32, i32
  }
}

</mosaic_0001>

<sc_bundles>
// kernel: kernel.18.cloned.1.call-start
scs
__scs_entry_jumppad:
0x0: {  	(pc) =	sbr.rel $0x88, $3  }
0x1: {  	(tag) =	ssettag $0x0;
	lr =	simm.s32 $0x1  }
0x2: {  	[smem:$0x3F8D] =	sst lr;
	_ =	strace $0xD0000000  }
0x3: {  	_ = 	snop  }
0x4: {  	_ = 	snop  }
0x5: {  	_ = 	snop  }
0x6: {  	_ = 	snop  }
0x7: {  	_ = 	snop  }
__scs_overlays_trampoline_lowered:
0x8: {  	[smem:$0x3F9C] =	sst s0  }
0x9: {  	[smem:$0x3F9D] =	sst s1  }
0xa: {  	[smem:$0x3F9E] =	sst s2  }
0xb: {  	[smem:$0x3F9F] =	sst s3  }
0xc: {  	[smem:$0x3FA0] =	sst s4  }
0xd: {  	[smem:$0x3FA1] =	sst s5  }
0xe: {  	[smem:$0x3FA2] =	sst s6  }
0xf: {  	[smem:$0x3FA3] =	sst s7  }
0x10: {  	[smem:$0x3FA4] =	sst s8  }
0x11: {  	[smem:$0x3FA5] =	sst s9;
	s0 =	simm.s32 @!p0 $0x0  }
0x12: {  	s1 =	sld [smem:$0x3F8B];
	s0 =	simm.s32 @p0 $0x1  }
0x13: {  	[smem:$0x3FA6] =	sst s0;
	s0 =	simm.s32 @!p1 $0x0  }
0x14: {  	s2 =	sld [smem:$0x3F8A];
	s0 =	simm.s32 @p1 $0x1  }
0x15: {  	[smem:$0x3FA7] =	sst s0;
	s0 =	simm.s32 @!p2 $0x0  }
0x16: {  	s3 =	sld [smem:$0x3FDB];
	s0 =	simm.s32 @p2 $0x1  }
0x17: {  	s4 =	simm.s32 $0x1BF5;
	[smem:$0x3FA9] =	sst s0  }
0x18: {  	s0 =	sld [smem:$0x3F8C];
	_ =	swait.ge [sflag:s4], $0x0  }
0x19: {  	s7 =	sld [smem:$0x3F8D]  }
0x1a: {  	s8 =	sadd.s32 $0xFFFFE003, lr  }
0x1b: {  	s9 =	sadd.s32 $0xFFFFFEF7, lr;
	s5 =	simm.s32 $0xFFFFFFFF;
	p2 =	slt.u32 s8, $0xFFFFF086  }
0x1c: {  	p1 =	slt.u32 s9, $0xF7A;
	s5 =	simm.s32 @!p2 $0x0  }
0x1d: {  	s5 =	simm.s32 @p1 $0x1;
	p0 =	seq.s32 s7, s2  }
0x1e: {  	s7 =	smul.u32 @!p0 $0xF7A, s2;
	p2 =	seq.s32 @!p0 s5, $0x0  }
0x1f: {  	s9 =	smul.u32 $0xF7A, s1;
	s8 =	simm.s32 @!p0 $0x1BF5;
	p2 =	por !p2, p0  }
0x20: {  	[sflag:s8] =	ssyncset.s32 @!p0 $0xFFFFF086;
	s6 =	sadd.s32 @!p0 s3, s7;
	s7 =	simm.s32 @!p0 $0x108  }
0x21: {  	s3 =	sadd.s32 s3, s9;
	s6 =	sadd.s32 @!p0 $0x88, s6;
	s7 =	simm.s32 @p2 $0x1082  }
0x22: {  	[simem:s7], [sflag:s8] =	dma.local @!p0 [hbm:s6], $0xF7A  }
0x23: {  	s9 =	sor.u32 $0xD0000000, s2;
	s6 =	simm.s32 $0x108;
	_ =	swait.ge @!p0 [sflag:s8], $0x0  }
0x24: {  	s3 =	sadd.s32 $0x88, s3;
	s6 =	simm.s32 @!p1 $0x1082;
	[sflag:s4] =	ssyncset.s32 $0xFFFFF086  }
0x25: {  	[simem:s6], [sflag:s4] =	dma.local [hbm:s3], $0xF7A  }
0x26: {  	[smem:$0x3F8D] =	sst s1;
	(tag) =	ssettag s2;
	_ =	strace s9  }
0x27: {  	s1 =	sld [smem:$0x3F9D]  }
0x28: {  	s2 =	sld [smem:$0x3F9E]  }
0x29: {  	s4 =	sld [smem:$0x3FA0]  }
0x2a: {  	p0 =	seq.s32 s5, $0x0;
	s5 =	sld [smem:$0x3FA1]  }
0x2b: {  	s6 =	sld [smem:$0x3FA2]  }
0x2c: {  	s7 =	sld [smem:$0x3FA3]  }
0x2d: {  	s3 =	simm.s32 $0x108;
	s8 =	sld [smem:$0x3FA4]  }
0x2e: {  	s3 =	simm.s32 @!p0 $0x1082;
	s9 =	sld [smem:$0x3FA5]  }
0x2f: {  	lr =	sadd.s32 s0, s3;
	s0 =	sld [smem:$0x3F9C]  }
0x30: {  	s3 =	sld [smem:$0x3F9F]  }
0x31: {  	[smem:$0x3FA8] =	sst s10  }
0x32: {  	s10 =	sld [smem:$0x3FA6];
	_ =	sdelay $0x3  }
0x33: {  	p0 =	seq.s32 s10, $0x1;
	s10 =	sld [smem:$0x3FA8];
	_ =	sdelay $0x3  }
0x34: {  	[smem:$0x3FA8] =	sst s10  }
0x35: {  	s10 =	sld [smem:$0x3FA7];
	_ =	sdelay $0x3  }
0x36: {  	p1 =	seq.s32 s10, $0x1;
	s10 =	sld [smem:$0x3FA8];
	_ =	sdelay $0x3  }
0x37: {  	[smem:$0x3FA8] =	sst s10  }
0x38: {  	s10 =	sld [smem:$0x3FA9]  }
0x39: {  	_ = 	snop;
	(pc) =	sbr.ind lr, $3  }
0x3a: {  	_ = 	snop  }
0x3b: {  	_ = 	snop  }
0x3c: {  	p2 =	seq.s32 s10, $0x1;
	s10 =	sld [smem:$0x3FA8]  }
0x3d: {  	_ =	shalt  }
0x3e: {  	_ =	shalt  }
0x3f: {  	_ =	shalt  }
0x40: {  	_ =	shalt  }
0x41: {  	_ =	shalt  }
0x42: {  	_ =	shalt  }
0x43: {  	_ =	shalt  }
0x44: {  	_ =	shalt  }
0x45: {  	_ =	shalt  }
0x46: {  	_ =	shalt  }
0x47: {  	_ =	shalt  }
0x48: {  	_ =	shalt  }
0x49: {  	_ =	shalt  }
0x4a: {  	_ =	shalt  }
0x4b: {  	_ =	shalt  }
0x4c: {  	_ =	shalt  }
0x4d: {  	_ =	shalt  }
0x4e: {  	_ =	shalt  }
0x4f: {  	_ =	shalt  }
0x50: {  	_ =	shalt  }
0x51: {  	_ =	shalt  }
0x52: {  	_ =	shalt  }
0x53: {  	_ =	shalt  }
0x54: {  	_ =	shalt  }
0x55: {  	_ =	shalt  }
0x56: {  	_ =	shalt  }
0x57: {  	_ =	shalt  }
0x58: {  	_ =	shalt  }
0x59: {  	_ =	shalt  }
0x5a: {  	_ =	shalt  }
0x5b: {  	_ =	shalt  }
0x5c: {  	_ =	shalt  }
0x5d: {  	_ =	shalt  }
0x5e: {  	_ =	shalt  }
0x5f: {  	_ =	shalt  }
0x60: {  	_ =	shalt  }
0x61: {  	_ =	shalt  }
0x62: {  	_ =	shalt  }
0x63: {  	_ =	shalt  }
0x64: {  	_ =	shalt  }
0x65: {  	_ =	shalt  }
0x66: {  	_ =	shalt  }
0x67: {  	_ =	shalt  }
0x68: {  	_ =	shalt  }
0x69: {  	_ =	shalt  }
0x6a: {  	_ =	shalt  }
0x6b: {  	_ =	shalt  }
0x6c: {  	_ =	shalt  }
0x6d: {  	_ =	shalt  }
0x6e: {  	_ =	shalt  }
0x6f: {  	_ =	shalt  }
0x70: {  	_ =	shalt  }
0x71: {  	_ =	shalt  }
0x72: {  	_ =	shalt  }
0x73: {  	_ =	shalt  }
0x74: {  	_ =	shalt  }
0x75: {  	_ =	shalt  }
0x76: {  	_ =	shalt  }
0x77: {  	_ =	shalt  }
0x78: {  	_ =	shalt  }
0x79: {  	_ =	shalt  }
0x7a: {  	_ =	shalt  }
0x7b: {  	_ =	shalt  }
0x7c: {  	_ =	shalt  }
0x7d: {  	_ =	shalt  }
0x7e: {  	_ =	shalt  }
0x7f: {  	_ =	shalt  }
0x80: {  	_ =	shalt  }
0x81: {  	_ =	shalt  }
0x82: {  	_ =	shalt  }
0x83: {  	_ =	shalt  }
0x84: {  	_ =	shalt  }
0x85: {  	_ =	shalt  }
0x86: {  	_ =	shalt  }
0x87: {  	_ =	shalt  }
.Lfunc_end0:
.L_simem_size_0:
called_computation_lowered:
.L_overlay_start_0:
0x88: {  	s2 =	sld [smem:$0x3FD9]  }
0x89: {  	s3 =	sld [smem:$0x3FFE];
	_ =	sdelay $0x1  }
0x8a: {  	s1 =	srdreg.scid  }
0x8b: {  	s0 =	sand.u32 $0x1, s1  }
0x8c: {  	s16 =	sshll.u32 s0, $0xA;
	s2 =	sadd.s32 s3, s2  }
0x8d: {  	s2 =	sadd.s32 s2, s16  }
0x8e: {  	[smem:$0x3FB4] =	sst s2  }
0x8f: {  	_ = 	snop  }
0x90: {  	(tm) =	ssettm $0x1  }
0x91: {  	s17 =	sld [smem:$0x3FFB];
	_ =	sdelay $0x3  }
0x92: {  	_ =	strace s17  }
0x93: {  	s2 =	sld [smem:$0x3FFC];
	_ =	sdelay $0x3  }
0x94: {  	_ =	strace s2  }
0x95: {  	s2 =	sld [smem:$0x3FFD];
	_ =	sdelay $0x3  }
0x96: {  	_ =	strace s2  }
0x97: {  	_ =	strace $0x8FFFFFFF  }
0x98: {  	s18 =	sld [smem:$0x3FDB];
	_ =	sdelay $0x1  }
0x99: {  	s19 =	simm.s32 $_scs_section_size  }
0x9a: {  	s4 =	simm.s32 $_size__tile_overlayer_lowered;
	s5 =	simm.s32 $_tile_overlayer_lowered  }
0x9b: {  	s22 =	simm.s32 $0x1BFF;
	s21 =	sshll.u32 s5, $0x1;
	s2 =	sadd.s32 s19, s18  }
0x9c: {  	s6 =	simm.s32 $0x0;
	s20 =	sshll.u32 s4, $0x1;
	s4 =	sadd.s32 s21, s2  }
0x9d: {  	[timem:s6], [sflag:s22] =	dma.local [hbm:s4], s20  }
0x9e: {  	_ =	swait.ge [sflag:s22], s20  }
0x9f: {  	s3 =	ssub.s32 $0x0, s20;
	[sflag:s22] =	ssyncset.done $0x0  }
0xa0: {  	[sflag:s22] =	ssyncadd.s32 s3;
	_ =	sdelay $0x1  }
0xa1: {  	s23 =	simm.s32 $0x1B8B  }
0xa2: {  	_ =	swait.ge [sflag:s23], $0x1  }
0xa3: {  	[sflag:s23] =	ssyncset.done $0x0  }
0xa4: {  	s25 =	simm.s32 $0x1B8E;
	s24 =	sld [smem:$0x3FFE];
	[sflag:s23] =	ssyncadd.s32 $0xFFFFFFFF  }
0xa5: {  	s26 =	simm.s32 $execute0_lowered;
	[smem:$0x3FD2] =	sst s25  }
0xa6: {  	s4 =	sshll.u32 s26, $0x1;
	_ =	strace $0x80000046;
	[dreg:$0x1] =	wrdreg $0xFFFFFFFF  }
0xa7: {  	s28 =	simm.s32 $_size_execute0_lowered;
	s2 =	sadd.s32 s2, s4;
	[dreg:$0x0] =	wrdreg $0x0  }
0xa8: {  	s4 =	sshll.u32 s28, $0x1;
	[dreg:$0x2] =	wrdreg s2  }
0xa9: {  	[dreg:$0x3] =	wrdreg s4  }
0xaa: {  	[dreg:$0x4] =	wrdreg $0xC0  }
0xab: {  	_ =	task [dreg:s6], $0x5FFFF  }
0xac: {  	[dreg:$0x1] =	wrdreg $0xFFFFFFFF  }
0xad: {  	[dreg:$0x0] =	wrdreg $0x60  }
0xae: {  	[dreg:$0x2] =	wrdreg s24  }
0xaf: {  	[dreg:$0x3] =	wrdreg $0xA  }
0xb0: {  	_ =	task.clear_ibuf [dreg:s6], $0x4FFFF;
	_ =	strace $0x90000046  }
0xb1: {  	s29 =	simm.s32 $0xA;
	_ =	strace $0x80000048  }
0xb2: {  	_ =	swait.ge [sflag:s29], $0x1  }
0xb3: {  	[sflag:s29] =	ssyncadd.s32 $0xFFFFFFFF  }
0xb4: {  	_ =	strace $0x90000048  }
0xb5: {  	_ =	sfence  }
0xb6: {  	s30 =	sld [smem:$0x0];
	_ =	sdelay $0x2  }
0xb7: {  	s31 =	sshll.u32 s1, $0xD;
	s1 =	sshrl.u32 s1, $0x2  }
0xb8: {  	s3 =	sand.u32 $0x4000, s31;
	s1 =	sadd.s32 s1, s30  }
0xb9: {  	s0 =	sor.u32 s3, s0;
	s1 =	sshll.u32 s1, $0x11  }
0xba: {  	s0 =	sor.u32 s1, s0  }
0xbb: {  	s0 =	sadd.s32 $0x8F2B, s0  }
0xbc: {  	[sflag:s0] =	ssyncadd.remote.s32 $0x1  }
0xbd: {  	_ =	sfence.sel $0xFFFF  }
0xbe: {  	[dreg:$0x0] =	wrdreg $0xFFFFFFFF;
	(pc) =	sbr.abs _section_cstart, $3  }
0xbf: {  	[dreg:$0x1] =	wrdreg $0xFFFFFFFF  }
0xc0: {  	_ =	task.clear_ibuf [dreg:s6], $0x2FFFF;
	_ =	strace $0x9FFFFFFF  }
0xc1: {  	(tm) =	ssettm $0x7FFFFFFF  }
tec
execute0_lowered:
.L_overlay_start_1:
0x0: {  	(tag) =	ssettag $0x1  }
0x1: {  	s0 =	rddreg [dreg:$0x0];
	s1 =	simm.s32 $0x0;
	s2 =	srdreg.scid  }
0x2: {  	s7 =	stileid.u32;
	s9 =	simm.s32 $0x3;
	s10 =	simm.s32 $0x50  }
0x3: {  	s11 =	simm.s32 $0x4000;
	s20 =	simm.s32 $0x1;
	s22 =	simm.s32 $0x10800  }
0x4: {  	s28 =	simm.s32 $0x400;
	s29 =	simm.s32 $0x18000;
	s30 =	simm.s32 $0x480  }
0x5: {  	s31 =	simm.s32 $0x1A800;
	[smem:$0x7FF] =	sst s1;
	s2 =	sand.u32 $0x1, s2  }
0x6: {  	s3 =	sadd.s32 $0x29000, s0;
	s5 =	sshll.u32 s7, $0xB;
	s7 =	smul.u32 $0x138800, s7  }
0x7: {  	_ =	strace $0x80000047;
	s4 =	smul.u32 $0x1388000, s2;
	s6 =	ssub.s32 $0x2, s2  }
0x8: {  	s5 =	sadd.s32 s5, s0;
	s0 =	sadd.s32 $0x50200, s0;
	s2 =	sshll.u32 s2, $0xF  }
0x9: {  	s8 =	sshrl.u32 s6, $0x1;
	s2 =	sadd.s32 s2, s5;
	s4 =	sadd.s32 s4, s7  }
0xa: {  	s6 =	ssub.s32 s6, s8;
	s25 =	sshrl.u32 s4, $0x3;
	s7 =	sadd.s32 $0x19000, s4  }
0xb: {  	s4 =	sadd.s32 $0x19000, s2;
	s6 =	smax.u32 s6, $0x1;
	s5 =	sadd.s32 s0, s25  }
0xc: {  	s2 =	simm.s32 $0x0;
	s26 =	sshrl.u32 s7, $0x3;
	s7 =	sadd.s32 $0x1900, s5  }
0xd: {  	s17 =	sadd.s32 s26, s0;
	s26 =	simm.s32 $0x15800;
	s0 =	simm.s32 $0x2  }
.LBB2_1:
0xe: {  	[tilespmem:s1], [sflag:$0x3] =	stream.linear.gather [hbm4b:s4+s1], $0x3E80, $0x38;
	[tilespmem:$0x1D000] =	vst v63  }
0xf: {  	_ =	swait.ge [sflag:s9], $0x3E80  }
0x10: {  	[sflag:s9] =	ssyncset.done $0x0  }
0x11: {  	[sflag:s9] =	ssyncadd.s32 $0xFFFFC180  }
0x12: {  	[tilespmem:s11], [sflag:$0x1] =	stream.indirect.gather [hbm4b:s3+s10], $0x80, s1, s10, $0xb8;
	[tilespmem:$0x1D000] =	vst v63  }
0x13: {  	s8 =	simm.s32 $0x80;
	s12 =	simm.s32 $0x6800  }
0x14: {  	[tilespmem:s12], [sflag:$0x1] =	stream.indirect.gather [hbm4b:s3+s10], $0x80, s8, s10, $0xb8;
	[tilespmem:$0x1D000] =	vst v63  }
0x15: {  	s14 =	simm.s32 $0x100;
	s15 =	simm.s32 $0x9000  }
0x16: {  	[tilespmem:s15], [sflag:$0x1] =	stream.indirect.gather [hbm4b:s3+s10], $0x80, s14, s10, $0xb8;
	[tilespmem:$0x1D000] =	vst v63  }
0x17: {  	s16 =	simm.s32 $0x180;
	s18 =	simm.s32 $0xB800  }
0x18: {  	[tilespmem:s18], [sflag:$0x1] =	stream.indirect.gather [hbm4b:s3+s10], $0x80, s16, s10, $0xb8;
	[tilespmem:$0x1D000] =	vst v63  }
0x19: {  	s19 =	simm.s32 $0x200;
	s21 =	simm.s32 $0xE000  }
0x1a: {  	[tilespmem:s21], [sflag:$0x1] =	stream.indirect.gather [hbm4b:s3+s10], $0x80, s19, s10, $0xb8;
	[tilespmem:$0x1D000] =	vst v63  }
0x1b: {  	_ =	swait.ge [sflag:s20], $0x2800  }
0x1c: {  	[sflag:s20] =	ssyncset.done $0x0  }
0x1d: {  	[sflag:s20] =	ssyncadd.s32 $0xFFFFD800  }
0x1e: {  	_ =	swait.ge [sflag:s20], $0x2800  }
0x1f: {  	[sflag:s20] =	ssyncset.done $0x0  }
0x20: {  	[sflag:s20] =	ssyncadd.s32 $0xFFFFD800  }
0x21: {  	_ =	swait.ge [sflag:s20], $0x2800  }
0x22: {  	[sflag:s20] =	ssyncset.done $0x0  }
0x23: {  	[sflag:s20] =	ssyncadd.s32 $0xFFFFD800  }
0x24: {  	_ =	swait.ge [sflag:s20], $0x2800  }
0x25: {  	[sflag:s20] =	ssyncset.done $0x0  }
0x26: {  	[sflag:s20] =	ssyncadd.s32 $0xFFFFD800  }
0x27: {  	_ =	swait.ge [sflag:s20], $0x2800  }
0x28: {  	[sflag:s20] =	ssyncset.done $0x0  }
0x29: {  	[sflag:s20] =	ssyncadd.s32 $0xFFFFD800  }
0x2a: {  	[hbm4b:s5+s1] =	stream.linear.scatter [tilespmem:s11], [sflag:$0x2], $0xC800, $0x38;
	[tilespmem:$0x1D000] =	vst v63  }
0x2b: {  	s23 =	simm.s32 $0x280  }
0x2c: {  	[tilespmem:s22], [sflag:$0x1] =	stream.indirect.gather [hbm4b:s3+s10], $0x80, s23, s10, $0xb8;
	[tilespmem:$0x1D000] =	vst v63  }
0x2d: {  	s24 =	simm.s32 $0x300;
	s25 =	simm.s32 $0x13000  }
0x2e: {  	[tilespmem:s25], [sflag:$0x1] =	stream.indirect.gather [hbm4b:s3+s10], $0x80, s24, s10, $0xb8;
	[tilespmem:$0x1D000] =	vst v63  }
0x2f: {  	s13 =	simm.s32 $0x380  }
0x30: {  	[tilespmem:s26], [sflag:$0x1] =	stream.indirect.gather [hbm4b:s3+s10], $0x80, s13, s10, $0xb8;
	[tilespmem:$0x1D000] =	vst v63  }
0x31: {  	_ = 	snop  }
0x32: {  	[tilespmem:s29], [sflag:$0x1] =	stream.indirect.gather [hbm4b:s3+s10], $0x80, s28, s10, $0xb8;
	[tilespmem:$0x1D000] =	vst v63  }
0x33: {  	_ = 	snop  }
0x34: {  	[tilespmem:s31], [sflag:$0x1] =	stream.indirect.gather [hbm4b:s3+s10], $0x80, s30, s10, $0xb8;
	[tilespmem:$0x1D000] =	vst v63  }
0x35: {  	_ =	swait.ge [sflag:s20], $0x2800  }
0x36: {  	[sflag:s20] =	ssyncset.done $0x0  }
0x37: {  	[sflag:s20] =	ssyncadd.s32 $0xFFFFD800  }
0x38: {  	_ =	swait.ge [sflag:s20], $0x2800  }
0x39: {  	[sflag:s20] =	ssyncset.done $0x0  }
0x3a: {  	[sflag:s20] =	ssyncadd.s32 $0xFFFFD800  }
0x3b: {  	_ =	swait.ge [sflag:s20], $0x2800  }
0x3c: {  	[sflag:s20] =	ssyncset.done $0x0  }
0x3d: {  	[sflag:s20] =	ssyncadd.s32 $0xFFFFD800  }
0x3e: {  	_ =	swait.ge [sflag:s20], $0x2800  }
0x3f: {  	[sflag:s20] =	ssyncset.done $0x0  }
0x40: {  	[sflag:s20] =	ssyncadd.s32 $0xFFFFD800  }
0x41: {  	_ =	swait.ge [sflag:s20], $0x2800  }
0x42: {  	[sflag:s20] =	ssyncset.done $0x0  }
0x43: {  	s14 =	sand.u32 $0x1, s0;
	[sflag:s20] =	ssyncadd.s32 $0xFFFFD800  }
0x44: {  	[hbm4b:s7+s1] =	stream.linear.scatter [tilespmem:s22], [sflag:$0x2], $0xC800, $0x38;
	[tilespmem:$0x1D000] =	vst v63  }
0x45: {  	s8 =	simm.s32 $0xC800;
	p0 =	seq.s32 s14, $0x1;
	_ =	swait.ge [sflag:s0], $0xC800  }
0x46: {  	s8 =	simm.s32 @!p0 $0x0;
	[sflag:s0] =	ssyncset.done $0x0  }
0x47: {  	s15 =	simm.s32 $0x500;
	s13 =	sadd.s32 $0x4000, s8;
	[sflag:s0] =	ssyncadd.s32 $0xFFFF3800  }
0x48: {  	[tilespmem:s13], [sflag:$0x1] =	stream.indirect.gather [hbm4b:s3+s10], $0x80, s15, s10, $0xb8;
	[tilespmem:$0x1D000] =	vst v63  }
0x49: {  	s14 =	simm.s32 $0x580;
	s16 =	sadd.s32 $0x6800, s8  }
0x4a: {  	[tilespmem:s16], [sflag:$0x1] =	stream.indirect.gather [hbm4b:s3+s10], $0x80, s14, s10, $0xb8;
	[tilespmem:$0x1D000] =	vst v63  }
0x4b: {  	s18 =	sadd.s32 $0x9000, s8;
	s19 =	simm.s32 $0x600  }
0x4c: {  	[tilespmem:s18], [sflag:$0x1] =	stream.indirect.gather [hbm4b:s3+s10], $0x80, s19, s10, $0xb8;
	[tilespmem:$0x1D000] =	vst v63  }
0x4d: {  	s21 =	sadd.s32 $0xB800, s8;
	s23 =	simm.s32 $0x680  }
0x4e: {  	[tilespmem:s21], [sflag:$0x1] =	stream.indirect.gather [hbm4b:s3+s10], $0x80, s23, s10, $0xb8;
	[tilespmem:$0x1D000] =	vst v63  }
0x4f: {  	s24 =	simm.s32 $0x700;
	s8 =	sadd.s32 $0xE000, s8  }
0x50: {  	[tilespmem:s8], [sflag:$0x1] =	stream.indirect.gather [hbm4b:s3+s10], $0x80, s24, s10, $0xb8;
	[tilespmem:$0x1D000] =	vst v63  }
0x51: {  	_ =	swait.ge [sflag:s20], $0x2800  }
0x52: {  	[sflag:s20] =	ssyncset.done $0x0  }
0x53: {  	[sflag:s20] =	ssyncadd.s32 $0xFFFFD800  }
0x54: {  	_ =	swait.ge [sflag:s20], $0x2800  }
0x55: {  	[sflag:s20] =	ssyncset.done $0x0  }
0x56: {  	[sflag:s20] =	ssyncadd.s32 $0xFFFFD800  }
0x57: {  	_ =	swait.ge [sflag:s20], $0x2800  }
0x58: {  	[sflag:s20] =	ssyncset.done $0x0  }
0x59: {  	[sflag:s20] =	ssyncadd.s32 $0xFFFFD800  }
0x5a: {  	_ =	swait.ge [sflag:s20], $0x2800  }
0x5b: {  	[sflag:s20] =	ssyncset.done $0x0  }
0x5c: {  	s12 =	sadd.s32 $0x1900, s17;
	[sflag:s20] =	ssyncadd.s32 $0xFFFFD800  }
0x5d: {  	s25 =	simm.s32 $0x3;
	s15 =	simm.s32 $0x1400;
	_ =	swait.ge [sflag:s20], $0x2800  }
0x5e: {  	s14 =	sand.u32 $0x1, s25;
	s16 =	simm.s32 $0x4;
	[sflag:s20] =	ssyncset.done $0x0  }
0x5f: {  	s18 =	simm.s32 $0xA00;
	s8 =	smov.u32 s17;
	[sflag:s20] =	ssyncadd.s32 $0xFFFFD800  }
.LBB2_2:
0x60: {  	[hbm4b:s8+s1] =	stream.linear.scatter [tilespmem:s13], [sflag:$0x2], $0xC800, $0x38;
	[tilespmem:$0x1D000] =	vst v63  }
0x61: {  	s19 =	smov.u32 s15;
	s8 =	smov.u32 s12;
	p0 =	seq.s32 s14, $0x1  }
0x62: {  	s14 =	sand.u32 $0x1, s16;
	s21 =	simm.s32 $0xC800;
	_ =	swait.ge [sflag:s0], $0xC800  }
0x63: {  	s23 =	sshra.s32 s18, $0x2;
	s21 =	simm.s32 @!p0 $0x0;
	[sflag:s0] =	ssyncset.done $0x0  }
0x64: {  	s18 =	sadd.s32 $0x500, s23;
	s13 =	sadd.s32 $0x4000, s21;
	[sflag:s0] =	ssyncadd.s32 $0xFFFF3800  }
0x65: {  	[tilespmem:s13], [sflag:$0x1] =	stream.indirect.gather [hbm4b:s3+s10], $0x80, s18, s10, $0xb8;
	[tilespmem:$0x1D000] =	vst v63  }
0x66: {  	p0 =	sne.s32 s15, $0xDC00;
	s24 =	sadd.s32 $0x580, s23;
	s18 =	sadd.s32 $0x6800, s21  }
0x67: {  	[tilespmem:s18], [sflag:$0x1] =	stream.indirect.gather [hbm4b:s3+s10], $0x80, s24, s10, $0xb8;
	[tilespmem:$0x1D000] =	vst v63  }
0x68: {  	s15 =	sadd.s32 $0xA00, s15;
	s18 =	sadd.s32 $0x9000, s21;
	s24 =	sadd.s32 $0x600, s23  }
0x69: {  	[tilespmem:s18], [sflag:$0x1] =	stream.indirect.gather [hbm4b:s3+s10], $0x80, s24, s10, $0xb8;
	[tilespmem:$0x1D000] =	vst v63  }
0x6a: {  	s25 =	sadd.s32 $0x680, s23;
	s24 =	sadd.s32 $0xB800, s21;
	s18 =	smov.u32 s19  }
0x6b: {  	[tilespmem:s24], [sflag:$0x1] =	stream.indirect.gather [hbm4b:s3+s10], $0x80, s25, s10, $0xb8;
	[tilespmem:$0x1D000] =	vst v63  }
0x6c: {  	s19 =	sadd.s32 $0xE000, s21;
	s21 =	sadd.s32 $0x700, s23  }
0x6d: {  	[tilespmem:s19], [sflag:$0x1] =	stream.indirect.gather [hbm4b:s3+s10], $0x80, s21, s10, $0xb8;
	[tilespmem:$0x1D000] =	vst v63  }
0x6e: {  	_ =	swait.ge [sflag:s20], $0x2800  }
0x6f: {  	[sflag:s20] =	ssyncset.done $0x0  }
0x70: {  	[sflag:s20] =	ssyncadd.s32 $0xFFFFD800  }
0x71: {  	_ =	swait.ge [sflag:s20], $0x2800  }
0x72: {  	[sflag:s20] =	ssyncset.done $0x0  }
0x73: {  	[sflag:s20] =	ssyncadd.s32 $0xFFFFD800  }
0x74: {  	_ =	swait.ge [sflag:s20], $0x2800  }
0x75: {  	[sflag:s20] =	ssyncset.done $0x0  }
0x76: {  	[sflag:s20] =	ssyncadd.s32 $0xFFFFD800  }
0x77: {  	_ =	swait.ge [sflag:s20], $0x2800  }
.Ltmp0:
0x78: {  	[sflag:s20] =	ssyncset.done $0x0;
	(pc) =	sbr.rel @p0 .LBB2_2-.Ltmp0, $4  }
0x79: {  	[sflag:s20] =	ssyncadd.s32 $0xFFFFD800  }
0x7a: {  	_ =	swait.ge [sflag:s20], $0x2800  }
0x7b: {  	[sflag:s20] =	ssyncset.done $0x0  }
0x7c: {  	s16 =	sadd.s32 $0x1, s16;
	s12 =	sadd.s32 $0x1900, s12;
	[sflag:s20] =	ssyncadd.s32 $0xFFFFD800  }
0x7d: {  	[hbm4b:s8+s1] =	stream.linear.scatter [tilespmem:s13], [sflag:$0x2], $0xC800, $0x38;
	[tilespmem:$0x1D000] =	vst v63  }
0x7e: {  	p0 =	seq.s32 s14, $0x1;
	s8 =	simm.s32 $0xC800;
	_ =	swait.ge [sflag:s0], $0xC800  }
0x7f: {  	s14 =	sshra.s32 s18, $0x2;
	s8 =	simm.s32 @!p0 $0x0;
	[sflag:s0] =	ssyncset.done $0x0  }
0x80: {  	s15 =	sadd.s32 $0x500, s14;
	s18 =	sadd.s32 $0x4000, s8;
	[sflag:s0] =	ssyncadd.s32 $0xFFFF3800  }
0x81: {  	[tilespmem:s18], [sflag:$0x1] =	stream.indirect.gather [hbm4b:s3+s10], $0x80, s15, s10, $0xb8;
	[tilespmem:$0x1D000] =	vst v63  }
0x82: {  	s16 =	sadd.s32 $0x580, s14;
	s19 =	sadd.s32 $0x6800, s8  }
0x83: {  	[tilespmem:s19], [sflag:$0x1] =	stream.indirect.gather [hbm4b:s3+s10], $0x80, s16, s10, $0xb8;
	[tilespmem:$0x1D000] =	vst v63  }
0x84: {  	s23 =	sadd.s32 $0x600, s14;
	s21 =	sadd.s32 $0x9000, s8  }
0x85: {  	[tilespmem:s21], [sflag:$0x1] =	stream.indirect.gather [hbm4b:s3+s10], $0x80, s23, s10, $0xb8;
	[tilespmem:$0x1D000] =	vst v63  }
0x86: {  	s25 =	sadd.s32 $0x680, s14;
	s24 =	sadd.s32 $0xB800, s8  }
0x87: {  	[tilespmem:s24], [sflag:$0x1] =	stream.indirect.gather [hbm4b:s3+s10], $0x80, s25, s10, $0xb8;
	[tilespmem:$0x1D000] =	vst v63  }
0x88: {  	s13 =	sadd.s32 $0x700, s14;
	s8 =	sadd.s32 $0xE000, s8  }
0x89: {  	[tilespmem:s8], [sflag:$0x1] =	stream.indirect.gather [hbm4b:s3+s10], $0x80, s13, s10, $0xb8;
	[tilespmem:$0x1D000] =	vst v63  }
0x8a: {  	_ =	swait.ge [sflag:s20], $0x2800  }
0x8b: {  	[sflag:s20] =	ssyncset.done $0x0  }
0x8c: {  	[sflag:s20] =	ssyncadd.s32 $0xFFFFD800  }
0x8d: {  	_ =	swait.ge [sflag:s20], $0x2800  }
0x8e: {  	[sflag:s20] =	ssyncset.done $0x0  }
0x8f: {  	[sflag:s20] =	ssyncadd.s32 $0xFFFFD800  }
0x90: {  	_ =	swait.ge [sflag:s20], $0x2800  }
0x91: {  	[sflag:s20] =	ssyncset.done $0x0  }
0x92: {  	[sflag:s20] =	ssyncadd.s32 $0xFFFFD800  }
0x93: {  	_ =	swait.ge [sflag:s20], $0x2800  }
0x94: {  	[sflag:s20] =	ssyncset.done $0x0  }
0x95: {  	[sflag:s20] =	ssyncadd.s32 $0xFFFFD800  }
0x96: {  	_ =	swait.ge [sflag:s20], $0x2800  }
0x97: {  	[sflag:s20] =	ssyncset.done $0x0  }
0x98: {  	s2 =	sadd.s32 $0x1, s2;
	[sflag:s20] =	ssyncadd.s32 $0xFFFFD800  }
0x99: {  	[hbm4b:s12+s1] =	stream.linear.scatter [tilespmem:s18], [sflag:$0x2], $0xC800, $0x38;
	[tilespmem:$0x1D000] =	vst v63  }
0x9a: {  	p0 =	sne.s32 s2, s6;
	_ =	swait.ge [sflag:s0], $0xC800  }
.Ltmp1:
0x9b: {  	[sflag:s0] =	ssyncset.done $0x0;
	(pc) =	sbr.rel @p0 .LBB2_1-.Ltmp1, $4  }
0x9c: {  	[sflag:s0] =	ssyncadd.s32 $0xFFFF3800  }
0x9d: {  	_ =	swait.ge [sflag:s0], $0xC800  }
0x9e: {  	[sflag:s0] =	ssyncset.done $0x0  }
0x9f: {  	[sflag:s0] =	ssyncadd.s32 $0xFFFF3800  }
0xa0: {  	_ =	sfence.sel $0x180000  }
0xa1: {  	[bflag:$0x0] =	sbarrier.arrive $0xFFFF  }
0xa2: {  	_ =	strace $0x90000047  }
0xa3: {  	s0 =	stileid.u32;
	[bflag:$0x2] =	sbarrier.arrive $0xFFFF  }
0xa4: {  	p0 =	sne.s32 s0, $0x0;
	s0 =	rddreg [dreg:$0x1]  }
0xa5: {  	s0 =	sadd.s32 @!p0 $0x100000, s0  }
0xa6: {  	[sflag:s0] =	ssyncadd.tile.s32 @!p0 $0x1;
	_ =	shalt  }
.Lfunc_end2:
_tile_overlayer_lowered:
.L_overlay_start_2:
0xa7: {  	(tag) =	ssettag $0x2  }
0xa8: {  	s0 =	rddreg [dreg:$0x0];
	s2 =	stileid.u32  }
0xa9: {  	s1 =	rddreg [dreg:$0x1];
	p0 =	sne.s32 s2, $0x0  }
0xaa: {  	s3 =	rddreg [dreg:$0x2];
	[bflag:$0x3] =	sbarrier.arrive $0xFFFF;
	s2 =	simm.s32 @!p0 $0x1C03  }
0xab: {  	[timem:s3], [sflag:s2] =	dma.local @!p0 [hbm:s0], s1  }
0xac: {  	s0 =	simm.s32 @!p0 $0x3  }
0xad: {  	_ =	swait.ge @!p0 [sflag:s0], s1  }
0xae: {  	s1 =	ssub.s32 @!p0 $0x0, s1;
	[sflag:s0] =	ssyncset.done @!p0 $0x0  }
0xaf: {  	[sflag:s0] =	ssyncadd.s32 @!p0 s1  }
0xb0: {  	[bflag:$0x3] =	sbarrier.arrive $0xFFFF  }
0xb1: {  	_ =	shalt  }

// kernel: kernel.21.cloned.1.call-start
scs
__scs_entry_jumppad:
0x0: {  	(pc) =	sbr.rel $0x88, $3  }
0x1: {  	(tag) =	ssettag $0x0;
	lr =	simm.s32 $0x1  }
0x2: {  	[smem:$0x3F8D] =	sst lr;
	_ =	strace $0xD0000000  }
0x3: {  	_ = 	snop  }
0x4: {  	_ = 	snop  }
0x5: {  	_ = 	snop  }
0x6: {  	_ = 	snop  }
0x7: {  	_ = 	snop  }
__scs_overlays_trampoline_lowered:
0x8: {  	[smem:$0x3F9C] =	sst s0  }
0x9: {  	[smem:$0x3F9D] =	sst s1  }
0xa: {  	[smem:$0x3F9E] =	sst s2  }
0xb: {  	[smem:$0x3F9F] =	sst s3  }
0xc: {  	[smem:$0x3FA0] =	sst s4  }
0xd: {  	[smem:$0x3FA1] =	sst s5  }
0xe: {  	[smem:$0x3FA2] =	sst s6  }
0xf: {  	[smem:$0x3FA3] =	sst s7  }
0x10: {  	[smem:$0x3FA4] =	sst s8  }
0x11: {  	[smem:$0x3FA5] =	sst s9;
	s0 =	simm.s32 @!p0 $0x0  }
0x12: {  	s1 =	sld [smem:$0x3F8B];
	s0 =	simm.s32 @p0 $0x1  }
0x13: {  	[smem:$0x3FA6] =	sst s0;
	s0 =	simm.s32 @!p1 $0x0  }
0x14: {  	s2 =	sld [smem:$0x3F8A];
	s0 =	simm.s32 @p1 $0x1  }
0x15: {  	[smem:$0x3FA7] =	sst s0;
	s0 =	simm.s32 @!p2 $0x0  }
0x16: {  	s3 =	sld [smem:$0x3FDB];
	s0 =	simm.s32 @p2 $0x1  }
0x17: {  	s4 =	simm.s32 $0x1BF5;
	[smem:$0x3FA9] =	sst s0  }
0x18: {  	s0 =	sld [smem:$0x3F8C];
	_ =	swait.ge [sflag:s4], $0x0  }
0x19: {  	s7 =	sld [smem:$0x3F8D]  }
0x1a: {  	s8 =	sadd.s32 $0xFFFFE003, lr  }
0x1b: {  	s9 =	sadd.s32 $0xFFFFFEF7, lr;
	s5 =	simm.s32 $0xFFFFFFFF;
	p2 =	slt.u32 s8, $0xFFFFF086  }
0x1c: {  	p1 =	slt.u32 s9, $0xF7A;
	s5 =	simm.s32 @!p2 $0x0  }
0x1d: {  	s5 =	simm.s32 @p1 $0x1;
	p0 =	seq.s32 s7, s2  }
0x1e: {  	s7 =	smul.u32 @!p0 $0xF7A, s2;
	p2 =	seq.s32 @!p0 s5, $0x0  }
0x1f: {  	s9 =	smul.u32 $0xF7A, s1;
	s8 =	simm.s32 @!p0 $0x1BF5;
	p2 =	por !p2, p0  }
0x20: {  	[sflag:s8] =	ssyncset.s32 @!p0 $0xFFFFF086;
	s6 =	sadd.s32 @!p0 s3, s7;
	s7 =	simm.s32 @!p0 $0x108  }
0x21: {  	s3 =	sadd.s32 s3, s9;
	s6 =	sadd.s32 @!p0 $0x88, s6;
	s7 =	simm.s32 @p2 $0x1082  }
0x22: {  	[simem:s7], [sflag:s8] =	dma.local @!p0 [hbm:s6], $0xF7A  }
0x23: {  	s9 =	sor.u32 $0xD0000000, s2;
	s6 =	simm.s32 $0x108;
	_ =	swait.ge @!p0 [sflag:s8], $0x0  }
0x24: {  	s3 =	sadd.s32 $0x88, s3;
	s6 =	simm.s32 @!p1 $0x1082;
	[sflag:s4] =	ssyncset.s32 $0xFFFFF086  }
0x25: {  	[simem:s6], [sflag:s4] =	dma.local [hbm:s3], $0xF7A  }
0x26: {  	[smem:$0x3F8D] =	sst s1;
	(tag) =	ssettag s2;
	_ =	strace s9  }
0x27: {  	s1 =	sld [smem:$0x3F9D]  }
0x28: {  	s2 =	sld [smem:$0x3F9E]  }
0x29: {  	s4 =	sld [smem:$0x3FA0]  }
0x2a: {  	p0 =	seq.s32 s5, $0x0;
	s5 =	sld [smem:$0x3FA1]  }
0x2b: {  	s6 =	sld [smem:$0x3FA2]  }
0x2c: {  	s7 =	sld [smem:$0x3FA3]  }
0x2d: {  	s3 =	simm.s32 $0x108;
	s8 =	sld [smem:$0x3FA4]  }
0x2e: {  	s3 =	simm.s32 @!p0 $0x1082;
	s9 =	sld [smem:$0x3FA5]  }
0x2f: {  	lr =	sadd.s32 s0, s3;
	s0 =	sld [smem:$0x3F9C]  }
0x30: {  	s3 =	sld [smem:$0x3F9F]  }
0x31: {  	[smem:$0x3FA8] =	sst s10  }
0x32: {  	s10 =	sld [smem:$0x3FA6];
	_ =	sdelay $0x3  }
0x33: {  	p0 =	seq.s32 s10, $0x1;
	s10 =	sld [smem:$0x3FA8];
	_ =	sdelay $0x3  }
0x34: {  	[smem:$0x3FA8] =	sst s10  }
0x35: {  	s10 =	sld [smem:$0x3FA7];
	_ =	sdelay $0x3  }
0x36: {  	p1 =	seq.s32 s10, $0x1;
	s10 =	sld [smem:$0x3FA8];
	_ =	sdelay $0x3  }
0x37: {  	[smem:$0x3FA8] =	sst s10  }
0x38: {  	s10 =	sld [smem:$0x3FA9]  }
0x39: {  	_ = 	snop;
	(pc) =	sbr.ind lr, $3  }
0x3a: {  	_ = 	snop  }
0x3b: {  	_ = 	snop  }
0x3c: {  	p2 =	seq.s32 s10, $0x1;
	s10 =	sld [smem:$0x3FA8]  }
0x3d: {  	_ =	shalt  }
0x3e: {  	_ =	shalt  }
0x3f: {  	_ =	shalt  }
0x40: {  	_ =	shalt  }
0x41: {  	_ =	shalt  }
0x42: {  	_ =	shalt  }
0x43: {  	_ =	shalt  }
0x44: {  	_ =	shalt  }
0x45: {  	_ =	shalt  }
0x46: {  	_ =	shalt  }
0x47: {  	_ =	shalt  }
0x48: {  	_ =	shalt  }
0x49: {  	_ =	shalt  }
0x4a: {  	_ =	shalt  }
0x4b: {  	_ =	shalt  }
0x4c: {  	_ =	shalt  }
0x4d: {  	_ =	shalt  }
0x4e: {  	_ =	shalt  }
0x4f: {  	_ =	shalt  }
0x50: {  	_ =	shalt  }
0x51: {  	_ =	shalt  }
0x52: {  	_ =	shalt  }
0x53: {  	_ =	shalt  }
0x54: {  	_ =	shalt  }
0x55: {  	_ =	shalt  }
0x56: {  	_ =	shalt  }
0x57: {  	_ =	shalt  }
0x58: {  	_ =	shalt  }
0x59: {  	_ =	shalt  }
0x5a: {  	_ =	shalt  }
0x5b: {  	_ =	shalt  }
0x5c: {  	_ =	shalt  }
0x5d: {  	_ =	shalt  }
0x5e: {  	_ =	shalt  }
0x5f: {  	_ =	shalt  }
0x60: {  	_ =	shalt  }
0x61: {  	_ =	shalt  }
0x62: {  	_ =	shalt  }
0x63: {  	_ =	shalt  }
0x64: {  	_ =	shalt  }
0x65: {  	_ =	shalt  }
0x66: {  	_ =	shalt  }
0x67: {  	_ =	shalt  }
0x68: {  	_ =	shalt  }
0x69: {  	_ =	shalt  }
0x6a: {  	_ =	shalt  }
0x6b: {  	_ =	shalt  }
0x6c: {  	_ =	shalt  }
0x6d: {  	_ =	shalt  }
0x6e: {  	_ =	shalt  }
0x6f: {  	_ =	shalt  }
0x70: {  	_ =	shalt  }
0x71: {  	_ =	shalt  }
0x72: {  	_ =	shalt  }
0x73: {  	_ =	shalt  }
0x74: {  	_ =	shalt  }
0x75: {  	_ =	shalt  }
0x76: {  	_ =	shalt  }
0x77: {  	_ =	shalt  }
0x78: {  	_ =	shalt  }
0x79: {  	_ =	shalt  }
0x7a: {  	_ =	shalt  }
0x7b: {  	_ =	shalt  }
0x7c: {  	_ =	shalt  }
0x7d: {  	_ =	shalt  }
0x7e: {  	_ =	shalt  }
0x7f: {  	_ =	shalt  }
0x80: {  	_ =	shalt  }
0x81: {  	_ =	shalt  }
0x82: {  	_ =	shalt  }
0x83: {  	_ =	shalt  }
0x84: {  	_ =	shalt  }
0x85: {  	_ =	shalt  }
0x86: {  	_ =	shalt  }
0x87: {  	_ =	shalt  }
.Lfunc_end0:
.L_simem_size_0:
called_computation.1_lowered:
.L_overlay_start_0:
0x88: {  	s2 =	sld [smem:$0x3FD9]  }
0x89: {  	s3 =	sld [smem:$0x3FFE];
	_ =	sdelay $0x1  }
0x8a: {  	s1 =	srdreg.scid  }
0x8b: {  	s0 =	sand.u32 $0x1, s1  }
0x8c: {  	s17 =	sshll.u32 s0, $0xA;
	s2 =	sadd.s32 s3, s2  }
0x8d: {  	s2 =	sadd.s32 s2, s17  }
0x8e: {  	[smem:$0x3FB4] =	sst s2  }
0x8f: {  	_ = 	snop  }
0x90: {  	(tm) =	ssettm $0x1  }
0x91: {  	s18 =	sld [smem:$0x3FFB];
	_ =	sdelay $0x3  }
0x92: {  	_ =	strace s18  }
0x93: {  	s2 =	sld [smem:$0x3FFC];
	_ =	sdelay $0x3  }
0x94: {  	_ =	strace s2  }
0x95: {  	s2 =	sld [smem:$0x3FFD];
	_ =	sdelay $0x3  }
0x96: {  	_ =	strace s2  }
0x97: {  	_ =	strace $0x8FFFFFFF  }
0x98: {  	s19 =	sld [smem:$0x3FDB];
	_ =	sdelay $0x1  }
0x99: {  	s20 =	simm.s32 $_scs_section_size  }
0x9a: {  	s4 =	simm.s32 $_size__tile_overlayer_lowered;
	s5 =	simm.s32 $_tile_overlayer_lowered  }
0x9b: {  	s6 =	simm.s32 $0x1BFF;
	s21 =	sshll.u32 s5, $0x1;
	s3 =	sadd.s32 s20, s19  }
0x9c: {  	s22 =	simm.s32 $0x0;
	s4 =	sshll.u32 s4, $0x1;
	s5 =	sadd.s32 s21, s3  }
0x9d: {  	[timem:s22], [sflag:s6] =	dma.local [hbm:s5], s4  }
0x9e: {  	_ =	swait.ge [sflag:s6], s4  }
0x9f: {  	s4 =	ssub.s32 $0x0, s4;
	[sflag:s6] =	ssyncset.done $0x0  }
0xa0: {  	[sflag:s6] =	ssyncadd.s32 s4;
	_ =	sdelay $0x1  }
0xa1: {  	s23 =	simm.s32 $0x1B8B  }
0xa2: {  	_ =	swait.ge [sflag:s23], $0x1  }
0xa3: {  	[sflag:s23] =	ssyncset.done $0x0  }
0xa4: {  	[sflag:s23] =	ssyncadd.s32 $0xFFFFFFFF  }
0xa5: {  	s4 =	sld [smem:$0x0]  }
0xa6: {  	s5 =	sand.u32 $0xFFFFFFFE, s1  }
0xa7: {  	p0 =	sne.s32 s1, s5  }
0xa8: {  	s5 =	sshll.u32 @p0 s5, $0xE  }
0xa9: {  	s5 =	sadd.s32 @p0 $0x11B8D, s5;
	s6 =	sshll.u32 @p0 s4, $0x11  }
0xaa: {  	s5 =	sor.u32 @p0 s6, s5  }
0xab: {  	[sflag:s5] =	ssyncadd.remote.s32 @p0 $0x1;
	_ =	sdelay $0x1  }
0xac: {  	s5 =	simm.s32 @p0 $0x1B8D  }
0xad: {  	_ =	swait.eq @p0 [sflag:s5], $0x1  }
0xae: {  	[sflag:s5] =	ssyncadd.s32 @p0 $0xFFFFFFFF  }
0xaf: {  	s6 =	sshll.u32 @!p0 s1, $0xE  }
0xb0: {  	s6 =	sor.u32 @!p0 $0x4000, s6;
	s5 =	simm.s32 @!p0 $0x1B8D  }
0xb1: {  	s4 =	sshll.u32 @!p0 s4, $0x11;
	s6 =	sadd.s32 @!p0 $0x11B8D, s6;
	_ =	swait.eq @!p0 [sflag:s5], $0x1  }
0xb2: {  	s4 =	sor.u32 @!p0 s4, s6;
	[sflag:s5] =	ssyncadd.s32 @!p0 $0xFFFFFFFF  }
0xb3: {  	s25 =	simm.s32 $0x1B8E;
	s24 =	sld [smem:$0x3FFE];
	[sflag:s4] =	ssyncadd.remote.s32 @!p0 $0x1  }
0xb4: {  	s26 =	simm.s32 $execute0_lowered;
	[smem:$0x3FD2] =	sst s25  }
0xb5: {  	s5 =	sshll.u32 s26, $0x1;
	_ =	strace $0x80000049;
	[dreg:$0x1] =	wrdreg $0xFFFFFFFF  }
0xb6: {  	s28 =	simm.s32 $_size_execute0_lowered;
	s3 =	sadd.s32 s3, s5;
	[dreg:$0x0] =	wrdreg $0x0  }
0xb7: {  	s5 =	sshll.u32 s28, $0x1;
	[dreg:$0x2] =	wrdreg s3  }
0xb8: {  	[dreg:$0x3] =	wrdreg s5  }
0xb9: {  	[dreg:$0x4] =	wrdreg $0xC0  }
0xba: {  	_ =	task [dreg:s22], $0x5FFFF  }
0xbb: {  	[dreg:$0x1] =	wrdreg $0xFFFFFFFF  }
0xbc: {  	[dreg:$0x0] =	wrdreg $0x60  }
0xbd: {  	[dreg:$0x2] =	wrdreg s24  }
0xbe: {  	[dreg:$0x3] =	wrdreg $0x9  }
0xbf: {  	_ =	task.clear_ibuf [dreg:s22], $0x4FFFF;
	_ =	strace $0x90000049  }
0xc0: {  	s29 =	simm.s32 $0x9;
	_ =	strace $0x8000004B  }
0xc1: {  	_ =	swait.ge [sflag:s29], $0x1  }
0xc2: {  	[sflag:s29] =	ssyncadd.s32 $0xFFFFFFFF  }
0xc3: {  	_ =	strace $0x9000004B  }
0xc4: {  	_ =	sfence  }
0xc5: {  	s30 =	sld [smem:$0x0];
	_ =	sdelay $0x2  }
0xc6: {  	s31 =	sshll.u32 s1, $0xD;
	s1 =	sshrl.u32 s1, $0x2  }
0xc7: {  	s4 =	sand.u32 $0x4000, s31;
	s1 =	sadd.s32 s1, s30  }
0xc8: {  	s0 =	sor.u32 s4, s0;
	s1 =	sshll.u32 s1, $0x11  }
0xc9: {  	s0 =	sor.u32 s1, s0  }
0xca: {  	s0 =	sadd.s32 $0x8F2B, s0  }
0xcb: {  	[sflag:s0] =	ssyncadd.remote.s32 $0x1  }
0xcc: {  	_ =	sfence.sel $0xFFFF  }
0xcd: {  	[dreg:$0x0] =	wrdreg $0xFFFFFFFF;
	(pc) =	sbr.abs _section_cstart, $3  }
0xce: {  	[dreg:$0x1] =	wrdreg $0xFFFFFFFF  }
0xcf: {  	_ =	task.clear_ibuf [dreg:s22], $0x2FFFF;
	_ =	strace $0x9FFFFFFF  }
0xd0: {  	(tm) =	ssettm $0x7FFFFFFF  }
0xd1: {  	_ =	shalt  }
tec
execute0_lowered:
.L_overlay_start_1:
0x0: {  	(tag) =	ssettag $0x1  }
0x1: {  	s0 =	rddreg [dreg:$0x0];
	s1 =	simm.s32 $0x0;
	s2 =	srdreg.scid  }
0x2: {  	s7 =	stileid.u32;
	s9 =	simm.s32 $0x3;
	s10 =	simm.s32 $0x50  }
0x3: {  	s11 =	simm.s32 $0x4000;
	s20 =	simm.s32 $0x1;
	s22 =	simm.s32 $0x10800  }
0x4: {  	s28 =	simm.s32 $0x400;
	s29 =	simm.s32 $0x18000;
	s30 =	simm.s32 $0x480  }
0x5: {  	s31 =	simm.s32 $0x1A800;
	[smem:$0x7FF] =	sst s1;
	s2 =	sand.u32 $0x1, s2  }
0x6: {  	s3 =	sadd.s32 $0x29000, s0;
	s5 =	sshll.u32 s7, $0xB;
	s7 =	smul.u32 $0x138800, s7  }
0x7: {  	_ =	strace $0x8000004A;
	s4 =	smul.u32 $0x1388000, s2;
	s6 =	ssub.s32 $0x2, s2  }
0x8: {  	s5 =	sadd.s32 s5, s0;
	s0 =	sadd.s32 $0x542200, s0;
	s2 =	sshll.u32 s2, $0xF  }
0x9: {  	s8 =	sshrl.u32 s6, $0x1;
	s2 =	sadd.s32 s2, s5;
	s4 =	sadd.s32 s4, s7  }
0xa: {  	s6 =	ssub.s32 s6, s8;
	s25 =	sshrl.u32 s4, $0x3;
	s7 =	sadd.s32 $0x19000, s4  }
0xb: {  	s4 =	sadd.s32 $0x532200, s2;
	s6 =	smax.u32 s6, $0x1;
	s5 =	sadd.s32 s0, s25  }
0xc: {  	s2 =	simm.s32 $0x0;
	s26 =	sshrl.u32 s7, $0x3;
	s7 =	sadd.s32 $0x1900, s5  }
0xd: {  	s17 =	sadd.s32 s26, s0;
	s26 =	simm.s32 $0x15800;
	s0 =	simm.s32 $0x2  }
.LBB2_1:
0xe: {  	[tilespmem:s1], [sflag:$0x3] =	stream.linear.gather [hbm4b:s4+s1], $0x3E80, $0x38;
	[tilespmem:$0x1D000] =	vst v63  }
0xf: {  	_ =	swait.ge [sflag:s9], $0x3E80  }
0x10: {  	[sflag:s9] =	ssyncset.done $0x0  }
0x11: {  	[sflag:s9] =	ssyncadd.s32 $0xFFFFC180  }
0x12: {  	[tilespmem:s11], [sflag:$0x1] =	stream.indirect.gather [hbm4b:s3+s10], $0x80, s1, s10, $0xb8;
	[tilespmem:$0x1D000] =	vst v63  }
0x13: {  	s8 =	simm.s32 $0x80;
	s12 =	simm.s32 $0x6800  }
0x14: {  	[tilespmem:s12], [sflag:$0x1] =	stream.indirect.gather [hbm4b:s3+s10], $0x80, s8, s10, $0xb8;
	[tilespmem:$0x1D000] =	vst v63  }
0x15: {  	s14 =	simm.s32 $0x100;
	s15 =	simm.s32 $0x9000  }
0x16: {  	[tilespmem:s15], [sflag:$0x1] =	stream.indirect.gather [hbm4b:s3+s10], $0x80, s14, s10, $0xb8;
	[tilespmem:$0x1D000] =	vst v63  }
0x17: {  	s16 =	simm.s32 $0x180;
	s18 =	simm.s32 $0xB800  }
0x18: {  	[tilespmem:s18], [sflag:$0x1] =	stream.indirect.gather [hbm4b:s3+s10], $0x80, s16, s10, $0xb8;
	[tilespmem:$0x1D000] =	vst v63  }
0x19: {  	s19 =	simm.s32 $0x200;
	s21 =	simm.s32 $0xE000  }
0x1a: {  	[tilespmem:s21], [sflag:$0x1] =	stream.indirect.gather [hbm4b:s3+s10], $0x80, s19, s10, $0xb8;
	[tilespmem:$0x1D000] =	vst v63  }
0x1b: {  	_ =	swait.ge [sflag:s20], $0x2800  }
0x1c: {  	[sflag:s20] =	ssyncset.done $0x0  }
0x1d: {  	[sflag:s20] =	ssyncadd.s32 $0xFFFFD800  }
0x1e: {  	_ =	swait.ge [sflag:s20], $0x2800  }
0x1f: {  	[sflag:s20] =	ssyncset.done $0x0  }
0x20: {  	[sflag:s20] =	ssyncadd.s32 $0xFFFFD800  }
0x21: {  	_ =	swait.ge [sflag:s20], $0x2800  }
0x22: {  	[sflag:s20] =	ssyncset.done $0x0  }
0x23: {  	[sflag:s20] =	ssyncadd.s32 $0xFFFFD800  }
0x24: {  	_ =	swait.ge [sflag:s20], $0x2800  }
0x25: {  	[sflag:s20] =	ssyncset.done $0x0  }
0x26: {  	[sflag:s20] =	ssyncadd.s32 $0xFFFFD800  }
0x27: {  	_ =	swait.ge [sflag:s20], $0x2800  }
0x28: {  	[sflag:s20] =	ssyncset.done $0x0  }
0x29: {  	[sflag:s20] =	ssyncadd.s32 $0xFFFFD800  }
0x2a: {  	[hbm4b:s5+s1] =	stream.linear.scatter [tilespmem:s11], [sflag:$0x2], $0xC800, $0x38;
	[tilespmem:$0x1D000] =	vst v63  }
0x2b: {  	s23 =	simm.s32 $0x280  }
0x2c: {  	[tilespmem:s22], [sflag:$0x1] =	stream.indirect.gather [hbm4b:s3+s10], $0x80, s23, s10, $0xb8;
	[tilespmem:$0x1D000] =	vst v63  }
0x2d: {  	s24 =	simm.s32 $0x300;
	s25 =	simm.s32 $0x13000  }
0x2e: {  	[tilespmem:s25], [sflag:$0x1] =	stream.indirect.gather [hbm4b:s3+s10], $0x80, s24, s10, $0xb8;
	[tilespmem:$0x1D000] =	vst v63  }
0x2f: {  	s13 =	simm.s32 $0x380  }
0x30: {  	[tilespmem:s26], [sflag:$0x1] =	stream.indirect.gather [hbm4b:s3+s10], $0x80, s13, s10, $0xb8;
	[tilespmem:$0x1D000] =	vst v63  }
0x31: {  	_ = 	snop  }
0x32: {  	[tilespmem:s29], [sflag:$0x1] =	stream.indirect.gather [hbm4b:s3+s10], $0x80, s28, s10, $0xb8;
	[tilespmem:$0x1D000] =	vst v63  }
0x33: {  	_ = 	snop  }
0x34: {  	[tilespmem:s31], [sflag:$0x1] =	stream.indirect.gather [hbm4b:s3+s10], $0x80, s30, s10, $0xb8;
	[tilespmem:$0x1D000] =	vst v63  }
0x35: {  	_ =	swait.ge [sflag:s20], $0x2800  }
0x36: {  	[sflag:s20] =	ssyncset.done $0x0  }
0x37: {  	[sflag:s20] =	ssyncadd.s32 $0xFFFFD800  }
0x38: {  	_ =	swait.ge [sflag:s20], $0x2800  }
0x39: {  	[sflag:s20] =	ssyncset.done $0x0  }
0x3a: {  	[sflag:s20] =	ssyncadd.s32 $0xFFFFD800  }
0x3b: {  	_ =	swait.ge [sflag:s20], $0x2800  }
0x3c: {  	[sflag:s20] =	ssyncset.done $0x0  }
0x3d: {  	[sflag:s20] =	ssyncadd.s32 $0xFFFFD800  }
0x3e: {  	_ =	swait.ge [sflag:s20], $0x2800  }
0x3f: {  	[sflag:s20] =	ssyncset.done $0x0  }
0x40: {  	[sflag:s20] =	ssyncadd.s32 $0xFFFFD800  }
0x41: {  	_ =	swait.ge [sflag:s20], $0x2800  }
0x42: {  	[sflag:s20] =	ssyncset.done $0x0  }
0x43: {  	s14 =	sand.u32 $0x1, s0;
	[sflag:s20] =	ssyncadd.s32 $0xFFFFD800  }
0x44: {  	[hbm4b:s7+s1] =	stream.linear.scatter [tilespmem:s22], [sflag:$0x2], $0xC800, $0x38;
	[tilespmem:$0x1D000] =	vst v63  }
0x45: {  	s8 =	simm.s32 $0xC800;
	p0 =	seq.s32 s14, $0x1;
	_ =	swait.ge [sflag:s0], $0xC800  }
0x46: {  	s8 =	simm.s32 @!p0 $0x0;
	[sflag:s0] =	ssyncset.done $0x0  }
0x47: {  	s15 =	simm.s32 $0x500;
	s13 =	sadd.s32 $0x4000, s8;
	[sflag:s0] =	ssyncadd.s32 $0xFFFF3800  }
0x48: {  	[tilespmem:s13], [sflag:$0x1] =	stream.indirect.gather [hbm4b:s3+s10], $0x80, s15, s10, $0xb8;
	[tilespmem:$0x1D000] =	vst v63  }
0x49: {  	s14 =	simm.s32 $0x580;
	s16 =	sadd.s32 $0x6800, s8  }
0x4a: {  	[tilespmem:s16], [sflag:$0x1] =	stream.indirect.gather [hbm4b:s3+s10], $0x80, s14, s10, $0xb8;
	[tilespmem:$0x1D000] =	vst v63  }
0x4b: {  	s18 =	sadd.s32 $0x9000, s8;
	s19 =	simm.s32 $0x600  }
0x4c: {  	[tilespmem:s18], [sflag:$0x1] =	stream.indirect.gather [hbm4b:s3+s10], $0x80, s19, s10, $0xb8;
	[tilespmem:$0x1D000] =	vst v63  }
0x4d: {  	s21 =	sadd.s32 $0xB800, s8;
	s23 =	simm.s32 $0x680  }
0x4e: {  	[tilespmem:s21], [sflag:$0x1] =	stream.indirect.gather [hbm4b:s3+s10], $0x80, s23, s10, $0xb8;
	[tilespmem:$0x1D000] =	vst v63  }
0x4f: {  	s24 =	simm.s32 $0x700;
	s8 =	sadd.s32 $0xE000, s8  }
0x50: {  	[tilespmem:s8], [sflag:$0x1] =	stream.indirect.gather [hbm4b:s3+s10], $0x80, s24, s10, $0xb8;
	[tilespmem:$0x1D000] =	vst v63  }
0x51: {  	_ =	swait.ge [sflag:s20], $0x2800  }
0x52: {  	[sflag:s20] =	ssyncset.done $0x0  }
0x53: {  	[sflag:s20] =	ssyncadd.s32 $0xFFFFD800  }
0x54: {  	_ =	swait.ge [sflag:s20], $0x2800  }
0x55: {  	[sflag:s20] =	ssyncset.done $0x0  }
0x56: {  	[sflag:s20] =	ssyncadd.s32 $0xFFFFD800  }
0x57: {  	_ =	swait.ge [sflag:s20], $0x2800  }
0x58: {  	[sflag:s20] =	ssyncset.done $0x0  }
0x59: {  	[sflag:s20] =	ssyncadd.s32 $0xFFFFD800  }
0x5a: {  	_ =	swait.ge [sflag:s20], $0x2800  }
0x5b: {  	[sflag:s20] =	ssyncset.done $0x0  }
0x5c: {  	s12 =	sadd.s32 $0x1900, s17;
	[sflag:s20] =	ssyncadd.s32 $0xFFFFD800  }
0x5d: {  	s25 =	simm.s32 $0x3;
	s15 =	simm.s32 $0x1400;
	_ =	swait.ge [sflag:s20], $0x2800  }
0x5e: {  	s14 =	sand.u32 $0x1, s25;
	s16 =	simm.s32 $0x4;
	[sflag:s20] =	ssyncset.done $0x0  }
0x5f: {  	s18 =	simm.s32 $0xA00;
	s8 =	smov.u32 s17;
	[sflag:s20] =	ssyncadd.s32 $0xFFFFD800  }
.LBB2_2:
0x60: {  	[hbm4b:s8+s1] =	stream.linear.scatter [tilespmem:s13], [sflag:$0x2], $0xC800, $0x38;
	[tilespmem:$0x1D000] =	vst v63  }
0x61: {  	s19 =	smov.u32 s15;
	s8 =	smov.u32 s12;
	p0 =	seq.s32 s14, $0x1  }
0x62: {  	s14 =	sand.u32 $0x1, s16;
	s21 =	simm.s32 $0xC800;
	_ =	swait.ge [sflag:s0], $0xC800  }
0x63: {  	s23 =	sshra.s32 s18, $0x2;
	s21 =	simm.s32 @!p0 $0x0;
	[sflag:s0] =	ssyncset.done $0x0  }
0x64: {  	s18 =	sadd.s32 $0x500, s23;
	s13 =	sadd.s32 $0x4000, s21;
	[sflag:s0] =	ssyncadd.s32 $0xFFFF3800  }
0x65: {  	[tilespmem:s13], [sflag:$0x1] =	stream.indirect.gather [hbm4b:s3+s10], $0x80, s18, s10, $0xb8;
	[tilespmem:$0x1D000] =	vst v63  }
0x66: {  	p0 =	sne.s32 s15, $0xDC00;
	s24 =	sadd.s32 $0x580, s23;
	s18 =	sadd.s32 $0x6800, s21  }
0x67: {  	[tilespmem:s18], [sflag:$0x1] =	stream.indirect.gather [hbm4b:s3+s10], $0x80, s24, s10, $0xb8;
	[tilespmem:$0x1D000] =	vst v63  }
0x68: {  	s15 =	sadd.s32 $0xA00, s15;
	s18 =	sadd.s32 $0x9000, s21;
	s24 =	sadd.s32 $0x600, s23  }
0x69: {  	[tilespmem:s18], [sflag:$0x1] =	stream.indirect.gather [hbm4b:s3+s10], $0x80, s24, s10, $0xb8;
	[tilespmem:$0x1D000] =	vst v63  }
0x6a: {  	s25 =	sadd.s32 $0x680, s23;
	s24 =	sadd.s32 $0xB800, s21;
	s18 =	smov.u32 s19  }
0x6b: {  	[tilespmem:s24], [sflag:$0x1] =	stream.indirect.gather [hbm4b:s3+s10], $0x80, s25, s10, $0xb8;
	[tilespmem:$0x1D000] =	vst v63  }
0x6c: {  	s19 =	sadd.s32 $0xE000, s21;
	s21 =	sadd.s32 $0x700, s23  }
0x6d: {  	[tilespmem:s19], [sflag:$0x1] =	stream.indirect.gather [hbm4b:s3+s10], $0x80, s21, s10, $0xb8;
	[tilespmem:$0x1D000] =	vst v63  }
0x6e: {  	_ =	swait.ge [sflag:s20], $0x2800  }
0x6f: {  	[sflag:s20] =	ssyncset.done $0x0  }
0x70: {  	[sflag:s20] =	ssyncadd.s32 $0xFFFFD800  }
0x71: {  	_ =	swait.ge [sflag:s20], $0x2800  }
0x72: {  	[sflag:s20] =	ssyncset.done $0x0  }
0x73: {  	[sflag:s20] =	ssyncadd.s32 $0xFFFFD800  }
0x74: {  	_ =	swait.ge [sflag:s20], $0x2800  }
0x75: {  	[sflag:s20] =	ssyncset.done $0x0  }
0x76: {  	[sflag:s20] =	ssyncadd.s32 $0xFFFFD800  }
0x77: {  	_ =	swait.ge [sflag:s20], $0x2800  }
.Ltmp0:
0x78: {  	[sflag:s20] =	ssyncset.done $0x0;
	(pc) =	sbr.rel @p0 .LBB2_2-.Ltmp0, $4  }
0x79: {  	[sflag:s20] =	ssyncadd.s32 $0xFFFFD800  }
0x7a: {  	_ =	swait.ge [sflag:s20], $0x2800  }
0x7b: {  	[sflag:s20] =	ssyncset.done $0x0  }
0x7c: {  	s16 =	sadd.s32 $0x1, s16;
	s12 =	sadd.s32 $0x1900, s12;
	[sflag:s20] =	ssyncadd.s32 $0xFFFFD800  }
0x7d: {  	[hbm4b:s8+s1] =	stream.linear.scatter [tilespmem:s13], [sflag:$0x2], $0xC800, $0x38;
	[tilespmem:$0x1D000] =	vst v63  }
0x7e: {  	p0 =	seq.s32 s14, $0x1;
	s8 =	simm.s32 $0xC800;
	_ =	swait.ge [sflag:s0], $0xC800  }
0x7f: {  	s14 =	sshra.s32 s18, $0x2;
	s8 =	simm.s32 @!p0 $0x0;
	[sflag:s0] =	ssyncset.done $0x0  }
0x80: {  	s15 =	sadd.s32 $0x500, s14;
	s18 =	sadd.s32 $0x4000, s8;
	[sflag:s0] =	ssyncadd.s32 $0xFFFF3800  }
0x81: {  	[tilespmem:s18], [sflag:$0x1] =	stream.indirect.gather [hbm4b:s3+s10], $0x80, s15, s10, $0xb8;
	[tilespmem:$0x1D000] =	vst v63  }
0x82: {  	s16 =	sadd.s32 $0x580, s14;
	s19 =	sadd.s32 $0x6800, s8  }
0x83: {  	[tilespmem:s19], [sflag:$0x1] =	stream.indirect.gather [hbm4b:s3+s10], $0x80, s16, s10, $0xb8;
	[tilespmem:$0x1D000] =	vst v63  }
0x84: {  	s23 =	sadd.s32 $0x600, s14;
	s21 =	sadd.s32 $0x9000, s8  }
0x85: {  	[tilespmem:s21], [sflag:$0x1] =	stream.indirect.gather [hbm4b:s3+s10], $0x80, s23, s10, $0xb8;
	[tilespmem:$0x1D000] =	vst v63  }
0x86: {  	s25 =	sadd.s32 $0x680, s14;
	s24 =	sadd.s32 $0xB800, s8  }
0x87: {  	[tilespmem:s24], [sflag:$0x1] =	stream.indirect.gather [hbm4b:s3+s10], $0x80, s25, s10, $0xb8;
	[tilespmem:$0x1D000] =	vst v63  }
0x88: {  	s13 =	sadd.s32 $0x700, s14;
	s8 =	sadd.s32 $0xE000, s8  }
0x89: {  	[tilespmem:s8], [sflag:$0x1] =	stream.indirect.gather [hbm4b:s3+s10], $0x80, s13, s10, $0xb8;
	[tilespmem:$0x1D000] =	vst v63  }
0x8a: {  	_ =	swait.ge [sflag:s20], $0x2800  }
0x8b: {  	[sflag:s20] =	ssyncset.done $0x0  }
0x8c: {  	[sflag:s20] =	ssyncadd.s32 $0xFFFFD800  }
0x8d: {  	_ =	swait.ge [sflag:s20], $0x2800  }
0x8e: {  	[sflag:s20] =	ssyncset.done $0x0  }
0x8f: {  	[sflag:s20] =	ssyncadd.s32 $0xFFFFD800  }
0x90: {  	_ =	swait.ge [sflag:s20], $0x2800  }
0x91: {  	[sflag:s20] =	ssyncset.done $0x0  }
0x92: {  	[sflag:s20] =	ssyncadd.s32 $0xFFFFD800  }
0x93: {  	_ =	swait.ge [sflag:s20], $0x2800  }
0x94: {  	[sflag:s20] =	ssyncset.done $0x0  }
0x95: {  	[sflag:s20] =	ssyncadd.s32 $0xFFFFD800  }
0x96: {  	_ =	swait.ge [sflag:s20], $0x2800  }
0x97: {  	[sflag:s20] =	ssyncset.done $0x0  }
0x98: {  	s2 =	sadd.s32 $0x1, s2;
	[sflag:s20] =	ssyncadd.s32 $0xFFFFD800  }
0x99: {  	[hbm4b:s12+s1] =	stream.linear.scatter [tilespmem:s18], [sflag:$0x2], $0xC800, $0x38;
	[tilespmem:$0x1D000] =	vst v63  }
0x9a: {  	p0 =	sne.s32 s2, s6;
	_ =	swait.ge [sflag:s0], $0xC800  }
.Ltmp1:
0x9b: {  	[sflag:s0] =	ssyncset.done $0x0;
	(pc) =	sbr.rel @p0 .LBB2_1-.Ltmp1, $4  }
0x9c: {  	[sflag:s0] =	ssyncadd.s32 $0xFFFF3800  }
0x9d: {  	_ =	swait.ge [sflag:s0], $0xC800  }
0x9e: {  	[sflag:s0] =	ssyncset.done $0x0  }
0x9f: {  	[sflag:s0] =	ssyncadd.s32 $0xFFFF3800  }
0xa0: {  	_ =	sfence.sel $0x180000  }
0xa1: {  	[bflag:$0x0] =	sbarrier.arrive $0xFFFF  }
0xa2: {  	_ =	strace $0x9000004A  }
0xa3: {  	s0 =	stileid.u32;
	[bflag:$0x2] =	sbarrier.arrive $0xFFFF  }
0xa4: {  	p0 =	sne.s32 s0, $0x0;
	s0 =	rddreg [dreg:$0x1]  }
0xa5: {  	s0 =	sadd.s32 @!p0 $0x100000, s0  }
0xa6: {  	[sflag:s0] =	ssyncadd.tile.s32 @!p0 $0x1;
	_ =	shalt  }
.Lfunc_end2:
_tile_overlayer_lowered:
.L_overlay_start_2:
0xa7: {  	(tag) =	ssettag $0x2  }
0xa8: {  	s0 =	rddreg [dreg:$0x0];
	s2 =	stileid.u32  }
0xa9: {  	s1 =	rddreg [dreg:$0x1];
	p0 =	sne.s32 s2, $0x0  }
0xaa: {  	s3 =	rddreg [dreg:$0x2];
	[bflag:$0x3] =	sbarrier.arrive $0xFFFF;
	s2 =	simm.s32 @!p0 $0x1C03  }
0xab: {  	[timem:s3], [sflag:s2] =	dma.local @!p0 [hbm:s0], s1  }
0xac: {  	s0 =	simm.s32 @!p0 $0x3  }
0xad: {  	_ =	swait.ge @!p0 [sflag:s0], s1  }
0xae: {  	s1 =	ssub.s32 @!p0 $0x0, s1;
	[sflag:s0] =	ssyncset.done @!p0 $0x0  }
0xaf: {  	[sflag:s0] =	ssyncadd.s32 @!p0 s1  }
0xb0: {  	[bflag:$0x3] =	sbarrier.arrive $0xFFFF  }
0xb1: {  	_ =	shalt  }

// kernel: kernel.24.cloned.1.call-start
scs
__scs_entry_jumppad:
0x0: {  	(pc) =	sbr.rel $0x88, $3  }
0x1: {  	(tag) =	ssettag $0x0;
	lr =	simm.s32 $0x1  }
0x2: {  	[smem:$0x3F8D] =	sst lr;
	_ =	strace $0xD0000000  }
0x3: {  	_ = 	snop  }
0x4: {  	_ = 	snop  }
0x5: {  	_ = 	snop  }
0x6: {  	_ = 	snop  }
0x7: {  	_ = 	snop  }
__scs_overlays_trampoline_lowered:
0x8: {  	[smem:$0x3F9C] =	sst s0  }
0x9: {  	[smem:$0x3F9D] =	sst s1  }
0xa: {  	[smem:$0x3F9E] =	sst s2  }
0xb: {  	[smem:$0x3F9F] =	sst s3  }
0xc: {  	[smem:$0x3FA0] =	sst s4  }
0xd: {  	[smem:$0x3FA1] =	sst s5  }
0xe: {  	[smem:$0x3FA2] =	sst s6  }
0xf: {  	[smem:$0x3FA3] =	sst s7  }
0x10: {  	[smem:$0x3FA4] =	sst s8  }
0x11: {  	[smem:$0x3FA5] =	sst s9;
	s0 =	simm.s32 @!p0 $0x0  }
0x12: {  	s1 =	sld [smem:$0x3F8B];
	s0 =	simm.s32 @p0 $0x1  }
0x13: {  	[smem:$0x3FA6] =	sst s0;
	s0 =	simm.s32 @!p1 $0x0  }
0x14: {  	s2 =	sld [smem:$0x3F8A];
	s0 =	simm.s32 @p1 $0x1  }
0x15: {  	[smem:$0x3FA7] =	sst s0;
	s0 =	simm.s32 @!p2 $0x0  }
0x16: {  	s3 =	sld [smem:$0x3FDB];
	s0 =	simm.s32 @p2 $0x1  }
0x17: {  	s4 =	simm.s32 $0x1BF5;
	[smem:$0x3FA9] =	sst s0  }
0x18: {  	s0 =	sld [smem:$0x3F8C];
	_ =	swait.ge [sflag:s4], $0x0  }
0x19: {  	s7 =	sld [smem:$0x3F8D]  }
0x1a: {  	s8 =	sadd.s32 $0xFFFFE003, lr  }
0x1b: {  	s9 =	sadd.s32 $0xFFFFFEF7, lr;
	s5 =	simm.s32 $0xFFFFFFFF;
	p2 =	slt.u32 s8, $0xFFFFF086  }
0x1c: {  	p1 =	slt.u32 s9, $0xF7A;
	s5 =	simm.s32 @!p2 $0x0  }
0x1d: {  	s5 =	simm.s32 @p1 $0x1;
	p0 =	seq.s32 s7, s2  }
0x1e: {  	s7 =	smul.u32 @!p0 $0xF7A, s2;
	p2 =	seq.s32 @!p0 s5, $0x0  }
0x1f: {  	s9 =	smul.u32 $0xF7A, s1;
	s8 =	simm.s32 @!p0 $0x1BF5;
	p2 =	por !p2, p0  }
0x20: {  	[sflag:s8] =	ssyncset.s32 @!p0 $0xFFFFF086;
	s6 =	sadd.s32 @!p0 s3, s7;
	s7 =	simm.s32 @!p0 $0x108  }
0x21: {  	s3 =	sadd.s32 s3, s9;
	s6 =	sadd.s32 @!p0 $0x88, s6;
	s7 =	simm.s32 @p2 $0x1082  }
0x22: {  	[simem:s7], [sflag:s8] =	dma.local @!p0 [hbm:s6], $0xF7A  }
0x23: {  	s9 =	sor.u32 $0xD0000000, s2;
	s6 =	simm.s32 $0x108;
	_ =	swait.ge @!p0 [sflag:s8], $0x0  }
0x24: {  	s3 =	sadd.s32 $0x88, s3;
	s6 =	simm.s32 @!p1 $0x1082;
	[sflag:s4] =	ssyncset.s32 $0xFFFFF086  }
0x25: {  	[simem:s6], [sflag:s4] =	dma.local [hbm:s3], $0xF7A  }
0x26: {  	[smem:$0x3F8D] =	sst s1;
	(tag) =	ssettag s2;
	_ =	strace s9  }
0x27: {  	s1 =	sld [smem:$0x3F9D]  }
0x28: {  	s2 =	sld [smem:$0x3F9E]  }
0x29: {  	s4 =	sld [smem:$0x3FA0]  }
0x2a: {  	p0 =	seq.s32 s5, $0x0;
	s5 =	sld [smem:$0x3FA1]  }
0x2b: {  	s6 =	sld [smem:$0x3FA2]  }
0x2c: {  	s7 =	sld [smem:$0x3FA3]  }
0x2d: {  	s3 =	simm.s32 $0x108;
	s8 =	sld [smem:$0x3FA4]  }
0x2e: {  	s3 =	simm.s32 @!p0 $0x1082;
	s9 =	sld [smem:$0x3FA5]  }
0x2f: {  	lr =	sadd.s32 s0, s3;
	s0 =	sld [smem:$0x3F9C]  }
0x30: {  	s3 =	sld [smem:$0x3F9F]  }
0x31: {  	[smem:$0x3FA8] =	sst s10  }
0x32: {  	s10 =	sld [smem:$0x3FA6];
	_ =	sdelay $0x3  }
0x33: {  	p0 =	seq.s32 s10, $0x1;
	s10 =	sld [smem:$0x3FA8];
	_ =	sdelay $0x3  }
0x34: {  	[smem:$0x3FA8] =	sst s10  }
0x35: {  	s10 =	sld [smem:$0x3FA7];
	_ =	sdelay $0x3  }
0x36: {  	p1 =	seq.s32 s10, $0x1;
	s10 =	sld [smem:$0x3FA8];
	_ =	sdelay $0x3  }
0x37: {  	[smem:$0x3FA8] =	sst s10  }
0x38: {  	s10 =	sld [smem:$0x3FA9]  }
0x39: {  	_ = 	snop;
	(pc) =	sbr.ind lr, $3  }
0x3a: {  	_ = 	snop  }
0x3b: {  	_ = 	snop  }
0x3c: {  	p2 =	seq.s32 s10, $0x1;
	s10 =	sld [smem:$0x3FA8]  }
0x3d: {  	_ =	shalt  }
0x3e: {  	_ =	shalt  }
0x3f: {  	_ =	shalt  }
0x40: {  	_ =	shalt  }
0x41: {  	_ =	shalt  }
0x42: {  	_ =	shalt  }
0x43: {  	_ =	shalt  }
0x44: {  	_ =	shalt  }
0x45: {  	_ =	shalt  }
0x46: {  	_ =	shalt  }
0x47: {  	_ =	shalt  }
0x48: {  	_ =	shalt  }
0x49: {  	_ =	shalt  }
0x4a: {  	_ =	shalt  }
0x4b: {  	_ =	shalt  }
0x4c: {  	_ =	shalt  }
0x4d: {  	_ =	shalt  }
0x4e: {  	_ =	shalt  }
0x4f: {  	_ =	shalt  }
0x50: {  	_ =	shalt  }
0x51: {  	_ =	shalt  }
0x52: {  	_ =	shalt  }
0x53: {  	_ =	shalt  }
0x54: {  	_ =	shalt  }
0x55: {  	_ =	shalt  }
0x56: {  	_ =	shalt  }
0x57: {  	_ =	shalt  }
0x58: {  	_ =	shalt  }
0x59: {  	_ =	shalt  }
0x5a: {  	_ =	shalt  }
0x5b: {  	_ =	shalt  }
0x5c: {  	_ =	shalt  }
0x5d: {  	_ =	shalt  }
0x5e: {  	_ =	shalt  }
0x5f: {  	_ =	shalt  }
0x60: {  	_ =	shalt  }
0x61: {  	_ =	shalt  }
0x62: {  	_ =	shalt  }
0x63: {  	_ =	shalt  }
0x64: {  	_ =	shalt  }
0x65: {  	_ =	shalt  }
0x66: {  	_ =	shalt  }
0x67: {  	_ =	shalt  }
0x68: {  	_ =	shalt  }
0x69: {  	_ =	shalt  }
0x6a: {  	_ =	shalt  }
0x6b: {  	_ =	shalt  }
0x6c: {  	_ =	shalt  }
0x6d: {  	_ =	shalt  }
0x6e: {  	_ =	shalt  }
0x6f: {  	_ =	shalt  }
0x70: {  	_ =	shalt  }
0x71: {  	_ =	shalt  }
0x72: {  	_ =	shalt  }
0x73: {  	_ =	shalt  }
0x74: {  	_ =	shalt  }
0x75: {  	_ =	shalt  }
0x76: {  	_ =	shalt  }
0x77: {  	_ =	shalt  }
0x78: {  	_ =	shalt  }
0x79: {  	_ =	shalt  }
0x7a: {  	_ =	shalt  }
0x7b: {  	_ =	shalt  }
0x7c: {  	_ =	shalt  }
0x7d: {  	_ =	shalt  }
0x7e: {  	_ =	shalt  }
0x7f: {  	_ =	shalt  }
0x80: {  	_ =	shalt  }
0x81: {  	_ =	shalt  }
0x82: {  	_ =	shalt  }
0x83: {  	_ =	shalt  }
0x84: {  	_ =	shalt  }
0x85: {  	_ =	shalt  }
0x86: {  	_ =	shalt  }
0x87: {  	_ =	shalt  }
.Lfunc_end0:
.L_simem_size_0:
called_computation.2_lowered:
.L_overlay_start_0:
0x88: {  	s2 =	sld [smem:$0x3FD9]  }
0x89: {  	s3 =	sld [smem:$0x3FFE];
	_ =	sdelay $0x1  }
0x8a: {  	s1 =	srdreg.scid  }
0x8b: {  	s0 =	sand.u32 $0x1, s1  }
0x8c: {  	s17 =	sshll.u32 s0, $0xA;
	s2 =	sadd.s32 s3, s2  }
0x8d: {  	s2 =	sadd.s32 s2, s17  }
0x8e: {  	[smem:$0x3FB4] =	sst s2  }
0x8f: {  	_ = 	snop  }
0x90: {  	(tm) =	ssettm $0x1  }
0x91: {  	s18 =	sld [smem:$0x3FFB];
	_ =	sdelay $0x3  }
0x92: {  	_ =	strace s18  }
0x93: {  	s2 =	sld [smem:$0x3FFC];
	_ =	sdelay $0x3  }
0x94: {  	_ =	strace s2  }
0x95: {  	s2 =	sld [smem:$0x3FFD];
	_ =	sdelay $0x3  }
0x96: {  	_ =	strace s2  }
0x97: {  	_ =	strace $0x8FFFFFFF  }
0x98: {  	s19 =	sld [smem:$0x3FDB];
	_ =	sdelay $0x1  }
0x99: {  	s20 =	simm.s32 $_scs_section_size  }
0x9a: {  	s4 =	simm.s32 $_size__tile_overlayer_lowered;
	s5 =	simm.s32 $_tile_overlayer_lowered  }
0x9b: {  	s6 =	simm.s32 $0x1BFF;
	s21 =	sshll.u32 s5, $0x1;
	s3 =	sadd.s32 s20, s19  }
0x9c: {  	s22 =	simm.s32 $0x0;
	s4 =	sshll.u32 s4, $0x1;
	s5 =	sadd.s32 s21, s3  }
0x9d: {  	[timem:s22], [sflag:s6] =	dma.local [hbm:s5], s4  }
0x9e: {  	_ =	swait.ge [sflag:s6], s4  }
0x9f: {  	s4 =	ssub.s32 $0x0, s4;
	[sflag:s6] =	ssyncset.done $0x0  }
0xa0: {  	[sflag:s6] =	ssyncadd.s32 s4;
	_ =	sdelay $0x1  }
0xa1: {  	s23 =	simm.s32 $0x1B8B  }
0xa2: {  	_ =	swait.ge [sflag:s23], $0x1  }
0xa3: {  	[sflag:s23] =	ssyncset.done $0x0  }
0xa4: {  	[sflag:s23] =	ssyncadd.s32 $0xFFFFFFFF  }
0xa5: {  	s4 =	sld [smem:$0x0]  }
0xa6: {  	s5 =	sand.u32 $0xFFFFFFFE, s1  }
0xa7: {  	p0 =	sne.s32 s1, s5  }
0xa8: {  	s5 =	sshll.u32 @p0 s5, $0xE  }
0xa9: {  	s5 =	sadd.s32 @p0 $0x11B8D, s5;
	s6 =	sshll.u32 @p0 s4, $0x11  }
0xaa: {  	s5 =	sor.u32 @p0 s6, s5  }
0xab: {  	[sflag:s5] =	ssyncadd.remote.s32 @p0 $0x1;
	_ =	sdelay $0x1  }
0xac: {  	s5 =	simm.s32 @p0 $0x1B8D  }
0xad: {  	_ =	swait.eq @p0 [sflag:s5], $0x1  }
0xae: {  	[sflag:s5] =	ssyncadd.s32 @p0 $0xFFFFFFFF  }
0xaf: {  	s6 =	sshll.u32 @!p0 s1, $0xE  }
0xb0: {  	s6 =	sor.u32 @!p0 $0x4000, s6;
	s5 =	simm.s32 @!p0 $0x1B8D  }
0xb1: {  	s4 =	sshll.u32 @!p0 s4, $0x11;
	s6 =	sadd.s32 @!p0 $0x11B8D, s6;
	_ =	swait.eq @!p0 [sflag:s5], $0x1  }
0xb2: {  	s4 =	sor.u32 @!p0 s4, s6;
	[sflag:s5] =	ssyncadd.s32 @!p0 $0xFFFFFFFF  }
0xb3: {  	s25 =	simm.s32 $0x1B8E;
	s24 =	sld [smem:$0x3FFE];
	[sflag:s4] =	ssyncadd.remote.s32 @!p0 $0x1  }
0xb4: {  	s26 =	simm.s32 $execute0_lowered;
	[smem:$0x3FD2] =	sst s25  }
0xb5: {  	s5 =	sshll.u32 s26, $0x1;
	_ =	strace $0x8000004C;
	[dreg:$0x1] =	wrdreg $0xFFFFFFFF  }
0xb6: {  	s28 =	simm.s32 $_size_execute0_lowered;
	s3 =	sadd.s32 s3, s5;
	[dreg:$0x0] =	wrdreg $0x0  }
0xb7: {  	s5 =	sshll.u32 s28, $0x1;
	[dreg:$0x2] =	wrdreg s3  }
0xb8: {  	[dreg:$0x3] =	wrdreg s5  }
0xb9: {  	[dreg:$0x4] =	wrdreg $0xC0  }
0xba: {  	_ =	task [dreg:s22], $0x5FFFF  }
0xbb: {  	[dreg:$0x1] =	wrdreg $0xFFFFFFFF  }
0xbc: {  	[dreg:$0x0] =	wrdreg $0x60  }
0xbd: {  	[dreg:$0x2] =	wrdreg s24  }
0xbe: {  	[dreg:$0x3] =	wrdreg $0x68000  }
0xbf: {  	[dreg:$0x4] =	wrdreg $0xA  }
0xc0: {  	_ =	task.clear_ibuf [dreg:s22], $0x5FFFF;
	_ =	strace $0x9000004C  }
0xc1: {  	s29 =	simm.s32 $0xA;
	_ =	strace $0x8000004E  }
0xc2: {  	_ =	swait.ge [sflag:s29], $0x1  }
0xc3: {  	[sflag:s29] =	ssyncadd.s32 $0xFFFFFFFF  }
0xc4: {  	_ =	strace $0x9000004E  }
0xc5: {  	_ =	sfence  }
0xc6: {  	s30 =	sld [smem:$0x0];
	_ =	sdelay $0x2  }
0xc7: {  	s31 =	sshll.u32 s1, $0xD;
	s1 =	sshrl.u32 s1, $0x2  }
0xc8: {  	s4 =	sand.u32 $0x4000, s31;
	s1 =	sadd.s32 s1, s30  }
0xc9: {  	s0 =	sor.u32 s4, s0;
	s1 =	sshll.u32 s1, $0x11  }
0xca: {  	s0 =	sor.u32 s1, s0  }
0xcb: {  	s0 =	sadd.s32 $0x8F2B, s0  }
0xcc: {  	[sflag:s0] =	ssyncadd.remote.s32 $0x1  }
0xcd: {  	_ =	sfence.sel $0xFFFF  }
0xce: {  	[dreg:$0x0] =	wrdreg $0xFFFFFFFF;
	(pc) =	sbr.abs _section_cstart, $3  }
0xcf: {  	[dreg:$0x1] =	wrdreg $0xFFFFFFFF  }
0xd0: {  	_ =	task.clear_ibuf [dreg:s22], $0x2FFFF;
	_ =	strace $0x9FFFFFFF  }
0xd1: {  	(tm) =	ssettm $0x7FFFFFFF  }
tec
execute0_lowered:
.L_overlay_start_1:
0x0: {  	(tag) =	ssettag $0x1  }
0x1: {  	s4 =	rddreg [dreg:$0x0]  }
0x2: {  	s1 =	rddreg [dreg:$0x1]  }
0x3: {  	s0 =	rddreg [dreg:$0x2]  }
0x4: {  	s3 =	simm.s32 $0x0;
	s2 =	srdreg.scid;
	s17 =	simm.s32 $0x1  }
0x5: {  	s18 =	simm.s32 $0x28;
	s19 =	simm.s32 $0x3E00;
	s20 =	simm.s32 $0x0  }
0x6: {  	[smem:$0x7FF] =	sst s3;
	s5 =	sand.u32 $0x1, s2;
	s10 =	sadd.s32 $0xCF3400, s4  }
0x7: {  	s2 =	stileid.u32;
	s11 =	sadd.s32 $0x50200, s4;
	s9 =	smul.u32 $0x138800, s5  }
0x8: {  	s12 =	sadd.s32 $0x9E400, s4;
	s15 =	sadd.s32 $0x12C000, s1;
	s7 =	smul.u32 $0x14000, s2  }
0x9: {  	_ =	strace $0x8000004D;
	s6 =	sshll.u32 s2, $0xB;
	s8 =	smul.u32 $0x50000, s2  }
0xa: {  	s28 =	ssub.s32 $0x2, s5;
	s30 =	sshll.u32 s5, $0x4;
	s5 =	sshll.u32 s5, $0xF  }
0xb: {  	s31 =	smul.u32 $0x13880, s2;
	p0 =	seq.s32 s2, $0xF;
	s6 =	sadd.s32 s6, s4  }
0xc: {  	s13 =	sshrl.u32 s28, $0x1;
	s7 =	sadd.s32 s7, s9;
	s8 =	sshrl.u32 s8, $0x2  }
0xd: {  	s13 =	ssub.s32 s28, s13;
	s16 =	sshrl.u32 s9, $0x3;
	s6 =	sadd.s32 s5, s6  }
0xe: {  	s14 =	sadd.s32 s8, s1;
	s29 =	sshrl.u32 s7, $0x3;
	s7 =	sor.u32 s2, s30  }
0xf: {  	s16 =	sadd.s32 $0x25800, s16;
	s6 =	sadd.s32 $0xA24200, s6;
	s7 =	smul.u32 $0x13880, s7  }
0x10: {  	s4 =	sadd.s32 s11, s29;
	s5 =	sadd.s32 s11, s16;
	s8 =	sadd.s32 s12, s29  }
0x11: {  	s14 =	sshrl.u32 @!p0 s14, $0x3;
	s7 =	sadd.s32 s10, s7;
	s10 =	sadd.s32 s9, s10  }
0x12: {  	s9 =	sadd.s32 s12, s16;
	s12 =	sshrl.u32 @p0 s15, $0x3;
	s15 =	simm.s32 $0x2  }
0x13: {  	s11 =	sadd.s32 s31, s10;
	s10 =	smax.u32 s13, $0x1;
	s13 =	sshll.u32 @!p0 s2, $0x6  }
0x14: {  	s16 =	simm.s32 $0x4000;
	s11 =	sadd.s32 $0x280, s11;
	s13 =	sor.u32 @!p0 $0x1C02, s13  }
.LBB2_1:
0x15: {  	s21 =	simm.s32 @p0 $0x1FC2  }
0x16: {  	[spmem:s12], [sflag:s21] =	dma.local @p0 [hbm:s5], $0x1900  }
0x17: {  	s21 =	simm.s32 @p0 $0x2  }
0x18: {  	_ =	swait.ge @p0 [sflag:s21], $0x1900  }
0x19: {  	[sflag:s21] =	ssyncset.done @p0 $0x0  }
0x1a: {  	[sflag:s21] =	ssyncadd.s32 @p0 $0xFFFFE700;
	s21 =	simm.s32 @!p0 $0x2  }
0x1b: {  	[spmem:s14], [sflag:s13] =	dma.local @!p0 [hbm:s4], $0x2800  }
0x1c: {  	_ =	swait.ge @!p0 [sflag:s21], $0x2800  }
0x1d: {  	[sflag:s21] =	ssyncset.done @!p0 $0x0  }
0x1e: {  	[sflag:s21] =	ssyncadd.s32 @!p0 $0xFFFFD800  }
0x1f: {  	[tilespmem:s3], [sflag:$0x2] =	stream.linear.gather [hbm4b:s6+s3], $0x3E80, $0x38;
	[tilespmem:$0x1A080] =	vst v63  }
0x20: {  	_ =	swait.ge [sflag:s15], $0x3E80  }
0x21: {  	[sflag:s15] =	ssyncset.done $0x0  }
0x22: {  	[sflag:s15] =	ssyncadd.s32 $0xFFFFC180  }
0x23: {  	[bflag:$0x0] =	sbarrier.arrive $0xFFFF  }
0x24: {  	[tilespmem:s16], [sflag:$0x1] =	stream.linear.gather [hbm4b:s7+s3], $0x1400, $0x38;
	[tilespmem:$0x1A080] =	vst v63  }
0x25: {  	s31 =	sand.u32 $0x1, s17;
	_ =	swait.ge [sflag:s17], $0x1400  }
0x26: {  	p1 =	seq.s32 s31, $0x1;
	s21 =	simm.s32 $0x5400;
	[sflag:s17] =	ssyncset.done $0x0  }
0x27: {  	s21 =	simm.s32 @!p1 $0x4000;
	[sflag:s17] =	ssyncadd.s32 $0xFFFFEC00  }
0x28: {  	[tilespmem:s21], [sflag:$0x1] =	stream.linear.gather [hbm4b:s11+s3], $0x1400, $0x38;
	[tilespmem:$0x1A080] =	vst v63  }
0x29: {  	s21 =	simm.s32 $0x4000  }
0x2a: {  	s21 =	simm.s32 @!p1 $0x5400  }
0x2b: {  	[spmem:s1] =	stream.indirect.scatter.add.f32 [tilespmem:s21], [sflag:$0x2], $0x80, s3, s18, $0xb8;
	[tilespmem:$0x1A080] =	vst v63  }
0x2c: {  	s22 =	simm.s32 $0x0;
	_ =	swait.ge [sflag:s15], $0x1400  }
0x2d: {  	s23 =	smov.u32 s11;
	s21 =	simm.s32 $0x2;
	[sflag:s15] =	ssyncset.done $0x0  }
.LBB2_2:
0x2e: {  	[sflag:s15] =	ssyncadd.s32 $0xFFFFEC00;
	s22 =	sadd.s32 $0x80, s22;
	s23 =	sadd.s32 $0x280, s23  }
0x2f: {  	p1 =	sne.s32 s21, $0x7C;
	s24 =	smov.u32 s21;
	s21 =	sadd.s32 $0x1, s21  }
0x30: {  	s24 =	sand.u32 $0x1, s24;
	_ =	swait.ge [sflag:s17], $0x1400  }
0x31: {  	p2 =	seq.s32 s24, $0x1;
	s24 =	simm.s32 $0x5400;
	[sflag:s17] =	ssyncset.done $0x0  }
0x32: {  	s24 =	simm.s32 @!p2 $0x4000;
	[sflag:s17] =	ssyncadd.s32 $0xFFFFEC00  }
0x33: {  	[tilespmem:s24], [sflag:$0x1] =	stream.linear.gather [hbm4b:s23+s3], $0x1400, $0x38;
	[tilespmem:$0x1A080] =	vst v63  }
.Ltmp0:
0x34: {  	s24 =	simm.s32 $0x4000;
	(pc) =	sbr.rel @p1 .LBB2_2-.Ltmp0, $4  }
0x35: {  	s24 =	simm.s32 @!p2 $0x5400  }
0x36: {  	[spmem:s1] =	stream.indirect.scatter.add.f32 [tilespmem:s24], [sflag:$0x2], $0x80, s22, s18, $0xb8;
	[tilespmem:$0x1A080] =	vst v63  }
0x37: {  	_ =	swait.ge [sflag:s15], $0x1400  }
0x38: {  	[sflag:s15] =	ssyncset.done $0x0  }
0x39: {  	[sflag:s15] =	ssyncadd.s32 $0xFFFFEC00  }
0x3a: {  	_ =	swait.ge [sflag:s17], $0x1400  }
0x3b: {  	[sflag:s17] =	ssyncset.done $0x0  }
0x3c: {  	[sflag:s17] =	ssyncadd.s32 $0xFFFFEC00  }
0x3d: {  	[spmem:s1] =	stream.indirect.scatter.add.f32 [tilespmem:s16], [sflag:$0x2], $0x80, s19, s18, $0xb8;
	[tilespmem:$0x1A080] =	vst v63  }
0x3e: {  	_ =	swait.ge [sflag:s15], $0x1400  }
0x3f: {  	[sflag:s15] =	ssyncset.done $0x0  }
0x40: {  	[sflag:s15] =	ssyncadd.s32 $0xFFFFEC00  }
0x41: {  	s21 =	simm.s32 @p0 $0x1FC2;
	[bflag:$0x0] =	sbarrier.arrive $0xFFFF  }
0x42: {  	[hbm:s9], [sflag:s21] =	dma.local @p0 [spmem:s12], $0x1900  }
0x43: {  	s21 =	simm.s32 @p0 $0x2  }
0x44: {  	s20 =	sadd.s32 $0x1, s20;
	_ =	swait.ge @p0 [sflag:s21], $0x1900  }
0x45: {  	p1 =	sne.s32 s20, s10;
	[sflag:s21] =	ssyncset.done @p0 $0x0  }
.Ltmp1:
0x46: {  	[sflag:s21] =	ssyncadd.s32 @p0 $0xFFFFE700;
	s21 =	simm.s32 @!p0 $0x2;
	(pc) =	sbr.rel @p1 .LBB2_1-.Ltmp1, $4  }
0x47: {  	[hbm:s8], [sflag:s13] =	dma.local @!p0 [spmem:s14], $0x2800  }
0x48: {  	_ =	swait.ge @!p0 [sflag:s21], $0x2800  }
0x49: {  	[sflag:s21] =	ssyncset.done @!p0 $0x0  }
0x4a: {  	[sflag:s21] =	ssyncadd.s32 @!p0 $0xFFFFD800  }
0x4b: {  	_ =	sfence.sel $0x180000  }
0x4c: {  	[bflag:$0x0] =	sbarrier.arrive $0xFFFF  }
0x4d: {  	p0 =	sne.s32 s2, $0x0;
	_ =	strace $0x9000004D  }
0x4e: {  	s0 =	sadd.s32 @!p0 $0x100000, s0;
	[bflag:$0x2] =	sbarrier.arrive $0xFFFF  }
0x4f: {  	[sflag:s0] =	ssyncadd.tile.s32 @!p0 $0x1;
	_ =	shalt  }
.Lfunc_end2:
_tile_overlayer_lowered:
.L_overlay_start_2:
0x50: {  	(tag) =	ssettag $0x2  }
0x51: {  	s0 =	rddreg [dreg:$0x0];
	s2 =	stileid.u32  }
0x52: {  	s1 =	rddreg [dreg:$0x1];
	p0 =	sne.s32 s2, $0x0  }
0x53: {  	s3 =	rddreg [dreg:$0x2];
	[bflag:$0x3] =	sbarrier.arrive $0xFFFF;
	s2 =	simm.s32 @!p0 $0x1C02  }
0x54: {  	[timem:s3], [sflag:s2] =	dma.local @!p0 [hbm:s0], s1  }
0x55: {  	s0 =	simm.s32 @!p0 $0x2  }
0x56: {  	_ =	swait.ge @!p0 [sflag:s0], s1  }
0x57: {  	s1 =	ssub.s32 @!p0 $0x0, s1;
	[sflag:s0] =	ssyncset.done @!p0 $0x0  }
0x58: {  	[sflag:s0] =	ssyncadd.s32 @!p0 s1  }
0x59: {  	[bflag:$0x3] =	sbarrier.arrive $0xFFFF  }
0x5a: {  	_ =	shalt  }

// kernel: kernel.27.cloned.1.call-start
scs
__scs_entry_jumppad:
0x0: {  	(pc) =	sbr.rel $0x88, $3  }
0x1: {  	(tag) =	ssettag $0x0;
	lr =	simm.s32 $0x1  }
0x2: {  	[smem:$0x3F8D] =	sst lr;
	_ =	strace $0xD0000000  }
0x3: {  	_ = 	snop  }
0x4: {  	_ = 	snop  }
0x5: {  	_ = 	snop  }
0x6: {  	_ = 	snop  }
0x7: {  	_ = 	snop  }
__scs_overlays_trampoline_lowered:
0x8: {  	[smem:$0x3F9C] =	sst s0  }
0x9: {  	[smem:$0x3F9D] =	sst s1  }
0xa: {  	[smem:$0x3F9E] =	sst s2  }
0xb: {  	[smem:$0x3F9F] =	sst s3  }
0xc: {  	[smem:$0x3FA0] =	sst s4  }
0xd: {  	[smem:$0x3FA1] =	sst s5  }
0xe: {  	[smem:$0x3FA2] =	sst s6  }
0xf: {  	[smem:$0x3FA3] =	sst s7  }
0x10: {  	[smem:$0x3FA4] =	sst s8  }
0x11: {  	[smem:$0x3FA5] =	sst s9;
	s0 =	simm.s32 @!p0 $0x0  }
0x12: {  	s1 =	sld [smem:$0x3F8B];
	s0 =	simm.s32 @p0 $0x1  }
0x13: {  	[smem:$0x3FA6] =	sst s0;
	s0 =	simm.s32 @!p1 $0x0  }
0x14: {  	s2 =	sld [smem:$0x3F8A];
	s0 =	simm.s32 @p1 $0x1  }
0x15: {  	[smem:$0x3FA7] =	sst s0;
	s0 =	simm.s32 @!p2 $0x0  }
0x16: {  	s3 =	sld [smem:$0x3FDB];
	s0 =	simm.s32 @p2 $0x1  }
0x17: {  	s4 =	simm.s32 $0x1BF5;
	[smem:$0x3FA9] =	sst s0  }
0x18: {  	s0 =	sld [smem:$0x3F8C];
	_ =	swait.ge [sflag:s4], $0x0  }
0x19: {  	s7 =	sld [smem:$0x3F8D]  }
0x1a: {  	s8 =	sadd.s32 $0xFFFFE003, lr  }
0x1b: {  	s9 =	sadd.s32 $0xFFFFFEF7, lr;
	s5 =	simm.s32 $0xFFFFFFFF;
	p2 =	slt.u32 s8, $0xFFFFF086  }
0x1c: {  	p1 =	slt.u32 s9, $0xF7A;
	s5 =	simm.s32 @!p2 $0x0  }
0x1d: {  	s5 =	simm.s32 @p1 $0x1;
	p0 =	seq.s32 s7, s2  }
0x1e: {  	s7 =	smul.u32 @!p0 $0xF7A, s2;
	p2 =	seq.s32 @!p0 s5, $0x0  }
0x1f: {  	s9 =	smul.u32 $0xF7A, s1;
	s8 =	simm.s32 @!p0 $0x1BF5;
	p2 =	por !p2, p0  }
0x20: {  	[sflag:s8] =	ssyncset.s32 @!p0 $0xFFFFF086;
	s6 =	sadd.s32 @!p0 s3, s7;
	s7 =	simm.s32 @!p0 $0x108  }
0x21: {  	s3 =	sadd.s32 s3, s9;
	s6 =	sadd.s32 @!p0 $0x88, s6;
	s7 =	simm.s32 @p2 $0x1082  }
0x22: {  	[simem:s7], [sflag:s8] =	dma.local @!p0 [hbm:s6], $0xF7A  }
0x23: {  	s9 =	sor.u32 $0xD0000000, s2;
	s6 =	simm.s32 $0x108;
	_ =	swait.ge @!p0 [sflag:s8], $0x0  }
0x24: {  	s3 =	sadd.s32 $0x88, s3;
	s6 =	simm.s32 @!p1 $0x1082;
	[sflag:s4] =	ssyncset.s32 $0xFFFFF086  }
0x25: {  	[simem:s6], [sflag:s4] =	dma.local [hbm:s3], $0xF7A  }
0x26: {  	[smem:$0x3F8D] =	sst s1;
	(tag) =	ssettag s2;
	_ =	strace s9  }
0x27: {  	s1 =	sld [smem:$0x3F9D]  }
0x28: {  	s2 =	sld [smem:$0x3F9E]  }
0x29: {  	s4 =	sld [smem:$0x3FA0]  }
0x2a: {  	p0 =	seq.s32 s5, $0x0;
	s5 =	sld [smem:$0x3FA1]  }
0x2b: {  	s6 =	sld [smem:$0x3FA2]  }
0x2c: {  	s7 =	sld [smem:$0x3FA3]  }
0x2d: {  	s3 =	simm.s32 $0x108;
	s8 =	sld [smem:$0x3FA4]  }
0x2e: {  	s3 =	simm.s32 @!p0 $0x1082;
	s9 =	sld [smem:$0x3FA5]  }
0x2f: {  	lr =	sadd.s32 s0, s3;
	s0 =	sld [smem:$0x3F9C]  }
0x30: {  	s3 =	sld [smem:$0x3F9F]  }
0x31: {  	[smem:$0x3FA8] =	sst s10  }
0x32: {  	s10 =	sld [smem:$0x3FA6];
	_ =	sdelay $0x3  }
0x33: {  	p0 =	seq.s32 s10, $0x1;
	s10 =	sld [smem:$0x3FA8];
	_ =	sdelay $0x3  }
0x34: {  	[smem:$0x3FA8] =	sst s10  }
0x35: {  	s10 =	sld [smem:$0x3FA7];
	_ =	sdelay $0x3  }
0x36: {  	p1 =	seq.s32 s10, $0x1;
	s10 =	sld [smem:$0x3FA8];
	_ =	sdelay $0x3  }
0x37: {  	[smem:$0x3FA8] =	sst s10  }
0x38: {  	s10 =	sld [smem:$0x3FA9]  }
0x39: {  	_ = 	snop;
	(pc) =	sbr.ind lr, $3  }
0x3a: {  	_ = 	snop  }
0x3b: {  	_ = 	snop  }
0x3c: {  	p2 =	seq.s32 s10, $0x1;
	s10 =	sld [smem:$0x3FA8]  }
0x3d: {  	_ =	shalt  }
0x3e: {  	_ =	shalt  }
0x3f: {  	_ =	shalt  }
0x40: {  	_ =	shalt  }
0x41: {  	_ =	shalt  }
0x42: {  	_ =	shalt  }
0x43: {  	_ =	shalt  }
0x44: {  	_ =	shalt  }
0x45: {  	_ =	shalt  }
0x46: {  	_ =	shalt  }
0x47: {  	_ =	shalt  }
0x48: {  	_ =	shalt  }
0x49: {  	_ =	shalt  }
0x4a: {  	_ =	shalt  }
0x4b: {  	_ =	shalt  }
0x4c: {  	_ =	shalt  }
0x4d: {  	_ =	shalt  }
0x4e: {  	_ =	shalt  }
0x4f: {  	_ =	shalt  }
0x50: {  	_ =	shalt  }
0x51: {  	_ =	shalt  }
0x52: {  	_ =	shalt  }
0x53: {  	_ =	shalt  }
0x54: {  	_ =	shalt  }
0x55: {  	_ =	shalt  }
0x56: {  	_ =	shalt  }
0x57: {  	_ =	shalt  }
0x58: {  	_ =	shalt  }
0x59: {  	_ =	shalt  }
0x5a: {  	_ =	shalt  }
0x5b: {  	_ =	shalt  }
0x5c: {  	_ =	shalt  }
0x5d: {  	_ =	shalt  }
0x5e: {  	_ =	shalt  }
0x5f: {  	_ =	shalt  }
0x60: {  	_ =	shalt  }
0x61: {  	_ =	shalt  }
0x62: {  	_ =	shalt  }
0x63: {  	_ =	shalt  }
0x64: {  	_ =	shalt  }
0x65: {  	_ =	shalt  }
0x66: {  	_ =	shalt  }
0x67: {  	_ =	shalt  }
0x68: {  	_ =	shalt  }
0x69: {  	_ =	shalt  }
0x6a: {  	_ =	shalt  }
0x6b: {  	_ =	shalt  }
0x6c: {  	_ =	shalt  }
0x6d: {  	_ =	shalt  }
0x6e: {  	_ =	shalt  }
0x6f: {  	_ =	shalt  }
0x70: {  	_ =	shalt  }
0x71: {  	_ =	shalt  }
0x72: {  	_ =	shalt  }
0x73: {  	_ =	shalt  }
0x74: {  	_ =	shalt  }
0x75: {  	_ =	shalt  }
0x76: {  	_ =	shalt  }
0x77: {  	_ =	shalt  }
0x78: {  	_ =	shalt  }
0x79: {  	_ =	shalt  }
0x7a: {  	_ =	shalt  }
0x7b: {  	_ =	shalt  }
0x7c: {  	_ =	shalt  }
0x7d: {  	_ =	shalt  }
0x7e: {  	_ =	shalt  }
0x7f: {  	_ =	shalt  }
0x80: {  	_ =	shalt  }
0x81: {  	_ =	shalt  }
0x82: {  	_ =	shalt  }
0x83: {  	_ =	shalt  }
0x84: {  	_ =	shalt  }
0x85: {  	_ =	shalt  }
0x86: {  	_ =	shalt  }
0x87: {  	_ =	shalt  }
.Lfunc_end0:
.L_simem_size_0:
called_computation.3_lowered:
.L_overlay_start_0:
0x88: {  	s2 =	sld [smem:$0x3FD9]  }
0x89: {  	s3 =	sld [smem:$0x3FFE];
	_ =	sdelay $0x1  }
0x8a: {  	s1 =	srdreg.scid  }
0x8b: {  	s0 =	sand.u32 $0x1, s1  }
0x8c: {  	s16 =	sshll.u32 s0, $0xA;
	s2 =	sadd.s32 s3, s2  }
0x8d: {  	s2 =	sadd.s32 s2, s16  }
0x8e: {  	[smem:$0x3FB4] =	sst s2  }
0x8f: {  	_ = 	snop  }
0x90: {  	(tm) =	ssettm $0x1  }
0x91: {  	s17 =	sld [smem:$0x3FFB];
	_ =	sdelay $0x3  }
0x92: {  	_ =	strace s17  }
0x93: {  	s2 =	sld [smem:$0x3FFC];
	_ =	sdelay $0x3  }
0x94: {  	_ =	strace s2  }
0x95: {  	s2 =	sld [smem:$0x3FFD];
	_ =	sdelay $0x3  }
0x96: {  	_ =	strace s2  }
0x97: {  	_ =	strace $0x8FFFFFFF  }
0x98: {  	s18 =	sld [smem:$0x3FDB];
	_ =	sdelay $0x1  }
0x99: {  	s19 =	simm.s32 $_scs_section_size  }
0x9a: {  	s4 =	simm.s32 $_size__tile_overlayer_lowered;
	s5 =	simm.s32 $_tile_overlayer_lowered  }
0x9b: {  	s22 =	simm.s32 $0x1BFF;
	s21 =	sshll.u32 s5, $0x1;
	s2 =	sadd.s32 s19, s18  }
0x9c: {  	s6 =	simm.s32 $0x0;
	s20 =	sshll.u32 s4, $0x1;
	s4 =	sadd.s32 s21, s2  }
0x9d: {  	[timem:s6], [sflag:s22] =	dma.local [hbm:s4], s20  }
0x9e: {  	_ =	swait.ge [sflag:s22], s20  }
0x9f: {  	s3 =	ssub.s32 $0x0, s20;
	[sflag:s22] =	ssyncset.done $0x0  }
0xa0: {  	[sflag:s22] =	ssyncadd.s32 s3;
	_ =	sdelay $0x1  }
0xa1: {  	s23 =	simm.s32 $0x1B8B  }
0xa2: {  	_ =	swait.ge [sflag:s23], $0x1  }
0xa3: {  	[sflag:s23] =	ssyncset.done $0x0  }
0xa4: {  	s25 =	simm.s32 $0x1B8E;
	s24 =	sld [smem:$0x3FFE];
	[sflag:s23] =	ssyncadd.s32 $0xFFFFFFFF  }
0xa5: {  	s26 =	simm.s32 $execute0_lowered;
	[smem:$0x3FD2] =	sst s25  }
0xa6: {  	s4 =	sshll.u32 s26, $0x1;
	_ =	strace $0x8000004F;
	[dreg:$0x1] =	wrdreg $0xFFFFFFFF  }
0xa7: {  	s28 =	simm.s32 $_size_execute0_lowered;
	s2 =	sadd.s32 s2, s4;
	[dreg:$0x0] =	wrdreg $0x0  }
0xa8: {  	s4 =	sshll.u32 s28, $0x1;
	[dreg:$0x2] =	wrdreg s2  }
0xa9: {  	[dreg:$0x3] =	wrdreg s4  }
0xaa: {  	[dreg:$0x4] =	wrdreg $0xC0  }
0xab: {  	_ =	task [dreg:s6], $0x5FFFF  }
0xac: {  	[dreg:$0x1] =	wrdreg $0xFFFFFFFF  }
0xad: {  	[dreg:$0x0] =	wrdreg $0x60  }
0xae: {  	[dreg:$0x2] =	wrdreg s24  }
0xaf: {  	[dreg:$0x3] =	wrdreg $0x68000  }
0xb0: {  	[dreg:$0x4] =	wrdreg $0x9  }
0xb1: {  	_ =	task.clear_ibuf [dreg:s6], $0x5FFFF;
	_ =	strace $0x9000004F  }
0xb2: {  	s29 =	simm.s32 $0x9;
	_ =	strace $0x80000051  }
0xb3: {  	_ =	swait.ge [sflag:s29], $0x1  }
0xb4: {  	[sflag:s29] =	ssyncadd.s32 $0xFFFFFFFF  }
0xb5: {  	_ =	strace $0x90000051  }
0xb6: {  	_ =	sfence  }
0xb7: {  	s30 =	sld [smem:$0x0];
	_ =	sdelay $0x2  }
0xb8: {  	s31 =	sshll.u32 s1, $0xD;
	s1 =	sshrl.u32 s1, $0x2  }
0xb9: {  	s3 =	sand.u32 $0x4000, s31;
	s1 =	sadd.s32 s1, s30  }
0xba: {  	s0 =	sor.u32 s3, s0;
	s1 =	sshll.u32 s1, $0x11  }
0xbb: {  	s0 =	sor.u32 s1, s0  }
0xbc: {  	s0 =	sadd.s32 $0x8F2B, s0  }
0xbd: {  	[sflag:s0] =	ssyncadd.remote.s32 $0x1  }
0xbe: {  	_ =	sfence.sel $0xFFFF  }
0xbf: {  	[dreg:$0x0] =	wrdreg $0xFFFFFFFF;
	(pc) =	sbr.abs _section_cstart, $3  }
0xc0: {  	[dreg:$0x1] =	wrdreg $0xFFFFFFFF  }
0xc1: {  	_ =	task.clear_ibuf [dreg:s6], $0x2FFFF;
	_ =	strace $0x9FFFFFFF  }
0xc2: {  	(tm) =	ssettm $0x7FFFFFFF  }
0xc3: {  	_ =	shalt  }
tec
execute0_lowered:
.L_overlay_start_1:
0x0: {  	(tag) =	ssettag $0x1  }
0x1: {  	s4 =	rddreg [dreg:$0x0]  }
0x2: {  	s1 =	rddreg [dreg:$0x1]  }
0x3: {  	s0 =	rddreg [dreg:$0x2]  }
0x4: {  	s3 =	simm.s32 $0x0;
	s2 =	srdreg.scid;
	s17 =	simm.s32 $0x1  }
0x5: {  	s18 =	simm.s32 $0x28;
	s19 =	simm.s32 $0x3E00;
	s20 =	simm.s32 $0x0  }
0x6: {  	[smem:$0x7FF] =	sst s3;
	s5 =	sand.u32 $0x1, s2;
	s10 =	sadd.s32 $0xF64400, s4  }
0x7: {  	s2 =	stileid.u32;
	s11 =	sadd.s32 $0x9E400, s4;
	s9 =	smul.u32 $0x138800, s5  }
0x8: {  	s12 =	sadd.s32 $0xA34200, s4;
	s15 =	sadd.s32 $0x12C000, s1;
	s7 =	smul.u32 $0x14000, s2  }
0x9: {  	_ =	strace $0x80000050;
	s6 =	sshll.u32 s2, $0xB;
	s8 =	smul.u32 $0x50000, s2  }
0xa: {  	s28 =	ssub.s32 $0x2, s5;
	s30 =	sshll.u32 s5, $0x4;
	s5 =	sshll.u32 s5, $0xF  }
0xb: {  	s31 =	smul.u32 $0x13880, s2;
	p0 =	seq.s32 s2, $0xF;
	s6 =	sadd.s32 s6, s4  }
0xc: {  	s13 =	sshrl.u32 s28, $0x1;
	s7 =	sadd.s32 s7, s9;
	s8 =	sshrl.u32 s8, $0x2  }
0xd: {  	s13 =	ssub.s32 s28, s13;
	s16 =	sshrl.u32 s9, $0x3;
	s6 =	sadd.s32 s5, s6  }
0xe: {  	s14 =	sadd.s32 s8, s1;
	s29 =	sshrl.u32 s7, $0x3;
	s7 =	sor.u32 s2, s30  }
0xf: {  	s16 =	sadd.s32 $0x25800, s16;
	s6 =	sadd.s32 $0xEC600, s6;
	s7 =	smul.u32 $0x13880, s7  }
0x10: {  	s4 =	sadd.s32 s11, s29;
	s5 =	sadd.s32 s11, s16;
	s8 =	sadd.s32 s12, s29  }
0x11: {  	s14 =	sshrl.u32 @!p0 s14, $0x3;
	s7 =	sadd.s32 s10, s7;
	s10 =	sadd.s32 s9, s10  }
0x12: {  	s9 =	sadd.s32 s12, s16;
	s12 =	sshrl.u32 @p0 s15, $0x3;
	s15 =	simm.s32 $0x2  }
0x13: {  	s11 =	sadd.s32 s31, s10;
	s10 =	smax.u32 s13, $0x1;
	s13 =	sshll.u32 @!p0 s2, $0x6  }
0x14: {  	s16 =	simm.s32 $0x4000;
	s11 =	sadd.s32 $0x280, s11;
	s13 =	sor.u32 @!p0 $0x1C02, s13  }
.LBB2_1:
0x15: {  	s21 =	simm.s32 @p0 $0x1FC2  }
0x16: {  	[spmem:s12], [sflag:s21] =	dma.local @p0 [hbm:s5], $0x1900  }
0x17: {  	s21 =	simm.s32 @p0 $0x2  }
0x18: {  	_ =	swait.ge @p0 [sflag:s21], $0x1900  }
0x19: {  	[sflag:s21] =	ssyncset.done @p0 $0x0  }
0x1a: {  	[sflag:s21] =	ssyncadd.s32 @p0 $0xFFFFE700;
	s21 =	simm.s32 @!p0 $0x2  }
0x1b: {  	[spmem:s14], [sflag:s13] =	dma.local @!p0 [hbm:s4], $0x2800  }
0x1c: {  	_ =	swait.ge @!p0 [sflag:s21], $0x2800  }
0x1d: {  	[sflag:s21] =	ssyncset.done @!p0 $0x0  }
0x1e: {  	[sflag:s21] =	ssyncadd.s32 @!p0 $0xFFFFD800  }
0x1f: {  	[tilespmem:s3], [sflag:$0x2] =	stream.linear.gather [hbm4b:s6+s3], $0x3E80, $0x38;
	[tilespmem:$0x1A080] =	vst v63  }
0x20: {  	_ =	swait.ge [sflag:s15], $0x3E80  }
0x21: {  	[sflag:s15] =	ssyncset.done $0x0  }
0x22: {  	[sflag:s15] =	ssyncadd.s32 $0xFFFFC180  }
0x23: {  	[bflag:$0x0] =	sbarrier.arrive $0xFFFF  }
0x24: {  	[tilespmem:s16], [sflag:$0x1] =	stream.linear.gather [hbm4b:s7+s3], $0x1400, $0x38;
	[tilespmem:$0x1A080] =	vst v63  }
0x25: {  	s31 =	sand.u32 $0x1, s17;
	_ =	swait.ge [sflag:s17], $0x1400  }
0x26: {  	p1 =	seq.s32 s31, $0x1;
	s21 =	simm.s32 $0x5400;
	[sflag:s17] =	ssyncset.done $0x0  }
0x27: {  	s21 =	simm.s32 @!p1 $0x4000;
	[sflag:s17] =	ssyncadd.s32 $0xFFFFEC00  }
0x28: {  	[tilespmem:s21], [sflag:$0x1] =	stream.linear.gather [hbm4b:s11+s3], $0x1400, $0x38;
	[tilespmem:$0x1A080] =	vst v63  }
0x29: {  	s21 =	simm.s32 $0x4000  }
0x2a: {  	s21 =	simm.s32 @!p1 $0x5400  }
0x2b: {  	[spmem:s1] =	stream.indirect.scatter.add.f32 [tilespmem:s21], [sflag:$0x2], $0x80, s3, s18, $0xb8;
	[tilespmem:$0x1A080] =	vst v63  }
0x2c: {  	s22 =	simm.s32 $0x0;
	_ =	swait.ge [sflag:s15], $0x1400  }
0x2d: {  	s23 =	smov.u32 s11;
	s21 =	simm.s32 $0x2;
	[sflag:s15] =	ssyncset.done $0x0  }
.LBB2_2:
0x2e: {  	[sflag:s15] =	ssyncadd.s32 $0xFFFFEC00;
	s22 =	sadd.s32 $0x80, s22;
	s23 =	sadd.s32 $0x280, s23  }
0x2f: {  	p1 =	sne.s32 s21, $0x7C;
	s24 =	smov.u32 s21;
	s21 =	sadd.s32 $0x1, s21  }
0x30: {  	s24 =	sand.u32 $0x1, s24;
	_ =	swait.ge [sflag:s17], $0x1400  }
0x31: {  	p2 =	seq.s32 s24, $0x1;
	s24 =	simm.s32 $0x5400;
	[sflag:s17] =	ssyncset.done $0x0  }
0x32: {  	s24 =	simm.s32 @!p2 $0x4000;
	[sflag:s17] =	ssyncadd.s32 $0xFFFFEC00  }
0x33: {  	[tilespmem:s24], [sflag:$0x1] =	stream.linear.gather [hbm4b:s23+s3], $0x1400, $0x38;
	[tilespmem:$0x1A080] =	vst v63  }
.Ltmp0:
0x34: {  	s24 =	simm.s32 $0x4000;
	(pc) =	sbr.rel @p1 .LBB2_2-.Ltmp0, $4  }
0x35: {  	s24 =	simm.s32 @!p2 $0x5400  }
0x36: {  	[spmem:s1] =	stream.indirect.scatter.add.f32 [tilespmem:s24], [sflag:$0x2], $0x80, s22, s18, $0xb8;
	[tilespmem:$0x1A080] =	vst v63  }
0x37: {  	_ =	swait.ge [sflag:s15], $0x1400  }
0x38: {  	[sflag:s15] =	ssyncset.done $0x0  }
0x39: {  	[sflag:s15] =	ssyncadd.s32 $0xFFFFEC00  }
0x3a: {  	_ =	swait.ge [sflag:s17], $0x1400  }
0x3b: {  	[sflag:s17] =	ssyncset.done $0x0  }
0x3c: {  	[sflag:s17] =	ssyncadd.s32 $0xFFFFEC00  }
0x3d: {  	[spmem:s1] =	stream.indirect.scatter.add.f32 [tilespmem:s16], [sflag:$0x2], $0x80, s19, s18, $0xb8;
	[tilespmem:$0x1A080] =	vst v63  }
0x3e: {  	_ =	swait.ge [sflag:s15], $0x1400  }
0x3f: {  	[sflag:s15] =	ssyncset.done $0x0  }
0x40: {  	[sflag:s15] =	ssyncadd.s32 $0xFFFFEC00  }
0x41: {  	s21 =	simm.s32 @p0 $0x1FC2;
	[bflag:$0x0] =	sbarrier.arrive $0xFFFF  }
0x42: {  	[hbm:s9], [sflag:s21] =	dma.local @p0 [spmem:s12], $0x1900  }
0x43: {  	s21 =	simm.s32 @p0 $0x2  }
0x44: {  	s20 =	sadd.s32 $0x1, s20;
	_ =	swait.ge @p0 [sflag:s21], $0x1900  }
0x45: {  	p1 =	sne.s32 s20, s10;
	[sflag:s21] =	ssyncset.done @p0 $0x0  }
.Ltmp1:
0x46: {  	[sflag:s21] =	ssyncadd.s32 @p0 $0xFFFFE700;
	s21 =	simm.s32 @!p0 $0x2;
	(pc) =	sbr.rel @p1 .LBB2_1-.Ltmp1, $4  }
0x47: {  	[hbm:s8], [sflag:s13] =	dma.local @!p0 [spmem:s14], $0x2800  }
0x48: {  	_ =	swait.ge @!p0 [sflag:s21], $0x2800  }
0x49: {  	[sflag:s21] =	ssyncset.done @!p0 $0x0  }
0x4a: {  	[sflag:s21] =	ssyncadd.s32 @!p0 $0xFFFFD800  }
0x4b: {  	_ =	sfence.sel $0x180000  }
0x4c: {  	[bflag:$0x0] =	sbarrier.arrive $0xFFFF  }
0x4d: {  	p0 =	sne.s32 s2, $0x0;
	_ =	strace $0x90000050  }
0x4e: {  	s0 =	sadd.s32 @!p0 $0x100000, s0;
	[bflag:$0x2] =	sbarrier.arrive $0xFFFF  }
0x4f: {  	[sflag:s0] =	ssyncadd.tile.s32 @!p0 $0x1;
	_ =	shalt  }
.Lfunc_end2:
_tile_overlayer_lowered:
.L_overlay_start_2:
0x50: {  	(tag) =	ssettag $0x2  }
0x51: {  	s0 =	rddreg [dreg:$0x0];
	s2 =	stileid.u32  }
0x52: {  	s1 =	rddreg [dreg:$0x1];
	p0 =	sne.s32 s2, $0x0  }
0x53: {  	s3 =	rddreg [dreg:$0x2];
	[bflag:$0x3] =	sbarrier.arrive $0xFFFF;
	s2 =	simm.s32 @!p0 $0x1C02  }
0x54: {  	[timem:s3], [sflag:s2] =	dma.local @!p0 [hbm:s0], s1  }
0x55: {  	s0 =	simm.s32 @!p0 $0x2  }
0x56: {  	_ =	swait.ge @!p0 [sflag:s0], s1  }
0x57: {  	s1 =	ssub.s32 @!p0 $0x0, s1;
	[sflag:s0] =	ssyncset.done @!p0 $0x0  }
0x58: {  	[sflag:s0] =	ssyncadd.s32 @!p0 s1  }
0x59: {  	[bflag:$0x3] =	sbarrier.arrive $0xFFFF  }
0x5a: {  	_ =	shalt  }

// kernel: kernel.30.cloned.1.call-start
scs
__scs_entry_jumppad:
0x0: {  	(pc) =	sbr.rel $0x88, $3  }
0x1: {  	(tag) =	ssettag $0x0;
	lr =	simm.s32 $0x1  }
0x2: {  	[smem:$0x3F8D] =	sst lr;
	_ =	strace $0xD0000000  }
0x3: {  	_ = 	snop  }
0x4: {  	_ = 	snop  }
0x5: {  	_ = 	snop  }
0x6: {  	_ = 	snop  }
0x7: {  	_ = 	snop  }
__scs_overlays_trampoline_lowered:
0x8: {  	[smem:$0x3F9C] =	sst s0  }
0x9: {  	[smem:$0x3F9D] =	sst s1  }
0xa: {  	[smem:$0x3F9E] =	sst s2  }
0xb: {  	[smem:$0x3F9F] =	sst s3  }
0xc: {  	[smem:$0x3FA0] =	sst s4  }
0xd: {  	[smem:$0x3FA1] =	sst s5  }
0xe: {  	[smem:$0x3FA2] =	sst s6  }
0xf: {  	[smem:$0x3FA3] =	sst s7  }
0x10: {  	[smem:$0x3FA4] =	sst s8  }
0x11: {  	[smem:$0x3FA5] =	sst s9;
	s0 =	simm.s32 @!p0 $0x0  }
0x12: {  	s1 =	sld [smem:$0x3F8B];
	s0 =	simm.s32 @p0 $0x1  }
0x13: {  	[smem:$0x3FA6] =	sst s0;
	s0 =	simm.s32 @!p1 $0x0  }
0x14: {  	s2 =	sld [smem:$0x3F8A];
	s0 =	simm.s32 @p1 $0x1  }
0x15: {  	[smem:$0x3FA7] =	sst s0;
	s0 =	simm.s32 @!p2 $0x0  }
0x16: {  	s3 =	sld [smem:$0x3FDB];
	s0 =	simm.s32 @p2 $0x1  }
0x17: {  	s4 =	simm.s32 $0x1BF5;
	[smem:$0x3FA9] =	sst s0  }
0x18: {  	s0 =	sld [smem:$0x3F8C];
	_ =	swait.ge [sflag:s4], $0x0  }
0x19: {  	s7 =	sld [smem:$0x3F8D]  }
0x1a: {  	s8 =	sadd.s32 $0xFFFFE003, lr  }
0x1b: {  	s9 =	sadd.s32 $0xFFFFFEF7, lr;
	s5 =	simm.s32 $0xFFFFFFFF;
	p2 =	slt.u32 s8, $0xFFFFF086  }
0x1c: {  	p1 =	slt.u32 s9, $0xF7A;
	s5 =	simm.s32 @!p2 $0x0  }
0x1d: {  	s5 =	simm.s32 @p1 $0x1;
	p0 =	seq.s32 s7, s2  }
0x1e: {  	s7 =	smul.u32 @!p0 $0xF7A, s2;
	p2 =	seq.s32 @!p0 s5, $0x0  }
0x1f: {  	s9 =	smul.u32 $0xF7A, s1;
	s8 =	simm.s32 @!p0 $0x1BF5;
	p2 =	por !p2, p0  }
0x20: {  	[sflag:s8] =	ssyncset.s32 @!p0 $0xFFFFF086;
	s6 =	sadd.s32 @!p0 s3, s7;
	s7 =	simm.s32 @!p0 $0x108  }
0x21: {  	s3 =	sadd.s32 s3, s9;
	s6 =	sadd.s32 @!p0 $0x88, s6;
	s7 =	simm.s32 @p2 $0x1082  }
0x22: {  	[simem:s7], [sflag:s8] =	dma.local @!p0 [hbm:s6], $0xF7A  }
0x23: {  	s9 =	sor.u32 $0xD0000000, s2;
	s6 =	simm.s32 $0x108;
	_ =	swait.ge @!p0 [sflag:s8], $0x0  }
0x24: {  	s3 =	sadd.s32 $0x88, s3;
	s6 =	simm.s32 @!p1 $0x1082;
	[sflag:s4] =	ssyncset.s32 $0xFFFFF086  }
0x25: {  	[simem:s6], [sflag:s4] =	dma.local [hbm:s3], $0xF7A  }
0x26: {  	[smem:$0x3F8D] =	sst s1;
	(tag) =	ssettag s2;
	_ =	strace s9  }
0x27: {  	s1 =	sld [smem:$0x3F9D]  }
0x28: {  	s2 =	sld [smem:$0x3F9E]  }
0x29: {  	s4 =	sld [smem:$0x3FA0]  }
0x2a: {  	p0 =	seq.s32 s5, $0x0;
	s5 =	sld [smem:$0x3FA1]  }
0x2b: {  	s6 =	sld [smem:$0x3FA2]  }
0x2c: {  	s7 =	sld [smem:$0x3FA3]  }
0x2d: {  	s3 =	simm.s32 $0x108;
	s8 =	sld [smem:$0x3FA4]  }
0x2e: {  	s3 =	simm.s32 @!p0 $0x1082;
	s9 =	sld [smem:$0x3FA5]  }
0x2f: {  	lr =	sadd.s32 s0, s3;
	s0 =	sld [smem:$0x3F9C]  }
0x30: {  	s3 =	sld [smem:$0x3F9F]  }
0x31: {  	[smem:$0x3FA8] =	sst s10  }
0x32: {  	s10 =	sld [smem:$0x3FA6];
	_ =	sdelay $0x3  }
0x33: {  	p0 =	seq.s32 s10, $0x1;
	s10 =	sld [smem:$0x3FA8];
	_ =	sdelay $0x3  }
0x34: {  	[smem:$0x3FA8] =	sst s10  }
0x35: {  	s10 =	sld [smem:$0x3FA7];
	_ =	sdelay $0x3  }
0x36: {  	p1 =	seq.s32 s10, $0x1;
	s10 =	sld [smem:$0x3FA8];
	_ =	sdelay $0x3  }
0x37: {  	[smem:$0x3FA8] =	sst s10  }
0x38: {  	s10 =	sld [smem:$0x3FA9]  }
0x39: {  	_ = 	snop;
	(pc) =	sbr.ind lr, $3  }
0x3a: {  	_ = 	snop  }
0x3b: {  	_ = 	snop  }
0x3c: {  	p2 =	seq.s32 s10, $0x1;
	s10 =	sld [smem:$0x3FA8]  }
0x3d: {  	_ =	shalt  }
0x3e: {  	_ =	shalt  }
0x3f: {  	_ =	shalt  }
0x40: {  	_ =	shalt  }
0x41: {  	_ =	shalt  }
0x42: {  	_ =	shalt  }
0x43: {  	_ =	shalt  }
0x44: {  	_ =	shalt  }
0x45: {  	_ =	shalt  }
0x46: {  	_ =	shalt  }
0x47: {  	_ =	shalt  }
0x48: {  	_ =	shalt  }
0x49: {  	_ =	shalt  }
0x4a: {  	_ =	shalt  }
0x4b: {  	_ =	shalt  }
0x4c: {  	_ =	shalt  }
0x4d: {  	_ =	shalt  }
0x4e: {  	_ =	shalt  }
0x4f: {  	_ =	shalt  }
0x50: {  	_ =	shalt  }
0x51: {  	_ =	shalt  }
0x52: {  	_ =	shalt  }
0x53: {  	_ =	shalt  }
0x54: {  	_ =	shalt  }
0x55: {  	_ =	shalt  }
0x56: {  	_ =	shalt  }
0x57: {  	_ =	shalt  }
0x58: {  	_ =	shalt  }
0x59: {  	_ =	shalt  }
0x5a: {  	_ =	shalt  }
0x5b: {  	_ =	shalt  }
0x5c: {  	_ =	shalt  }
0x5d: {  	_ =	shalt  }
0x5e: {  	_ =	shalt  }
0x5f: {  	_ =	shalt  }
0x60: {  	_ =	shalt  }
0x61: {  	_ =	shalt  }
0x62: {  	_ =	shalt  }
0x63: {  	_ =	shalt  }
0x64: {  	_ =	shalt  }
0x65: {  	_ =	shalt  }
0x66: {  	_ =	shalt  }
0x67: {  	_ =	shalt  }
0x68: {  	_ =	shalt  }
0x69: {  	_ =	shalt  }
0x6a: {  	_ =	shalt  }
0x6b: {  	_ =	shalt  }
0x6c: {  	_ =	shalt  }
0x6d: {  	_ =	shalt  }
0x6e: {  	_ =	shalt  }
0x6f: {  	_ =	shalt  }
0x70: {  	_ =	shalt  }
0x71: {  	_ =	shalt  }
0x72: {  	_ =	shalt  }
0x73: {  	_ =	shalt  }
0x74: {  	_ =	shalt  }
0x75: {  	_ =	shalt  }
0x76: {  	_ =	shalt  }
0x77: {  	_ =	shalt  }
0x78: {  	_ =	shalt  }
0x79: {  	_ =	shalt  }
0x7a: {  	_ =	shalt  }
0x7b: {  	_ =	shalt  }
0x7c: {  	_ =	shalt  }
0x7d: {  	_ =	shalt  }
0x7e: {  	_ =	shalt  }
0x7f: {  	_ =	shalt  }
0x80: {  	_ =	shalt  }
0x81: {  	_ =	shalt  }
0x82: {  	_ =	shalt  }
0x83: {  	_ =	shalt  }
0x84: {  	_ =	shalt  }
0x85: {  	_ =	shalt  }
0x86: {  	_ =	shalt  }
0x87: {  	_ =	shalt  }
.Lfunc_end0:
.L_simem_size_0:
called_computation.4_lowered:
.L_overlay_start_0:
0x88: {  	s2 =	sld [smem:$0x3FD9]  }
0x89: {  	s3 =	sld [smem:$0x3FFE];
	_ =	sdelay $0x1  }
0x8a: {  	s1 =	srdreg.scid  }
0x8b: {  	s0 =	sand.u32 $0x1, s1  }
0x8c: {  	s16 =	sshll.u32 s0, $0xA;
	s2 =	sadd.s32 s3, s2  }
0x8d: {  	s2 =	sadd.s32 s2, s16  }
0x8e: {  	[smem:$0x3FB4] =	sst s2  }
0x8f: {  	_ = 	snop  }
0x90: {  	(tm) =	ssettm $0x1  }
0x91: {  	s17 =	sld [smem:$0x3FFB];
	_ =	sdelay $0x3  }
0x92: {  	_ =	strace s17  }
0x93: {  	s2 =	sld [smem:$0x3FFC];
	_ =	sdelay $0x3  }
0x94: {  	_ =	strace s2  }
0x95: {  	s2 =	sld [smem:$0x3FFD];
	_ =	sdelay $0x3  }
0x96: {  	_ =	strace s2  }
0x97: {  	_ =	strace $0x8FFFFFFF  }
0x98: {  	s18 =	sld [smem:$0x3FDB];
	_ =	sdelay $0x1  }
0x99: {  	s19 =	simm.s32 $_scs_section_size  }
0x9a: {  	s4 =	simm.s32 $_size__tile_overlayer_lowered;
	s5 =	simm.s32 $_tile_overlayer_lowered  }
0x9b: {  	s22 =	simm.s32 $0x1BFF;
	s21 =	sshll.u32 s5, $0x1;
	s2 =	sadd.s32 s19, s18  }
0x9c: {  	s6 =	simm.s32 $0x0;
	s20 =	sshll.u32 s4, $0x1;
	s4 =	sadd.s32 s21, s2  }
0x9d: {  	[timem:s6], [sflag:s22] =	dma.local [hbm:s4], s20  }
0x9e: {  	_ =	swait.ge [sflag:s22], s20  }
0x9f: {  	s3 =	ssub.s32 $0x0, s20;
	[sflag:s22] =	ssyncset.done $0x0  }
0xa0: {  	[sflag:s22] =	ssyncadd.s32 s3;
	_ =	sdelay $0x1  }
0xa1: {  	s23 =	simm.s32 $0x1B8B  }
0xa2: {  	_ =	swait.ge [sflag:s23], $0x1  }
0xa3: {  	[sflag:s23] =	ssyncset.done $0x0  }
0xa4: {  	s25 =	simm.s32 $0x1B8E;
	s24 =	sld [smem:$0x3FFE];
	[sflag:s23] =	ssyncadd.s32 $0xFFFFFFFF  }
0xa5: {  	s26 =	simm.s32 $execute0_lowered;
	[smem:$0x3FD2] =	sst s25  }
0xa6: {  	s4 =	sshll.u32 s26, $0x1;
	_ =	strace $0x80000052;
	[dreg:$0x1] =	wrdreg $0xFFFFFFFF  }
0xa7: {  	s28 =	simm.s32 $_size_execute0_lowered;
	s2 =	sadd.s32 s2, s4;
	[dreg:$0x0] =	wrdreg $0x0  }
0xa8: {  	s4 =	sshll.u32 s28, $0x1;
	[dreg:$0x2] =	wrdreg s2  }
0xa9: {  	[dreg:$0x3] =	wrdreg s4  }
0xaa: {  	[dreg:$0x4] =	wrdreg $0xC0  }
0xab: {  	_ =	task [dreg:s6], $0x5FFFF  }
0xac: {  	[dreg:$0x1] =	wrdreg $0xFFFFFFFF  }
0xad: {  	[dreg:$0x0] =	wrdreg $0x60  }
0xae: {  	[dreg:$0x2] =	wrdreg s24  }
0xaf: {  	[dreg:$0x3] =	wrdreg $0xA  }
0xb0: {  	_ =	task.clear_ibuf [dreg:s6], $0x4FFFF;
	_ =	strace $0x90000052  }
0xb1: {  	s29 =	simm.s32 $0xA;
	_ =	strace $0x80000054  }
0xb2: {  	_ =	swait.ge [sflag:s29], $0x1  }
0xb3: {  	[sflag:s29] =	ssyncadd.s32 $0xFFFFFFFF  }
0xb4: {  	_ =	strace $0x90000054  }
0xb5: {  	_ =	sfence  }
0xb6: {  	s30 =	sld [smem:$0x0];
	_ =	sdelay $0x2  }
0xb7: {  	s31 =	sshll.u32 s1, $0xD;
	s1 =	sshrl.u32 s1, $0x2  }
0xb8: {  	s3 =	sand.u32 $0x4000, s31;
	s1 =	sadd.s32 s1, s30  }
0xb9: {  	s0 =	sor.u32 s3, s0;
	s1 =	sshll.u32 s1, $0x11  }
0xba: {  	s0 =	sor.u32 s1, s0  }
0xbb: {  	s0 =	sadd.s32 $0x8F2B, s0  }
0xbc: {  	[sflag:s0] =	ssyncadd.remote.s32 $0x1  }
0xbd: {  	_ =	sfence.sel $0xFFFF  }
0xbe: {  	[dreg:$0x0] =	wrdreg $0xFFFFFFFF;
	(pc) =	sbr.abs _section_cstart, $3  }
0xbf: {  	[dreg:$0x1] =	wrdreg $0xFFFFFFFF  }
0xc0: {  	_ =	task.clear_ibuf [dreg:s6], $0x2FFFF;
	_ =	strace $0x9FFFFFFF  }
0xc1: {  	(tm) =	ssettm $0x7FFFFFFF  }
tec
execute0_lowered:
.L_overlay_start_1:
0x0: {  	(tag) =	ssettag $0x1  }
0x1: {  	s0 =	rddreg [dreg:$0x0];
	s1 =	simm.s32 $0x0;
	s2 =	srdreg.scid  }
0x2: {  	s7 =	stileid.u32;
	s9 =	simm.s32 $0x3;
	s10 =	simm.s32 $0x50  }
0x3: {  	s11 =	simm.s32 $0x4000;
	s20 =	simm.s32 $0x1;
	s22 =	simm.s32 $0x10800  }
0x4: {  	s28 =	simm.s32 $0x400;
	s29 =	simm.s32 $0x18000;
	s30 =	simm.s32 $0x480  }
0x5: {  	s31 =	simm.s32 $0x1A800;
	[smem:$0x7FF] =	sst s1;
	s2 =	sand.u32 $0x1, s2  }
0x6: {  	s3 =	sadd.s32 $0x29000, s0;
	s5 =	sshll.u32 s7, $0xB;
	s7 =	smul.u32 $0x138800, s7  }
0x7: {  	_ =	strace $0x80000053;
	s4 =	smul.u32 $0x1388000, s2;
	s6 =	ssub.s32 $0x2, s2  }
0x8: {  	s5 =	sadd.s32 s5, s0;
	s0 =	sadd.s32 $0x542200, s0;
	s2 =	sshll.u32 s2, $0xF  }
0x9: {  	s8 =	sshrl.u32 s6, $0x1;
	s2 =	sadd.s32 s2, s5;
	s4 =	sadd.s32 s4, s7  }
0xa: {  	s6 =	ssub.s32 s6, s8;
	s25 =	sshrl.u32 s4, $0x3;
	s7 =	sadd.s32 $0x19000, s4  }
0xb: {  	s4 =	sadd.s32 $0x19000, s2;
	s6 =	smax.u32 s6, $0x1;
	s5 =	sadd.s32 s0, s25  }
0xc: {  	s2 =	simm.s32 $0x0;
	s26 =	sshrl.u32 s7, $0x3;
	s7 =	sadd.s32 $0x1900, s5  }
0xd: {  	s17 =	sadd.s32 s26, s0;
	s26 =	simm.s32 $0x15800;
	s0 =	simm.s32 $0x2  }
.LBB2_1:
0xe: {  	[tilespmem:s1], [sflag:$0x3] =	stream.linear.gather [hbm4b:s4+s1], $0x3E80, $0x38;
	[tilespmem:$0x1D000] =	vst v63  }
0xf: {  	_ =	swait.ge [sflag:s9], $0x3E80  }
0x10: {  	[sflag:s9] =	ssyncset.done $0x0  }
0x11: {  	[sflag:s9] =	ssyncadd.s32 $0xFFFFC180  }
0x12: {  	[tilespmem:s11], [sflag:$0x1] =	stream.indirect.gather [hbm4b:s3+s10], $0x80, s1, s10, $0xb8;
	[tilespmem:$0x1D000] =	vst v63  }
0x13: {  	s8 =	simm.s32 $0x80;
	s12 =	simm.s32 $0x6800  }
0x14: {  	[tilespmem:s12], [sflag:$0x1] =	stream.indirect.gather [hbm4b:s3+s10], $0x80, s8, s10, $0xb8;
	[tilespmem:$0x1D000] =	vst v63  }
0x15: {  	s14 =	simm.s32 $0x100;
	s15 =	simm.s32 $0x9000  }
0x16: {  	[tilespmem:s15], [sflag:$0x1] =	stream.indirect.gather [hbm4b:s3+s10], $0x80, s14, s10, $0xb8;
	[tilespmem:$0x1D000] =	vst v63  }
0x17: {  	s16 =	simm.s32 $0x180;
	s18 =	simm.s32 $0xB800  }
0x18: {  	[tilespmem:s18], [sflag:$0x1] =	stream.indirect.gather [hbm4b:s3+s10], $0x80, s16, s10, $0xb8;
	[tilespmem:$0x1D000] =	vst v63  }
0x19: {  	s19 =	simm.s32 $0x200;
	s21 =	simm.s32 $0xE000  }
0x1a: {  	[tilespmem:s21], [sflag:$0x1] =	stream.indirect.gather [hbm4b:s3+s10], $0x80, s19, s10, $0xb8;
	[tilespmem:$0x1D000] =	vst v63  }
0x1b: {  	_ =	swait.ge [sflag:s20], $0x2800  }
0x1c: {  	[sflag:s20] =	ssyncset.done $0x0  }
0x1d: {  	[sflag:s20] =	ssyncadd.s32 $0xFFFFD800  }
0x1e: {  	_ =	swait.ge [sflag:s20], $0x2800  }
0x1f: {  	[sflag:s20] =	ssyncset.done $0x0  }
0x20: {  	[sflag:s20] =	ssyncadd.s32 $0xFFFFD800  }
0x21: {  	_ =	swait.ge [sflag:s20], $0x2800  }
0x22: {  	[sflag:s20] =	ssyncset.done $0x0  }
0x23: {  	[sflag:s20] =	ssyncadd.s32 $0xFFFFD800  }
0x24: {  	_ =	swait.ge [sflag:s20], $0x2800  }
0x25: {  	[sflag:s20] =	ssyncset.done $0x0  }
0x26: {  	[sflag:s20] =	ssyncadd.s32 $0xFFFFD800  }
0x27: {  	_ =	swait.ge [sflag:s20], $0x2800  }
0x28: {  	[sflag:s20] =	ssyncset.done $0x0  }
0x29: {  	[sflag:s20] =	ssyncadd.s32 $0xFFFFD800  }
0x2a: {  	[hbm4b:s5+s1] =	stream.linear.scatter [tilespmem:s11], [sflag:$0x2], $0xC800, $0x38;
	[tilespmem:$0x1D000] =	vst v63  }
0x2b: {  	s23 =	simm.s32 $0x280  }
0x2c: {  	[tilespmem:s22], [sflag:$0x1] =	stream.indirect.gather [hbm4b:s3+s10], $0x80, s23, s10, $0xb8;
	[tilespmem:$0x1D000] =	vst v63  }
0x2d: {  	s24 =	simm.s32 $0x300;
	s25 =	simm.s32 $0x13000  }
0x2e: {  	[tilespmem:s25], [sflag:$0x1] =	stream.indirect.gather [hbm4b:s3+s10], $0x80, s24, s10, $0xb8;
	[tilespmem:$0x1D000] =	vst v63  }
0x2f: {  	s13 =	simm.s32 $0x380  }
0x30: {  	[tilespmem:s26], [sflag:$0x1] =	stream.indirect.gather [hbm4b:s3+s10], $0x80, s13, s10, $0xb8;
	[tilespmem:$0x1D000] =	vst v63  }
0x31: {  	_ = 	snop  }
0x32: {  	[tilespmem:s29], [sflag:$0x1] =	stream.indirect.gather [hbm4b:s3+s10], $0x80, s28, s10, $0xb8;
	[tilespmem:$0x1D000] =	vst v63  }
0x33: {  	_ = 	snop  }
0x34: {  	[tilespmem:s31], [sflag:$0x1] =	stream.indirect.gather [hbm4b:s3+s10], $0x80, s30, s10, $0xb8;
	[tilespmem:$0x1D000] =	vst v63  }
0x35: {  	_ =	swait.ge [sflag:s20], $0x2800  }
0x36: {  	[sflag:s20] =	ssyncset.done $0x0  }
0x37: {  	[sflag:s20] =	ssyncadd.s32 $0xFFFFD800  }
0x38: {  	_ =	swait.ge [sflag:s20], $0x2800  }
0x39: {  	[sflag:s20] =	ssyncset.done $0x0  }
0x3a: {  	[sflag:s20] =	ssyncadd.s32 $0xFFFFD800  }
0x3b: {  	_ =	swait.ge [sflag:s20], $0x2800  }
0x3c: {  	[sflag:s20] =	ssyncset.done $0x0  }
0x3d: {  	[sflag:s20] =	ssyncadd.s32 $0xFFFFD800  }
0x3e: {  	_ =	swait.ge [sflag:s20], $0x2800  }
0x3f: {  	[sflag:s20] =	ssyncset.done $0x0  }
0x40: {  	[sflag:s20] =	ssyncadd.s32 $0xFFFFD800  }
0x41: {  	_ =	swait.ge [sflag:s20], $0x2800  }
0x42: {  	[sflag:s20] =	ssyncset.done $0x0  }
0x43: {  	s14 =	sand.u32 $0x1, s0;
	[sflag:s20] =	ssyncadd.s32 $0xFFFFD800  }
0x44: {  	[hbm4b:s7+s1] =	stream.linear.scatter [tilespmem:s22], [sflag:$0x2], $0xC800, $0x38;
	[tilespmem:$0x1D000] =	vst v63  }
0x45: {  	s8 =	simm.s32 $0xC800;
	p0 =	seq.s32 s14, $0x1;
	_ =	swait.ge [sflag:s0], $0xC800  }
0x46: {  	s8 =	simm.s32 @!p0 $0x0;
	[sflag:s0] =	ssyncset.done $0x0  }
0x47: {  	s15 =	simm.s32 $0x500;
	s13 =	sadd.s32 $0x4000, s8;
	[sflag:s0] =	ssyncadd.s32 $0xFFFF3800  }
0x48: {  	[tilespmem:s13], [sflag:$0x1] =	stream.indirect.gather [hbm4b:s3+s10], $0x80, s15, s10, $0xb8;
	[tilespmem:$0x1D000] =	vst v63  }
0x49: {  	s14 =	simm.s32 $0x580;
	s16 =	sadd.s32 $0x6800, s8  }
0x4a: {  	[tilespmem:s16], [sflag:$0x1] =	stream.indirect.gather [hbm4b:s3+s10], $0x80, s14, s10, $0xb8;
	[tilespmem:$0x1D000] =	vst v63  }
0x4b: {  	s18 =	sadd.s32 $0x9000, s8;
	s19 =	simm.s32 $0x600  }
0x4c: {  	[tilespmem:s18], [sflag:$0x1] =	stream.indirect.gather [hbm4b:s3+s10], $0x80, s19, s10, $0xb8;
	[tilespmem:$0x1D000] =	vst v63  }
0x4d: {  	s21 =	sadd.s32 $0xB800, s8;
	s23 =	simm.s32 $0x680  }
0x4e: {  	[tilespmem:s21], [sflag:$0x1] =	stream.indirect.gather [hbm4b:s3+s10], $0x80, s23, s10, $0xb8;
	[tilespmem:$0x1D000] =	vst v63  }
0x4f: {  	s24 =	simm.s32 $0x700;
	s8 =	sadd.s32 $0xE000, s8  }
0x50: {  	[tilespmem:s8], [sflag:$0x1] =	stream.indirect.gather [hbm4b:s3+s10], $0x80, s24, s10, $0xb8;
	[tilespmem:$0x1D000] =	vst v63  }
0x51: {  	_ =	swait.ge [sflag:s20], $0x2800  }
0x52: {  	[sflag:s20] =	ssyncset.done $0x0  }
0x53: {  	[sflag:s20] =	ssyncadd.s32 $0xFFFFD800  }
0x54: {  	_ =	swait.ge [sflag:s20], $0x2800  }
0x55: {  	[sflag:s20] =	ssyncset.done $0x0  }
0x56: {  	[sflag:s20] =	ssyncadd.s32 $0xFFFFD800  }
0x57: {  	_ =	swait.ge [sflag:s20], $0x2800  }
0x58: {  	[sflag:s20] =	ssyncset.done $0x0  }
0x59: {  	[sflag:s20] =	ssyncadd.s32 $0xFFFFD800  }
0x5a: {  	_ =	swait.ge [sflag:s20], $0x2800  }
0x5b: {  	[sflag:s20] =	ssyncset.done $0x0  }
0x5c: {  	s12 =	sadd.s32 $0x1900, s17;
	[sflag:s20] =	ssyncadd.s32 $0xFFFFD800  }
0x5d: {  	s25 =	simm.s32 $0x3;
	s15 =	simm.s32 $0x1400;
	_ =	swait.ge [sflag:s20], $0x2800  }
0x5e: {  	s14 =	sand.u32 $0x1, s25;
	s16 =	simm.s32 $0x4;
	[sflag:s20] =	ssyncset.done $0x0  }
0x5f: {  	s18 =	simm.s32 $0xA00;
	s8 =	smov.u32 s17;
	[sflag:s20] =	ssyncadd.s32 $0xFFFFD800  }
.LBB2_2:
0x60: {  	[hbm4b:s8+s1] =	stream.linear.scatter [tilespmem:s13], [sflag:$0x2], $0xC800, $0x38;
	[tilespmem:$0x1D000] =	vst v63  }
0x61: {  	s19 =	smov.u32 s15;
	s8 =	smov.u32 s12;
	p0 =	seq.s32 s14, $0x1  }
0x62: {  	s14 =	sand.u32 $0x1, s16;
	s21 =	simm.s32 $0xC800;
	_ =	swait.ge [sflag:s0], $0xC800  }
0x63: {  	s23 =	sshra.s32 s18, $0x2;
	s21 =	simm.s32 @!p0 $0x0;
	[sflag:s0] =	ssyncset.done $0x0  }
0x64: {  	s18 =	sadd.s32 $0x500, s23;
	s13 =	sadd.s32 $0x4000, s21;
	[sflag:s0] =	ssyncadd.s32 $0xFFFF3800  }
0x65: {  	[tilespmem:s13], [sflag:$0x1] =	stream.indirect.gather [hbm4b:s3+s10], $0x80, s18, s10, $0xb8;
	[tilespmem:$0x1D000] =	vst v63  }
0x66: {  	p0 =	sne.s32 s15, $0xDC00;
	s24 =	sadd.s32 $0x580, s23;
	s18 =	sadd.s32 $0x6800, s21  }
0x67: {  	[tilespmem:s18], [sflag:$0x1] =	stream.indirect.gather [hbm4b:s3+s10], $0x80, s24, s10, $0xb8;
	[tilespmem:$0x1D000] =	vst v63  }
0x68: {  	s15 =	sadd.s32 $0xA00, s15;
	s18 =	sadd.s32 $0x9000, s21;
	s24 =	sadd.s32 $0x600, s23  }
0x69: {  	[tilespmem:s18], [sflag:$0x1] =	stream.indirect.gather [hbm4b:s3+s10], $0x80, s24, s10, $0xb8;
	[tilespmem:$0x1D000] =	vst v63  }
0x6a: {  	s25 =	sadd.s32 $0x680, s23;
	s24 =	sadd.s32 $0xB800, s21;
	s18 =	smov.u32 s19  }
0x6b: {  	[tilespmem:s24], [sflag:$0x1] =	stream.indirect.gather [hbm4b:s3+s10], $0x80, s25, s10, $0xb8;
	[tilespmem:$0x1D000] =	vst v63  }
0x6c: {  	s19 =	sadd.s32 $0xE000, s21;
	s21 =	sadd.s32 $0x700, s23  }
0x6d: {  	[tilespmem:s19], [sflag:$0x1] =	stream.indirect.gather [hbm4b:s3+s10], $0x80, s21, s10, $0xb8;
	[tilespmem:$0x1D000] =	vst v63  }
0x6e: {  	_ =	swait.ge [sflag:s20], $0x2800  }
0x6f: {  	[sflag:s20] =	ssyncset.done $0x0  }
0x70: {  	[sflag:s20] =	ssyncadd.s32 $0xFFFFD800  }
0x71: {  	_ =	swait.ge [sflag:s20], $0x2800  }
0x72: {  	[sflag:s20] =	ssyncset.done $0x0  }
0x73: {  	[sflag:s20] =	ssyncadd.s32 $0xFFFFD800  }
0x74: {  	_ =	swait.ge [sflag:s20], $0x2800  }
0x75: {  	[sflag:s20] =	ssyncset.done $0x0  }
0x76: {  	[sflag:s20] =	ssyncadd.s32 $0xFFFFD800  }
0x77: {  	_ =	swait.ge [sflag:s20], $0x2800  }
.Ltmp0:
0x78: {  	[sflag:s20] =	ssyncset.done $0x0;
	(pc) =	sbr.rel @p0 .LBB2_2-.Ltmp0, $4  }
0x79: {  	[sflag:s20] =	ssyncadd.s32 $0xFFFFD800  }
0x7a: {  	_ =	swait.ge [sflag:s20], $0x2800  }
0x7b: {  	[sflag:s20] =	ssyncset.done $0x0  }
0x7c: {  	s16 =	sadd.s32 $0x1, s16;
	s12 =	sadd.s32 $0x1900, s12;
	[sflag:s20] =	ssyncadd.s32 $0xFFFFD800  }
0x7d: {  	[hbm4b:s8+s1] =	stream.linear.scatter [tilespmem:s13], [sflag:$0x2], $0xC800, $0x38;
	[tilespmem:$0x1D000] =	vst v63  }
0x7e: {  	p0 =	seq.s32 s14, $0x1;
	s8 =	simm.s32 $0xC800;
	_ =	swait.ge [sflag:s0], $0xC800  }
0x7f: {  	s14 =	sshra.s32 s18, $0x2;
	s8 =	simm.s32 @!p0 $0x0;
	[sflag:s0] =	ssyncset.done $0x0  }
0x80: {  	s15 =	sadd.s32 $0x500, s14;
	s18 =	sadd.s32 $0x4000, s8;
	[sflag:s0] =	ssyncadd.s32 $0xFFFF3800  }
0x81: {  	[tilespmem:s18], [sflag:$0x1] =	stream.indirect.gather [hbm4b:s3+s10], $0x80, s15, s10, $0xb8;
	[tilespmem:$0x1D000] =	vst v63  }
0x82: {  	s16 =	sadd.s32 $0x580, s14;
	s19 =	sadd.s32 $0x6800, s8  }
0x83: {  	[tilespmem:s19], [sflag:$0x1] =	stream.indirect.gather [hbm4b:s3+s10], $0x80, s16, s10, $0xb8;
	[tilespmem:$0x1D000] =	vst v63  }
0x84: {  	s23 =	sadd.s32 $0x600, s14;
	s21 =	sadd.s32 $0x9000, s8  }
0x85: {  	[tilespmem:s21], [sflag:$0x1] =	stream.indirect.gather [hbm4b:s3+s10], $0x80, s23, s10, $0xb8;
	[tilespmem:$0x1D000] =	vst v63  }
0x86: {  	s25 =	sadd.s32 $0x680, s14;
	s24 =	sadd.s32 $0xB800, s8  }
0x87: {  	[tilespmem:s24], [sflag:$0x1] =	stream.indirect.gather [hbm4b:s3+s10], $0x80, s25, s10, $0xb8;
	[tilespmem:$0x1D000] =	vst v63  }
0x88: {  	s13 =	sadd.s32 $0x700, s14;
	s8 =	sadd.s32 $0xE000, s8  }
0x89: {  	[tilespmem:s8], [sflag:$0x1] =	stream.indirect.gather [hbm4b:s3+s10], $0x80, s13, s10, $0xb8;
	[tilespmem:$0x1D000] =	vst v63  }
0x8a: {  	_ =	swait.ge [sflag:s20], $0x2800  }
0x8b: {  	[sflag:s20] =	ssyncset.done $0x0  }
0x8c: {  	[sflag:s20] =	ssyncadd.s32 $0xFFFFD800  }
0x8d: {  	_ =	swait.ge [sflag:s20], $0x2800  }
0x8e: {  	[sflag:s20] =	ssyncset.done $0x0  }
0x8f: {  	[sflag:s20] =	ssyncadd.s32 $0xFFFFD800  }
0x90: {  	_ =	swait.ge [sflag:s20], $0x2800  }
0x91: {  	[sflag:s20] =	ssyncset.done $0x0  }
0x92: {  	[sflag:s20] =	ssyncadd.s32 $0xFFFFD800  }
0x93: {  	_ =	swait.ge [sflag:s20], $0x2800  }
0x94: {  	[sflag:s20] =	ssyncset.done $0x0  }
0x95: {  	[sflag:s20] =	ssyncadd.s32 $0xFFFFD800  }
0x96: {  	_ =	swait.ge [sflag:s20], $0x2800  }
0x97: {  	[sflag:s20] =	ssyncset.done $0x0  }
0x98: {  	s2 =	sadd.s32 $0x1, s2;
	[sflag:s20] =	ssyncadd.s32 $0xFFFFD800  }
0x99: {  	[hbm4b:s12+s1] =	stream.linear.scatter [tilespmem:s18], [sflag:$0x2], $0xC800, $0x38;
	[tilespmem:$0x1D000] =	vst v63  }
0x9a: {  	p0 =	sne.s32 s2, s6;
	_ =	swait.ge [sflag:s0], $0xC800  }
.Ltmp1:
0x9b: {  	[sflag:s0] =	ssyncset.done $0x0;
	(pc) =	sbr.rel @p0 .LBB2_1-.Ltmp1, $4  }
0x9c: {  	[sflag:s0] =	ssyncadd.s32 $0xFFFF3800  }
0x9d: {  	_ =	swait.ge [sflag:s0], $0xC800  }
0x9e: {  	[sflag:s0] =	ssyncset.done $0x0  }
0x9f: {  	[sflag:s0] =	ssyncadd.s32 $0xFFFF3800  }
0xa0: {  	_ =	sfence.sel $0x180000  }
0xa1: {  	[bflag:$0x0] =	sbarrier.arrive $0xFFFF  }
0xa2: {  	_ =	strace $0x90000053  }
0xa3: {  	s0 =	stileid.u32;
	[bflag:$0x2] =	sbarrier.arrive $0xFFFF  }
0xa4: {  	p0 =	sne.s32 s0, $0x0;
	s0 =	rddreg [dreg:$0x1]  }
0xa5: {  	s0 =	sadd.s32 @!p0 $0x100000, s0  }
0xa6: {  	[sflag:s0] =	ssyncadd.tile.s32 @!p0 $0x1;
	_ =	shalt  }
.Lfunc_end2:
_tile_overlayer_lowered:
.L_overlay_start_2:
0xa7: {  	(tag) =	ssettag $0x2  }
0xa8: {  	s0 =	rddreg [dreg:$0x0];
	s2 =	stileid.u32  }
0xa9: {  	s1 =	rddreg [dreg:$0x1];
	p0 =	sne.s32 s2, $0x0  }
0xaa: {  	s3 =	rddreg [dreg:$0x2];
	[bflag:$0x3] =	sbarrier.arrive $0xFFFF;
	s2 =	simm.s32 @!p0 $0x1C03  }
0xab: {  	[timem:s3], [sflag:s2] =	dma.local @!p0 [hbm:s0], s1  }
0xac: {  	s0 =	simm.s32 @!p0 $0x3  }
0xad: {  	_ =	swait.ge @!p0 [sflag:s0], s1  }
0xae: {  	s1 =	ssub.s32 @!p0 $0x0, s1;
	[sflag:s0] =	ssyncset.done @!p0 $0x0  }
0xaf: {  	[sflag:s0] =	ssyncadd.s32 @!p0 s1  }
0xb0: {  	[bflag:$0x3] =	sbarrier.arrive $0xFFFF  }
0xb1: {  	_ =	shalt  }

// kernel: kernel.33.cloned.1.call-start
scs
__scs_entry_jumppad:
0x0: {  	(pc) =	sbr.rel $0x88, $3  }
0x1: {  	(tag) =	ssettag $0x0;
	lr =	simm.s32 $0x1  }
0x2: {  	[smem:$0x3F8D] =	sst lr;
	_ =	strace $0xD0000000  }
0x3: {  	_ = 	snop  }
0x4: {  	_ = 	snop  }
0x5: {  	_ = 	snop  }
0x6: {  	_ = 	snop  }
0x7: {  	_ = 	snop  }
__scs_overlays_trampoline_lowered:
0x8: {  	[smem:$0x3F9C] =	sst s0  }
0x9: {  	[smem:$0x3F9D] =	sst s1  }
0xa: {  	[smem:$0x3F9E] =	sst s2  }
0xb: {  	[smem:$0x3F9F] =	sst s3  }
0xc: {  	[smem:$0x3FA0] =	sst s4  }
0xd: {  	[smem:$0x3FA1] =	sst s5  }
0xe: {  	[smem:$0x3FA2] =	sst s6  }
0xf: {  	[smem:$0x3FA3] =	sst s7  }
0x10: {  	[smem:$0x3FA4] =	sst s8  }
0x11: {  	[smem:$0x3FA5] =	sst s9;
	s0 =	simm.s32 @!p0 $0x0  }
0x12: {  	s1 =	sld [smem:$0x3F8B];
	s0 =	simm.s32 @p0 $0x1  }
0x13: {  	[smem:$0x3FA6] =	sst s0;
	s0 =	simm.s32 @!p1 $0x0  }
0x14: {  	s2 =	sld [smem:$0x3F8A];
	s0 =	simm.s32 @p1 $0x1  }
0x15: {  	[smem:$0x3FA7] =	sst s0;
	s0 =	simm.s32 @!p2 $0x0  }
0x16: {  	s3 =	sld [smem:$0x3FDB];
	s0 =	simm.s32 @p2 $0x1  }
0x17: {  	s4 =	simm.s32 $0x1BF5;
	[smem:$0x3FA9] =	sst s0  }
0x18: {  	s0 =	sld [smem:$0x3F8C];
	_ =	swait.ge [sflag:s4], $0x0  }
0x19: {  	s7 =	sld [smem:$0x3F8D]  }
0x1a: {  	s8 =	sadd.s32 $0xFFFFE003, lr  }
0x1b: {  	s9 =	sadd.s32 $0xFFFFFEF7, lr;
	s5 =	simm.s32 $0xFFFFFFFF;
	p2 =	slt.u32 s8, $0xFFFFF086  }
0x1c: {  	p1 =	slt.u32 s9, $0xF7A;
	s5 =	simm.s32 @!p2 $0x0  }
0x1d: {  	s5 =	simm.s32 @p1 $0x1;
	p0 =	seq.s32 s7, s2  }
0x1e: {  	s7 =	smul.u32 @!p0 $0xF7A, s2;
	p2 =	seq.s32 @!p0 s5, $0x0  }
0x1f: {  	s9 =	smul.u32 $0xF7A, s1;
	s8 =	simm.s32 @!p0 $0x1BF5;
	p2 =	por !p2, p0  }
0x20: {  	[sflag:s8] =	ssyncset.s32 @!p0 $0xFFFFF086;
	s6 =	sadd.s32 @!p0 s3, s7;
	s7 =	simm.s32 @!p0 $0x108  }
0x21: {  	s3 =	sadd.s32 s3, s9;
	s6 =	sadd.s32 @!p0 $0x88, s6;
	s7 =	simm.s32 @p2 $0x1082  }
0x22: {  	[simem:s7], [sflag:s8] =	dma.local @!p0 [hbm:s6], $0xF7A  }
0x23: {  	s9 =	sor.u32 $0xD0000000, s2;
	s6 =	simm.s32 $0x108;
	_ =	swait.ge @!p0 [sflag:s8], $0x0  }
0x24: {  	s3 =	sadd.s32 $0x88, s3;
	s6 =	simm.s32 @!p1 $0x1082;
	[sflag:s4] =	ssyncset.s32 $0xFFFFF086  }
0x25: {  	[simem:s6], [sflag:s4] =	dma.local [hbm:s3], $0xF7A  }
0x26: {  	[smem:$0x3F8D] =	sst s1;
	(tag) =	ssettag s2;
	_ =	strace s9  }
0x27: {  	s1 =	sld [smem:$0x3F9D]  }
0x28: {  	s2 =	sld [smem:$0x3F9E]  }
0x29: {  	s4 =	sld [smem:$0x3FA0]  }
0x2a: {  	p0 =	seq.s32 s5, $0x0;
	s5 =	sld [smem:$0x3FA1]  }
0x2b: {  	s6 =	sld [smem:$0x3FA2]  }
0x2c: {  	s7 =	sld [smem:$0x3FA3]  }
0x2d: {  	s3 =	simm.s32 $0x108;
	s8 =	sld [smem:$0x3FA4]  }
0x2e: {  	s3 =	simm.s32 @!p0 $0x1082;
	s9 =	sld [smem:$0x3FA5]  }
0x2f: {  	lr =	sadd.s32 s0, s3;
	s0 =	sld [smem:$0x3F9C]  }
0x30: {  	s3 =	sld [smem:$0x3F9F]  }
0x31: {  	[smem:$0x3FA8] =	sst s10  }
0x32: {  	s10 =	sld [smem:$0x3FA6];
	_ =	sdelay $0x3  }
0x33: {  	p0 =	seq.s32 s10, $0x1;
	s10 =	sld [smem:$0x3FA8];
	_ =	sdelay $0x3  }
0x34: {  	[smem:$0x3FA8] =	sst s10  }
0x35: {  	s10 =	sld [smem:$0x3FA7];
	_ =	sdelay $0x3  }
0x36: {  	p1 =	seq.s32 s10, $0x1;
	s10 =	sld [smem:$0x3FA8];
	_ =	sdelay $0x3  }
0x37: {  	[smem:$0x3FA8] =	sst s10  }
0x38: {  	s10 =	sld [smem:$0x3FA9]  }
0x39: {  	_ = 	snop;
	(pc) =	sbr.ind lr, $3  }
0x3a: {  	_ = 	snop  }
0x3b: {  	_ = 	snop  }
0x3c: {  	p2 =	seq.s32 s10, $0x1;
	s10 =	sld [smem:$0x3FA8]  }
0x3d: {  	_ =	shalt  }
0x3e: {  	_ =	shalt  }
0x3f: {  	_ =	shalt  }
0x40: {  	_ =	shalt  }
0x41: {  	_ =	shalt  }
0x42: {  	_ =	shalt  }
0x43: {  	_ =	shalt  }
0x44: {  	_ =	shalt  }
0x45: {  	_ =	shalt  }
0x46: {  	_ =	shalt  }
0x47: {  	_ =	shalt  }
0x48: {  	_ =	shalt  }
0x49: {  	_ =	shalt  }
0x4a: {  	_ =	shalt  }
0x4b: {  	_ =	shalt  }
0x4c: {  	_ =	shalt  }
0x4d: {  	_ =	shalt  }
0x4e: {  	_ =	shalt  }
0x4f: {  	_ =	shalt  }
0x50: {  	_ =	shalt  }
0x51: {  	_ =	shalt  }
0x52: {  	_ =	shalt  }
0x53: {  	_ =	shalt  }
0x54: {  	_ =	shalt  }
0x55: {  	_ =	shalt  }
0x56: {  	_ =	shalt  }
0x57: {  	_ =	shalt  }
0x58: {  	_ =	shalt  }
0x59: {  	_ =	shalt  }
0x5a: {  	_ =	shalt  }
0x5b: {  	_ =	shalt  }
0x5c: {  	_ =	shalt  }
0x5d: {  	_ =	shalt  }
0x5e: {  	_ =	shalt  }
0x5f: {  	_ =	shalt  }
0x60: {  	_ =	shalt  }
0x61: {  	_ =	shalt  }
0x62: {  	_ =	shalt  }
0x63: {  	_ =	shalt  }
0x64: {  	_ =	shalt  }
0x65: {  	_ =	shalt  }
0x66: {  	_ =	shalt  }
0x67: {  	_ =	shalt  }
0x68: {  	_ =	shalt  }
0x69: {  	_ =	shalt  }
0x6a: {  	_ =	shalt  }
0x6b: {  	_ =	shalt  }
0x6c: {  	_ =	shalt  }
0x6d: {  	_ =	shalt  }
0x6e: {  	_ =	shalt  }
0x6f: {  	_ =	shalt  }
0x70: {  	_ =	shalt  }
0x71: {  	_ =	shalt  }
0x72: {  	_ =	shalt  }
0x73: {  	_ =	shalt  }
0x74: {  	_ =	shalt  }
0x75: {  	_ =	shalt  }
0x76: {  	_ =	shalt  }
0x77: {  	_ =	shalt  }
0x78: {  	_ =	shalt  }
0x79: {  	_ =	shalt  }
0x7a: {  	_ =	shalt  }
0x7b: {  	_ =	shalt  }
0x7c: {  	_ =	shalt  }
0x7d: {  	_ =	shalt  }
0x7e: {  	_ =	shalt  }
0x7f: {  	_ =	shalt  }
0x80: {  	_ =	shalt  }
0x81: {  	_ =	shalt  }
0x82: {  	_ =	shalt  }
0x83: {  	_ =	shalt  }
0x84: {  	_ =	shalt  }
0x85: {  	_ =	shalt  }
0x86: {  	_ =	shalt  }
0x87: {  	_ =	shalt  }
.Lfunc_end0:
.L_simem_size_0:
called_computation.5_lowered:
.L_overlay_start_0:
0x88: {  	s2 =	sld [smem:$0x3FD9]  }
0x89: {  	s3 =	sld [smem:$0x3FFE];
	_ =	sdelay $0x1  }
0x8a: {  	s1 =	srdreg.scid  }
0x8b: {  	s0 =	sand.u32 $0x1, s1  }
0x8c: {  	s17 =	sshll.u32 s0, $0xA;
	s2 =	sadd.s32 s3, s2  }
0x8d: {  	s2 =	sadd.s32 s2, s17  }
0x8e: {  	[smem:$0x3FB4] =	sst s2  }
0x8f: {  	_ = 	snop  }
0x90: {  	(tm) =	ssettm $0x1  }
0x91: {  	s18 =	sld [smem:$0x3FFB];
	_ =	sdelay $0x3  }
0x92: {  	_ =	strace s18  }
0x93: {  	s2 =	sld [smem:$0x3FFC];
	_ =	sdelay $0x3  }
0x94: {  	_ =	strace s2  }
0x95: {  	s2 =	sld [smem:$0x3FFD];
	_ =	sdelay $0x3  }
0x96: {  	_ =	strace s2  }
0x97: {  	_ =	strace $0x8FFFFFFF  }
0x98: {  	s19 =	sld [smem:$0x3FDB];
	_ =	sdelay $0x1  }
0x99: {  	s20 =	simm.s32 $_scs_section_size  }
0x9a: {  	s4 =	simm.s32 $_size__tile_overlayer_lowered;
	s5 =	simm.s32 $_tile_overlayer_lowered  }
0x9b: {  	s6 =	simm.s32 $0x1BFF;
	s21 =	sshll.u32 s5, $0x1;
	s3 =	sadd.s32 s20, s19  }
0x9c: {  	s22 =	simm.s32 $0x0;
	s4 =	sshll.u32 s4, $0x1;
	s5 =	sadd.s32 s21, s3  }
0x9d: {  	[timem:s22], [sflag:s6] =	dma.local [hbm:s5], s4  }
0x9e: {  	_ =	swait.ge [sflag:s6], s4  }
0x9f: {  	s4 =	ssub.s32 $0x0, s4;
	[sflag:s6] =	ssyncset.done $0x0  }
0xa0: {  	[sflag:s6] =	ssyncadd.s32 s4;
	_ =	sdelay $0x1  }
0xa1: {  	s23 =	simm.s32 $0x1B8B  }
0xa2: {  	_ =	swait.ge [sflag:s23], $0x1  }
0xa3: {  	[sflag:s23] =	ssyncset.done $0x0  }
0xa4: {  	[sflag:s23] =	ssyncadd.s32 $0xFFFFFFFF  }
0xa5: {  	s4 =	sld [smem:$0x0]  }
0xa6: {  	s5 =	sand.u32 $0xFFFFFFFE, s1  }
0xa7: {  	p0 =	sne.s32 s1, s5  }
0xa8: {  	s5 =	sshll.u32 @p0 s5, $0xE  }
0xa9: {  	s5 =	sadd.s32 @p0 $0x11B8D, s5;
	s6 =	sshll.u32 @p0 s4, $0x11  }
0xaa: {  	s5 =	sor.u32 @p0 s6, s5  }
0xab: {  	[sflag:s5] =	ssyncadd.remote.s32 @p0 $0x1;
	_ =	sdelay $0x1  }
0xac: {  	s5 =	simm.s32 @p0 $0x1B8D  }
0xad: {  	_ =	swait.eq @p0 [sflag:s5], $0x1  }
0xae: {  	[sflag:s5] =	ssyncadd.s32 @p0 $0xFFFFFFFF  }
0xaf: {  	s6 =	sshll.u32 @!p0 s1, $0xE  }
0xb0: {  	s6 =	sor.u32 @!p0 $0x4000, s6;
	s5 =	simm.s32 @!p0 $0x1B8D  }
0xb1: {  	s4 =	sshll.u32 @!p0 s4, $0x11;
	s6 =	sadd.s32 @!p0 $0x11B8D, s6;
	_ =	swait.eq @!p0 [sflag:s5], $0x1  }
0xb2: {  	s4 =	sor.u32 @!p0 s4, s6;
	[sflag:s5] =	ssyncadd.s32 @!p0 $0xFFFFFFFF  }
0xb3: {  	s25 =	simm.s32 $0x1B8E;
	s24 =	sld [smem:$0x3FFE];
	[sflag:s4] =	ssyncadd.remote.s32 @!p0 $0x1  }
0xb4: {  	s26 =	simm.s32 $execute0_lowered;
	[smem:$0x3FD2] =	sst s25  }
0xb5: {  	s5 =	sshll.u32 s26, $0x1;
	_ =	strace $0x80000055;
	[dreg:$0x1] =	wrdreg $0xFFFFFFFF  }
0xb6: {  	s28 =	simm.s32 $_size_execute0_lowered;
	s3 =	sadd.s32 s3, s5;
	[dreg:$0x0] =	wrdreg $0x0  }
0xb7: {  	s5 =	sshll.u32 s28, $0x1;
	[dreg:$0x2] =	wrdreg s3  }
0xb8: {  	[dreg:$0x3] =	wrdreg s5  }
0xb9: {  	[dreg:$0x4] =	wrdreg $0xC0  }
0xba: {  	_ =	task [dreg:s22], $0x5FFFF  }
0xbb: {  	[dreg:$0x1] =	wrdreg $0xFFFFFFFF  }
0xbc: {  	[dreg:$0x0] =	wrdreg $0x60  }
0xbd: {  	[dreg:$0x2] =	wrdreg s24  }
0xbe: {  	[dreg:$0x3] =	wrdreg $0x9  }
0xbf: {  	_ =	task.clear_ibuf [dreg:s22], $0x4FFFF;
	_ =	strace $0x90000055  }
0xc0: {  	s29 =	simm.s32 $0x9;
	_ =	strace $0x80000057  }
0xc1: {  	_ =	swait.ge [sflag:s29], $0x1  }
0xc2: {  	[sflag:s29] =	ssyncadd.s32 $0xFFFFFFFF  }
0xc3: {  	_ =	strace $0x90000057  }
0xc4: {  	_ =	sfence  }
0xc5: {  	s30 =	sld [smem:$0x0];
	_ =	sdelay $0x2  }
0xc6: {  	s31 =	sshll.u32 s1, $0xD;
	s1 =	sshrl.u32 s1, $0x2  }
0xc7: {  	s4 =	sand.u32 $0x4000, s31;
	s1 =	sadd.s32 s1, s30  }
0xc8: {  	s0 =	sor.u32 s4, s0;
	s1 =	sshll.u32 s1, $0x11  }
0xc9: {  	s0 =	sor.u32 s1, s0  }
0xca: {  	s0 =	sadd.s32 $0x8F2B, s0  }
0xcb: {  	[sflag:s0] =	ssyncadd.remote.s32 $0x1  }
0xcc: {  	_ =	sfence.sel $0xFFFF  }
0xcd: {  	[dreg:$0x0] =	wrdreg $0xFFFFFFFF;
	(pc) =	sbr.abs _section_cstart, $3  }
0xce: {  	[dreg:$0x1] =	wrdreg $0xFFFFFFFF  }
0xcf: {  	_ =	task.clear_ibuf [dreg:s22], $0x2FFFF;
	_ =	strace $0x9FFFFFFF  }
0xd0: {  	(tm) =	ssettm $0x7FFFFFFF  }
0xd1: {  	_ =	shalt  }
tec
execute0_lowered:
.L_overlay_start_1:
0x0: {  	(tag) =	ssettag $0x1  }
0x1: {  	s0 =	rddreg [dreg:$0x0];
	s1 =	simm.s32 $0x0;
	s2 =	srdreg.scid  }
0x2: {  	s7 =	stileid.u32;
	s9 =	simm.s32 $0x3;
	s10 =	simm.s32 $0x50  }
0x3: {  	s11 =	simm.s32 $0x4000;
	s20 =	simm.s32 $0x1;
	s22 =	simm.s32 $0x10800  }
0x4: {  	s28 =	simm.s32 $0x400;
	s29 =	simm.s32 $0x18000;
	s30 =	simm.s32 $0x480  }
0x5: {  	s31 =	simm.s32 $0x1A800;
	[smem:$0x7FF] =	sst s1;
	s2 =	sand.u32 $0x1, s2  }
0x6: {  	s3 =	sadd.s32 $0x29000, s0;
	s5 =	sshll.u32 s7, $0xB;
	s7 =	smul.u32 $0x138800, s7  }
0x7: {  	_ =	strace $0x80000056;
	s4 =	smul.u32 $0x1388000, s2;
	s6 =	ssub.s32 $0x2, s2  }
0x8: {  	s5 =	sadd.s32 s5, s0;
	s0 =	sadd.s32 $0xCF3400, s0;
	s2 =	sshll.u32 s2, $0xF  }
0x9: {  	s8 =	sshrl.u32 s6, $0x1;
	s2 =	sadd.s32 s2, s5;
	s4 =	sadd.s32 s4, s7  }
0xa: {  	s6 =	ssub.s32 s6, s8;
	s25 =	sshrl.u32 s4, $0x3;
	s7 =	sadd.s32 $0x19000, s4  }
0xb: {  	s4 =	sadd.s32 $0x532200, s2;
	s6 =	smax.u32 s6, $0x1;
	s5 =	sadd.s32 s0, s25  }
0xc: {  	s2 =	simm.s32 $0x0;
	s26 =	sshrl.u32 s7, $0x3;
	s7 =	sadd.s32 $0x1900, s5  }
0xd: {  	s17 =	sadd.s32 s26, s0;
	s26 =	simm.s32 $0x15800;
	s0 =	simm.s32 $0x2  }
.LBB2_1:
0xe: {  	[tilespmem:s1], [sflag:$0x3] =	stream.linear.gather [hbm4b:s4+s1], $0x3E80, $0x38;
	[tilespmem:$0x1D000] =	vst v63  }
0xf: {  	_ =	swait.ge [sflag:s9], $0x3E80  }
0x10: {  	[sflag:s9] =	ssyncset.done $0x0  }
0x11: {  	[sflag:s9] =	ssyncadd.s32 $0xFFFFC180  }
0x12: {  	[tilespmem:s11], [sflag:$0x1] =	stream.indirect.gather [hbm4b:s3+s10], $0x80, s1, s10, $0xb8;
	[tilespmem:$0x1D000] =	vst v63  }
0x13: {  	s8 =	simm.s32 $0x80;
	s12 =	simm.s32 $0x6800  }
0x14: {  	[tilespmem:s12], [sflag:$0x1] =	stream.indirect.gather [hbm4b:s3+s10], $0x80, s8, s10, $0xb8;
	[tilespmem:$0x1D000] =	vst v63  }
0x15: {  	s14 =	simm.s32 $0x100;
	s15 =	simm.s32 $0x9000  }
0x16: {  	[tilespmem:s15], [sflag:$0x1] =	stream.indirect.gather [hbm4b:s3+s10], $0x80, s14, s10, $0xb8;
	[tilespmem:$0x1D000] =	vst v63  }
0x17: {  	s16 =	simm.s32 $0x180;
	s18 =	simm.s32 $0xB800  }
0x18: {  	[tilespmem:s18], [sflag:$0x1] =	stream.indirect.gather [hbm4b:s3+s10], $0x80, s16, s10, $0xb8;
	[tilespmem:$0x1D000] =	vst v63  }
0x19: {  	s19 =	simm.s32 $0x200;
	s21 =	simm.s32 $0xE000  }
0x1a: {  	[tilespmem:s21], [sflag:$0x1] =	stream.indirect.gather [hbm4b:s3+s10], $0x80, s19, s10, $0xb8;
	[tilespmem:$0x1D000] =	vst v63  }
0x1b: {  	_ =	swait.ge [sflag:s20], $0x2800  }
0x1c: {  	[sflag:s20] =	ssyncset.done $0x0  }
0x1d: {  	[sflag:s20] =	ssyncadd.s32 $0xFFFFD800  }
0x1e: {  	_ =	swait.ge [sflag:s20], $0x2800  }
0x1f: {  	[sflag:s20] =	ssyncset.done $0x0  }
0x20: {  	[sflag:s20] =	ssyncadd.s32 $0xFFFFD800  }
0x21: {  	_ =	swait.ge [sflag:s20], $0x2800  }
0x22: {  	[sflag:s20] =	ssyncset.done $0x0  }
0x23: {  	[sflag:s20] =	ssyncadd.s32 $0xFFFFD800  }
0x24: {  	_ =	swait.ge [sflag:s20], $0x2800  }
0x25: {  	[sflag:s20] =	ssyncset.done $0x0  }
0x26: {  	[sflag:s20] =	ssyncadd.s32 $0xFFFFD800  }
0x27: {  	_ =	swait.ge [sflag:s20], $0x2800  }
0x28: {  	[sflag:s20] =	ssyncset.done $0x0  }
0x29: {  	[sflag:s20] =	ssyncadd.s32 $0xFFFFD800  }
0x2a: {  	[hbm4b:s5+s1] =	stream.linear.scatter [tilespmem:s11], [sflag:$0x2], $0xC800, $0x38;
	[tilespmem:$0x1D000] =	vst v63  }
0x2b: {  	s23 =	simm.s32 $0x280  }
0x2c: {  	[tilespmem:s22], [sflag:$0x1] =	stream.indirect.gather [hbm4b:s3+s10], $0x80, s23, s10, $0xb8;
	[tilespmem:$0x1D000] =	vst v63  }
0x2d: {  	s24 =	simm.s32 $0x300;
	s25 =	simm.s32 $0x13000  }
0x2e: {  	[tilespmem:s25], [sflag:$0x1] =	stream.indirect.gather [hbm4b:s3+s10], $0x80, s24, s10, $0xb8;
	[tilespmem:$0x1D000] =	vst v63  }
0x2f: {  	s13 =	simm.s32 $0x380  }
0x30: {  	[tilespmem:s26], [sflag:$0x1] =	stream.indirect.gather [hbm4b:s3+s10], $0x80, s13, s10, $0xb8;
	[tilespmem:$0x1D000] =	vst v63  }
0x31: {  	_ = 	snop  }
0x32: {  	[tilespmem:s29], [sflag:$0x1] =	stream.indirect.gather [hbm4b:s3+s10], $0x80, s28, s10, $0xb8;
	[tilespmem:$0x1D000] =	vst v63  }
0x33: {  	_ = 	snop  }
0x34: {  	[tilespmem:s31], [sflag:$0x1] =	stream.indirect.gather [hbm4b:s3+s10], $0x80, s30, s10, $0xb8;
	[tilespmem:$0x1D000] =	vst v63  }
0x35: {  	_ =	swait.ge [sflag:s20], $0x2800  }
0x36: {  	[sflag:s20] =	ssyncset.done $0x0  }
0x37: {  	[sflag:s20] =	ssyncadd.s32 $0xFFFFD800  }
0x38: {  	_ =	swait.ge [sflag:s20], $0x2800  }
0x39: {  	[sflag:s20] =	ssyncset.done $0x0  }
0x3a: {  	[sflag:s20] =	ssyncadd.s32 $0xFFFFD800  }
0x3b: {  	_ =	swait.ge [sflag:s20], $0x2800  }
0x3c: {  	[sflag:s20] =	ssyncset.done $0x0  }
0x3d: {  	[sflag:s20] =	ssyncadd.s32 $0xFFFFD800  }
0x3e: {  	_ =	swait.ge [sflag:s20], $0x2800  }
0x3f: {  	[sflag:s20] =	ssyncset.done $0x0  }
0x40: {  	[sflag:s20] =	ssyncadd.s32 $0xFFFFD800  }
0x41: {  	_ =	swait.ge [sflag:s20], $0x2800  }
0x42: {  	[sflag:s20] =	ssyncset.done $0x0  }
0x43: {  	s14 =	sand.u32 $0x1, s0;
	[sflag:s20] =	ssyncadd.s32 $0xFFFFD800  }
0x44: {  	[hbm4b:s7+s1] =	stream.linear.scatter [tilespmem:s22], [sflag:$0x2], $0xC800, $0x38;
	[tilespmem:$0x1D000] =	vst v63  }
0x45: {  	s8 =	simm.s32 $0xC800;
	p0 =	seq.s32 s14, $0x1;
	_ =	swait.ge [sflag:s0], $0xC800  }
0x46: {  	s8 =	simm.s32 @!p0 $0x0;
	[sflag:s0] =	ssyncset.done $0x0  }
0x47: {  	s15 =	simm.s32 $0x500;
	s13 =	sadd.s32 $0x4000, s8;
	[sflag:s0] =	ssyncadd.s32 $0xFFFF3800  }
0x48: {  	[tilespmem:s13], [sflag:$0x1] =	stream.indirect.gather [hbm4b:s3+s10], $0x80, s15, s10, $0xb8;
	[tilespmem:$0x1D000] =	vst v63  }
0x49: {  	s14 =	simm.s32 $0x580;
	s16 =	sadd.s32 $0x6800, s8  }
0x4a: {  	[tilespmem:s16], [sflag:$0x1] =	stream.indirect.gather [hbm4b:s3+s10], $0x80, s14, s10, $0xb8;
	[tilespmem:$0x1D000] =	vst v63  }
0x4b: {  	s18 =	sadd.s32 $0x9000, s8;
	s19 =	simm.s32 $0x600  }
0x4c: {  	[tilespmem:s18], [sflag:$0x1] =	stream.indirect.gather [hbm4b:s3+s10], $0x80, s19, s10, $0xb8;
	[tilespmem:$0x1D000] =	vst v63  }
0x4d: {  	s21 =	sadd.s32 $0xB800, s8;
	s23 =	simm.s32 $0x680  }
0x4e: {  	[tilespmem:s21], [sflag:$0x1] =	stream.indirect.gather [hbm4b:s3+s10], $0x80, s23, s10, $0xb8;
	[tilespmem:$0x1D000] =	vst v63  }
0x4f: {  	s24 =	simm.s32 $0x700;
	s8 =	sadd.s32 $0xE000, s8  }
0x50: {  	[tilespmem:s8], [sflag:$0x1] =	stream.indirect.gather [hbm4b:s3+s10], $0x80, s24, s10, $0xb8;
	[tilespmem:$0x1D000] =	vst v63  }
0x51: {  	_ =	swait.ge [sflag:s20], $0x2800  }
0x52: {  	[sflag:s20] =	ssyncset.done $0x0  }
0x53: {  	[sflag:s20] =	ssyncadd.s32 $0xFFFFD800  }
0x54: {  	_ =	swait.ge [sflag:s20], $0x2800  }
0x55: {  	[sflag:s20] =	ssyncset.done $0x0  }
0x56: {  	[sflag:s20] =	ssyncadd.s32 $0xFFFFD800  }
0x57: {  	_ =	swait.ge [sflag:s20], $0x2800  }
0x58: {  	[sflag:s20] =	ssyncset.done $0x0  }
0x59: {  	[sflag:s20] =	ssyncadd.s32 $0xFFFFD800  }
0x5a: {  	_ =	swait.ge [sflag:s20], $0x2800  }
0x5b: {  	[sflag:s20] =	ssyncset.done $0x0  }
0x5c: {  	s12 =	sadd.s32 $0x1900, s17;
	[sflag:s20] =	ssyncadd.s32 $0xFFFFD800  }
0x5d: {  	s25 =	simm.s32 $0x3;
	s15 =	simm.s32 $0x1400;
	_ =	swait.ge [sflag:s20], $0x2800  }
0x5e: {  	s14 =	sand.u32 $0x1, s25;
	s16 =	simm.s32 $0x4;
	[sflag:s20] =	ssyncset.done $0x0  }
0x5f: {  	s18 =	simm.s32 $0xA00;
	s8 =	smov.u32 s17;
	[sflag:s20] =	ssyncadd.s32 $0xFFFFD800  }
.LBB2_2:
0x60: {  	[hbm4b:s8+s1] =	stream.linear.scatter [tilespmem:s13], [sflag:$0x2], $0xC800, $0x38;
	[tilespmem:$0x1D000] =	vst v63  }
0x61: {  	s19 =	smov.u32 s15;
	s8 =	smov.u32 s12;
	p0 =	seq.s32 s14, $0x1  }
0x62: {  	s14 =	sand.u32 $0x1, s16;
	s21 =	simm.s32 $0xC800;
	_ =	swait.ge [sflag:s0], $0xC800  }
0x63: {  	s23 =	sshra.s32 s18, $0x2;
	s21 =	simm.s32 @!p0 $0x0;
	[sflag:s0] =	ssyncset.done $0x0  }
0x64: {  	s18 =	sadd.s32 $0x500, s23;
	s13 =	sadd.s32 $0x4000, s21;
	[sflag:s0] =	ssyncadd.s32 $0xFFFF3800  }
0x65: {  	[tilespmem:s13], [sflag:$0x1] =	stream.indirect.gather [hbm4b:s3+s10], $0x80, s18, s10, $0xb8;
	[tilespmem:$0x1D000] =	vst v63  }
0x66: {  	p0 =	sne.s32 s15, $0xDC00;
	s24 =	sadd.s32 $0x580, s23;
	s18 =	sadd.s32 $0x6800, s21  }
0x67: {  	[tilespmem:s18], [sflag:$0x1] =	stream.indirect.gather [hbm4b:s3+s10], $0x80, s24, s10, $0xb8;
	[tilespmem:$0x1D000] =	vst v63  }
0x68: {  	s15 =	sadd.s32 $0xA00, s15;
	s18 =	sadd.s32 $0x9000, s21;
	s24 =	sadd.s32 $0x600, s23  }
0x69: {  	[tilespmem:s18], [sflag:$0x1] =	stream.indirect.gather [hbm4b:s3+s10], $0x80, s24, s10, $0xb8;
	[tilespmem:$0x1D000] =	vst v63  }
0x6a: {  	s25 =	sadd.s32 $0x680, s23;
	s24 =	sadd.s32 $0xB800, s21;
	s18 =	smov.u32 s19  }
0x6b: {  	[tilespmem:s24], [sflag:$0x1] =	stream.indirect.gather [hbm4b:s3+s10], $0x80, s25, s10, $0xb8;
	[tilespmem:$0x1D000] =	vst v63  }
0x6c: {  	s19 =	sadd.s32 $0xE000, s21;
	s21 =	sadd.s32 $0x700, s23  }
0x6d: {  	[tilespmem:s19], [sflag:$0x1] =	stream.indirect.gather [hbm4b:s3+s10], $0x80, s21, s10, $0xb8;
	[tilespmem:$0x1D000] =	vst v63  }
0x6e: {  	_ =	swait.ge [sflag:s20], $0x2800  }
0x6f: {  	[sflag:s20] =	ssyncset.done $0x0  }
0x70: {  	[sflag:s20] =	ssyncadd.s32 $0xFFFFD800  }
0x71: {  	_ =	swait.ge [sflag:s20], $0x2800  }
0x72: {  	[sflag:s20] =	ssyncset.done $0x0  }
0x73: {  	[sflag:s20] =	ssyncadd.s32 $0xFFFFD800  }
0x74: {  	_ =	swait.ge [sflag:s20], $0x2800  }
0x75: {  	[sflag:s20] =	ssyncset.done $0x0  }
0x76: {  	[sflag:s20] =	ssyncadd.s32 $0xFFFFD800  }
0x77: {  	_ =	swait.ge [sflag:s20], $0x2800  }
.Ltmp0:
0x78: {  	[sflag:s20] =	ssyncset.done $0x0;
	(pc) =	sbr.rel @p0 .LBB2_2-.Ltmp0, $4  }
0x79: {  	[sflag:s20] =	ssyncadd.s32 $0xFFFFD800  }
0x7a: {  	_ =	swait.ge [sflag:s20], $0x2800  }
0x7b: {  	[sflag:s20] =	ssyncset.done $0x0  }
0x7c: {  	s16 =	sadd.s32 $0x1, s16;
	s12 =	sadd.s32 $0x1900, s12;
	[sflag:s20] =	ssyncadd.s32 $0xFFFFD800  }
0x7d: {  	[hbm4b:s8+s1] =	stream.linear.scatter [tilespmem:s13], [sflag:$0x2], $0xC800, $0x38;
	[tilespmem:$0x1D000] =	vst v63  }
0x7e: {  	p0 =	seq.s32 s14, $0x1;
	s8 =	simm.s32 $0xC800;
	_ =	swait.ge [sflag:s0], $0xC800  }
0x7f: {  	s14 =	sshra.s32 s18, $0x2;
	s8 =	simm.s32 @!p0 $0x0;
	[sflag:s0] =	ssyncset.done $0x0  }
0x80: {  	s15 =	sadd.s32 $0x500, s14;
	s18 =	sadd.s32 $0x4000, s8;
	[sflag:s0] =	ssyncadd.s32 $0xFFFF3800  }
0x81: {  	[tilespmem:s18], [sflag:$0x1] =	stream.indirect.gather [hbm4b:s3+s10], $0x80, s15, s10, $0xb8;
	[tilespmem:$0x1D000] =	vst v63  }
0x82: {  	s16 =	sadd.s32 $0x580, s14;
	s19 =	sadd.s32 $0x6800, s8  }
0x83: {  	[tilespmem:s19], [sflag:$0x1] =	stream.indirect.gather [hbm4b:s3+s10], $0x80, s16, s10, $0xb8;
	[tilespmem:$0x1D000] =	vst v63  }
0x84: {  	s23 =	sadd.s32 $0x600, s14;
	s21 =	sadd.s32 $0x9000, s8  }
0x85: {  	[tilespmem:s21], [sflag:$0x1] =	stream.indirect.gather [hbm4b:s3+s10], $0x80, s23, s10, $0xb8;
	[tilespmem:$0x1D000] =	vst v63  }
0x86: {  	s25 =	sadd.s32 $0x680, s14;
	s24 =	sadd.s32 $0xB800, s8  }
0x87: {  	[tilespmem:s24], [sflag:$0x1] =	stream.indirect.gather [hbm4b:s3+s10], $0x80, s25, s10, $0xb8;
	[tilespmem:$0x1D000] =	vst v63  }
0x88: {  	s13 =	sadd.s32 $0x700, s14;
	s8 =	sadd.s32 $0xE000, s8  }
0x89: {  	[tilespmem:s8], [sflag:$0x1] =	stream.indirect.gather [hbm4b:s3+s10], $0x80, s13, s10, $0xb8;
	[tilespmem:$0x1D000] =	vst v63  }
0x8a: {  	_ =	swait.ge [sflag:s20], $0x2800  }
0x8b: {  	[sflag:s20] =	ssyncset.done $0x0  }
0x8c: {  	[sflag:s20] =	ssyncadd.s32 $0xFFFFD800  }
0x8d: {  	_ =	swait.ge [sflag:s20], $0x2800  }
0x8e: {  	[sflag:s20] =	ssyncset.done $0x0  }
0x8f: {  	[sflag:s20] =	ssyncadd.s32 $0xFFFFD800  }
0x90: {  	_ =	swait.ge [sflag:s20], $0x2800  }
0x91: {  	[sflag:s20] =	ssyncset.done $0x0  }
0x92: {  	[sflag:s20] =	ssyncadd.s32 $0xFFFFD800  }
0x93: {  	_ =	swait.ge [sflag:s20], $0x2800  }
0x94: {  	[sflag:s20] =	ssyncset.done $0x0  }
0x95: {  	[sflag:s20] =	ssyncadd.s32 $0xFFFFD800  }
0x96: {  	_ =	swait.ge [sflag:s20], $0x2800  }
0x97: {  	[sflag:s20] =	ssyncset.done $0x0  }
0x98: {  	s2 =	sadd.s32 $0x1, s2;
	[sflag:s20] =	ssyncadd.s32 $0xFFFFD800  }
0x99: {  	[hbm4b:s12+s1] =	stream.linear.scatter [tilespmem:s18], [sflag:$0x2], $0xC800, $0x38;
	[tilespmem:$0x1D000] =	vst v63  }
0x9a: {  	p0 =	sne.s32 s2, s6;
	_ =	swait.ge [sflag:s0], $0xC800  }
.Ltmp1:
0x9b: {  	[sflag:s0] =	ssyncset.done $0x0;
	(pc) =	sbr.rel @p0 .LBB2_1-.Ltmp1, $4  }
0x9c: {  	[sflag:s0] =	ssyncadd.s32 $0xFFFF3800  }
0x9d: {  	_ =	swait.ge [sflag:s0], $0xC800  }
0x9e: {  	[sflag:s0] =	ssyncset.done $0x0  }
0x9f: {  	[sflag:s0] =	ssyncadd.s32 $0xFFFF3800  }
0xa0: {  	_ =	sfence.sel $0x180000  }
0xa1: {  	[bflag:$0x0] =	sbarrier.arrive $0xFFFF  }
0xa2: {  	_ =	strace $0x90000056  }
0xa3: {  	s0 =	stileid.u32;
	[bflag:$0x2] =	sbarrier.arrive $0xFFFF  }
0xa4: {  	p0 =	sne.s32 s0, $0x0;
	s0 =	rddreg [dreg:$0x1]  }
0xa5: {  	s0 =	sadd.s32 @!p0 $0x100000, s0  }
0xa6: {  	[sflag:s0] =	ssyncadd.tile.s32 @!p0 $0x1;
	_ =	shalt  }
.Lfunc_end2:
_tile_overlayer_lowered:
.L_overlay_start_2:
0xa7: {  	(tag) =	ssettag $0x2  }
0xa8: {  	s0 =	rddreg [dreg:$0x0];
	s2 =	stileid.u32  }
0xa9: {  	s1 =	rddreg [dreg:$0x1];
	p0 =	sne.s32 s2, $0x0  }
0xaa: {  	s3 =	rddreg [dreg:$0x2];
	[bflag:$0x3] =	sbarrier.arrive $0xFFFF;
	s2 =	simm.s32 @!p0 $0x1C03  }
0xab: {  	[timem:s3], [sflag:s2] =	dma.local @!p0 [hbm:s0], s1  }
0xac: {  	s0 =	simm.s32 @!p0 $0x3  }
0xad: {  	_ =	swait.ge @!p0 [sflag:s0], s1  }
0xae: {  	s1 =	ssub.s32 @!p0 $0x0, s1;
	[sflag:s0] =	ssyncset.done @!p0 $0x0  }
0xaf: {  	[sflag:s0] =	ssyncadd.s32 @!p0 s1  }
0xb0: {  	[bflag:$0x3] =	sbarrier.arrive $0xFFFF  }
0xb1: {  	_ =	shalt  }

// kernel: kernel.36.cloned.1.call-start
scs
__scs_entry_jumppad:
0x0: {  	(pc) =	sbr.rel $0x88, $3  }
0x1: {  	(tag) =	ssettag $0x0;
	lr =	simm.s32 $0x1  }
0x2: {  	[smem:$0x3F8D] =	sst lr;
	_ =	strace $0xD0000000  }
0x3: {  	_ = 	snop  }
0x4: {  	_ = 	snop  }
0x5: {  	_ = 	snop  }
0x6: {  	_ = 	snop  }
0x7: {  	_ = 	snop  }
__scs_overlays_trampoline_lowered:
0x8: {  	[smem:$0x3F9C] =	sst s0  }
0x9: {  	[smem:$0x3F9D] =	sst s1  }
0xa: {  	[smem:$0x3F9E] =	sst s2  }
0xb: {  	[smem:$0x3F9F] =	sst s3  }
0xc: {  	[smem:$0x3FA0] =	sst s4  }
0xd: {  	[smem:$0x3FA1] =	sst s5  }
0xe: {  	[smem:$0x3FA2] =	sst s6  }
0xf: {  	[smem:$0x3FA3] =	sst s7  }
0x10: {  	[smem:$0x3FA4] =	sst s8  }
0x11: {  	[smem:$0x3FA5] =	sst s9;
	s0 =	simm.s32 @!p0 $0x0  }
0x12: {  	s1 =	sld [smem:$0x3F8B];
	s0 =	simm.s32 @p0 $0x1  }
0x13: {  	[smem:$0x3FA6] =	sst s0;
	s0 =	simm.s32 @!p1 $0x0  }
0x14: {  	s2 =	sld [smem:$0x3F8A];
	s0 =	simm.s32 @p1 $0x1  }
0x15: {  	[smem:$0x3FA7] =	sst s0;
	s0 =	simm.s32 @!p2 $0x0  }
0x16: {  	s3 =	sld [smem:$0x3FDB];
	s0 =	simm.s32 @p2 $0x1  }
0x17: {  	s4 =	simm.s32 $0x1BF5;
	[smem:$0x3FA9] =	sst s0  }
0x18: {  	s0 =	sld [smem:$0x3F8C];
	_ =	swait.ge [sflag:s4], $0x0  }
0x19: {  	s7 =	sld [smem:$0x3F8D]  }
0x1a: {  	s8 =	sadd.s32 $0xFFFFE003, lr  }
0x1b: {  	s9 =	sadd.s32 $0xFFFFFEF7, lr;
	s5 =	simm.s32 $0xFFFFFFFF;
	p2 =	slt.u32 s8, $0xFFFFF086  }
0x1c: {  	p1 =	slt.u32 s9, $0xF7A;
	s5 =	simm.s32 @!p2 $0x0  }
0x1d: {  	s5 =	simm.s32 @p1 $0x1;
	p0 =	seq.s32 s7, s2  }
0x1e: {  	s7 =	smul.u32 @!p0 $0xF7A, s2;
	p2 =	seq.s32 @!p0 s5, $0x0  }
0x1f: {  	s9 =	smul.u32 $0xF7A, s1;
	s8 =	simm.s32 @!p0 $0x1BF5;
	p2 =	por !p2, p0  }
0x20: {  	[sflag:s8] =	ssyncset.s32 @!p0 $0xFFFFF086;
	s6 =	sadd.s32 @!p0 s3, s7;
	s7 =	simm.s32 @!p0 $0x108  }
0x21: {  	s3 =	sadd.s32 s3, s9;
	s6 =	sadd.s32 @!p0 $0x88, s6;
	s7 =	simm.s32 @p2 $0x1082  }
0x22: {  	[simem:s7], [sflag:s8] =	dma.local @!p0 [hbm:s6], $0xF7A  }
0x23: {  	s9 =	sor.u32 $0xD0000000, s2;
	s6 =	simm.s32 $0x108;
	_ =	swait.ge @!p0 [sflag:s8], $0x0  }
0x24: {  	s3 =	sadd.s32 $0x88, s3;
	s6 =	simm.s32 @!p1 $0x1082;
	[sflag:s4] =	ssyncset.s32 $0xFFFFF086  }
0x25: {  	[simem:s6], [sflag:s4] =	dma.local [hbm:s3], $0xF7A  }
0x26: {  	[smem:$0x3F8D] =	sst s1;
	(tag) =	ssettag s2;
	_ =	strace s9  }
0x27: {  	s1 =	sld [smem:$0x3F9D]  }
0x28: {  	s2 =	sld [smem:$0x3F9E]  }
0x29: {  	s4 =	sld [smem:$0x3FA0]  }
0x2a: {  	p0 =	seq.s32 s5, $0x0;
	s5 =	sld [smem:$0x3FA1]  }
0x2b: {  	s6 =	sld [smem:$0x3FA2]  }
0x2c: {  	s7 =	sld [smem:$0x3FA3]  }
0x2d: {  	s3 =	simm.s32 $0x108;
	s8 =	sld [smem:$0x3FA4]  }
0x2e: {  	s3 =	simm.s32 @!p0 $0x1082;
	s9 =	sld [smem:$0x3FA5]  }
0x2f: {  	lr =	sadd.s32 s0, s3;
	s0 =	sld [smem:$0x3F9C]  }
0x30: {  	s3 =	sld [smem:$0x3F9F]  }
0x31: {  	[smem:$0x3FA8] =	sst s10  }
0x32: {  	s10 =	sld [smem:$0x3FA6];
	_ =	sdelay $0x3  }
0x33: {  	p0 =	seq.s32 s10, $0x1;
	s10 =	sld [smem:$0x3FA8];
	_ =	sdelay $0x3  }
0x34: {  	[smem:$0x3FA8] =	sst s10  }
0x35: {  	s10 =	sld [smem:$0x3FA7];
	_ =	sdelay $0x3  }
0x36: {  	p1 =	seq.s32 s10, $0x1;
	s10 =	sld [smem:$0x3FA8];
	_ =	sdelay $0x3  }
0x37: {  	[smem:$0x3FA8] =	sst s10  }
0x38: {  	s10 =	sld [smem:$0x3FA9]  }
0x39: {  	_ = 	snop;
	(pc) =	sbr.ind lr, $3  }
0x3a: {  	_ = 	snop  }
0x3b: {  	_ = 	snop  }
0x3c: {  	p2 =	seq.s32 s10, $0x1;
	s10 =	sld [smem:$0x3FA8]  }
0x3d: {  	_ =	shalt  }
0x3e: {  	_ =	shalt  }
0x3f: {  	_ =	shalt  }
0x40: {  	_ =	shalt  }
0x41: {  	_ =	shalt  }
0x42: {  	_ =	shalt  }
0x43: {  	_ =	shalt  }
0x44: {  	_ =	shalt  }
0x45: {  	_ =	shalt  }
0x46: {  	_ =	shalt  }
0x47: {  	_ =	shalt  }
0x48: {  	_ =	shalt  }
0x49: {  	_ =	shalt  }
0x4a: {  	_ =	shalt  }
0x4b: {  	_ =	shalt  }
0x4c: {  	_ =	shalt  }
0x4d: {  	_ =	shalt  }
0x4e: {  	_ =	shalt  }
0x4f: {  	_ =	shalt  }
0x50: {  	_ =	shalt  }
0x51: {  	_ =	shalt  }
0x52: {  	_ =	shalt  }
0x53: {  	_ =	shalt  }
0x54: {  	_ =	shalt  }
0x55: {  	_ =	shalt  }
0x56: {  	_ =	shalt  }
0x57: {  	_ =	shalt  }
0x58: {  	_ =	shalt  }
0x59: {  	_ =	shalt  }
0x5a: {  	_ =	shalt  }
0x5b: {  	_ =	shalt  }
0x5c: {  	_ =	shalt  }
0x5d: {  	_ =	shalt  }
0x5e: {  	_ =	shalt  }
0x5f: {  	_ =	shalt  }
0x60: {  	_ =	shalt  }
0x61: {  	_ =	shalt  }
0x62: {  	_ =	shalt  }
0x63: {  	_ =	shalt  }
0x64: {  	_ =	shalt  }
0x65: {  	_ =	shalt  }
0x66: {  	_ =	shalt  }
0x67: {  	_ =	shalt  }
0x68: {  	_ =	shalt  }
0x69: {  	_ =	shalt  }
0x6a: {  	_ =	shalt  }
0x6b: {  	_ =	shalt  }
0x6c: {  	_ =	shalt  }
0x6d: {  	_ =	shalt  }
0x6e: {  	_ =	shalt  }
0x6f: {  	_ =	shalt  }
0x70: {  	_ =	shalt  }
0x71: {  	_ =	shalt  }
0x72: {  	_ =	shalt  }
0x73: {  	_ =	shalt  }
0x74: {  	_ =	shalt  }
0x75: {  	_ =	shalt  }
0x76: {  	_ =	shalt  }
0x77: {  	_ =	shalt  }
0x78: {  	_ =	shalt  }
0x79: {  	_ =	shalt  }
0x7a: {  	_ =	shalt  }
0x7b: {  	_ =	shalt  }
0x7c: {  	_ =	shalt  }
0x7d: {  	_ =	shalt  }
0x7e: {  	_ =	shalt  }
0x7f: {  	_ =	shalt  }
0x80: {  	_ =	shalt  }
0x81: {  	_ =	shalt  }
0x82: {  	_ =	shalt  }
0x83: {  	_ =	shalt  }
0x84: {  	_ =	shalt  }
0x85: {  	_ =	shalt  }
0x86: {  	_ =	shalt  }
0x87: {  	_ =	shalt  }
.Lfunc_end0:
.L_simem_size_0:
called_computation.6_lowered:
.L_overlay_start_0:
0x88: {  	s2 =	sld [smem:$0x3FD9]  }
0x89: {  	s3 =	sld [smem:$0x3FFE];
	_ =	sdelay $0x1  }
0x8a: {  	s1 =	srdreg.scid  }
0x8b: {  	s0 =	sand.u32 $0x1, s1  }
0x8c: {  	s17 =	sshll.u32 s0, $0xA;
	s2 =	sadd.s32 s3, s2  }
0x8d: {  	s2 =	sadd.s32 s2, s17  }
0x8e: {  	[smem:$0x3FB4] =	sst s2  }
0x8f: {  	_ = 	snop  }
0x90: {  	(tm) =	ssettm $0x1  }
0x91: {  	s18 =	sld [smem:$0x3FFB];
	_ =	sdelay $0x3  }
0x92: {  	_ =	strace s18  }
0x93: {  	s2 =	sld [smem:$0x3FFC];
	_ =	sdelay $0x3  }
0x94: {  	_ =	strace s2  }
0x95: {  	s2 =	sld [smem:$0x3FFD];
	_ =	sdelay $0x3  }
0x96: {  	_ =	strace s2  }
0x97: {  	_ =	strace $0x8FFFFFFF  }
0x98: {  	s19 =	sld [smem:$0x3FDB];
	_ =	sdelay $0x1  }
0x99: {  	s20 =	simm.s32 $_scs_section_size  }
0x9a: {  	s4 =	simm.s32 $_size__tile_overlayer_lowered;
	s5 =	simm.s32 $_tile_overlayer_lowered  }
0x9b: {  	s6 =	simm.s32 $0x1BFF;
	s21 =	sshll.u32 s5, $0x1;
	s3 =	sadd.s32 s20, s19  }
0x9c: {  	s22 =	simm.s32 $0x0;
	s4 =	sshll.u32 s4, $0x1;
	s5 =	sadd.s32 s21, s3  }
0x9d: {  	[timem:s22], [sflag:s6] =	dma.local [hbm:s5], s4  }
0x9e: {  	_ =	swait.ge [sflag:s6], s4  }
0x9f: {  	s4 =	ssub.s32 $0x0, s4;
	[sflag:s6] =	ssyncset.done $0x0  }
0xa0: {  	[sflag:s6] =	ssyncadd.s32 s4;
	_ =	sdelay $0x1  }
0xa1: {  	s23 =	simm.s32 $0x1B8B  }
0xa2: {  	_ =	swait.ge [sflag:s23], $0x1  }
0xa3: {  	[sflag:s23] =	ssyncset.done $0x0  }
0xa4: {  	[sflag:s23] =	ssyncadd.s32 $0xFFFFFFFF  }
0xa5: {  	s4 =	sld [smem:$0x0]  }
0xa6: {  	s5 =	sand.u32 $0xFFFFFFFE, s1  }
0xa7: {  	p0 =	sne.s32 s1, s5  }
0xa8: {  	s5 =	sshll.u32 @p0 s5, $0xE  }
0xa9: {  	s5 =	sadd.s32 @p0 $0x11B8D, s5;
	s6 =	sshll.u32 @p0 s4, $0x11  }
0xaa: {  	s5 =	sor.u32 @p0 s6, s5  }
0xab: {  	[sflag:s5] =	ssyncadd.remote.s32 @p0 $0x1;
	_ =	sdelay $0x1  }
0xac: {  	s5 =	simm.s32 @p0 $0x1B8D  }
0xad: {  	_ =	swait.eq @p0 [sflag:s5], $0x1  }
0xae: {  	[sflag:s5] =	ssyncadd.s32 @p0 $0xFFFFFFFF  }
0xaf: {  	s6 =	sshll.u32 @!p0 s1, $0xE  }
0xb0: {  	s6 =	sor.u32 @!p0 $0x4000, s6;
	s5 =	simm.s32 @!p0 $0x1B8D  }
0xb1: {  	s4 =	sshll.u32 @!p0 s4, $0x11;
	s6 =	sadd.s32 @!p0 $0x11B8D, s6;
	_ =	swait.eq @!p0 [sflag:s5], $0x1  }
0xb2: {  	s4 =	sor.u32 @!p0 s4, s6;
	[sflag:s5] =	ssyncadd.s32 @!p0 $0xFFFFFFFF  }
0xb3: {  	s25 =	simm.s32 $0x1B8E;
	s24 =	sld [smem:$0x3FFE];
	[sflag:s4] =	ssyncadd.remote.s32 @!p0 $0x1  }
0xb4: {  	s26 =	simm.s32 $execute0_lowered;
	[smem:$0x3FD2] =	sst s25  }
0xb5: {  	s5 =	sshll.u32 s26, $0x1;
	_ =	strace $0x80000058;
	[dreg:$0x1] =	wrdreg $0xFFFFFFFF  }
0xb6: {  	s28 =	simm.s32 $_size_execute0_lowered;
	s3 =	sadd.s32 s3, s5;
	[dreg:$0x0] =	wrdreg $0x0  }
0xb7: {  	s5 =	sshll.u32 s28, $0x1;
	[dreg:$0x2] =	wrdreg s3  }
0xb8: {  	[dreg:$0x3] =	wrdreg s5  }
0xb9: {  	[dreg:$0x4] =	wrdreg $0xC0  }
0xba: {  	_ =	task [dreg:s22], $0x5FFFF  }
0xbb: {  	[dreg:$0x1] =	wrdreg $0xFFFFFFFF  }
0xbc: {  	[dreg:$0x0] =	wrdreg $0x60  }
0xbd: {  	[dreg:$0x2] =	wrdreg s24  }
0xbe: {  	[dreg:$0x3] =	wrdreg $0x68000  }
0xbf: {  	[dreg:$0x4] =	wrdreg $0xA  }
0xc0: {  	_ =	task.clear_ibuf [dreg:s22], $0x5FFFF;
	_ =	strace $0x90000058  }
0xc1: {  	s29 =	simm.s32 $0xA;
	_ =	strace $0x8000005A  }
0xc2: {  	_ =	swait.ge [sflag:s29], $0x1  }
0xc3: {  	[sflag:s29] =	ssyncadd.s32 $0xFFFFFFFF  }
0xc4: {  	_ =	strace $0x9000005A  }
0xc5: {  	_ =	sfence  }
0xc6: {  	s30 =	sld [smem:$0x0];
	_ =	sdelay $0x2  }
0xc7: {  	s31 =	sshll.u32 s1, $0xD;
	s1 =	sshrl.u32 s1, $0x2  }
0xc8: {  	s4 =	sand.u32 $0x4000, s31;
	s1 =	sadd.s32 s1, s30  }
0xc9: {  	s0 =	sor.u32 s4, s0;
	s1 =	sshll.u32 s1, $0x11  }
0xca: {  	s0 =	sor.u32 s1, s0  }
0xcb: {  	s0 =	sadd.s32 $0x8F2B, s0  }
0xcc: {  	[sflag:s0] =	ssyncadd.remote.s32 $0x1  }
0xcd: {  	_ =	sfence.sel $0xFFFF  }
0xce: {  	[dreg:$0x0] =	wrdreg $0xFFFFFFFF;
	(pc) =	sbr.abs _section_cstart, $3  }
0xcf: {  	[dreg:$0x1] =	wrdreg $0xFFFFFFFF  }
0xd0: {  	_ =	task.clear_ibuf [dreg:s22], $0x2FFFF;
	_ =	strace $0x9FFFFFFF  }
0xd1: {  	(tm) =	ssettm $0x7FFFFFFF  }
tec
execute0_lowered:
.L_overlay_start_1:
0x0: {  	(tag) =	ssettag $0x1  }
0x1: {  	s4 =	rddreg [dreg:$0x0]  }
0x2: {  	s1 =	rddreg [dreg:$0x1]  }
0x3: {  	s0 =	rddreg [dreg:$0x2]  }
0x4: {  	s3 =	simm.s32 $0x0;
	s2 =	srdreg.scid;
	s17 =	simm.s32 $0x1  }
0x5: {  	s18 =	simm.s32 $0x28;
	s19 =	simm.s32 $0x3E00;
	s20 =	simm.s32 $0x0  }
0x6: {  	[smem:$0x7FF] =	sst s3;
	s5 =	sand.u32 $0x1, s2;
	s10 =	sadd.s32 $0x11D5400, s4  }
0x7: {  	s2 =	stileid.u32;
	s11 =	sadd.s32 $0x50200, s4;
	s9 =	smul.u32 $0x138800, s5  }
0x8: {  	s12 =	sadd.s32 $0x9E400, s4;
	s15 =	sadd.s32 $0x12C000, s1;
	s7 =	smul.u32 $0x14000, s2  }
0x9: {  	_ =	strace $0x80000059;
	s6 =	sshll.u32 s2, $0xB;
	s8 =	smul.u32 $0x50000, s2  }
0xa: {  	s28 =	ssub.s32 $0x2, s5;
	s30 =	sshll.u32 s5, $0x4;
	s5 =	sshll.u32 s5, $0xF  }
0xb: {  	s31 =	smul.u32 $0x13880, s2;
	p0 =	seq.s32 s2, $0xF;
	s6 =	sadd.s32 s6, s4  }
0xc: {  	s13 =	sshrl.u32 s28, $0x1;
	s7 =	sadd.s32 s7, s9;
	s8 =	sshrl.u32 s8, $0x2  }
0xd: {  	s13 =	ssub.s32 s28, s13;
	s16 =	sshrl.u32 s9, $0x3;
	s6 =	sadd.s32 s5, s6  }
0xe: {  	s14 =	sadd.s32 s8, s1;
	s29 =	sshrl.u32 s7, $0x3;
	s7 =	sor.u32 s2, s30  }
0xf: {  	s16 =	sadd.s32 $0x25800, s16;
	s6 =	sadd.s32 $0xA24200, s6;
	s7 =	smul.u32 $0x13880, s7  }
0x10: {  	s4 =	sadd.s32 s11, s29;
	s5 =	sadd.s32 s11, s16;
	s8 =	sadd.s32 s12, s29  }
0x11: {  	s14 =	sshrl.u32 @!p0 s14, $0x3;
	s7 =	sadd.s32 s10, s7;
	s10 =	sadd.s32 s9, s10  }
0x12: {  	s9 =	sadd.s32 s12, s16;
	s12 =	sshrl.u32 @p0 s15, $0x3;
	s15 =	simm.s32 $0x2  }
0x13: {  	s11 =	sadd.s32 s31, s10;
	s10 =	smax.u32 s13, $0x1;
	s13 =	sshll.u32 @!p0 s2, $0x6  }
0x14: {  	s16 =	simm.s32 $0x4000;
	s11 =	sadd.s32 $0x280, s11;
	s13 =	sor.u32 @!p0 $0x1C02, s13  }
.LBB2_1:
0x15: {  	s21 =	simm.s32 @p0 $0x1FC2  }
0x16: {  	[spmem:s12], [sflag:s21] =	dma.local @p0 [hbm:s5], $0x1900  }
0x17: {  	s21 =	simm.s32 @p0 $0x2  }
0x18: {  	_ =	swait.ge @p0 [sflag:s21], $0x1900  }
0x19: {  	[sflag:s21] =	ssyncset.done @p0 $0x0  }
0x1a: {  	[sflag:s21] =	ssyncadd.s32 @p0 $0xFFFFE700;
	s21 =	simm.s32 @!p0 $0x2  }
0x1b: {  	[spmem:s14], [sflag:s13] =	dma.local @!p0 [hbm:s4], $0x2800  }
0x1c: {  	_ =	swait.ge @!p0 [sflag:s21], $0x2800  }
0x1d: {  	[sflag:s21] =	ssyncset.done @!p0 $0x0  }
0x1e: {  	[sflag:s21] =	ssyncadd.s32 @!p0 $0xFFFFD800  }
0x1f: {  	[tilespmem:s3], [sflag:$0x2] =	stream.linear.gather [hbm4b:s6+s3], $0x3E80, $0x38;
	[tilespmem:$0x1A080] =	vst v63  }
0x20: {  	_ =	swait.ge [sflag:s15], $0x3E80  }
0x21: {  	[sflag:s15] =	ssyncset.done $0x0  }
0x22: {  	[sflag:s15] =	ssyncadd.s32 $0xFFFFC180  }
0x23: {  	[bflag:$0x0] =	sbarrier.arrive $0xFFFF  }
0x24: {  	[tilespmem:s16], [sflag:$0x1] =	stream.linear.gather [hbm4b:s7+s3], $0x1400, $0x38;
	[tilespmem:$0x1A080] =	vst v63  }
0x25: {  	s31 =	sand.u32 $0x1, s17;
	_ =	swait.ge [sflag:s17], $0x1400  }
0x26: {  	p1 =	seq.s32 s31, $0x1;
	s21 =	simm.s32 $0x5400;
	[sflag:s17] =	ssyncset.done $0x0  }
0x27: {  	s21 =	simm.s32 @!p1 $0x4000;
	[sflag:s17] =	ssyncadd.s32 $0xFFFFEC00  }
0x28: {  	[tilespmem:s21], [sflag:$0x1] =	stream.linear.gather [hbm4b:s11+s3], $0x1400, $0x38;
	[tilespmem:$0x1A080] =	vst v63  }
0x29: {  	s21 =	simm.s32 $0x4000  }
0x2a: {  	s21 =	simm.s32 @!p1 $0x5400  }
0x2b: {  	[spmem:s1] =	stream.indirect.scatter.add.f32 [tilespmem:s21], [sflag:$0x2], $0x80, s3, s18, $0xb8;
	[tilespmem:$0x1A080] =	vst v63  }
0x2c: {  	s22 =	simm.s32 $0x0;
	_ =	swait.ge [sflag:s15], $0x1400  }
0x2d: {  	s23 =	smov.u32 s11;
	s21 =	simm.s32 $0x2;
	[sflag:s15] =	ssyncset.done $0x0  }
.LBB2_2:
0x2e: {  	[sflag:s15] =	ssyncadd.s32 $0xFFFFEC00;
	s22 =	sadd.s32 $0x80, s22;
	s23 =	sadd.s32 $0x280, s23  }
0x2f: {  	p1 =	sne.s32 s21, $0x7C;
	s24 =	smov.u32 s21;
	s21 =	sadd.s32 $0x1, s21  }
0x30: {  	s24 =	sand.u32 $0x1, s24;
	_ =	swait.ge [sflag:s17], $0x1400  }
0x31: {  	p2 =	seq.s32 s24, $0x1;
	s24 =	simm.s32 $0x5400;
	[sflag:s17] =	ssyncset.done $0x0  }
0x32: {  	s24 =	simm.s32 @!p2 $0x4000;
	[sflag:s17] =	ssyncadd.s32 $0xFFFFEC00  }
0x33: {  	[tilespmem:s24], [sflag:$0x1] =	stream.linear.gather [hbm4b:s23+s3], $0x1400, $0x38;
	[tilespmem:$0x1A080] =	vst v63  }
.Ltmp0:
0x34: {  	s24 =	simm.s32 $0x4000;
	(pc) =	sbr.rel @p1 .LBB2_2-.Ltmp0, $4  }
0x35: {  	s24 =	simm.s32 @!p2 $0x5400  }
0x36: {  	[spmem:s1] =	stream.indirect.scatter.add.f32 [tilespmem:s24], [sflag:$0x2], $0x80, s22, s18, $0xb8;
	[tilespmem:$0x1A080] =	vst v63  }
0x37: {  	_ =	swait.ge [sflag:s15], $0x1400  }
0x38: {  	[sflag:s15] =	ssyncset.done $0x0  }
0x39: {  	[sflag:s15] =	ssyncadd.s32 $0xFFFFEC00  }
0x3a: {  	_ =	swait.ge [sflag:s17], $0x1400  }
0x3b: {  	[sflag:s17] =	ssyncset.done $0x0  }
0x3c: {  	[sflag:s17] =	ssyncadd.s32 $0xFFFFEC00  }
0x3d: {  	[spmem:s1] =	stream.indirect.scatter.add.f32 [tilespmem:s16], [sflag:$0x2], $0x80, s19, s18, $0xb8;
	[tilespmem:$0x1A080] =	vst v63  }
0x3e: {  	_ =	swait.ge [sflag:s15], $0x1400  }
0x3f: {  	[sflag:s15] =	ssyncset.done $0x0  }
0x40: {  	[sflag:s15] =	ssyncadd.s32 $0xFFFFEC00  }
0x41: {  	s21 =	simm.s32 @p0 $0x1FC2;
	[bflag:$0x0] =	sbarrier.arrive $0xFFFF  }
0x42: {  	[hbm:s9], [sflag:s21] =	dma.local @p0 [spmem:s12], $0x1900  }
0x43: {  	s21 =	simm.s32 @p0 $0x2  }
0x44: {  	s20 =	sadd.s32 $0x1, s20;
	_ =	swait.ge @p0 [sflag:s21], $0x1900  }
0x45: {  	p1 =	sne.s32 s20, s10;
	[sflag:s21] =	ssyncset.done @p0 $0x0  }
.Ltmp1:
0x46: {  	[sflag:s21] =	ssyncadd.s32 @p0 $0xFFFFE700;
	s21 =	simm.s32 @!p0 $0x2;
	(pc) =	sbr.rel @p1 .LBB2_1-.Ltmp1, $4  }
0x47: {  	[hbm:s8], [sflag:s13] =	dma.local @!p0 [spmem:s14], $0x2800  }
0x48: {  	_ =	swait.ge @!p0 [sflag:s21], $0x2800  }
0x49: {  	[sflag:s21] =	ssyncset.done @!p0 $0x0  }
0x4a: {  	[sflag:s21] =	ssyncadd.s32 @!p0 $0xFFFFD800  }
0x4b: {  	_ =	sfence.sel $0x180000  }
0x4c: {  	[bflag:$0x0] =	sbarrier.arrive $0xFFFF  }
0x4d: {  	p0 =	sne.s32 s2, $0x0;
	_ =	strace $0x90000059  }
0x4e: {  	s0 =	sadd.s32 @!p0 $0x100000, s0;
	[bflag:$0x2] =	sbarrier.arrive $0xFFFF  }
0x4f: {  	[sflag:s0] =	ssyncadd.tile.s32 @!p0 $0x1;
	_ =	shalt  }
.Lfunc_end2:
_tile_overlayer_lowered:
.L_overlay_start_2:
0x50: {  	(tag) =	ssettag $0x2  }
0x51: {  	s0 =	rddreg [dreg:$0x0];
	s2 =	stileid.u32  }
0x52: {  	s1 =	rddreg [dreg:$0x1];
	p0 =	sne.s32 s2, $0x0  }
0x53: {  	s3 =	rddreg [dreg:$0x2];
	[bflag:$0x3] =	sbarrier.arrive $0xFFFF;
	s2 =	simm.s32 @!p0 $0x1C02  }
0x54: {  	[timem:s3], [sflag:s2] =	dma.local @!p0 [hbm:s0], s1  }
0x55: {  	s0 =	simm.s32 @!p0 $0x2  }
0x56: {  	_ =	swait.ge @!p0 [sflag:s0], s1  }
0x57: {  	s1 =	ssub.s32 @!p0 $0x0, s1;
	[sflag:s0] =	ssyncset.done @!p0 $0x0  }
0x58: {  	[sflag:s0] =	ssyncadd.s32 @!p0 s1  }
0x59: {  	[bflag:$0x3] =	sbarrier.arrive $0xFFFF  }
0x5a: {  	_ =	shalt  }

// kernel: kernel.39.cloned.1.call-start
scs
__scs_entry_jumppad:
0x0: {  	(pc) =	sbr.rel $0x88, $3  }
0x1: {  	(tag) =	ssettag $0x0;
	lr =	simm.s32 $0x1  }
0x2: {  	[smem:$0x3F8D] =	sst lr;
	_ =	strace $0xD0000000  }
0x3: {  	_ = 	snop  }
0x4: {  	_ = 	snop  }
0x5: {  	_ = 	snop  }
0x6: {  	_ = 	snop  }
0x7: {  	_ = 	snop  }
__scs_overlays_trampoline_lowered:
0x8: {  	[smem:$0x3F9C] =	sst s0  }
0x9: {  	[smem:$0x3F9D] =	sst s1  }
0xa: {  	[smem:$0x3F9E] =	sst s2  }
0xb: {  	[smem:$0x3F9F] =	sst s3  }
0xc: {  	[smem:$0x3FA0] =	sst s4  }
0xd: {  	[smem:$0x3FA1] =	sst s5  }
0xe: {  	[smem:$0x3FA2] =	sst s6  }
0xf: {  	[smem:$0x3FA3] =	sst s7  }
0x10: {  	[smem:$0x3FA4] =	sst s8  }
0x11: {  	[smem:$0x3FA5] =	sst s9;
	s0 =	simm.s32 @!p0 $0x0  }
0x12: {  	s1 =	sld [smem:$0x3F8B];
	s0 =	simm.s32 @p0 $0x1  }
0x13: {  	[smem:$0x3FA6] =	sst s0;
	s0 =	simm.s32 @!p1 $0x0  }
0x14: {  	s2 =	sld [smem:$0x3F8A];
	s0 =	simm.s32 @p1 $0x1  }
0x15: {  	[smem:$0x3FA7] =	sst s0;
	s0 =	simm.s32 @!p2 $0x0  }
0x16: {  	s3 =	sld [smem:$0x3FDB];
	s0 =	simm.s32 @p2 $0x1  }
0x17: {  	s4 =	simm.s32 $0x1BF5;
	[smem:$0x3FA9] =	sst s0  }
0x18: {  	s0 =	sld [smem:$0x3F8C];
	_ =	swait.ge [sflag:s4], $0x0  }
0x19: {  	s7 =	sld [smem:$0x3F8D]  }
0x1a: {  	s8 =	sadd.s32 $0xFFFFE003, lr  }
0x1b: {  	s9 =	sadd.s32 $0xFFFFFEF7, lr;
	s5 =	simm.s32 $0xFFFFFFFF;
	p2 =	slt.u32 s8, $0xFFFFF086  }
0x1c: {  	p1 =	slt.u32 s9, $0xF7A;
	s5 =	simm.s32 @!p2 $0x0  }
0x1d: {  	s5 =	simm.s32 @p1 $0x1;
	p0 =	seq.s32 s7, s2  }
0x1e: {  	s7 =	smul.u32 @!p0 $0xF7A, s2;
	p2 =	seq.s32 @!p0 s5, $0x0  }
0x1f: {  	s9 =	smul.u32 $0xF7A, s1;
	s8 =	simm.s32 @!p0 $0x1BF5;
	p2 =	por !p2, p0  }
0x20: {  	[sflag:s8] =	ssyncset.s32 @!p0 $0xFFFFF086;
	s6 =	sadd.s32 @!p0 s3, s7;
	s7 =	simm.s32 @!p0 $0x108  }
0x21: {  	s3 =	sadd.s32 s3, s9;
	s6 =	sadd.s32 @!p0 $0x88, s6;
	s7 =	simm.s32 @p2 $0x1082  }
0x22: {  	[simem:s7], [sflag:s8] =	dma.local @!p0 [hbm:s6], $0xF7A  }
0x23: {  	s9 =	sor.u32 $0xD0000000, s2;
	s6 =	simm.s32 $0x108;
	_ =	swait.ge @!p0 [sflag:s8], $0x0  }
0x24: {  	s3 =	sadd.s32 $0x88, s3;
	s6 =	simm.s32 @!p1 $0x1082;
	[sflag:s4] =	ssyncset.s32 $0xFFFFF086  }
0x25: {  	[simem:s6], [sflag:s4] =	dma.local [hbm:s3], $0xF7A  }
0x26: {  	[smem:$0x3F8D] =	sst s1;
	(tag) =	ssettag s2;
	_ =	strace s9  }
0x27: {  	s1 =	sld [smem:$0x3F9D]  }
0x28: {  	s2 =	sld [smem:$0x3F9E]  }
0x29: {  	s4 =	sld [smem:$0x3FA0]  }
0x2a: {  	p0 =	seq.s32 s5, $0x0;
	s5 =	sld [smem:$0x3FA1]  }
0x2b: {  	s6 =	sld [smem:$0x3FA2]  }
0x2c: {  	s7 =	sld [smem:$0x3FA3]  }
0x2d: {  	s3 =	simm.s32 $0x108;
	s8 =	sld [smem:$0x3FA4]  }
0x2e: {  	s3 =	simm.s32 @!p0 $0x1082;
	s9 =	sld [smem:$0x3FA5]  }
0x2f: {  	lr =	sadd.s32 s0, s3;
	s0 =	sld [smem:$0x3F9C]  }
0x30: {  	s3 =	sld [smem:$0x3F9F]  }
0x31: {  	[smem:$0x3FA8] =	sst s10  }
0x32: {  	s10 =	sld [smem:$0x3FA6];
	_ =	sdelay $0x3  }
0x33: {  	p0 =	seq.s32 s10, $0x1;
	s10 =	sld [smem:$0x3FA8];
	_ =	sdelay $0x3  }
0x34: {  	[smem:$0x3FA8] =	sst s10  }
0x35: {  	s10 =	sld [smem:$0x3FA7];
	_ =	sdelay $0x3  }
0x36: {  	p1 =	seq.s32 s10, $0x1;
	s10 =	sld [smem:$0x3FA8];
	_ =	sdelay $0x3  }
0x37: {  	[smem:$0x3FA8] =	sst s10  }
0x38: {  	s10 =	sld [smem:$0x3FA9]  }
0x39: {  	_ = 	snop;
	(pc) =	sbr.ind lr, $3  }
0x3a: {  	_ = 	snop  }
0x3b: {  	_ = 	snop  }
0x3c: {  	p2 =	seq.s32 s10, $0x1;
	s10 =	sld [smem:$0x3FA8]  }
0x3d: {  	_ =	shalt  }
0x3e: {  	_ =	shalt  }
0x3f: {  	_ =	shalt  }
0x40: {  	_ =	shalt  }
0x41: {  	_ =	shalt  }
0x42: {  	_ =	shalt  }
0x43: {  	_ =	shalt  }
0x44: {  	_ =	shalt  }
0x45: {  	_ =	shalt  }
0x46: {  	_ =	shalt  }
0x47: {  	_ =	shalt  }
0x48: {  	_ =	shalt  }
0x49: {  	_ =	shalt  }
0x4a: {  	_ =	shalt  }
0x4b: {  	_ =	shalt  }
0x4c: {  	_ =	shalt  }
0x4d: {  	_ =	shalt  }
0x4e: {  	_ =	shalt  }
0x4f: {  	_ =	shalt  }
0x50: {  	_ =	shalt  }
0x51: {  	_ =	shalt  }
0x52: {  	_ =	shalt  }
0x53: {  	_ =	shalt  }
0x54: {  	_ =	shalt  }
0x55: {  	_ =	shalt  }
0x56: {  	_ =	shalt  }
0x57: {  	_ =	shalt  }
0x58: {  	_ =	shalt  }
0x59: {  	_ =	shalt  }
0x5a: {  	_ =	shalt  }
0x5b: {  	_ =	shalt  }
0x5c: {  	_ =	shalt  }
0x5d: {  	_ =	shalt  }
0x5e: {  	_ =	shalt  }
0x5f: {  	_ =	shalt  }
0x60: {  	_ =	shalt  }
0x61: {  	_ =	shalt  }
0x62: {  	_ =	shalt  }
0x63: {  	_ =	shalt  }
0x64: {  	_ =	shalt  }
0x65: {  	_ =	shalt  }
0x66: {  	_ =	shalt  }
0x67: {  	_ =	shalt  }
0x68: {  	_ =	shalt  }
0x69: {  	_ =	shalt  }
0x6a: {  	_ =	shalt  }
0x6b: {  	_ =	shalt  }
0x6c: {  	_ =	shalt  }
0x6d: {  	_ =	shalt  }
0x6e: {  	_ =	shalt  }
0x6f: {  	_ =	shalt  }
0x70: {  	_ =	shalt  }
0x71: {  	_ =	shalt  }
0x72: {  	_ =	shalt  }
0x73: {  	_ =	shalt  }
0x74: {  	_ =	shalt  }
0x75: {  	_ =	shalt  }
0x76: {  	_ =	shalt  }
0x77: {  	_ =	shalt  }
0x78: {  	_ =	shalt  }
0x79: {  	_ =	shalt  }
0x7a: {  	_ =	shalt  }
0x7b: {  	_ =	shalt  }
0x7c: {  	_ =	shalt  }
0x7d: {  	_ =	shalt  }
0x7e: {  	_ =	shalt  }
0x7f: {  	_ =	shalt  }
0x80: {  	_ =	shalt  }
0x81: {  	_ =	shalt  }
0x82: {  	_ =	shalt  }
0x83: {  	_ =	shalt  }
0x84: {  	_ =	shalt  }
0x85: {  	_ =	shalt  }
0x86: {  	_ =	shalt  }
0x87: {  	_ =	shalt  }
.Lfunc_end0:
.L_simem_size_0:
called_computation.7_lowered:
.L_overlay_start_0:
0x88: {  	s2 =	sld [smem:$0x3FD9]  }
0x89: {  	s3 =	sld [smem:$0x3FFE];
	_ =	sdelay $0x1  }
0x8a: {  	s1 =	srdreg.scid  }
0x8b: {  	s0 =	sand.u32 $0x1, s1  }
0x8c: {  	s16 =	sshll.u32 s0, $0xA;
	s2 =	sadd.s32 s3, s2  }
0x8d: {  	s2 =	sadd.s32 s2, s16  }
0x8e: {  	[smem:$0x3FB4] =	sst s2  }
0x8f: {  	_ = 	snop  }
0x90: {  	(tm) =	ssettm $0x1  }
0x91: {  	s17 =	sld [smem:$0x3FFB];
	_ =	sdelay $0x3  }
0x92: {  	_ =	strace s17  }
0x93: {  	s2 =	sld [smem:$0x3FFC];
	_ =	sdelay $0x3  }
0x94: {  	_ =	strace s2  }
0x95: {  	s2 =	sld [smem:$0x3FFD];
	_ =	sdelay $0x3  }
0x96: {  	_ =	strace s2  }
0x97: {  	_ =	strace $0x8FFFFFFF  }
0x98: {  	s18 =	sld [smem:$0x3FDB];
	_ =	sdelay $0x1  }
0x99: {  	s19 =	simm.s32 $_scs_section_size  }
0x9a: {  	s4 =	simm.s32 $_size__tile_overlayer_lowered;
	s5 =	simm.s32 $_tile_overlayer_lowered  }
0x9b: {  	s22 =	simm.s32 $0x1BFF;
	s21 =	sshll.u32 s5, $0x1;
	s2 =	sadd.s32 s19, s18  }
0x9c: {  	s6 =	simm.s32 $0x0;
	s20 =	sshll.u32 s4, $0x1;
	s4 =	sadd.s32 s21, s2  }
0x9d: {  	[timem:s6], [sflag:s22] =	dma.local [hbm:s4], s20  }
0x9e: {  	_ =	swait.ge [sflag:s22], s20  }
0x9f: {  	s3 =	ssub.s32 $0x0, s20;
	[sflag:s22] =	ssyncset.done $0x0  }
0xa0: {  	[sflag:s22] =	ssyncadd.s32 s3;
	_ =	sdelay $0x1  }
0xa1: {  	s23 =	simm.s32 $0x1B8B  }
0xa2: {  	_ =	swait.ge [sflag:s23], $0x1  }
0xa3: {  	[sflag:s23] =	ssyncset.done $0x0  }
0xa4: {  	s25 =	simm.s32 $0x1B8E;
	s24 =	sld [smem:$0x3FFE];
	[sflag:s23] =	ssyncadd.s32 $0xFFFFFFFF  }
0xa5: {  	s26 =	simm.s32 $execute0_lowered;
	[smem:$0x3FD2] =	sst s25  }
0xa6: {  	s4 =	sshll.u32 s26, $0x1;
	_ =	strace $0x8000005B;
	[dreg:$0x1] =	wrdreg $0xFFFFFFFF  }
0xa7: {  	s28 =	simm.s32 $_size_execute0_lowered;
	s2 =	sadd.s32 s2, s4;
	[dreg:$0x0] =	wrdreg $0x0  }
0xa8: {  	s4 =	sshll.u32 s28, $0x1;
	[dreg:$0x2] =	wrdreg s2  }
0xa9: {  	[dreg:$0x3] =	wrdreg s4  }
0xaa: {  	[dreg:$0x4] =	wrdreg $0xC0  }
0xab: {  	_ =	task [dreg:s6], $0x5FFFF  }
0xac: {  	[dreg:$0x1] =	wrdreg $0xFFFFFFFF  }
0xad: {  	[dreg:$0x0] =	wrdreg $0x60  }
0xae: {  	[dreg:$0x2] =	wrdreg s24  }
0xaf: {  	[dreg:$0x3] =	wrdreg $0x68000  }
0xb0: {  	[dreg:$0x4] =	wrdreg $0x9  }
0xb1: {  	_ =	task.clear_ibuf [dreg:s6], $0x5FFFF;
	_ =	strace $0x9000005B  }
0xb2: {  	s29 =	simm.s32 $0x9;
	_ =	strace $0x8000005D  }
0xb3: {  	_ =	swait.ge [sflag:s29], $0x1  }
0xb4: {  	[sflag:s29] =	ssyncadd.s32 $0xFFFFFFFF  }
0xb5: {  	_ =	strace $0x9000005D  }
0xb6: {  	_ =	sfence  }
0xb7: {  	s30 =	sld [smem:$0x0];
	_ =	sdelay $0x2  }
0xb8: {  	s31 =	sshll.u32 s1, $0xD;
	s1 =	sshrl.u32 s1, $0x2  }
0xb9: {  	s3 =	sand.u32 $0x4000, s31;
	s1 =	sadd.s32 s1, s30  }
0xba: {  	s0 =	sor.u32 s3, s0;
	s1 =	sshll.u32 s1, $0x11  }
0xbb: {  	s0 =	sor.u32 s1, s0  }
0xbc: {  	s0 =	sadd.s32 $0x8F2B, s0  }
0xbd: {  	[sflag:s0] =	ssyncadd.remote.s32 $0x1  }
0xbe: {  	_ =	sfence.sel $0xFFFF  }
0xbf: {  	[dreg:$0x0] =	wrdreg $0xFFFFFFFF;
	(pc) =	sbr.abs _section_cstart, $3  }
0xc0: {  	[dreg:$0x1] =	wrdreg $0xFFFFFFFF  }
0xc1: {  	_ =	task.clear_ibuf [dreg:s6], $0x2FFFF;
	_ =	strace $0x9FFFFFFF  }
0xc2: {  	(tm) =	ssettm $0x7FFFFFFF  }
0xc3: {  	_ =	shalt  }
tec
execute0_lowered:
.L_overlay_start_1:
0x0: {  	(tag) =	ssettag $0x1  }
0x1: {  	s4 =	rddreg [dreg:$0x0]  }
0x2: {  	s1 =	rddreg [dreg:$0x1]  }
0x3: {  	s0 =	rddreg [dreg:$0x2]  }
0x4: {  	s3 =	simm.s32 $0x0;
	s2 =	srdreg.scid;
	s17 =	simm.s32 $0x1  }
0x5: {  	s18 =	simm.s32 $0x28;
	s19 =	simm.s32 $0x3E00;
	s20 =	simm.s32 $0x0  }
0x6: {  	[smem:$0x7FF] =	sst s3;
	s5 =	sand.u32 $0x1, s2;
	s10 =	sadd.s32 $0xA34200, s4  }
0x7: {  	s2 =	stileid.u32;
	s11 =	sadd.s32 $0x9E400, s4;
	s9 =	smul.u32 $0x138800, s5  }
0x8: {  	s12 =	sadd.s32 $0x50200, s4;
	s15 =	sadd.s32 $0x12C000, s1;
	s7 =	smul.u32 $0x14000, s2  }
0x9: {  	_ =	strace $0x8000005C;
	s6 =	sshll.u32 s2, $0xB;
	s8 =	smul.u32 $0x50000, s2  }
0xa: {  	s28 =	ssub.s32 $0x2, s5;
	s30 =	sshll.u32 s5, $0x4;
	s5 =	sshll.u32 s5, $0xF  }
0xb: {  	s31 =	smul.u32 $0x13880, s2;
	p0 =	seq.s32 s2, $0xF;
	s6 =	sadd.s32 s6, s4  }
0xc: {  	s13 =	sshrl.u32 s28, $0x1;
	s7 =	sadd.s32 s7, s9;
	s8 =	sshrl.u32 s8, $0x2  }
0xd: {  	s13 =	ssub.s32 s28, s13;
	s16 =	sshrl.u32 s9, $0x3;
	s6 =	sadd.s32 s5, s6  }
0xe: {  	s14 =	sadd.s32 s8, s1;
	s29 =	sshrl.u32 s7, $0x3;
	s7 =	sor.u32 s2, s30  }
0xf: {  	s16 =	sadd.s32 $0x25800, s16;
	s6 =	sadd.s32 $0xEC600, s6;
	s7 =	smul.u32 $0x13880, s7  }
0x10: {  	s4 =	sadd.s32 s11, s29;
	s5 =	sadd.s32 s11, s16;
	s8 =	sadd.s32 s12, s29  }
0x11: {  	s14 =	sshrl.u32 @!p0 s14, $0x3;
	s7 =	sadd.s32 s10, s7;
	s10 =	sadd.s32 s9, s10  }
0x12: {  	s9 =	sadd.s32 s12, s16;
	s12 =	sshrl.u32 @p0 s15, $0x3;
	s15 =	simm.s32 $0x2  }
0x13: {  	s11 =	sadd.s32 s31, s10;
	s10 =	smax.u32 s13, $0x1;
	s13 =	sshll.u32 @!p0 s2, $0x6  }
0x14: {  	s16 =	simm.s32 $0x4000;
	s11 =	sadd.s32 $0x280, s11;
	s13 =	sor.u32 @!p0 $0x1C02, s13  }
.LBB2_1:
0x15: {  	s21 =	simm.s32 @p0 $0x1FC2  }
0x16: {  	[spmem:s12], [sflag:s21] =	dma.local @p0 [hbm:s5], $0x1900  }
0x17: {  	s21 =	simm.s32 @p0 $0x2  }
0x18: {  	_ =	swait.ge @p0 [sflag:s21], $0x1900  }
0x19: {  	[sflag:s21] =	ssyncset.done @p0 $0x0  }
0x1a: {  	[sflag:s21] =	ssyncadd.s32 @p0 $0xFFFFE700;
	s21 =	simm.s32 @!p0 $0x2  }
0x1b: {  	[spmem:s14], [sflag:s13] =	dma.local @!p0 [hbm:s4], $0x2800  }
0x1c: {  	_ =	swait.ge @!p0 [sflag:s21], $0x2800  }
0x1d: {  	[sflag:s21] =	ssyncset.done @!p0 $0x0  }
0x1e: {  	[sflag:s21] =	ssyncadd.s32 @!p0 $0xFFFFD800  }
0x1f: {  	[tilespmem:s3], [sflag:$0x2] =	stream.linear.gather [hbm4b:s6+s3], $0x3E80, $0x38;
	[tilespmem:$0x1A080] =	vst v63  }
0x20: {  	_ =	swait.ge [sflag:s15], $0x3E80  }
0x21: {  	[sflag:s15] =	ssyncset.done $0x0  }
0x22: {  	[sflag:s15] =	ssyncadd.s32 $0xFFFFC180  }
0x23: {  	[bflag:$0x0] =	sbarrier.arrive $0xFFFF  }
0x24: {  	[tilespmem:s16], [sflag:$0x1] =	stream.linear.gather [hbm4b:s7+s3], $0x1400, $0x38;
	[tilespmem:$0x1A080] =	vst v63  }
0x25: {  	s31 =	sand.u32 $0x1, s17;
	_ =	swait.ge [sflag:s17], $0x1400  }
0x26: {  	p1 =	seq.s32 s31, $0x1;
	s21 =	simm.s32 $0x5400;
	[sflag:s17] =	ssyncset.done $0x0  }
0x27: {  	s21 =	simm.s32 @!p1 $0x4000;
	[sflag:s17] =	ssyncadd.s32 $0xFFFFEC00  }
0x28: {  	[tilespmem:s21], [sflag:$0x1] =	stream.linear.gather [hbm4b:s11+s3], $0x1400, $0x38;
	[tilespmem:$0x1A080] =	vst v63  }
0x29: {  	s21 =	simm.s32 $0x4000  }
0x2a: {  	s21 =	simm.s32 @!p1 $0x5400  }
0x2b: {  	[spmem:s1] =	stream.indirect.scatter.add.f32 [tilespmem:s21], [sflag:$0x2], $0x80, s3, s18, $0xb8;
	[tilespmem:$0x1A080] =	vst v63  }
0x2c: {  	s22 =	simm.s32 $0x0;
	_ =	swait.ge [sflag:s15], $0x1400  }
0x2d: {  	s23 =	smov.u32 s11;
	s21 =	simm.s32 $0x2;
	[sflag:s15] =	ssyncset.done $0x0  }
.LBB2_2:
0x2e: {  	[sflag:s15] =	ssyncadd.s32 $0xFFFFEC00;
	s22 =	sadd.s32 $0x80, s22;
	s23 =	sadd.s32 $0x280, s23  }
0x2f: {  	p1 =	sne.s32 s21, $0x7C;
	s24 =	smov.u32 s21;
	s21 =	sadd.s32 $0x1, s21  }
0x30: {  	s24 =	sand.u32 $0x1, s24;
	_ =	swait.ge [sflag:s17], $0x1400  }
0x31: {  	p2 =	seq.s32 s24, $0x1;
	s24 =	simm.s32 $0x5400;
	[sflag:s17] =	ssyncset.done $0x0  }
0x32: {  	s24 =	simm.s32 @!p2 $0x4000;
	[sflag:s17] =	ssyncadd.s32 $0xFFFFEC00  }
0x33: {  	[tilespmem:s24], [sflag:$0x1] =	stream.linear.gather [hbm4b:s23+s3], $0x1400, $0x38;
	[tilespmem:$0x1A080] =	vst v63  }
.Ltmp0:
0x34: {  	s24 =	simm.s32 $0x4000;
	(pc) =	sbr.rel @p1 .LBB2_2-.Ltmp0, $4  }
0x35: {  	s24 =	simm.s32 @!p2 $0x5400  }
0x36: {  	[spmem:s1] =	stream.indirect.scatter.add.f32 [tilespmem:s24], [sflag:$0x2], $0x80, s22, s18, $0xb8;
	[tilespmem:$0x1A080] =	vst v63  }
0x37: {  	_ =	swait.ge [sflag:s15], $0x1400  }
0x38: {  	[sflag:s15] =	ssyncset.done $0x0  }
0x39: {  	[sflag:s15] =	ssyncadd.s32 $0xFFFFEC00  }
0x3a: {  	_ =	swait.ge [sflag:s17], $0x1400  }
0x3b: {  	[sflag:s17] =	ssyncset.done $0x0  }
0x3c: {  	[sflag:s17] =	ssyncadd.s32 $0xFFFFEC00  }
0x3d: {  	[spmem:s1] =	stream.indirect.scatter.add.f32 [tilespmem:s16], [sflag:$0x2], $0x80, s19, s18, $0xb8;
	[tilespmem:$0x1A080] =	vst v63  }
0x3e: {  	_ =	swait.ge [sflag:s15], $0x1400  }
0x3f: {  	[sflag:s15] =	ssyncset.done $0x0  }
0x40: {  	[sflag:s15] =	ssyncadd.s32 $0xFFFFEC00  }
0x41: {  	s21 =	simm.s32 @p0 $0x1FC2;
	[bflag:$0x0] =	sbarrier.arrive $0xFFFF  }
0x42: {  	[hbm:s9], [sflag:s21] =	dma.local @p0 [spmem:s12], $0x1900  }
0x43: {  	s21 =	simm.s32 @p0 $0x2  }
0x44: {  	s20 =	sadd.s32 $0x1, s20;
	_ =	swait.ge @p0 [sflag:s21], $0x1900  }
0x45: {  	p1 =	sne.s32 s20, s10;
	[sflag:s21] =	ssyncset.done @p0 $0x0  }
.Ltmp1:
0x46: {  	[sflag:s21] =	ssyncadd.s32 @p0 $0xFFFFE700;
	s21 =	simm.s32 @!p0 $0x2;
	(pc) =	sbr.rel @p1 .LBB2_1-.Ltmp1, $4  }
0x47: {  	[hbm:s8], [sflag:s13] =	dma.local @!p0 [spmem:s14], $0x2800  }
0x48: {  	_ =	swait.ge @!p0 [sflag:s21], $0x2800  }
0x49: {  	[sflag:s21] =	ssyncset.done @!p0 $0x0  }
0x4a: {  	[sflag:s21] =	ssyncadd.s32 @!p0 $0xFFFFD800  }
0x4b: {  	_ =	sfence.sel $0x180000  }
0x4c: {  	[bflag:$0x0] =	sbarrier.arrive $0xFFFF  }
0x4d: {  	p0 =	sne.s32 s2, $0x0;
	_ =	strace $0x9000005C  }
0x4e: {  	s0 =	sadd.s32 @!p0 $0x100000, s0;
	[bflag:$0x2] =	sbarrier.arrive $0xFFFF  }
0x4f: {  	[sflag:s0] =	ssyncadd.tile.s32 @!p0 $0x1;
	_ =	shalt  }
.Lfunc_end2:
_tile_overlayer_lowered:
.L_overlay_start_2:
0x50: {  	(tag) =	ssettag $0x2  }
0x51: {  	s0 =	rddreg [dreg:$0x0];
	s2 =	stileid.u32  }
0x52: {  	s1 =	rddreg [dreg:$0x1];
	p0 =	sne.s32 s2, $0x0  }
0x53: {  	s3 =	rddreg [dreg:$0x2];
	[bflag:$0x3] =	sbarrier.arrive $0xFFFF;
	s2 =	simm.s32 @!p0 $0x1C02  }
0x54: {  	[timem:s3], [sflag:s2] =	dma.local @!p0 [hbm:s0], s1  }
0x55: {  	s0 =	simm.s32 @!p0 $0x2  }
0x56: {  	_ =	swait.ge @!p0 [sflag:s0], s1  }
0x57: {  	s1 =	ssub.s32 @!p0 $0x0, s1;
	[sflag:s0] =	ssyncset.done @!p0 $0x0  }
0x58: {  	[sflag:s0] =	ssyncadd.s32 @!p0 s1  }
0x59: {  	[bflag:$0x3] =	sbarrier.arrive $0xFFFF  }
0x5a: {  	_ =	shalt  }

</sc_bundles>
